<compile_context>
chip_gen: v7x
topology: tpu7x:2x2x1
jax: 0.10.2.dev20260603
libtpu: 0.0.44.dev20260713+nightly
codegen_flags: <defaults>
</compile_context>

<pallas_src>
import functools

import jax
import jax.numpy as jnp
from jax import lax
from jax.experimental import pallas as pl
from jax.experimental.pallas import tpu as pltpu
from jax.experimental.pallas import tpu_sc as plsc

N = 320000
D = 128
NSEG = 4096
NC = 2
NS = 16
NW = NC * NS
PPW = N // NW
B = 128
NB = PPW // B
TAIL = PPW - NB * B
RPT = NSEG // NS
NBUF = 5
AHEAD = NBUF - 2
CP = 400
NCH = PPW // CP

_mesh = plsc.VectorSubcoreMesh(core_axis_name="c", subcore_axis_name="s")


@functools.partial(
    pl.kernel,
    out_type=jax.ShapeDtypeStruct((NC * NSEG, D), jnp.float32),
    mesh=_mesh,
    scratch_types=[
        pltpu.VMEM((PPW,), jnp.int32),
        [pltpu.VMEM((CP,), jnp.int32) for _ in range(6)],
        [pltpu.VMEM((B, D), jnp.float32) for _ in range(NBUF)],
        pltpu.VMEM_SHARED((NSEG, D), jnp.float32),
        [pltpu.SemaphoreType.DMA for _ in range(NBUF)],
        [pltpu.SemaphoreType.DMA for _ in range(NBUF)],
        [pltpu.SemaphoreType.DMA for _ in range(6)],
    ],
)
def _chunk_sum_sc(values_hbm, coords_hbm, out_hbm, ids_v, cb, rows_v, acc,
                  gsem, ssem, csem):
    c = lax.axis_index("c")
    s = lax.axis_index("s")
    wid = s * NC + c
    base0 = wid * PPW

    def _issue_chunk(j, q):
        off = base0 + j * CP
        pltpu.async_copy(coords_hbm.at[pl.ds(off, CP)], cb[3 * q], csem[3 * q])
        pltpu.async_copy(coords_hbm.at[pl.ds(N + off, CP)], cb[3 * q + 1],
                         csem[3 * q + 1])
        pltpu.async_copy(coords_hbm.at[pl.ds(2 * N + off, CP)], cb[3 * q + 2],
                         csem[3 * q + 2])

    def _wait_chunk(q):
        for a in range(3):
            pltpu.make_async_copy(coords_hbm.at[pl.ds(0, CP)], cb[3 * q + a],
                                  csem[3 * q + a]).wait()

    def _ids_chunk(j, q):
        for g in range(CP // 16):
            c0 = cb[3 * q][pl.ds(g * 16, 16)]
            c1 = cb[3 * q + 1][pl.ds(g * 16, 16)]
            c2 = cb[3 * q + 2][pl.ds(g * 16, 16)]
            ids_v[pl.ds(j * CP + g * 16, 16)] = (
                ((c0 >> 4) << 8) | ((c1 >> 4) << 4) | (c2 >> 4))

    _issue_chunk(0, 0)
    _issue_chunk(1, 1)

    zero16 = jnp.zeros((16,), jnp.float32)

    def _zero_body(i, _):
        rows_v[0][i // (D // 16), pl.ds((i % (D // 16)) * 16, 16)] = zero16
        return 0

    lax.fori_loop(0, B * (D // 16), _zero_body, 0)
    pltpu.sync_copy(rows_v[0], acc.at[pl.ds(s * RPT, B)])
    pltpu.sync_copy(rows_v[0], acc.at[pl.ds(s * RPT + B, B)])

    for k0 in range(AHEAD):
        pltpu.async_copy(values_hbm.at[pl.ds(base0 + k0 * B, B)], rows_v[k0],
                         gsem[k0])

    def _chunk_pair(jo, _):
        j0 = 2 * jo
        _wait_chunk(0)
        _ids_chunk(j0, 0)

        @pl.when(j0 + 2 < NCH)
        def _():
            _issue_chunk(j0 + 2, 0)

        _wait_chunk(1)
        _ids_chunk(j0 + 1, 1)

        @pl.when(j0 + 3 < NCH)
        def _():
            _issue_chunk(j0 + 3, 1)

        return 0

    lax.fori_loop(0, (NCH - 1) // 2, _chunk_pair, 0)
    _wait_chunk(0)
    _ids_chunk(NCH - 1, 0)
    plsc.subcore_barrier()

    def _issue_gather(k, p):
        pltpu.async_copy(values_hbm.at[pl.ds(base0 + k * B, B)], rows_v[p],
                         gsem[p])

    def _wait_gather(p):
        pltpu.make_async_copy(values_hbm.at[pl.ds(0, B)], rows_v[p],
                              gsem[p]).wait()

    def _issue_scatter(k, p):
        pltpu.async_copy(rows_v[p], acc.at[ids_v.at[pl.ds(k * B, B)]],
                         ssem[p], add=True)

    def _wait_scatter(k, p):
        pltpu.make_async_copy(rows_v[p], acc.at[ids_v.at[pl.ds(k * B, B)]],
                              ssem[p]).wait()

    def _step(k, p, first):
        r = (p + AHEAD) % NBUF
        _wait_gather(p)
        _issue_scatter(k, p)
        if not first:
            _wait_scatter(k - 2, r)

        @pl.when(k + AHEAD < NB)
        def _():
            _issue_gather(k + AHEAD, r)

    for k in range(AHEAD):
        _step(k, k, k < 2)

    def _outer(ko, _):
        for b in range(NBUF):
            k = NBUF * ko + AHEAD + b
            _step(k, (AHEAD + b) % NBUF, False)
        return 0

    lax.fori_loop(0, (NB - AHEAD) // NBUF, _outer, 0)
    _wait_scatter(NB - 2, (NB - 2) % NBUF)
    _wait_scatter(NB - 1, (NB - 1) % NBUF)

    baset = base0 + NB * B
    pltpu.sync_copy(values_hbm.at[pl.ds(baset, TAIL)],
                    rows_v[0].at[pl.ds(0, TAIL)])
    pltpu.sync_copy(rows_v[0].at[pl.ds(0, TAIL)],
                    acc.at[ids_v.at[pl.ds(NB * B, TAIL)]], add=True)

    plsc.subcore_barrier()
    pltpu.sync_copy(acc.at[pl.ds(s * RPT, RPT)],
                    out_hbm.at[pl.ds(c * NSEG + s * RPT, RPT)])


def _add_partials(p_ref, o_ref):
    o_ref[...] = p_ref[0] + p_ref[1]


def kernel(values, coords):
    coords_t = coords.T.reshape(-1)
    partial = _chunk_sum_sc(values, coords_t)
    return pl.pallas_call(
        _add_partials,
        out_shape=jax.ShapeDtypeStruct((NSEG, D), jnp.float32),
    )(partial.reshape(NC, NSEG, D))

# --- scband reference (transcript-rebuilt; emitter-appended) ---
"""Pipeline reference for scband-chunk-sum-87205015978274 (READ-ONLY COPY).

The authoritative reference and input builder live on the scoring server;
editing this copy changes nothing except your own understanding.
"""

import jax, jax.numpy as jnp
import numpy as np

# ChunkSum: chunk a block of (coords, values) to a given chunk_shape and sum
# values that fall in the same chunk. chunkify -> integer-divide coordinates by
# chunk_shape to get a chunk id; accumulate -> segment-sum values over chunk ids.

CHUNK_SHAPE = np.array([16, 16, 16], dtype=np.int64)
COORD_MAX = 256
GRID = (COORD_MAX // CHUNK_SHAPE).astype(np.int64)  # [16, 16, 16]
NUM_SEGMENTS = int(np.prod(GRID))  # 4096 chunks
N = 320000
D = 128


def setup_inputs(seed: int = 0) -> dict:
    key = jax.random.key(seed)
    k1, k2 = jax.random.split(key)
    values = jax.random.normal(k1, (N, D), dtype=jnp.float32)
    coords = jax.random.randint(k2, (N, 3), 0, COORD_MAX, dtype=jnp.int32)
    return {"values": values, "coords": coords}


def reference(values, coords):
    chunk_shape = jnp.asarray(CHUNK_SHAPE, dtype=coords.dtype)
    grid = jnp.asarray(GRID, dtype=coords.dtype)
    # chunkify: map each point coordinate to its chunk index per axis
    cid = coords // chunk_shape  # [N, 3]
    # linearize chunk index (row-major over the chunk grid)
    lin = (cid[:, 0] * grid[1] + cid[:, 1]) * grid[2] + cid[:, 2]  # [N]
    # accumulate: sum values sharing a common chunk (scatter-add)
    out = jax.ops.segment_sum(values, lin, num_segments=NUM_SEGMENTS)  # [4096, D]
    return out

if __name__ == "__main__":
    import jax
    _d = setup_inputs()
    print(jax.jit(kernel)(*tuple(_d.values())))

</pallas_src>

<mosaic_0001>
#map = affine_map<(d0, d1) -> (0, 0)>
#map1 = affine_map<(d0, d1) -> (0)>
module attributes {stable_mosaic.version = 14 : i64} {
  func.func @_chunk_sum_sc(%arg0: i32, %arg1: i32, %arg2: memref<320000x128xf32, #tpu.memory_space<hbm>>, %arg3: memref<960000xi32, #tpu.memory_space<hbm>>, %arg4: memref<8192x128xf32, #tpu.memory_space<hbm>>, %arg5: memref<10000xi32, #tpu.memory_space<vmem>>, %arg6: memref<400xi32, #tpu.memory_space<vmem>>, %arg7: memref<400xi32, #tpu.memory_space<vmem>>, %arg8: memref<400xi32, #tpu.memory_space<vmem>>, %arg9: memref<400xi32, #tpu.memory_space<vmem>>, %arg10: memref<400xi32, #tpu.memory_space<vmem>>, %arg11: memref<400xi32, #tpu.memory_space<vmem>>, %arg12: memref<128x128xf32, #tpu.memory_space<vmem>>, %arg13: memref<128x128xf32, #tpu.memory_space<vmem>>, %arg14: memref<128x128xf32, #tpu.memory_space<vmem>>, %arg15: memref<128x128xf32, #tpu.memory_space<vmem>>, %arg16: memref<128x128xf32, #tpu.memory_space<vmem>>, %arg17: memref<4096x128xf32, #tpu.memory_space<vmem_shared>>, %arg18: memref<!tpu.dma_semaphore, #tpu.memory_space<semaphore_mem>>, %arg19: memref<!tpu.dma_semaphore, #tpu.memory_space<semaphore_mem>>, %arg20: memref<!tpu.dma_semaphore, #tpu.memory_space<semaphore_mem>>, %arg21: memref<!tpu.dma_semaphore, #tpu.memory_space<semaphore_mem>>, %arg22: memref<!tpu.dma_semaphore, #tpu.memory_space<semaphore_mem>>, %arg23: memref<!tpu.dma_semaphore, #tpu.memory_space<semaphore_mem>>, %arg24: memref<!tpu.dma_semaphore, #tpu.memory_space<semaphore_mem>>, %arg25: memref<!tpu.dma_semaphore, #tpu.memory_space<semaphore_mem>>, %arg26: memref<!tpu.dma_semaphore, #tpu.memory_space<semaphore_mem>>, %arg27: memref<!tpu.dma_semaphore, #tpu.memory_space<semaphore_mem>>, %arg28: memref<!tpu.dma_semaphore, #tpu.memory_space<semaphore_mem>>, %arg29: memref<!tpu.dma_semaphore, #tpu.memory_space<semaphore_mem>>, %arg30: memref<!tpu.dma_semaphore, #tpu.memory_space<semaphore_mem>>, %arg31: memref<!tpu.dma_semaphore, #tpu.memory_space<semaphore_mem>>, %arg32: memref<!tpu.dma_semaphore, #tpu.memory_space<semaphore_mem>>, %arg33: memref<!tpu.dma_semaphore, #tpu.memory_space<semaphore_mem>>) attributes {dimension_semantics = [#tpu.dimension_semantics<core_parallel>, #tpu.dimension_semantics<subcore_parallel>], iteration_bounds = array<i64: 2, 16>, scalar_prefetch = 0 : i64, scratch_operands = 29 : i64, tpu.core_type = #tpu.core_type<sc_vector_subcore>, window_params = [{transform_indices = #map}, {transform_indices = #map1}, {transform_indices = #map}]} {
    %mul3A = arith.constant 2 : i32
    %mul3A_0 = arith.muli %arg1, %mul3A : i32
    %add3A = arith.addi %mul3A_0, %arg0 : i32
    %mul3A_1 = arith.constant 10000 : i32
    %mul3A_2 = arith.muli %add3A, %mul3A_1 : i32
    %add3A_3 = arith.constant 0 : i32
    %add3A_4 = arith.addi %mul3A_2, %add3A_3 : i32
    %dma_start3A = tpu.memref_slice %arg3[%add3A_4] : memref<960000xi32, #tpu.memory_space<hbm>> -> memref<400xi32, #tpu.memory_space<hbm>>
    %dma_start3A_5 = tpu.memref_slice %arg3[%add3A_4] : memref<960000xi32, #tpu.memory_space<hbm>> -> memref<400xi32, #tpu.memory_space<hbm>>
    tpu.enqueue_dma source(%dma_start3A_5 : memref<400xi32, #tpu.memory_space<hbm>>) target(%arg6 : memref<400xi32, #tpu.memory_space<vmem>>) target_semaphore(%arg28 : memref<!tpu.dma_semaphore, #tpu.memory_space<semaphore_mem>>)
    %add3A_6 = arith.constant 320000 : i32
    %add3A_7 = arith.addi %add3A_6, %add3A_4 : i32
    %dma_start3A_8 = tpu.memref_slice %arg3[%add3A_7] : memref<960000xi32, #tpu.memory_space<hbm>> -> memref<400xi32, #tpu.memory_space<hbm>>
    %dma_start3A_9 = tpu.memref_slice %arg3[%add3A_7] : memref<960000xi32, #tpu.memory_space<hbm>> -> memref<400xi32, #tpu.memory_space<hbm>>
    tpu.enqueue_dma source(%dma_start3A_9 : memref<400xi32, #tpu.memory_space<hbm>>) target(%arg7 : memref<400xi32, #tpu.memory_space<vmem>>) target_semaphore(%arg29 : memref<!tpu.dma_semaphore, #tpu.memory_space<semaphore_mem>>)
    %add3A_10 = arith.constant 640000 : i32
    %add3A_11 = arith.addi %add3A_10, %add3A_4 : i32
    %dma_start3A_12 = tpu.memref_slice %arg3[%add3A_11] : memref<960000xi32, #tpu.memory_space<hbm>> -> memref<400xi32, #tpu.memory_space<hbm>>
    %dma_start3A_13 = tpu.memref_slice %arg3[%add3A_11] : memref<960000xi32, #tpu.memory_space<hbm>> -> memref<400xi32, #tpu.memory_space<hbm>>
    tpu.enqueue_dma source(%dma_start3A_13 : memref<400xi32, #tpu.memory_space<hbm>>) target(%arg8 : memref<400xi32, #tpu.memory_space<vmem>>) target_semaphore(%arg30 : memref<!tpu.dma_semaphore, #tpu.memory_space<semaphore_mem>>)
    %add3A_14 = arith.constant 400 : i32
    %add3A_15 = arith.addi %mul3A_2, %add3A_14 : i32
    %dma_start3A_16 = tpu.memref_slice %arg3[%add3A_15] : memref<960000xi32, #tpu.memory_space<hbm>> -> memref<400xi32, #tpu.memory_space<hbm>>
    %dma_start3A_17 = tpu.memref_slice %arg3[%add3A_15] : memref<960000xi32, #tpu.memory_space<hbm>> -> memref<400xi32, #tpu.memory_space<hbm>>
    tpu.enqueue_dma source(%dma_start3A_17 : memref<400xi32, #tpu.memory_space<hbm>>) target(%arg9 : memref<400xi32, #tpu.memory_space<vmem>>) target_semaphore(%arg31 : memref<!tpu.dma_semaphore, #tpu.memory_space<semaphore_mem>>)
    %add3A_18 = arith.constant 320000 : i32
    %add3A_19 = arith.addi %add3A_18, %add3A_15 : i32
    %dma_start3A_20 = tpu.memref_slice %arg3[%add3A_19] : memref<960000xi32, #tpu.memory_space<hbm>> -> memref<400xi32, #tpu.memory_space<hbm>>
    %dma_start3A_21 = tpu.memref_slice %arg3[%add3A_19] : memref<960000xi32, #tpu.memory_space<hbm>> -> memref<400xi32, #tpu.memory_space<hbm>>
    tpu.enqueue_dma source(%dma_start3A_21 : memref<400xi32, #tpu.memory_space<hbm>>) target(%arg10 : memref<400xi32, #tpu.memory_space<vmem>>) target_semaphore(%arg32 : memref<!tpu.dma_semaphore, #tpu.memory_space<semaphore_mem>>)
    %add3A_22 = arith.constant 640000 : i32
    %add3A_23 = arith.addi %add3A_22, %add3A_15 : i32
    %dma_start3A_24 = tpu.memref_slice %arg3[%add3A_23] : memref<960000xi32, #tpu.memory_space<hbm>> -> memref<400xi32, #tpu.memory_space<hbm>>
    %dma_start3A_25 = tpu.memref_slice %arg3[%add3A_23] : memref<960000xi32, #tpu.memory_space<hbm>> -> memref<400xi32, #tpu.memory_space<hbm>>
    tpu.enqueue_dma source(%dma_start3A_25 : memref<400xi32, #tpu.memory_space<hbm>>) target(%arg11 : memref<400xi32, #tpu.memory_space<vmem>>) target_semaphore(%arg33 : memref<!tpu.dma_semaphore, #tpu.memory_space<semaphore_mem>>)
    %broadcast_in_dim3A = arith.constant 0.000000e+00 : f32
    %broadcast_in_dim3A_26 = vector.broadcast %broadcast_in_dim3A : f32 to vector<16xf32>
    %scan3A = arith.constant 0 : i32
    %scan3A_27 = arith.constant 0 : i32
    %scan3A_28 = arith.constant 1024 : i32
    %scan3A_29 = arith.addi %scan3A_27, %scan3A_28 : i32
    %scan3A_30 = arith.constant 1 : i32
    %scan3A_31 = scf.for %scan3A_903 = %scan3A_27 to %scan3A_29 step %scan3A_30 iter_args(%scan3A_904 = %scan3A) -> (i32)  : i32 {
      %jit3A = arith.constant 8 : i32
      %div3A = arith.divsi %scan3A_903, %jit3A : i32
      %sign3A = arith.constant 0 : i32
      %sign3A_905 = arith.cmpi sgt, %scan3A_903, %sign3A : i32
      %sign3A_906 = arith.extui %sign3A_905 : i1 to i32
      %sign3A_907 = arith.constant 0 : i32
      %sign3A_908 = arith.cmpi slt, %scan3A_903, %sign3A_907 : i32
      %sign3A_909 = arith.extui %sign3A_908 : i1 to i32
      %sign3A_910 = arith.subi %sign3A_906, %sign3A_909 : i32
      %sign3A_911 = arith.constant 0 : i32
      %sign3A_912 = arith.cmpi sgt, %jit3A, %sign3A_911 : i32
      %sign3A_913 = arith.extui %sign3A_912 : i1 to i32
      %sign3A_914 = arith.constant 0 : i32
      %sign3A_915 = arith.cmpi slt, %jit3A, %sign3A_914 : i32
      %sign3A_916 = arith.extui %sign3A_915 : i1 to i32
      %sign3A_917 = arith.subi %sign3A_913, %sign3A_916 : i32
      %ne3A = arith.cmpi ne, %sign3A_910, %sign3A_917 : i32
      %rem3A = arith.remsi %scan3A_903, %jit3A : i32
      %ne3A_918 = arith.constant 0 : i32
      %ne3A_919 = arith.cmpi ne, %rem3A, %ne3A_918 : i32
      %and3A = arith.andi %ne3A, %ne3A_919 : i1
      %sub3A = arith.constant 1 : i32
      %sub3A_920 = arith.subi %div3A, %sub3A : i32
      %select_n3A = arith.select %and3A, %sub3A_920, %div3A : i32
      %jit3A_921 = arith.constant 8 : i32
      %eq3A = arith.constant 0 : i32
      %eq3A_922 = arith.cmpi eq, %jit3A_921, %eq3A : i32
      %jit3A_923 = arith.constant 1 : i32
      %select_n3A_924 = arith.select %eq3A_922, %jit3A_923, %jit3A_921 : i32
      %rem3A_925 = arith.remsi %scan3A_903, %select_n3A_924 : i32
      %ne3A_926 = arith.constant 0 : i32
      %ne3A_927 = arith.cmpi ne, %rem3A_925, %ne3A_926 : i32
      %lt3A = arith.constant 0 : i32
      %lt3A_928 = arith.cmpi slt, %rem3A_925, %lt3A : i32
      %lt3A_929 = arith.constant 0 : i32
      %lt3A_930 = arith.cmpi slt, %select_n3A_924, %lt3A_929 : i32
      %ne3A_931 = arith.xori %lt3A_928, %lt3A_930 : i1
      %and3A_932 = arith.andi %ne3A_931, %ne3A_927 : i1
      %add3A_933 = arith.addi %rem3A_925, %select_n3A_924 : i32
      %select_n3A_934 = arith.select %and3A_932, %add3A_933, %rem3A_925 : i32
      %mul3A_935 = arith.constant 16 : i32
      %mul3A_936 = arith.muli %select_n3A_934, %mul3A_935 : i32
      %swap3A_937 = arith.index_cast %select_n3A : i32 to index
      %swap3A_938 = arith.index_cast %mul3A_936 : i32 to index
      %swap3A_939 = tpu.vector_load %arg12[%swap3A_937, %swap3A_938] {strides = array<i32>} : memref<128x128xf32, #tpu.memory_space<vmem>>, vector<1x16xf32>,
      %swap3A_940 = vector.shape_cast %swap3A_939 : vector<1x16xf32> to vector<16xf32>
      %swap3A_941 = vector.shape_cast %broadcast_in_dim3A_26 : vector<16xf32> to vector<1x16xf32>
      tpu.vector_store %arg12[%swap3A_937, %swap3A_938], %swap3A_941 {strides = array<i32>} : memref<128x128xf32, #tpu.memory_space<vmem>>, vector<1x16xf32>,
      %scan3A_942 = arith.constant 0 : i32
      scf.yield %scan3A_942 : i32
    }
    %scan3A_32 = arith.constant 1024 : i32
    %mul3A_33 = arith.constant 256 : i32
    %mul3A_34 = arith.muli %arg1, %mul3A_33 : i32
    "tpu.region"() ({
      %run_scoped3A = tpu.sem_alloc : memref<!tpu.dma_semaphore, #tpu.memory_space<semaphore_mem>>
      %dma_start3A_903 = arith.constant 0 : i32
      %dma_start3A_904 = tpu.memref_slice %arg17[%mul3A_34, %dma_start3A_903] : memref<4096x128xf32, #tpu.memory_space<vmem_shared>> -> memref<128x128xf32, #tpu.memory_space<vmem_shared>>
      %dma_start3A_905 = arith.constant 0 : i32
      %dma_start3A_906 = tpu.memref_slice %arg17[%mul3A_34, %dma_start3A_905] : memref<4096x128xf32, #tpu.memory_space<vmem_shared>> -> memref<128x128xf32, #tpu.memory_space<vmem_shared>>
      tpu.enqueue_dma source(%arg12 : memref<128x128xf32, #tpu.memory_space<vmem>>) target(%dma_start3A_906 : memref<128x128xf32, #tpu.memory_space<vmem_shared>>) target_semaphore(%run_scoped3A : memref<!tpu.dma_semaphore, #tpu.memory_space<semaphore_mem>>)
      %dma_wait3A_907 = arith.constant 0 : i32
      %dma_wait3A_908 = tpu.memref_slice %arg17[%mul3A_34, %dma_wait3A_907] : memref<4096x128xf32, #tpu.memory_space<vmem_shared>> -> memref<128x128xf32, #tpu.memory_space<vmem_shared>>
      %dma_wait3A_909 = arith.constant 0 : i32
      %dma_wait3A_910 = tpu.memref_slice %arg17[%mul3A_34, %dma_wait3A_909] : memref<4096x128xf32, #tpu.memory_space<vmem_shared>> -> memref<128x128xf32, #tpu.memory_space<vmem_shared>>
      tpu.wait_dma2 semaphore(%run_scoped3A : memref<!tpu.dma_semaphore, #tpu.memory_space<semaphore_mem>>) src(%arg12 : memref<128x128xf32, #tpu.memory_space<vmem>>) dst(%dma_wait3A_910 : memref<128x128xf32, #tpu.memory_space<vmem_shared>>)
      tpu.yield
    }) : () -> ()
    %mul3A_35 = arith.constant 256 : i32
    %mul3A_36 = arith.muli %arg1, %mul3A_35 : i32
    %add3A_37 = arith.constant 128 : i32
    %add3A_38 = arith.addi %mul3A_36, %add3A_37 : i32
    "tpu.region"() ({
      %run_scoped3A = tpu.sem_alloc : memref<!tpu.dma_semaphore, #tpu.memory_space<semaphore_mem>>
      %dma_start3A_903 = arith.constant 0 : i32
      %dma_start3A_904 = tpu.memref_slice %arg17[%add3A_38, %dma_start3A_903] : memref<4096x128xf32, #tpu.memory_space<vmem_shared>> -> memref<128x128xf32, #tpu.memory_space<vmem_shared>>
      %dma_start3A_905 = arith.constant 0 : i32
      %dma_start3A_906 = tpu.memref_slice %arg17[%add3A_38, %dma_start3A_905] : memref<4096x128xf32, #tpu.memory_space<vmem_shared>> -> memref<128x128xf32, #tpu.memory_space<vmem_shared>>
      tpu.enqueue_dma source(%arg12 : memref<128x128xf32, #tpu.memory_space<vmem>>) target(%dma_start3A_906 : memref<128x128xf32, #tpu.memory_space<vmem_shared>>) target_semaphore(%run_scoped3A : memref<!tpu.dma_semaphore, #tpu.memory_space<semaphore_mem>>)
      %dma_wait3A_907 = arith.constant 0 : i32
      %dma_wait3A_908 = tpu.memref_slice %arg17[%add3A_38, %dma_wait3A_907] : memref<4096x128xf32, #tpu.memory_space<vmem_shared>> -> memref<128x128xf32, #tpu.memory_space<vmem_shared>>
      %dma_wait3A_909 = arith.constant 0 : i32
      %dma_wait3A_910 = tpu.memref_slice %arg17[%add3A_38, %dma_wait3A_909] : memref<4096x128xf32, #tpu.memory_space<vmem_shared>> -> memref<128x128xf32, #tpu.memory_space<vmem_shared>>
      tpu.wait_dma2 semaphore(%run_scoped3A : memref<!tpu.dma_semaphore, #tpu.memory_space<semaphore_mem>>) src(%arg12 : memref<128x128xf32, #tpu.memory_space<vmem>>) dst(%dma_wait3A_910 : memref<128x128xf32, #tpu.memory_space<vmem_shared>>)
      tpu.yield
    }) : () -> ()
    %add3A_39 = arith.constant 0 : i32
    %add3A_40 = arith.addi %mul3A_2, %add3A_39 : i32
    %dma_start3A_41 = arith.constant 0 : i32
    %dma_start3A_42 = tpu.memref_slice %arg2[%add3A_40, %dma_start3A_41] : memref<320000x128xf32, #tpu.memory_space<hbm>> -> memref<128x128xf32, #tpu.memory_space<hbm>>
    %dma_start3A_43 = arith.constant 0 : i32
    %dma_start3A_44 = tpu.memref_slice %arg2[%add3A_40, %dma_start3A_43] : memref<320000x128xf32, #tpu.memory_space<hbm>> -> memref<128x128xf32, #tpu.memory_space<hbm>>
    tpu.enqueue_dma source(%dma_start3A_44 : memref<128x128xf32, #tpu.memory_space<hbm>>) target(%arg12 : memref<128x128xf32, #tpu.memory_space<vmem>>) target_semaphore(%arg18 : memref<!tpu.dma_semaphore, #tpu.memory_space<semaphore_mem>>)
    %add3A_45 = arith.constant 128 : i32
    %add3A_46 = arith.addi %mul3A_2, %add3A_45 : i32
    %dma_start3A_47 = arith.constant 0 : i32
    %dma_start3A_48 = tpu.memref_slice %arg2[%add3A_46, %dma_start3A_47] : memref<320000x128xf32, #tpu.memory_space<hbm>> -> memref<128x128xf32, #tpu.memory_space<hbm>>
    %dma_start3A_49 = arith.constant 0 : i32
    %dma_start3A_50 = tpu.memref_slice %arg2[%add3A_46, %dma_start3A_49] : memref<320000x128xf32, #tpu.memory_space<hbm>> -> memref<128x128xf32, #tpu.memory_space<hbm>>
    tpu.enqueue_dma source(%dma_start3A_50 : memref<128x128xf32, #tpu.memory_space<hbm>>) target(%arg13 : memref<128x128xf32, #tpu.memory_space<vmem>>) target_semaphore(%arg19 : memref<!tpu.dma_semaphore, #tpu.memory_space<semaphore_mem>>)
    %add3A_51 = arith.constant 256 : i32
    %add3A_52 = arith.addi %mul3A_2, %add3A_51 : i32
    %dma_start3A_53 = arith.constant 0 : i32
    %dma_start3A_54 = tpu.memref_slice %arg2[%add3A_52, %dma_start3A_53] : memref<320000x128xf32, #tpu.memory_space<hbm>> -> memref<128x128xf32, #tpu.memory_space<hbm>>
    %dma_start3A_55 = arith.constant 0 : i32
    %dma_start3A_56 = tpu.memref_slice %arg2[%add3A_52, %dma_start3A_55] : memref<320000x128xf32, #tpu.memory_space<hbm>> -> memref<128x128xf32, #tpu.memory_space<hbm>>
    tpu.enqueue_dma source(%dma_start3A_56 : memref<128x128xf32, #tpu.memory_space<hbm>>) target(%arg14 : memref<128x128xf32, #tpu.memory_space<vmem>>) target_semaphore(%arg20 : memref<!tpu.dma_semaphore, #tpu.memory_space<semaphore_mem>>)
    %scan3A_57 = arith.constant 0 : i32
    %scan3A_58 = arith.constant 0 : i32
    %scan3A_59 = arith.constant 12 : i32
    %scan3A_60 = arith.addi %scan3A_58, %scan3A_59 : i32
    %scan3A_61 = arith.constant 1 : i32
    %scan3A_62 = scf.for %scan3A_903 = %scan3A_58 to %scan3A_60 step %scan3A_61 iter_args(%scan3A_904 = %scan3A_57) -> (i32)  : i32 {
      %mul3A_905 = arith.constant 2 : i32
      %mul3A_906 = arith.muli %mul3A_905, %scan3A_903 : i32
      %dma_wait3A_907 = arith.constant 0 : i32
      %dma_wait3A_908 = tpu.memref_slice %arg3[%dma_wait3A_907] : memref<960000xi32, #tpu.memory_space<hbm>> -> memref<400xi32, #tpu.memory_space<hbm>>
      %dma_wait3A_909 = arith.constant 0 : i32
      %dma_wait3A_910 = tpu.memref_slice %arg3[%dma_wait3A_909] : memref<960000xi32, #tpu.memory_space<hbm>> -> memref<400xi32, #tpu.memory_space<hbm>>
      tpu.wait_dma2 semaphore(%arg28 : memref<!tpu.dma_semaphore, #tpu.memory_space<semaphore_mem>>) src(%dma_wait3A_910 : memref<400xi32, #tpu.memory_space<hbm>>) dst(%arg6 : memref<400xi32, #tpu.memory_space<vmem>>)
      %dma_wait3A_911 = arith.constant 0 : i32
      %dma_wait3A_912 = tpu.memref_slice %arg3[%dma_wait3A_911] : memref<960000xi32, #tpu.memory_space<hbm>> -> memref<400xi32, #tpu.memory_space<hbm>>
      %dma_wait3A_913 = arith.constant 0 : i32
      %dma_wait3A_914 = tpu.memref_slice %arg3[%dma_wait3A_913] : memref<960000xi32, #tpu.memory_space<hbm>> -> memref<400xi32, #tpu.memory_space<hbm>>
      tpu.wait_dma2 semaphore(%arg29 : memref<!tpu.dma_semaphore, #tpu.memory_space<semaphore_mem>>) src(%dma_wait3A_914 : memref<400xi32, #tpu.memory_space<hbm>>) dst(%arg7 : memref<400xi32, #tpu.memory_space<vmem>>)
      %dma_wait3A_915 = arith.constant 0 : i32
      %dma_wait3A_916 = tpu.memref_slice %arg3[%dma_wait3A_915] : memref<960000xi32, #tpu.memory_space<hbm>> -> memref<400xi32, #tpu.memory_space<hbm>>
      %dma_wait3A_917 = arith.constant 0 : i32
      %dma_wait3A_918 = tpu.memref_slice %arg3[%dma_wait3A_917] : memref<960000xi32, #tpu.memory_space<hbm>> -> memref<400xi32, #tpu.memory_space<hbm>>
      tpu.wait_dma2 semaphore(%arg30 : memref<!tpu.dma_semaphore, #tpu.memory_space<semaphore_mem>>) src(%dma_wait3A_918 : memref<400xi32, #tpu.memory_space<hbm>>) dst(%arg8 : memref<400xi32, #tpu.memory_space<vmem>>)
      %get3A_919 = arith.constant 0 : index
      %get3A_920 = tpu.vector_load %arg6[%get3A_919] {strides = array<i32>} : memref<400xi32, #tpu.memory_space<vmem>>, vector<16xi32>,
      %get3A_921 = vector.shape_cast %get3A_920 : vector<16xi32> to vector<16xi32>
      %get3A_922 = arith.constant 0 : index
      %get3A_923 = tpu.vector_load %arg7[%get3A_922] {strides = array<i32>} : memref<400xi32, #tpu.memory_space<vmem>>, vector<16xi32>,
      %get3A_924 = vector.shape_cast %get3A_923 : vector<16xi32> to vector<16xi32>
      %get3A_925 = arith.constant 0 : index
      %get3A_926 = tpu.vector_load %arg8[%get3A_925] {strides = array<i32>} : memref<400xi32, #tpu.memory_space<vmem>>, vector<16xi32>,
      %get3A_927 = vector.shape_cast %get3A_926 : vector<16xi32> to vector<16xi32>
      %shift_right_arithmetic3A_928 = arith.constant 4 : i32
      %shift_right_arithmetic3A_929 = vector.broadcast %shift_right_arithmetic3A_928 : i32 to vector<16xi32>
      %shift_right_arithmetic3A_930 = arith.shrsi %get3A_921, %shift_right_arithmetic3A_929 : vector<16xi32>
      %shift_left3A_931 = arith.constant 8 : i32
      %shift_left3A_932 = vector.broadcast %shift_left3A_931 : i32 to vector<16xi32>
      %shift_left3A_933 = arith.shli %shift_right_arithmetic3A_930, %shift_left3A_932 : vector<16xi32>
      %shift_right_arithmetic3A_934 = arith.constant 4 : i32
      %shift_right_arithmetic3A_935 = vector.broadcast %shift_right_arithmetic3A_934 : i32 to vector<16xi32>
      %shift_right_arithmetic3A_936 = arith.shrsi %get3A_924, %shift_right_arithmetic3A_935 : vector<16xi32>
      %shift_left3A_937 = arith.constant 4 : i32
      %shift_left3A_938 = vector.broadcast %shift_left3A_937 : i32 to vector<16xi32>
      %shift_left3A_939 = arith.shli %shift_right_arithmetic3A_936, %shift_left3A_938 : vector<16xi32>
      %or3A_940 = arith.ori %shift_left3A_933, %shift_left3A_939 : vector<16xi32>
      %shift_right_arithmetic3A_941 = arith.constant 4 : i32
      %shift_right_arithmetic3A_942 = vector.broadcast %shift_right_arithmetic3A_941 : i32 to vector<16xi32>
      %shift_right_arithmetic3A_943 = arith.shrsi %get3A_927, %shift_right_arithmetic3A_942 : vector<16xi32>
      %or3A_944 = arith.ori %or3A_940, %shift_right_arithmetic3A_943 : vector<16xi32>
      %mul3A_945 = arith.constant 400 : i32
      %mul3A_946 = arith.muli %mul3A_906, %mul3A_945 : i32
      %add3A_947 = arith.constant 0 : i32
      %add3A_948 = arith.addi %mul3A_946, %add3A_947 : i32
      %swap3A_949 = arith.index_cast %add3A_948 : i32 to index
      %swap3A_950 = tpu.vector_load %arg5[%swap3A_949] {strides = array<i32>} : memref<10000xi32, #tpu.memory_space<vmem>>, vector<16xi32>,
      %swap3A_951 = vector.shape_cast %swap3A_950 : vector<16xi32> to vector<16xi32>
      %swap3A_952 = vector.shape_cast %or3A_944 : vector<16xi32> to vector<16xi32>
      tpu.vector_store %arg5[%swap3A_949], %swap3A_952 {strides = array<i32>} : memref<10000xi32, #tpu.memory_space<vmem>>, vector<16xi32>,
      %get3A_953 = arith.constant 16 : index
      %get3A_954 = tpu.vector_load %arg6[%get3A_953] {strides = array<i32>} : memref<400xi32, #tpu.memory_space<vmem>>, vector<16xi32>,
      %get3A_955 = vector.shape_cast %get3A_954 : vector<16xi32> to vector<16xi32>
      %get3A_956 = arith.constant 16 : index
      %get3A_957 = tpu.vector_load %arg7[%get3A_956] {strides = array<i32>} : memref<400xi32, #tpu.memory_space<vmem>>, vector<16xi32>,
      %get3A_958 = vector.shape_cast %get3A_957 : vector<16xi32> to vector<16xi32>
      %get3A_959 = arith.constant 16 : index
      %get3A_960 = tpu.vector_load %arg8[%get3A_959] {strides = array<i32>} : memref<400xi32, #tpu.memory_space<vmem>>, vector<16xi32>,
      %get3A_961 = vector.shape_cast %get3A_960 : vector<16xi32> to vector<16xi32>
      %shift_right_arithmetic3A_962 = arith.constant 4 : i32
      %shift_right_arithmetic3A_963 = vector.broadcast %shift_right_arithmetic3A_962 : i32 to vector<16xi32>
      %shift_right_arithmetic3A_964 = arith.shrsi %get3A_955, %shift_right_arithmetic3A_963 : vector<16xi32>
      %shift_left3A_965 = arith.constant 8 : i32
      %shift_left3A_966 = vector.broadcast %shift_left3A_965 : i32 to vector<16xi32>
      %shift_left3A_967 = arith.shli %shift_right_arithmetic3A_964, %shift_left3A_966 : vector<16xi32>
      %shift_right_arithmetic3A_968 = arith.constant 4 : i32
      %shift_right_arithmetic3A_969 = vector.broadcast %shift_right_arithmetic3A_968 : i32 to vector<16xi32>
      %shift_right_arithmetic3A_970 = arith.shrsi %get3A_958, %shift_right_arithmetic3A_969 : vector<16xi32>
      %shift_left3A_971 = arith.constant 4 : i32
      %shift_left3A_972 = vector.broadcast %shift_left3A_971 : i32 to vector<16xi32>
      %shift_left3A_973 = arith.shli %shift_right_arithmetic3A_970, %shift_left3A_972 : vector<16xi32>
      %or3A_974 = arith.ori %shift_left3A_967, %shift_left3A_973 : vector<16xi32>
      %shift_right_arithmetic3A_975 = arith.constant 4 : i32
      %shift_right_arithmetic3A_976 = vector.broadcast %shift_right_arithmetic3A_975 : i32 to vector<16xi32>
      %shift_right_arithmetic3A_977 = arith.shrsi %get3A_961, %shift_right_arithmetic3A_976 : vector<16xi32>
      %or3A_978 = arith.ori %or3A_974, %shift_right_arithmetic3A_977 : vector<16xi32>
      %mul3A_979 = arith.constant 400 : i32
      %mul3A_980 = arith.muli %mul3A_906, %mul3A_979 : i32
      %add3A_981 = arith.constant 16 : i32
      %add3A_982 = arith.addi %mul3A_980, %add3A_981 : i32
      %swap3A_983 = arith.index_cast %add3A_982 : i32 to index
      %swap3A_984 = tpu.vector_load %arg5[%swap3A_983] {strides = array<i32>} : memref<10000xi32, #tpu.memory_space<vmem>>, vector<16xi32>,
      %swap3A_985 = vector.shape_cast %swap3A_984 : vector<16xi32> to vector<16xi32>
      %swap3A_986 = vector.shape_cast %or3A_978 : vector<16xi32> to vector<16xi32>
      tpu.vector_store %arg5[%swap3A_983], %swap3A_986 {strides = array<i32>} : memref<10000xi32, #tpu.memory_space<vmem>>, vector<16xi32>,
      %get3A_987 = arith.constant 32 : index
      %get3A_988 = tpu.vector_load %arg6[%get3A_987] {strides = array<i32>} : memref<400xi32, #tpu.memory_space<vmem>>, vector<16xi32>,
      %get3A_989 = vector.shape_cast %get3A_988 : vector<16xi32> to vector<16xi32>
      %get3A_990 = arith.constant 32 : index
      %get3A_991 = tpu.vector_load %arg7[%get3A_990] {strides = array<i32>} : memref<400xi32, #tpu.memory_space<vmem>>, vector<16xi32>,
      %get3A_992 = vector.shape_cast %get3A_991 : vector<16xi32> to vector<16xi32>
      %get3A_993 = arith.constant 32 : index
      %get3A_994 = tpu.vector_load %arg8[%get3A_993] {strides = array<i32>} : memref<400xi32, #tpu.memory_space<vmem>>, vector<16xi32>,
      %get3A_995 = vector.shape_cast %get3A_994 : vector<16xi32> to vector<16xi32>
      %shift_right_arithmetic3A_996 = arith.constant 4 : i32
      %shift_right_arithmetic3A_997 = vector.broadcast %shift_right_arithmetic3A_996 : i32 to vector<16xi32>
      %shift_right_arithmetic3A_998 = arith.shrsi %get3A_989, %shift_right_arithmetic3A_997 : vector<16xi32>
      %shift_left3A_999 = arith.constant 8 : i32
      %shift_left3A_1000 = vector.broadcast %shift_left3A_999 : i32 to vector<16xi32>
      %shift_left3A_1001 = arith.shli %shift_right_arithmetic3A_998, %shift_left3A_1000 : vector<16xi32>
      %shift_right_arithmetic3A_1002 = arith.constant 4 : i32
      %shift_right_arithmetic3A_1003 = vector.broadcast %shift_right_arithmetic3A_1002 : i32 to vector<16xi32>
      %shift_right_arithmetic3A_1004 = arith.shrsi %get3A_992, %shift_right_arithmetic3A_1003 : vector<16xi32>
      %shift_left3A_1005 = arith.constant 4 : i32
      %shift_left3A_1006 = vector.broadcast %shift_left3A_1005 : i32 to vector<16xi32>
      %shift_left3A_1007 = arith.shli %shift_right_arithmetic3A_1004, %shift_left3A_1006 : vector<16xi32>
      %or3A_1008 = arith.ori %shift_left3A_1001, %shift_left3A_1007 : vector<16xi32>
      %shift_right_arithmetic3A_1009 = arith.constant 4 : i32
      %shift_right_arithmetic3A_1010 = vector.broadcast %shift_right_arithmetic3A_1009 : i32 to vector<16xi32>
      %shift_right_arithmetic3A_1011 = arith.shrsi %get3A_995, %shift_right_arithmetic3A_1010 : vector<16xi32>
      %or3A_1012 = arith.ori %or3A_1008, %shift_right_arithmetic3A_1011 : vector<16xi32>
      %mul3A_1013 = arith.constant 400 : i32
      %mul3A_1014 = arith.muli %mul3A_906, %mul3A_1013 : i32
      %add3A_1015 = arith.constant 32 : i32
      %add3A_1016 = arith.addi %mul3A_1014, %add3A_1015 : i32
      %swap3A_1017 = arith.index_cast %add3A_1016 : i32 to index
      %swap3A_1018 = tpu.vector_load %arg5[%swap3A_1017] {strides = array<i32>} : memref<10000xi32, #tpu.memory_space<vmem>>, vector<16xi32>,
      %swap3A_1019 = vector.shape_cast %swap3A_1018 : vector<16xi32> to vector<16xi32>
      %swap3A_1020 = vector.shape_cast %or3A_1012 : vector<16xi32> to vector<16xi32>
      tpu.vector_store %arg5[%swap3A_1017], %swap3A_1020 {strides = array<i32>} : memref<10000xi32, #tpu.memory_space<vmem>>, vector<16xi32>,
      %get3A_1021 = arith.constant 48 : index
      %get3A_1022 = tpu.vector_load %arg6[%get3A_1021] {strides = array<i32>} : memref<400xi32, #tpu.memory_space<vmem>>, vector<16xi32>,
      %get3A_1023 = vector.shape_cast %get3A_1022 : vector<16xi32> to vector<16xi32>
      %get3A_1024 = arith.constant 48 : index
      %get3A_1025 = tpu.vector_load %arg7[%get3A_1024] {strides = array<i32>} : memref<400xi32, #tpu.memory_space<vmem>>, vector<16xi32>,
      %get3A_1026 = vector.shape_cast %get3A_1025 : vector<16xi32> to vector<16xi32>
      %get3A_1027 = arith.constant 48 : index
      %get3A_1028 = tpu.vector_load %arg8[%get3A_1027] {strides = array<i32>} : memref<400xi32, #tpu.memory_space<vmem>>, vector<16xi32>,
      %get3A_1029 = vector.shape_cast %get3A_1028 : vector<16xi32> to vector<16xi32>
      %shift_right_arithmetic3A_1030 = arith.constant 4 : i32
      %shift_right_arithmetic3A_1031 = vector.broadcast %shift_right_arithmetic3A_1030 : i32 to vector<16xi32>
      %shift_right_arithmetic3A_1032 = arith.shrsi %get3A_1023, %shift_right_arithmetic3A_1031 : vector<16xi32>
      %shift_left3A_1033 = arith.constant 8 : i32
      %shift_left3A_1034 = vector.broadcast %shift_left3A_1033 : i32 to vector<16xi32>
      %shift_left3A_1035 = arith.shli %shift_right_arithmetic3A_1032, %shift_left3A_1034 : vector<16xi32>
      %shift_right_arithmetic3A_1036 = arith.constant 4 : i32
      %shift_right_arithmetic3A_1037 = vector.broadcast %shift_right_arithmetic3A_1036 : i32 to vector<16xi32>
      %shift_right_arithmetic3A_1038 = arith.shrsi %get3A_1026, %shift_right_arithmetic3A_1037 : vector<16xi32>
      %shift_left3A_1039 = arith.constant 4 : i32
      %shift_left3A_1040 = vector.broadcast %shift_left3A_1039 : i32 to vector<16xi32>
      %shift_left3A_1041 = arith.shli %shift_right_arithmetic3A_1038, %shift_left3A_1040 : vector<16xi32>
      %or3A_1042 = arith.ori %shift_left3A_1035, %shift_left3A_1041 : vector<16xi32>
      %shift_right_arithmetic3A_1043 = arith.constant 4 : i32
      %shift_right_arithmetic3A_1044 = vector.broadcast %shift_right_arithmetic3A_1043 : i32 to vector<16xi32>
      %shift_right_arithmetic3A_1045 = arith.shrsi %get3A_1029, %shift_right_arithmetic3A_1044 : vector<16xi32>
      %or3A_1046 = arith.ori %or3A_1042, %shift_right_arithmetic3A_1045 : vector<16xi32>
      %mul3A_1047 = arith.constant 400 : i32
      %mul3A_1048 = arith.muli %mul3A_906, %mul3A_1047 : i32
      %add3A_1049 = arith.constant 48 : i32
      %add3A_1050 = arith.addi %mul3A_1048, %add3A_1049 : i32
      %swap3A_1051 = arith.index_cast %add3A_1050 : i32 to index
      %swap3A_1052 = tpu.vector_load %arg5[%swap3A_1051] {strides = array<i32>} : memref<10000xi32, #tpu.memory_space<vmem>>, vector<16xi32>,
      %swap3A_1053 = vector.shape_cast %swap3A_1052 : vector<16xi32> to vector<16xi32>
      %swap3A_1054 = vector.shape_cast %or3A_1046 : vector<16xi32> to vector<16xi32>
      tpu.vector_store %arg5[%swap3A_1051], %swap3A_1054 {strides = array<i32>} : memref<10000xi32, #tpu.memory_space<vmem>>, vector<16xi32>,
      %get3A_1055 = arith.constant 64 : index
      %get3A_1056 = tpu.vector_load %arg6[%get3A_1055] {strides = array<i32>} : memref<400xi32, #tpu.memory_space<vmem>>, vector<16xi32>,
      %get3A_1057 = vector.shape_cast %get3A_1056 : vector<16xi32> to vector<16xi32>
      %get3A_1058 = arith.constant 64 : index
      %get3A_1059 = tpu.vector_load %arg7[%get3A_1058] {strides = array<i32>} : memref<400xi32, #tpu.memory_space<vmem>>, vector<16xi32>,
      %get3A_1060 = vector.shape_cast %get3A_1059 : vector<16xi32> to vector<16xi32>
      %get3A_1061 = arith.constant 64 : index
      %get3A_1062 = tpu.vector_load %arg8[%get3A_1061] {strides = array<i32>} : memref<400xi32, #tpu.memory_space<vmem>>, vector<16xi32>,
      %get3A_1063 = vector.shape_cast %get3A_1062 : vector<16xi32> to vector<16xi32>
      %shift_right_arithmetic3A_1064 = arith.constant 4 : i32
      %shift_right_arithmetic3A_1065 = vector.broadcast %shift_right_arithmetic3A_1064 : i32 to vector<16xi32>
      %shift_right_arithmetic3A_1066 = arith.shrsi %get3A_1057, %shift_right_arithmetic3A_1065 : vector<16xi32>
      %shift_left3A_1067 = arith.constant 8 : i32
      %shift_left3A_1068 = vector.broadcast %shift_left3A_1067 : i32 to vector<16xi32>
      %shift_left3A_1069 = arith.shli %shift_right_arithmetic3A_1066, %shift_left3A_1068 : vector<16xi32>
      %shift_right_arithmetic3A_1070 = arith.constant 4 : i32
      %shift_right_arithmetic3A_1071 = vector.broadcast %shift_right_arithmetic3A_1070 : i32 to vector<16xi32>
      %shift_right_arithmetic3A_1072 = arith.shrsi %get3A_1060, %shift_right_arithmetic3A_1071 : vector<16xi32>
      %shift_left3A_1073 = arith.constant 4 : i32
      %shift_left3A_1074 = vector.broadcast %shift_left3A_1073 : i32 to vector<16xi32>
      %shift_left3A_1075 = arith.shli %shift_right_arithmetic3A_1072, %shift_left3A_1074 : vector<16xi32>
      %or3A_1076 = arith.ori %shift_left3A_1069, %shift_left3A_1075 : vector<16xi32>
      %shift_right_arithmetic3A_1077 = arith.constant 4 : i32
      %shift_right_arithmetic3A_1078 = vector.broadcast %shift_right_arithmetic3A_1077 : i32 to vector<16xi32>
      %shift_right_arithmetic3A_1079 = arith.shrsi %get3A_1063, %shift_right_arithmetic3A_1078 : vector<16xi32>
      %or3A_1080 = arith.ori %or3A_1076, %shift_right_arithmetic3A_1079 : vector<16xi32>
      %mul3A_1081 = arith.constant 400 : i32
      %mul3A_1082 = arith.muli %mul3A_906, %mul3A_1081 : i32
      %add3A_1083 = arith.constant 64 : i32
      %add3A_1084 = arith.addi %mul3A_1082, %add3A_1083 : i32
      %swap3A_1085 = arith.index_cast %add3A_1084 : i32 to index
      %swap3A_1086 = tpu.vector_load %arg5[%swap3A_1085] {strides = array<i32>} : memref<10000xi32, #tpu.memory_space<vmem>>, vector<16xi32>,
      %swap3A_1087 = vector.shape_cast %swap3A_1086 : vector<16xi32> to vector<16xi32>
      %swap3A_1088 = vector.shape_cast %or3A_1080 : vector<16xi32> to vector<16xi32>
      tpu.vector_store %arg5[%swap3A_1085], %swap3A_1088 {strides = array<i32>} : memref<10000xi32, #tpu.memory_space<vmem>>, vector<16xi32>,
      %get3A_1089 = arith.constant 80 : index
      %get3A_1090 = tpu.vector_load %arg6[%get3A_1089] {strides = array<i32>} : memref<400xi32, #tpu.memory_space<vmem>>, vector<16xi32>,
      %get3A_1091 = vector.shape_cast %get3A_1090 : vector<16xi32> to vector<16xi32>
      %get3A_1092 = arith.constant 80 : index
      %get3A_1093 = tpu.vector_load %arg7[%get3A_1092] {strides = array<i32>} : memref<400xi32, #tpu.memory_space<vmem>>, vector<16xi32>,
      %get3A_1094 = vector.shape_cast %get3A_1093 : vector<16xi32> to vector<16xi32>
      %get3A_1095 = arith.constant 80 : index
      %get3A_1096 = tpu.vector_load %arg8[%get3A_1095] {strides = array<i32>} : memref<400xi32, #tpu.memory_space<vmem>>, vector<16xi32>,
      %get3A_1097 = vector.shape_cast %get3A_1096 : vector<16xi32> to vector<16xi32>
      %shift_right_arithmetic3A_1098 = arith.constant 4 : i32
      %shift_right_arithmetic3A_1099 = vector.broadcast %shift_right_arithmetic3A_1098 : i32 to vector<16xi32>
      %shift_right_arithmetic3A_1100 = arith.shrsi %get3A_1091, %shift_right_arithmetic3A_1099 : vector<16xi32>
      %shift_left3A_1101 = arith.constant 8 : i32
      %shift_left3A_1102 = vector.broadcast %shift_left3A_1101 : i32 to vector<16xi32>
      %shift_left3A_1103 = arith.shli %shift_right_arithmetic3A_1100, %shift_left3A_1102 : vector<16xi32>
      %shift_right_arithmetic3A_1104 = arith.constant 4 : i32
      %shift_right_arithmetic3A_1105 = vector.broadcast %shift_right_arithmetic3A_1104 : i32 to vector<16xi32>
      %shift_right_arithmetic3A_1106 = arith.shrsi %get3A_1094, %shift_right_arithmetic3A_1105 : vector<16xi32>
      %shift_left3A_1107 = arith.constant 4 : i32
      %shift_left3A_1108 = vector.broadcast %shift_left3A_1107 : i32 to vector<16xi32>
      %shift_left3A_1109 = arith.shli %shift_right_arithmetic3A_1106, %shift_left3A_1108 : vector<16xi32>
      %or3A_1110 = arith.ori %shift_left3A_1103, %shift_left3A_1109 : vector<16xi32>
      %shift_right_arithmetic3A_1111 = arith.constant 4 : i32
      %shift_right_arithmetic3A_1112 = vector.broadcast %shift_right_arithmetic3A_1111 : i32 to vector<16xi32>
      %shift_right_arithmetic3A_1113 = arith.shrsi %get3A_1097, %shift_right_arithmetic3A_1112 : vector<16xi32>
      %or3A_1114 = arith.ori %or3A_1110, %shift_right_arithmetic3A_1113 : vector<16xi32>
      %mul3A_1115 = arith.constant 400 : i32
      %mul3A_1116 = arith.muli %mul3A_906, %mul3A_1115 : i32
      %add3A_1117 = arith.constant 80 : i32
      %add3A_1118 = arith.addi %mul3A_1116, %add3A_1117 : i32
      %swap3A_1119 = arith.index_cast %add3A_1118 : i32 to index
      %swap3A_1120 = tpu.vector_load %arg5[%swap3A_1119] {strides = array<i32>} : memref<10000xi32, #tpu.memory_space<vmem>>, vector<16xi32>,
      %swap3A_1121 = vector.shape_cast %swap3A_1120 : vector<16xi32> to vector<16xi32>
      %swap3A_1122 = vector.shape_cast %or3A_1114 : vector<16xi32> to vector<16xi32>
      tpu.vector_store %arg5[%swap3A_1119], %swap3A_1122 {strides = array<i32>} : memref<10000xi32, #tpu.memory_space<vmem>>, vector<16xi32>,
      %get3A_1123 = arith.constant 96 : index
      %get3A_1124 = tpu.vector_load %arg6[%get3A_1123] {strides = array<i32>} : memref<400xi32, #tpu.memory_space<vmem>>, vector<16xi32>,
      %get3A_1125 = vector.shape_cast %get3A_1124 : vector<16xi32> to vector<16xi32>
      %get3A_1126 = arith.constant 96 : index
      %get3A_1127 = tpu.vector_load %arg7[%get3A_1126] {strides = array<i32>} : memref<400xi32, #tpu.memory_space<vmem>>, vector<16xi32>,
      %get3A_1128 = vector.shape_cast %get3A_1127 : vector<16xi32> to vector<16xi32>
      %get3A_1129 = arith.constant 96 : index
      %get3A_1130 = tpu.vector_load %arg8[%get3A_1129] {strides = array<i32>} : memref<400xi32, #tpu.memory_space<vmem>>, vector<16xi32>,
      %get3A_1131 = vector.shape_cast %get3A_1130 : vector<16xi32> to vector<16xi32>
      %shift_right_arithmetic3A_1132 = arith.constant 4 : i32
      %shift_right_arithmetic3A_1133 = vector.broadcast %shift_right_arithmetic3A_1132 : i32 to vector<16xi32>
      %shift_right_arithmetic3A_1134 = arith.shrsi %get3A_1125, %shift_right_arithmetic3A_1133 : vector<16xi32>
      %shift_left3A_1135 = arith.constant 8 : i32
      %shift_left3A_1136 = vector.broadcast %shift_left3A_1135 : i32 to vector<16xi32>
      %shift_left3A_1137 = arith.shli %shift_right_arithmetic3A_1134, %shift_left3A_1136 : vector<16xi32>
      %shift_right_arithmetic3A_1138 = arith.constant 4 : i32
      %shift_right_arithmetic3A_1139 = vector.broadcast %shift_right_arithmetic3A_1138 : i32 to vector<16xi32>
      %shift_right_arithmetic3A_1140 = arith.shrsi %get3A_1128, %shift_right_arithmetic3A_1139 : vector<16xi32>
      %shift_left3A_1141 = arith.constant 4 : i32
      %shift_left3A_1142 = vector.broadcast %shift_left3A_1141 : i32 to vector<16xi32>
      %shift_left3A_1143 = arith.shli %shift_right_arithmetic3A_1140, %shift_left3A_1142 : vector<16xi32>
      %or3A_1144 = arith.ori %shift_left3A_1137, %shift_left3A_1143 : vector<16xi32>
      %shift_right_arithmetic3A_1145 = arith.constant 4 : i32
      %shift_right_arithmetic3A_1146 = vector.broadcast %shift_right_arithmetic3A_1145 : i32 to vector<16xi32>
      %shift_right_arithmetic3A_1147 = arith.shrsi %get3A_1131, %shift_right_arithmetic3A_1146 : vector<16xi32>
      %or3A_1148 = arith.ori %or3A_1144, %shift_right_arithmetic3A_1147 : vector<16xi32>
      %mul3A_1149 = arith.constant 400 : i32
      %mul3A_1150 = arith.muli %mul3A_906, %mul3A_1149 : i32
      %add3A_1151 = arith.constant 96 : i32
      %add3A_1152 = arith.addi %mul3A_1150, %add3A_1151 : i32
      %swap3A_1153 = arith.index_cast %add3A_1152 : i32 to index
      %swap3A_1154 = tpu.vector_load %arg5[%swap3A_1153] {strides = array<i32>} : memref<10000xi32, #tpu.memory_space<vmem>>, vector<16xi32>,
      %swap3A_1155 = vector.shape_cast %swap3A_1154 : vector<16xi32> to vector<16xi32>
      %swap3A_1156 = vector.shape_cast %or3A_1148 : vector<16xi32> to vector<16xi32>
      tpu.vector_store %arg5[%swap3A_1153], %swap3A_1156 {strides = array<i32>} : memref<10000xi32, #tpu.memory_space<vmem>>, vector<16xi32>,
      %get3A_1157 = arith.constant 112 : index
      %get3A_1158 = tpu.vector_load %arg6[%get3A_1157] {strides = array<i32>} : memref<400xi32, #tpu.memory_space<vmem>>, vector<16xi32>,
      %get3A_1159 = vector.shape_cast %get3A_1158 : vector<16xi32> to vector<16xi32>
      %get3A_1160 = arith.constant 112 : index
      %get3A_1161 = tpu.vector_load %arg7[%get3A_1160] {strides = array<i32>} : memref<400xi32, #tpu.memory_space<vmem>>, vector<16xi32>,
      %get3A_1162 = vector.shape_cast %get3A_1161 : vector<16xi32> to vector<16xi32>
      %get3A_1163 = arith.constant 112 : index
      %get3A_1164 = tpu.vector_load %arg8[%get3A_1163] {strides = array<i32>} : memref<400xi32, #tpu.memory_space<vmem>>, vector<16xi32>,
      %get3A_1165 = vector.shape_cast %get3A_1164 : vector<16xi32> to vector<16xi32>
      %shift_right_arithmetic3A_1166 = arith.constant 4 : i32
      %shift_right_arithmetic3A_1167 = vector.broadcast %shift_right_arithmetic3A_1166 : i32 to vector<16xi32>
      %shift_right_arithmetic3A_1168 = arith.shrsi %get3A_1159, %shift_right_arithmetic3A_1167 : vector<16xi32>
      %shift_left3A_1169 = arith.constant 8 : i32
      %shift_left3A_1170 = vector.broadcast %shift_left3A_1169 : i32 to vector<16xi32>
      %shift_left3A_1171 = arith.shli %shift_right_arithmetic3A_1168, %shift_left3A_1170 : vector<16xi32>
      %shift_right_arithmetic3A_1172 = arith.constant 4 : i32
      %shift_right_arithmetic3A_1173 = vector.broadcast %shift_right_arithmetic3A_1172 : i32 to vector<16xi32>
      %shift_right_arithmetic3A_1174 = arith.shrsi %get3A_1162, %shift_right_arithmetic3A_1173 : vector<16xi32>
      %shift_left3A_1175 = arith.constant 4 : i32
      %shift_left3A_1176 = vector.broadcast %shift_left3A_1175 : i32 to vector<16xi32>
      %shift_left3A_1177 = arith.shli %shift_right_arithmetic3A_1174, %shift_left3A_1176 : vector<16xi32>
      %or3A_1178 = arith.ori %shift_left3A_1171, %shift_left3A_1177 : vector<16xi32>
      %shift_right_arithmetic3A_1179 = arith.constant 4 : i32
      %shift_right_arithmetic3A_1180 = vector.broadcast %shift_right_arithmetic3A_1179 : i32 to vector<16xi32>
      %shift_right_arithmetic3A_1181 = arith.shrsi %get3A_1165, %shift_right_arithmetic3A_1180 : vector<16xi32>
      %or3A_1182 = arith.ori %or3A_1178, %shift_right_arithmetic3A_1181 : vector<16xi32>
      %mul3A_1183 = arith.constant 400 : i32
      %mul3A_1184 = arith.muli %mul3A_906, %mul3A_1183 : i32
      %add3A_1185 = arith.constant 112 : i32
      %add3A_1186 = arith.addi %mul3A_1184, %add3A_1185 : i32
      %swap3A_1187 = arith.index_cast %add3A_1186 : i32 to index
      %swap3A_1188 = tpu.vector_load %arg5[%swap3A_1187] {strides = array<i32>} : memref<10000xi32, #tpu.memory_space<vmem>>, vector<16xi32>,
      %swap3A_1189 = vector.shape_cast %swap3A_1188 : vector<16xi32> to vector<16xi32>
      %swap3A_1190 = vector.shape_cast %or3A_1182 : vector<16xi32> to vector<16xi32>
      tpu.vector_store %arg5[%swap3A_1187], %swap3A_1190 {strides = array<i32>} : memref<10000xi32, #tpu.memory_space<vmem>>, vector<16xi32>,
      %get3A_1191 = arith.constant 128 : index
      %get3A_1192 = tpu.vector_load %arg6[%get3A_1191] {strides = array<i32>} : memref<400xi32, #tpu.memory_space<vmem>>, vector<16xi32>,
      %get3A_1193 = vector.shape_cast %get3A_1192 : vector<16xi32> to vector<16xi32>
      %get3A_1194 = arith.constant 128 : index
      %get3A_1195 = tpu.vector_load %arg7[%get3A_1194] {strides = array<i32>} : memref<400xi32, #tpu.memory_space<vmem>>, vector<16xi32>,
      %get3A_1196 = vector.shape_cast %get3A_1195 : vector<16xi32> to vector<16xi32>
      %get3A_1197 = arith.constant 128 : index
      %get3A_1198 = tpu.vector_load %arg8[%get3A_1197] {strides = array<i32>} : memref<400xi32, #tpu.memory_space<vmem>>, vector<16xi32>,
      %get3A_1199 = vector.shape_cast %get3A_1198 : vector<16xi32> to vector<16xi32>
      %shift_right_arithmetic3A_1200 = arith.constant 4 : i32
      %shift_right_arithmetic3A_1201 = vector.broadcast %shift_right_arithmetic3A_1200 : i32 to vector<16xi32>
      %shift_right_arithmetic3A_1202 = arith.shrsi %get3A_1193, %shift_right_arithmetic3A_1201 : vector<16xi32>
      %shift_left3A_1203 = arith.constant 8 : i32
      %shift_left3A_1204 = vector.broadcast %shift_left3A_1203 : i32 to vector<16xi32>
      %shift_left3A_1205 = arith.shli %shift_right_arithmetic3A_1202, %shift_left3A_1204 : vector<16xi32>
      %shift_right_arithmetic3A_1206 = arith.constant 4 : i32
      %shift_right_arithmetic3A_1207 = vector.broadcast %shift_right_arithmetic3A_1206 : i32 to vector<16xi32>
      %shift_right_arithmetic3A_1208 = arith.shrsi %get3A_1196, %shift_right_arithmetic3A_1207 : vector<16xi32>
      %shift_left3A_1209 = arith.constant 4 : i32
      %shift_left3A_1210 = vector.broadcast %shift_left3A_1209 : i32 to vector<16xi32>
      %shift_left3A_1211 = arith.shli %shift_right_arithmetic3A_1208, %shift_left3A_1210 : vector<16xi32>
      %or3A_1212 = arith.ori %shift_left3A_1205, %shift_left3A_1211 : vector<16xi32>
      %shift_right_arithmetic3A_1213 = arith.constant 4 : i32
      %shift_right_arithmetic3A_1214 = vector.broadcast %shift_right_arithmetic3A_1213 : i32 to vector<16xi32>
      %shift_right_arithmetic3A_1215 = arith.shrsi %get3A_1199, %shift_right_arithmetic3A_1214 : vector<16xi32>
      %or3A_1216 = arith.ori %or3A_1212, %shift_right_arithmetic3A_1215 : vector<16xi32>
      %mul3A_1217 = arith.constant 400 : i32
      %mul3A_1218 = arith.muli %mul3A_906, %mul3A_1217 : i32
      %add3A_1219 = arith.constant 128 : i32
      %add3A_1220 = arith.addi %mul3A_1218, %add3A_1219 : i32
      %swap3A_1221 = arith.index_cast %add3A_1220 : i32 to index
      %swap3A_1222 = tpu.vector_load %arg5[%swap3A_1221] {strides = array<i32>} : memref<10000xi32, #tpu.memory_space<vmem>>, vector<16xi32>,
      %swap3A_1223 = vector.shape_cast %swap3A_1222 : vector<16xi32> to vector<16xi32>
      %swap3A_1224 = vector.shape_cast %or3A_1216 : vector<16xi32> to vector<16xi32>
      tpu.vector_store %arg5[%swap3A_1221], %swap3A_1224 {strides = array<i32>} : memref<10000xi32, #tpu.memory_space<vmem>>, vector<16xi32>,
      %get3A_1225 = arith.constant 144 : index
      %get3A_1226 = tpu.vector_load %arg6[%get3A_1225] {strides = array<i32>} : memref<400xi32, #tpu.memory_space<vmem>>, vector<16xi32>,
      %get3A_1227 = vector.shape_cast %get3A_1226 : vector<16xi32> to vector<16xi32>
      %get3A_1228 = arith.constant 144 : index
      %get3A_1229 = tpu.vector_load %arg7[%get3A_1228] {strides = array<i32>} : memref<400xi32, #tpu.memory_space<vmem>>, vector<16xi32>,
      %get3A_1230 = vector.shape_cast %get3A_1229 : vector<16xi32> to vector<16xi32>
      %get3A_1231 = arith.constant 144 : index
      %get3A_1232 = tpu.vector_load %arg8[%get3A_1231] {strides = array<i32>} : memref<400xi32, #tpu.memory_space<vmem>>, vector<16xi32>,
      %get3A_1233 = vector.shape_cast %get3A_1232 : vector<16xi32> to vector<16xi32>
      %shift_right_arithmetic3A_1234 = arith.constant 4 : i32
      %shift_right_arithmetic3A_1235 = vector.broadcast %shift_right_arithmetic3A_1234 : i32 to vector<16xi32>
      %shift_right_arithmetic3A_1236 = arith.shrsi %get3A_1227, %shift_right_arithmetic3A_1235 : vector<16xi32>
      %shift_left3A_1237 = arith.constant 8 : i32
      %shift_left3A_1238 = vector.broadcast %shift_left3A_1237 : i32 to vector<16xi32>
      %shift_left3A_1239 = arith.shli %shift_right_arithmetic3A_1236, %shift_left3A_1238 : vector<16xi32>
      %shift_right_arithmetic3A_1240 = arith.constant 4 : i32
      %shift_right_arithmetic3A_1241 = vector.broadcast %shift_right_arithmetic3A_1240 : i32 to vector<16xi32>
      %shift_right_arithmetic3A_1242 = arith.shrsi %get3A_1230, %shift_right_arithmetic3A_1241 : vector<16xi32>
      %shift_left3A_1243 = arith.constant 4 : i32
      %shift_left3A_1244 = vector.broadcast %shift_left3A_1243 : i32 to vector<16xi32>
      %shift_left3A_1245 = arith.shli %shift_right_arithmetic3A_1242, %shift_left3A_1244 : vector<16xi32>
      %or3A_1246 = arith.ori %shift_left3A_1239, %shift_left3A_1245 : vector<16xi32>
      %shift_right_arithmetic3A_1247 = arith.constant 4 : i32
      %shift_right_arithmetic3A_1248 = vector.broadcast %shift_right_arithmetic3A_1247 : i32 to vector<16xi32>
      %shift_right_arithmetic3A_1249 = arith.shrsi %get3A_1233, %shift_right_arithmetic3A_1248 : vector<16xi32>
      %or3A_1250 = arith.ori %or3A_1246, %shift_right_arithmetic3A_1249 : vector<16xi32>
      %mul3A_1251 = arith.constant 400 : i32
      %mul3A_1252 = arith.muli %mul3A_906, %mul3A_1251 : i32
      %add3A_1253 = arith.constant 144 : i32
      %add3A_1254 = arith.addi %mul3A_1252, %add3A_1253 : i32
      %swap3A_1255 = arith.index_cast %add3A_1254 : i32 to index
      %swap3A_1256 = tpu.vector_load %arg5[%swap3A_1255] {strides = array<i32>} : memref<10000xi32, #tpu.memory_space<vmem>>, vector<16xi32>,
      %swap3A_1257 = vector.shape_cast %swap3A_1256 : vector<16xi32> to vector<16xi32>
      %swap3A_1258 = vector.shape_cast %or3A_1250 : vector<16xi32> to vector<16xi32>
      tpu.vector_store %arg5[%swap3A_1255], %swap3A_1258 {strides = array<i32>} : memref<10000xi32, #tpu.memory_space<vmem>>, vector<16xi32>,
      %get3A_1259 = arith.constant 160 : index
      %get3A_1260 = tpu.vector_load %arg6[%get3A_1259] {strides = array<i32>} : memref<400xi32, #tpu.memory_space<vmem>>, vector<16xi32>,
      %get3A_1261 = vector.shape_cast %get3A_1260 : vector<16xi32> to vector<16xi32>
      %get3A_1262 = arith.constant 160 : index
      %get3A_1263 = tpu.vector_load %arg7[%get3A_1262] {strides = array<i32>} : memref<400xi32, #tpu.memory_space<vmem>>, vector<16xi32>,
      %get3A_1264 = vector.shape_cast %get3A_1263 : vector<16xi32> to vector<16xi32>
      %get3A_1265 = arith.constant 160 : index
      %get3A_1266 = tpu.vector_load %arg8[%get3A_1265] {strides = array<i32>} : memref<400xi32, #tpu.memory_space<vmem>>, vector<16xi32>,
      %get3A_1267 = vector.shape_cast %get3A_1266 : vector<16xi32> to vector<16xi32>
      %shift_right_arithmetic3A_1268 = arith.constant 4 : i32
      %shift_right_arithmetic3A_1269 = vector.broadcast %shift_right_arithmetic3A_1268 : i32 to vector<16xi32>
      %shift_right_arithmetic3A_1270 = arith.shrsi %get3A_1261, %shift_right_arithmetic3A_1269 : vector<16xi32>
      %shift_left3A_1271 = arith.constant 8 : i32
      %shift_left3A_1272 = vector.broadcast %shift_left3A_1271 : i32 to vector<16xi32>
      %shift_left3A_1273 = arith.shli %shift_right_arithmetic3A_1270, %shift_left3A_1272 : vector<16xi32>
      %shift_right_arithmetic3A_1274 = arith.constant 4 : i32
      %shift_right_arithmetic3A_1275 = vector.broadcast %shift_right_arithmetic3A_1274 : i32 to vector<16xi32>
      %shift_right_arithmetic3A_1276 = arith.shrsi %get3A_1264, %shift_right_arithmetic3A_1275 : vector<16xi32>
      %shift_left3A_1277 = arith.constant 4 : i32
      %shift_left3A_1278 = vector.broadcast %shift_left3A_1277 : i32 to vector<16xi32>
      %shift_left3A_1279 = arith.shli %shift_right_arithmetic3A_1276, %shift_left3A_1278 : vector<16xi32>
      %or3A_1280 = arith.ori %shift_left3A_1273, %shift_left3A_1279 : vector<16xi32>
      %shift_right_arithmetic3A_1281 = arith.constant 4 : i32
      %shift_right_arithmetic3A_1282 = vector.broadcast %shift_right_arithmetic3A_1281 : i32 to vector<16xi32>
      %shift_right_arithmetic3A_1283 = arith.shrsi %get3A_1267, %shift_right_arithmetic3A_1282 : vector<16xi32>
      %or3A_1284 = arith.ori %or3A_1280, %shift_right_arithmetic3A_1283 : vector<16xi32>
      %mul3A_1285 = arith.constant 400 : i32
      %mul3A_1286 = arith.muli %mul3A_906, %mul3A_1285 : i32
      %add3A_1287 = arith.constant 160 : i32
      %add3A_1288 = arith.addi %mul3A_1286, %add3A_1287 : i32
      %swap3A_1289 = arith.index_cast %add3A_1288 : i32 to index
      %swap3A_1290 = tpu.vector_load %arg5[%swap3A_1289] {strides = array<i32>} : memref<10000xi32, #tpu.memory_space<vmem>>, vector<16xi32>,
      %swap3A_1291 = vector.shape_cast %swap3A_1290 : vector<16xi32> to vector<16xi32>
      %swap3A_1292 = vector.shape_cast %or3A_1284 : vector<16xi32> to vector<16xi32>
      tpu.vector_store %arg5[%swap3A_1289], %swap3A_1292 {strides = array<i32>} : memref<10000xi32, #tpu.memory_space<vmem>>, vector<16xi32>,
      %get3A_1293 = arith.constant 176 : index
      %get3A_1294 = tpu.vector_load %arg6[%get3A_1293] {strides = array<i32>} : memref<400xi32, #tpu.memory_space<vmem>>, vector<16xi32>,
      %get3A_1295 = vector.shape_cast %get3A_1294 : vector<16xi32> to vector<16xi32>
      %get3A_1296 = arith.constant 176 : index
      %get3A_1297 = tpu.vector_load %arg7[%get3A_1296] {strides = array<i32>} : memref<400xi32, #tpu.memory_space<vmem>>, vector<16xi32>,
      %get3A_1298 = vector.shape_cast %get3A_1297 : vector<16xi32> to vector<16xi32>
      %get3A_1299 = arith.constant 176 : index
      %get3A_1300 = tpu.vector_load %arg8[%get3A_1299] {strides = array<i32>} : memref<400xi32, #tpu.memory_space<vmem>>, vector<16xi32>,
      %get3A_1301 = vector.shape_cast %get3A_1300 : vector<16xi32> to vector<16xi32>
      %shift_right_arithmetic3A_1302 = arith.constant 4 : i32
      %shift_right_arithmetic3A_1303 = vector.broadcast %shift_right_arithmetic3A_1302 : i32 to vector<16xi32>
      %shift_right_arithmetic3A_1304 = arith.shrsi %get3A_1295, %shift_right_arithmetic3A_1303 : vector<16xi32>
      %shift_left3A_1305 = arith.constant 8 : i32
      %shift_left3A_1306 = vector.broadcast %shift_left3A_1305 : i32 to vector<16xi32>
      %shift_left3A_1307 = arith.shli %shift_right_arithmetic3A_1304, %shift_left3A_1306 : vector<16xi32>
      %shift_right_arithmetic3A_1308 = arith.constant 4 : i32
      %shift_right_arithmetic3A_1309 = vector.broadcast %shift_right_arithmetic3A_1308 : i32 to vector<16xi32>
      %shift_right_arithmetic3A_1310 = arith.shrsi %get3A_1298, %shift_right_arithmetic3A_1309 : vector<16xi32>
      %shift_left3A_1311 = arith.constant 4 : i32
      %shift_left3A_1312 = vector.broadcast %shift_left3A_1311 : i32 to vector<16xi32>
      %shift_left3A_1313 = arith.shli %shift_right_arithmetic3A_1310, %shift_left3A_1312 : vector<16xi32>
      %or3A_1314 = arith.ori %shift_left3A_1307, %shift_left3A_1313 : vector<16xi32>
      %shift_right_arithmetic3A_1315 = arith.constant 4 : i32
      %shift_right_arithmetic3A_1316 = vector.broadcast %shift_right_arithmetic3A_1315 : i32 to vector<16xi32>
      %shift_right_arithmetic3A_1317 = arith.shrsi %get3A_1301, %shift_right_arithmetic3A_1316 : vector<16xi32>
      %or3A_1318 = arith.ori %or3A_1314, %shift_right_arithmetic3A_1317 : vector<16xi32>
      %mul3A_1319 = arith.constant 400 : i32
      %mul3A_1320 = arith.muli %mul3A_906, %mul3A_1319 : i32
      %add3A_1321 = arith.constant 176 : i32
      %add3A_1322 = arith.addi %mul3A_1320, %add3A_1321 : i32
      %swap3A_1323 = arith.index_cast %add3A_1322 : i32 to index
      %swap3A_1324 = tpu.vector_load %arg5[%swap3A_1323] {strides = array<i32>} : memref<10000xi32, #tpu.memory_space<vmem>>, vector<16xi32>,
      %swap3A_1325 = vector.shape_cast %swap3A_1324 : vector<16xi32> to vector<16xi32>
      %swap3A_1326 = vector.shape_cast %or3A_1318 : vector<16xi32> to vector<16xi32>
      tpu.vector_store %arg5[%swap3A_1323], %swap3A_1326 {strides = array<i32>} : memref<10000xi32, #tpu.memory_space<vmem>>, vector<16xi32>,
      %get3A_1327 = arith.constant 192 : index
      %get3A_1328 = tpu.vector_load %arg6[%get3A_1327] {strides = array<i32>} : memref<400xi32, #tpu.memory_space<vmem>>, vector<16xi32>,
      %get3A_1329 = vector.shape_cast %get3A_1328 : vector<16xi32> to vector<16xi32>
      %get3A_1330 = arith.constant 192 : index
      %get3A_1331 = tpu.vector_load %arg7[%get3A_1330] {strides = array<i32>} : memref<400xi32, #tpu.memory_space<vmem>>, vector<16xi32>,
      %get3A_1332 = vector.shape_cast %get3A_1331 : vector<16xi32> to vector<16xi32>
      %get3A_1333 = arith.constant 192 : index
      %get3A_1334 = tpu.vector_load %arg8[%get3A_1333] {strides = array<i32>} : memref<400xi32, #tpu.memory_space<vmem>>, vector<16xi32>,
      %get3A_1335 = vector.shape_cast %get3A_1334 : vector<16xi32> to vector<16xi32>
      %shift_right_arithmetic3A_1336 = arith.constant 4 : i32
      %shift_right_arithmetic3A_1337 = vector.broadcast %shift_right_arithmetic3A_1336 : i32 to vector<16xi32>
      %shift_right_arithmetic3A_1338 = arith.shrsi %get3A_1329, %shift_right_arithmetic3A_1337 : vector<16xi32>
      %shift_left3A_1339 = arith.constant 8 : i32
      %shift_left3A_1340 = vector.broadcast %shift_left3A_1339 : i32 to vector<16xi32>
      %shift_left3A_1341 = arith.shli %shift_right_arithmetic3A_1338, %shift_left3A_1340 : vector<16xi32>
      %shift_right_arithmetic3A_1342 = arith.constant 4 : i32
      %shift_right_arithmetic3A_1343 = vector.broadcast %shift_right_arithmetic3A_1342 : i32 to vector<16xi32>
      %shift_right_arithmetic3A_1344 = arith.shrsi %get3A_1332, %shift_right_arithmetic3A_1343 : vector<16xi32>
      %shift_left3A_1345 = arith.constant 4 : i32
      %shift_left3A_1346 = vector.broadcast %shift_left3A_1345 : i32 to vector<16xi32>
      %shift_left3A_1347 = arith.shli %shift_right_arithmetic3A_1344, %shift_left3A_1346 : vector<16xi32>
      %or3A_1348 = arith.ori %shift_left3A_1341, %shift_left3A_1347 : vector<16xi32>
      %shift_right_arithmetic3A_1349 = arith.constant 4 : i32
      %shift_right_arithmetic3A_1350 = vector.broadcast %shift_right_arithmetic3A_1349 : i32 to vector<16xi32>
      %shift_right_arithmetic3A_1351 = arith.shrsi %get3A_1335, %shift_right_arithmetic3A_1350 : vector<16xi32>
      %or3A_1352 = arith.ori %or3A_1348, %shift_right_arithmetic3A_1351 : vector<16xi32>
      %mul3A_1353 = arith.constant 400 : i32
      %mul3A_1354 = arith.muli %mul3A_906, %mul3A_1353 : i32
      %add3A_1355 = arith.constant 192 : i32
      %add3A_1356 = arith.addi %mul3A_1354, %add3A_1355 : i32
      %swap3A_1357 = arith.index_cast %add3A_1356 : i32 to index
      %swap3A_1358 = tpu.vector_load %arg5[%swap3A_1357] {strides = array<i32>} : memref<10000xi32, #tpu.memory_space<vmem>>, vector<16xi32>,
      %swap3A_1359 = vector.shape_cast %swap3A_1358 : vector<16xi32> to vector<16xi32>
      %swap3A_1360 = vector.shape_cast %or3A_1352 : vector<16xi32> to vector<16xi32>
      tpu.vector_store %arg5[%swap3A_1357], %swap3A_1360 {strides = array<i32>} : memref<10000xi32, #tpu.memory_space<vmem>>, vector<16xi32>,
      %get3A_1361 = arith.constant 208 : index
      %get3A_1362 = tpu.vector_load %arg6[%get3A_1361] {strides = array<i32>} : memref<400xi32, #tpu.memory_space<vmem>>, vector<16xi32>,
      %get3A_1363 = vector.shape_cast %get3A_1362 : vector<16xi32> to vector<16xi32>
      %get3A_1364 = arith.constant 208 : index
      %get3A_1365 = tpu.vector_load %arg7[%get3A_1364] {strides = array<i32>} : memref<400xi32, #tpu.memory_space<vmem>>, vector<16xi32>,
      %get3A_1366 = vector.shape_cast %get3A_1365 : vector<16xi32> to vector<16xi32>
      %get3A_1367 = arith.constant 208 : index
      %get3A_1368 = tpu.vector_load %arg8[%get3A_1367] {strides = array<i32>} : memref<400xi32, #tpu.memory_space<vmem>>, vector<16xi32>,
      %get3A_1369 = vector.shape_cast %get3A_1368 : vector<16xi32> to vector<16xi32>
      %shift_right_arithmetic3A_1370 = arith.constant 4 : i32
      %shift_right_arithmetic3A_1371 = vector.broadcast %shift_right_arithmetic3A_1370 : i32 to vector<16xi32>
      %shift_right_arithmetic3A_1372 = arith.shrsi %get3A_1363, %shift_right_arithmetic3A_1371 : vector<16xi32>
      %shift_left3A_1373 = arith.constant 8 : i32
      %shift_left3A_1374 = vector.broadcast %shift_left3A_1373 : i32 to vector<16xi32>
      %shift_left3A_1375 = arith.shli %shift_right_arithmetic3A_1372, %shift_left3A_1374 : vector<16xi32>
      %shift_right_arithmetic3A_1376 = arith.constant 4 : i32
      %shift_right_arithmetic3A_1377 = vector.broadcast %shift_right_arithmetic3A_1376 : i32 to vector<16xi32>
      %shift_right_arithmetic3A_1378 = arith.shrsi %get3A_1366, %shift_right_arithmetic3A_1377 : vector<16xi32>
      %shift_left3A_1379 = arith.constant 4 : i32
      %shift_left3A_1380 = vector.broadcast %shift_left3A_1379 : i32 to vector<16xi32>
      %shift_left3A_1381 = arith.shli %shift_right_arithmetic3A_1378, %shift_left3A_1380 : vector<16xi32>
      %or3A_1382 = arith.ori %shift_left3A_1375, %shift_left3A_1381 : vector<16xi32>
      %shift_right_arithmetic3A_1383 = arith.constant 4 : i32
      %shift_right_arithmetic3A_1384 = vector.broadcast %shift_right_arithmetic3A_1383 : i32 to vector<16xi32>
      %shift_right_arithmetic3A_1385 = arith.shrsi %get3A_1369, %shift_right_arithmetic3A_1384 : vector<16xi32>
      %or3A_1386 = arith.ori %or3A_1382, %shift_right_arithmetic3A_1385 : vector<16xi32>
      %mul3A_1387 = arith.constant 400 : i32
      %mul3A_1388 = arith.muli %mul3A_906, %mul3A_1387 : i32
      %add3A_1389 = arith.constant 208 : i32
      %add3A_1390 = arith.addi %mul3A_1388, %add3A_1389 : i32
      %swap3A_1391 = arith.index_cast %add3A_1390 : i32 to index
      %swap3A_1392 = tpu.vector_load %arg5[%swap3A_1391] {strides = array<i32>} : memref<10000xi32, #tpu.memory_space<vmem>>, vector<16xi32>,
      %swap3A_1393 = vector.shape_cast %swap3A_1392 : vector<16xi32> to vector<16xi32>
      %swap3A_1394 = vector.shape_cast %or3A_1386 : vector<16xi32> to vector<16xi32>
      tpu.vector_store %arg5[%swap3A_1391], %swap3A_1394 {strides = array<i32>} : memref<10000xi32, #tpu.memory_space<vmem>>, vector<16xi32>,
      %get3A_1395 = arith.constant 224 : index
      %get3A_1396 = tpu.vector_load %arg6[%get3A_1395] {strides = array<i32>} : memref<400xi32, #tpu.memory_space<vmem>>, vector<16xi32>,
      %get3A_1397 = vector.shape_cast %get3A_1396 : vector<16xi32> to vector<16xi32>
      %get3A_1398 = arith.constant 224 : index
      %get3A_1399 = tpu.vector_load %arg7[%get3A_1398] {strides = array<i32>} : memref<400xi32, #tpu.memory_space<vmem>>, vector<16xi32>,
      %get3A_1400 = vector.shape_cast %get3A_1399 : vector<16xi32> to vector<16xi32>
      %get3A_1401 = arith.constant 224 : index
      %get3A_1402 = tpu.vector_load %arg8[%get3A_1401] {strides = array<i32>} : memref<400xi32, #tpu.memory_space<vmem>>, vector<16xi32>,
      %get3A_1403 = vector.shape_cast %get3A_1402 : vector<16xi32> to vector<16xi32>
      %shift_right_arithmetic3A_1404 = arith.constant 4 : i32
      %shift_right_arithmetic3A_1405 = vector.broadcast %shift_right_arithmetic3A_1404 : i32 to vector<16xi32>
      %shift_right_arithmetic3A_1406 = arith.shrsi %get3A_1397, %shift_right_arithmetic3A_1405 : vector<16xi32>
      %shift_left3A_1407 = arith.constant 8 : i32
      %shift_left3A_1408 = vector.broadcast %shift_left3A_1407 : i32 to vector<16xi32>
      %shift_left3A_1409 = arith.shli %shift_right_arithmetic3A_1406, %shift_left3A_1408 : vector<16xi32>
      %shift_right_arithmetic3A_1410 = arith.constant 4 : i32
      %shift_right_arithmetic3A_1411 = vector.broadcast %shift_right_arithmetic3A_1410 : i32 to vector<16xi32>
      %shift_right_arithmetic3A_1412 = arith.shrsi %get3A_1400, %shift_right_arithmetic3A_1411 : vector<16xi32>
      %shift_left3A_1413 = arith.constant 4 : i32
      %shift_left3A_1414 = vector.broadcast %shift_left3A_1413 : i32 to vector<16xi32>
      %shift_left3A_1415 = arith.shli %shift_right_arithmetic3A_1412, %shift_left3A_1414 : vector<16xi32>
      %or3A_1416 = arith.ori %shift_left3A_1409, %shift_left3A_1415 : vector<16xi32>
      %shift_right_arithmetic3A_1417 = arith.constant 4 : i32
      %shift_right_arithmetic3A_1418 = vector.broadcast %shift_right_arithmetic3A_1417 : i32 to vector<16xi32>
      %shift_right_arithmetic3A_1419 = arith.shrsi %get3A_1403, %shift_right_arithmetic3A_1418 : vector<16xi32>
      %or3A_1420 = arith.ori %or3A_1416, %shift_right_arithmetic3A_1419 : vector<16xi32>
      %mul3A_1421 = arith.constant 400 : i32
      %mul3A_1422 = arith.muli %mul3A_906, %mul3A_1421 : i32
      %add3A_1423 = arith.constant 224 : i32
      %add3A_1424 = arith.addi %mul3A_1422, %add3A_1423 : i32
      %swap3A_1425 = arith.index_cast %add3A_1424 : i32 to index
      %swap3A_1426 = tpu.vector_load %arg5[%swap3A_1425] {strides = array<i32>} : memref<10000xi32, #tpu.memory_space<vmem>>, vector<16xi32>,
      %swap3A_1427 = vector.shape_cast %swap3A_1426 : vector<16xi32> to vector<16xi32>
      %swap3A_1428 = vector.shape_cast %or3A_1420 : vector<16xi32> to vector<16xi32>
      tpu.vector_store %arg5[%swap3A_1425], %swap3A_1428 {strides = array<i32>} : memref<10000xi32, #tpu.memory_space<vmem>>, vector<16xi32>,
      %get3A_1429 = arith.constant 240 : index
      %get3A_1430 = tpu.vector_load %arg6[%get3A_1429] {strides = array<i32>} : memref<400xi32, #tpu.memory_space<vmem>>, vector<16xi32>,
      %get3A_1431 = vector.shape_cast %get3A_1430 : vector<16xi32> to vector<16xi32>
      %get3A_1432 = arith.constant 240 : index
      %get3A_1433 = tpu.vector_load %arg7[%get3A_1432] {strides = array<i32>} : memref<400xi32, #tpu.memory_space<vmem>>, vector<16xi32>,
      %get3A_1434 = vector.shape_cast %get3A_1433 : vector<16xi32> to vector<16xi32>
      %get3A_1435 = arith.constant 240 : index
      %get3A_1436 = tpu.vector_load %arg8[%get3A_1435] {strides = array<i32>} : memref<400xi32, #tpu.memory_space<vmem>>, vector<16xi32>,
      %get3A_1437 = vector.shape_cast %get3A_1436 : vector<16xi32> to vector<16xi32>
      %shift_right_arithmetic3A_1438 = arith.constant 4 : i32
      %shift_right_arithmetic3A_1439 = vector.broadcast %shift_right_arithmetic3A_1438 : i32 to vector<16xi32>
      %shift_right_arithmetic3A_1440 = arith.shrsi %get3A_1431, %shift_right_arithmetic3A_1439 : vector<16xi32>
      %shift_left3A_1441 = arith.constant 8 : i32
      %shift_left3A_1442 = vector.broadcast %shift_left3A_1441 : i32 to vector<16xi32>
      %shift_left3A_1443 = arith.shli %shift_right_arithmetic3A_1440, %shift_left3A_1442 : vector<16xi32>
      %shift_right_arithmetic3A_1444 = arith.constant 4 : i32
      %shift_right_arithmetic3A_1445 = vector.broadcast %shift_right_arithmetic3A_1444 : i32 to vector<16xi32>
      %shift_right_arithmetic3A_1446 = arith.shrsi %get3A_1434, %shift_right_arithmetic3A_1445 : vector<16xi32>
      %shift_left3A_1447 = arith.constant 4 : i32
      %shift_left3A_1448 = vector.broadcast %shift_left3A_1447 : i32 to vector<16xi32>
      %shift_left3A_1449 = arith.shli %shift_right_arithmetic3A_1446, %shift_left3A_1448 : vector<16xi32>
      %or3A_1450 = arith.ori %shift_left3A_1443, %shift_left3A_1449 : vector<16xi32>
      %shift_right_arithmetic3A_1451 = arith.constant 4 : i32
      %shift_right_arithmetic3A_1452 = vector.broadcast %shift_right_arithmetic3A_1451 : i32 to vector<16xi32>
      %shift_right_arithmetic3A_1453 = arith.shrsi %get3A_1437, %shift_right_arithmetic3A_1452 : vector<16xi32>
      %or3A_1454 = arith.ori %or3A_1450, %shift_right_arithmetic3A_1453 : vector<16xi32>
      %mul3A_1455 = arith.constant 400 : i32
      %mul3A_1456 = arith.muli %mul3A_906, %mul3A_1455 : i32
      %add3A_1457 = arith.constant 240 : i32
      %add3A_1458 = arith.addi %mul3A_1456, %add3A_1457 : i32
      %swap3A_1459 = arith.index_cast %add3A_1458 : i32 to index
      %swap3A_1460 = tpu.vector_load %arg5[%swap3A_1459] {strides = array<i32>} : memref<10000xi32, #tpu.memory_space<vmem>>, vector<16xi32>,
      %swap3A_1461 = vector.shape_cast %swap3A_1460 : vector<16xi32> to vector<16xi32>
      %swap3A_1462 = vector.shape_cast %or3A_1454 : vector<16xi32> to vector<16xi32>
      tpu.vector_store %arg5[%swap3A_1459], %swap3A_1462 {strides = array<i32>} : memref<10000xi32, #tpu.memory_space<vmem>>, vector<16xi32>,
      %get3A_1463 = arith.constant 256 : index
      %get3A_1464 = tpu.vector_load %arg6[%get3A_1463] {strides = array<i32>} : memref<400xi32, #tpu.memory_space<vmem>>, vector<16xi32>,
      %get3A_1465 = vector.shape_cast %get3A_1464 : vector<16xi32> to vector<16xi32>
      %get3A_1466 = arith.constant 256 : index
      %get3A_1467 = tpu.vector_load %arg7[%get3A_1466] {strides = array<i32>} : memref<400xi32, #tpu.memory_space<vmem>>, vector<16xi32>,
      %get3A_1468 = vector.shape_cast %get3A_1467 : vector<16xi32> to vector<16xi32>
      %get3A_1469 = arith.constant 256 : index
      %get3A_1470 = tpu.vector_load %arg8[%get3A_1469] {strides = array<i32>} : memref<400xi32, #tpu.memory_space<vmem>>, vector<16xi32>,
      %get3A_1471 = vector.shape_cast %get3A_1470 : vector<16xi32> to vector<16xi32>
      %shift_right_arithmetic3A_1472 = arith.constant 4 : i32
      %shift_right_arithmetic3A_1473 = vector.broadcast %shift_right_arithmetic3A_1472 : i32 to vector<16xi32>
      %shift_right_arithmetic3A_1474 = arith.shrsi %get3A_1465, %shift_right_arithmetic3A_1473 : vector<16xi32>
      %shift_left3A_1475 = arith.constant 8 : i32
      %shift_left3A_1476 = vector.broadcast %shift_left3A_1475 : i32 to vector<16xi32>
      %shift_left3A_1477 = arith.shli %shift_right_arithmetic3A_1474, %shift_left3A_1476 : vector<16xi32>
      %shift_right_arithmetic3A_1478 = arith.constant 4 : i32
      %shift_right_arithmetic3A_1479 = vector.broadcast %shift_right_arithmetic3A_1478 : i32 to vector<16xi32>
      %shift_right_arithmetic3A_1480 = arith.shrsi %get3A_1468, %shift_right_arithmetic3A_1479 : vector<16xi32>
      %shift_left3A_1481 = arith.constant 4 : i32
      %shift_left3A_1482 = vector.broadcast %shift_left3A_1481 : i32 to vector<16xi32>
      %shift_left3A_1483 = arith.shli %shift_right_arithmetic3A_1480, %shift_left3A_1482 : vector<16xi32>
      %or3A_1484 = arith.ori %shift_left3A_1477, %shift_left3A_1483 : vector<16xi32>
      %shift_right_arithmetic3A_1485 = arith.constant 4 : i32
      %shift_right_arithmetic3A_1486 = vector.broadcast %shift_right_arithmetic3A_1485 : i32 to vector<16xi32>
      %shift_right_arithmetic3A_1487 = arith.shrsi %get3A_1471, %shift_right_arithmetic3A_1486 : vector<16xi32>
      %or3A_1488 = arith.ori %or3A_1484, %shift_right_arithmetic3A_1487 : vector<16xi32>
      %mul3A_1489 = arith.constant 400 : i32
      %mul3A_1490 = arith.muli %mul3A_906, %mul3A_1489 : i32
      %add3A_1491 = arith.constant 256 : i32
      %add3A_1492 = arith.addi %mul3A_1490, %add3A_1491 : i32
      %swap3A_1493 = arith.index_cast %add3A_1492 : i32 to index
      %swap3A_1494 = tpu.vector_load %arg5[%swap3A_1493] {strides = array<i32>} : memref<10000xi32, #tpu.memory_space<vmem>>, vector<16xi32>,
      %swap3A_1495 = vector.shape_cast %swap3A_1494 : vector<16xi32> to vector<16xi32>
      %swap3A_1496 = vector.shape_cast %or3A_1488 : vector<16xi32> to vector<16xi32>
      tpu.vector_store %arg5[%swap3A_1493], %swap3A_1496 {strides = array<i32>} : memref<10000xi32, #tpu.memory_space<vmem>>, vector<16xi32>,
      %get3A_1497 = arith.constant 272 : index
      %get3A_1498 = tpu.vector_load %arg6[%get3A_1497] {strides = array<i32>} : memref<400xi32, #tpu.memory_space<vmem>>, vector<16xi32>,
      %get3A_1499 = vector.shape_cast %get3A_1498 : vector<16xi32> to vector<16xi32>
      %get3A_1500 = arith.constant 272 : index
      %get3A_1501 = tpu.vector_load %arg7[%get3A_1500] {strides = array<i32>} : memref<400xi32, #tpu.memory_space<vmem>>, vector<16xi32>,
      %get3A_1502 = vector.shape_cast %get3A_1501 : vector<16xi32> to vector<16xi32>
      %get3A_1503 = arith.constant 272 : index
      %get3A_1504 = tpu.vector_load %arg8[%get3A_1503] {strides = array<i32>} : memref<400xi32, #tpu.memory_space<vmem>>, vector<16xi32>,
      %get3A_1505 = vector.shape_cast %get3A_1504 : vector<16xi32> to vector<16xi32>
      %shift_right_arithmetic3A_1506 = arith.constant 4 : i32
      %shift_right_arithmetic3A_1507 = vector.broadcast %shift_right_arithmetic3A_1506 : i32 to vector<16xi32>
      %shift_right_arithmetic3A_1508 = arith.shrsi %get3A_1499, %shift_right_arithmetic3A_1507 : vector<16xi32>
      %shift_left3A_1509 = arith.constant 8 : i32
      %shift_left3A_1510 = vector.broadcast %shift_left3A_1509 : i32 to vector<16xi32>
      %shift_left3A_1511 = arith.shli %shift_right_arithmetic3A_1508, %shift_left3A_1510 : vector<16xi32>
      %shift_right_arithmetic3A_1512 = arith.constant 4 : i32
      %shift_right_arithmetic3A_1513 = vector.broadcast %shift_right_arithmetic3A_1512 : i32 to vector<16xi32>
      %shift_right_arithmetic3A_1514 = arith.shrsi %get3A_1502, %shift_right_arithmetic3A_1513 : vector<16xi32>
      %shift_left3A_1515 = arith.constant 4 : i32
      %shift_left3A_1516 = vector.broadcast %shift_left3A_1515 : i32 to vector<16xi32>
      %shift_left3A_1517 = arith.shli %shift_right_arithmetic3A_1514, %shift_left3A_1516 : vector<16xi32>
      %or3A_1518 = arith.ori %shift_left3A_1511, %shift_left3A_1517 : vector<16xi32>
      %shift_right_arithmetic3A_1519 = arith.constant 4 : i32
      %shift_right_arithmetic3A_1520 = vector.broadcast %shift_right_arithmetic3A_1519 : i32 to vector<16xi32>
      %shift_right_arithmetic3A_1521 = arith.shrsi %get3A_1505, %shift_right_arithmetic3A_1520 : vector<16xi32>
      %or3A_1522 = arith.ori %or3A_1518, %shift_right_arithmetic3A_1521 : vector<16xi32>
      %mul3A_1523 = arith.constant 400 : i32
      %mul3A_1524 = arith.muli %mul3A_906, %mul3A_1523 : i32
      %add3A_1525 = arith.constant 272 : i32
      %add3A_1526 = arith.addi %mul3A_1524, %add3A_1525 : i32
      %swap3A_1527 = arith.index_cast %add3A_1526 : i32 to index
      %swap3A_1528 = tpu.vector_load %arg5[%swap3A_1527] {strides = array<i32>} : memref<10000xi32, #tpu.memory_space<vmem>>, vector<16xi32>,
      %swap3A_1529 = vector.shape_cast %swap3A_1528 : vector<16xi32> to vector<16xi32>
      %swap3A_1530 = vector.shape_cast %or3A_1522 : vector<16xi32> to vector<16xi32>
      tpu.vector_store %arg5[%swap3A_1527], %swap3A_1530 {strides = array<i32>} : memref<10000xi32, #tpu.memory_space<vmem>>, vector<16xi32>,
      %get3A_1531 = arith.constant 288 : index
      %get3A_1532 = tpu.vector_load %arg6[%get3A_1531] {strides = array<i32>} : memref<400xi32, #tpu.memory_space<vmem>>, vector<16xi32>,
      %get3A_1533 = vector.shape_cast %get3A_1532 : vector<16xi32> to vector<16xi32>
      %get3A_1534 = arith.constant 288 : index
      %get3A_1535 = tpu.vector_load %arg7[%get3A_1534] {strides = array<i32>} : memref<400xi32, #tpu.memory_space<vmem>>, vector<16xi32>,
      %get3A_1536 = vector.shape_cast %get3A_1535 : vector<16xi32> to vector<16xi32>
      %get3A_1537 = arith.constant 288 : index
      %get3A_1538 = tpu.vector_load %arg8[%get3A_1537] {strides = array<i32>} : memref<400xi32, #tpu.memory_space<vmem>>, vector<16xi32>,
      %get3A_1539 = vector.shape_cast %get3A_1538 : vector<16xi32> to vector<16xi32>
      %shift_right_arithmetic3A_1540 = arith.constant 4 : i32
      %shift_right_arithmetic3A_1541 = vector.broadcast %shift_right_arithmetic3A_1540 : i32 to vector<16xi32>
      %shift_right_arithmetic3A_1542 = arith.shrsi %get3A_1533, %shift_right_arithmetic3A_1541 : vector<16xi32>
      %shift_left3A_1543 = arith.constant 8 : i32
      %shift_left3A_1544 = vector.broadcast %shift_left3A_1543 : i32 to vector<16xi32>
      %shift_left3A_1545 = arith.shli %shift_right_arithmetic3A_1542, %shift_left3A_1544 : vector<16xi32>
      %shift_right_arithmetic3A_1546 = arith.constant 4 : i32
      %shift_right_arithmetic3A_1547 = vector.broadcast %shift_right_arithmetic3A_1546 : i32 to vector<16xi32>
      %shift_right_arithmetic3A_1548 = arith.shrsi %get3A_1536, %shift_right_arithmetic3A_1547 : vector<16xi32>
      %shift_left3A_1549 = arith.constant 4 : i32
      %shift_left3A_1550 = vector.broadcast %shift_left3A_1549 : i32 to vector<16xi32>
      %shift_left3A_1551 = arith.shli %shift_right_arithmetic3A_1548, %shift_left3A_1550 : vector<16xi32>
      %or3A_1552 = arith.ori %shift_left3A_1545, %shift_left3A_1551 : vector<16xi32>
      %shift_right_arithmetic3A_1553 = arith.constant 4 : i32
      %shift_right_arithmetic3A_1554 = vector.broadcast %shift_right_arithmetic3A_1553 : i32 to vector<16xi32>
      %shift_right_arithmetic3A_1555 = arith.shrsi %get3A_1539, %shift_right_arithmetic3A_1554 : vector<16xi32>
      %or3A_1556 = arith.ori %or3A_1552, %shift_right_arithmetic3A_1555 : vector<16xi32>
      %mul3A_1557 = arith.constant 400 : i32
      %mul3A_1558 = arith.muli %mul3A_906, %mul3A_1557 : i32
      %add3A_1559 = arith.constant 288 : i32
      %add3A_1560 = arith.addi %mul3A_1558, %add3A_1559 : i32
      %swap3A_1561 = arith.index_cast %add3A_1560 : i32 to index
      %swap3A_1562 = tpu.vector_load %arg5[%swap3A_1561] {strides = array<i32>} : memref<10000xi32, #tpu.memory_space<vmem>>, vector<16xi32>,
      %swap3A_1563 = vector.shape_cast %swap3A_1562 : vector<16xi32> to vector<16xi32>
      %swap3A_1564 = vector.shape_cast %or3A_1556 : vector<16xi32> to vector<16xi32>
      tpu.vector_store %arg5[%swap3A_1561], %swap3A_1564 {strides = array<i32>} : memref<10000xi32, #tpu.memory_space<vmem>>, vector<16xi32>,
      %get3A_1565 = arith.constant 304 : index
      %get3A_1566 = tpu.vector_load %arg6[%get3A_1565] {strides = array<i32>} : memref<400xi32, #tpu.memory_space<vmem>>, vector<16xi32>,
      %get3A_1567 = vector.shape_cast %get3A_1566 : vector<16xi32> to vector<16xi32>
      %get3A_1568 = arith.constant 304 : index
      %get3A_1569 = tpu.vector_load %arg7[%get3A_1568] {strides = array<i32>} : memref<400xi32, #tpu.memory_space<vmem>>, vector<16xi32>,
      %get3A_1570 = vector.shape_cast %get3A_1569 : vector<16xi32> to vector<16xi32>
      %get3A_1571 = arith.constant 304 : index
      %get3A_1572 = tpu.vector_load %arg8[%get3A_1571] {strides = array<i32>} : memref<400xi32, #tpu.memory_space<vmem>>, vector<16xi32>,
      %get3A_1573 = vector.shape_cast %get3A_1572 : vector<16xi32> to vector<16xi32>
      %shift_right_arithmetic3A_1574 = arith.constant 4 : i32
      %shift_right_arithmetic3A_1575 = vector.broadcast %shift_right_arithmetic3A_1574 : i32 to vector<16xi32>
      %shift_right_arithmetic3A_1576 = arith.shrsi %get3A_1567, %shift_right_arithmetic3A_1575 : vector<16xi32>
      %shift_left3A_1577 = arith.constant 8 : i32
      %shift_left3A_1578 = vector.broadcast %shift_left3A_1577 : i32 to vector<16xi32>
      %shift_left3A_1579 = arith.shli %shift_right_arithmetic3A_1576, %shift_left3A_1578 : vector<16xi32>
      %shift_right_arithmetic3A_1580 = arith.constant 4 : i32
      %shift_right_arithmetic3A_1581 = vector.broadcast %shift_right_arithmetic3A_1580 : i32 to vector<16xi32>
      %shift_right_arithmetic3A_1582 = arith.shrsi %get3A_1570, %shift_right_arithmetic3A_1581 : vector<16xi32>
      %shift_left3A_1583 = arith.constant 4 : i32
      %shift_left3A_1584 = vector.broadcast %shift_left3A_1583 : i32 to vector<16xi32>
      %shift_left3A_1585 = arith.shli %shift_right_arithmetic3A_1582, %shift_left3A_1584 : vector<16xi32>
      %or3A_1586 = arith.ori %shift_left3A_1579, %shift_left3A_1585 : vector<16xi32>
      %shift_right_arithmetic3A_1587 = arith.constant 4 : i32
      %shift_right_arithmetic3A_1588 = vector.broadcast %shift_right_arithmetic3A_1587 : i32 to vector<16xi32>
      %shift_right_arithmetic3A_1589 = arith.shrsi %get3A_1573, %shift_right_arithmetic3A_1588 : vector<16xi32>
      %or3A_1590 = arith.ori %or3A_1586, %shift_right_arithmetic3A_1589 : vector<16xi32>
      %mul3A_1591 = arith.constant 400 : i32
      %mul3A_1592 = arith.muli %mul3A_906, %mul3A_1591 : i32
      %add3A_1593 = arith.constant 304 : i32
      %add3A_1594 = arith.addi %mul3A_1592, %add3A_1593 : i32
      %swap3A_1595 = arith.index_cast %add3A_1594 : i32 to index
      %swap3A_1596 = tpu.vector_load %arg5[%swap3A_1595] {strides = array<i32>} : memref<10000xi32, #tpu.memory_space<vmem>>, vector<16xi32>,
      %swap3A_1597 = vector.shape_cast %swap3A_1596 : vector<16xi32> to vector<16xi32>
      %swap3A_1598 = vector.shape_cast %or3A_1590 : vector<16xi32> to vector<16xi32>
      tpu.vector_store %arg5[%swap3A_1595], %swap3A_1598 {strides = array<i32>} : memref<10000xi32, #tpu.memory_space<vmem>>, vector<16xi32>,
      %get3A_1599 = arith.constant 320 : index
      %get3A_1600 = tpu.vector_load %arg6[%get3A_1599] {strides = array<i32>} : memref<400xi32, #tpu.memory_space<vmem>>, vector<16xi32>,
      %get3A_1601 = vector.shape_cast %get3A_1600 : vector<16xi32> to vector<16xi32>
      %get3A_1602 = arith.constant 320 : index
      %get3A_1603 = tpu.vector_load %arg7[%get3A_1602] {strides = array<i32>} : memref<400xi32, #tpu.memory_space<vmem>>, vector<16xi32>,
      %get3A_1604 = vector.shape_cast %get3A_1603 : vector<16xi32> to vector<16xi32>
      %get3A_1605 = arith.constant 320 : index
      %get3A_1606 = tpu.vector_load %arg8[%get3A_1605] {strides = array<i32>} : memref<400xi32, #tpu.memory_space<vmem>>, vector<16xi32>,
      %get3A_1607 = vector.shape_cast %get3A_1606 : vector<16xi32> to vector<16xi32>
      %shift_right_arithmetic3A_1608 = arith.constant 4 : i32
      %shift_right_arithmetic3A_1609 = vector.broadcast %shift_right_arithmetic3A_1608 : i32 to vector<16xi32>
      %shift_right_arithmetic3A_1610 = arith.shrsi %get3A_1601, %shift_right_arithmetic3A_1609 : vector<16xi32>
      %shift_left3A_1611 = arith.constant 8 : i32
      %shift_left3A_1612 = vector.broadcast %shift_left3A_1611 : i32 to vector<16xi32>
      %shift_left3A_1613 = arith.shli %shift_right_arithmetic3A_1610, %shift_left3A_1612 : vector<16xi32>
      %shift_right_arithmetic3A_1614 = arith.constant 4 : i32
      %shift_right_arithmetic3A_1615 = vector.broadcast %shift_right_arithmetic3A_1614 : i32 to vector<16xi32>
      %shift_right_arithmetic3A_1616 = arith.shrsi %get3A_1604, %shift_right_arithmetic3A_1615 : vector<16xi32>
      %shift_left3A_1617 = arith.constant 4 : i32
      %shift_left3A_1618 = vector.broadcast %shift_left3A_1617 : i32 to vector<16xi32>
      %shift_left3A_1619 = arith.shli %shift_right_arithmetic3A_1616, %shift_left3A_1618 : vector<16xi32>
      %or3A_1620 = arith.ori %shift_left3A_1613, %shift_left3A_1619 : vector<16xi32>
      %shift_right_arithmetic3A_1621 = arith.constant 4 : i32
      %shift_right_arithmetic3A_1622 = vector.broadcast %shift_right_arithmetic3A_1621 : i32 to vector<16xi32>
      %shift_right_arithmetic3A_1623 = arith.shrsi %get3A_1607, %shift_right_arithmetic3A_1622 : vector<16xi32>
      %or3A_1624 = arith.ori %or3A_1620, %shift_right_arithmetic3A_1623 : vector<16xi32>
      %mul3A_1625 = arith.constant 400 : i32
      %mul3A_1626 = arith.muli %mul3A_906, %mul3A_1625 : i32
      %add3A_1627 = arith.constant 320 : i32
      %add3A_1628 = arith.addi %mul3A_1626, %add3A_1627 : i32
      %swap3A_1629 = arith.index_cast %add3A_1628 : i32 to index
      %swap3A_1630 = tpu.vector_load %arg5[%swap3A_1629] {strides = array<i32>} : memref<10000xi32, #tpu.memory_space<vmem>>, vector<16xi32>,
      %swap3A_1631 = vector.shape_cast %swap3A_1630 : vector<16xi32> to vector<16xi32>
      %swap3A_1632 = vector.shape_cast %or3A_1624 : vector<16xi32> to vector<16xi32>
      tpu.vector_store %arg5[%swap3A_1629], %swap3A_1632 {strides = array<i32>} : memref<10000xi32, #tpu.memory_space<vmem>>, vector<16xi32>,
      %get3A_1633 = arith.constant 336 : index
      %get3A_1634 = tpu.vector_load %arg6[%get3A_1633] {strides = array<i32>} : memref<400xi32, #tpu.memory_space<vmem>>, vector<16xi32>,
      %get3A_1635 = vector.shape_cast %get3A_1634 : vector<16xi32> to vector<16xi32>
      %get3A_1636 = arith.constant 336 : index
      %get3A_1637 = tpu.vector_load %arg7[%get3A_1636] {strides = array<i32>} : memref<400xi32, #tpu.memory_space<vmem>>, vector<16xi32>,
      %get3A_1638 = vector.shape_cast %get3A_1637 : vector<16xi32> to vector<16xi32>
      %get3A_1639 = arith.constant 336 : index
      %get3A_1640 = tpu.vector_load %arg8[%get3A_1639] {strides = array<i32>} : memref<400xi32, #tpu.memory_space<vmem>>, vector<16xi32>,
      %get3A_1641 = vector.shape_cast %get3A_1640 : vector<16xi32> to vector<16xi32>
      %shift_right_arithmetic3A_1642 = arith.constant 4 : i32
      %shift_right_arithmetic3A_1643 = vector.broadcast %shift_right_arithmetic3A_1642 : i32 to vector<16xi32>
      %shift_right_arithmetic3A_1644 = arith.shrsi %get3A_1635, %shift_right_arithmetic3A_1643 : vector<16xi32>
      %shift_left3A_1645 = arith.constant 8 : i32
      %shift_left3A_1646 = vector.broadcast %shift_left3A_1645 : i32 to vector<16xi32>
      %shift_left3A_1647 = arith.shli %shift_right_arithmetic3A_1644, %shift_left3A_1646 : vector<16xi32>
      %shift_right_arithmetic3A_1648 = arith.constant 4 : i32
      %shift_right_arithmetic3A_1649 = vector.broadcast %shift_right_arithmetic3A_1648 : i32 to vector<16xi32>
      %shift_right_arithmetic3A_1650 = arith.shrsi %get3A_1638, %shift_right_arithmetic3A_1649 : vector<16xi32>
      %shift_left3A_1651 = arith.constant 4 : i32
      %shift_left3A_1652 = vector.broadcast %shift_left3A_1651 : i32 to vector<16xi32>
      %shift_left3A_1653 = arith.shli %shift_right_arithmetic3A_1650, %shift_left3A_1652 : vector<16xi32>
      %or3A_1654 = arith.ori %shift_left3A_1647, %shift_left3A_1653 : vector<16xi32>
      %shift_right_arithmetic3A_1655 = arith.constant 4 : i32
      %shift_right_arithmetic3A_1656 = vector.broadcast %shift_right_arithmetic3A_1655 : i32 to vector<16xi32>
      %shift_right_arithmetic3A_1657 = arith.shrsi %get3A_1641, %shift_right_arithmetic3A_1656 : vector<16xi32>
      %or3A_1658 = arith.ori %or3A_1654, %shift_right_arithmetic3A_1657 : vector<16xi32>
      %mul3A_1659 = arith.constant 400 : i32
      %mul3A_1660 = arith.muli %mul3A_906, %mul3A_1659 : i32
      %add3A_1661 = arith.constant 336 : i32
      %add3A_1662 = arith.addi %mul3A_1660, %add3A_1661 : i32
      %swap3A_1663 = arith.index_cast %add3A_1662 : i32 to index
      %swap3A_1664 = tpu.vector_load %arg5[%swap3A_1663] {strides = array<i32>} : memref<10000xi32, #tpu.memory_space<vmem>>, vector<16xi32>,
      %swap3A_1665 = vector.shape_cast %swap3A_1664 : vector<16xi32> to vector<16xi32>
      %swap3A_1666 = vector.shape_cast %or3A_1658 : vector<16xi32> to vector<16xi32>
      tpu.vector_store %arg5[%swap3A_1663], %swap3A_1666 {strides = array<i32>} : memref<10000xi32, #tpu.memory_space<vmem>>, vector<16xi32>,
      %get3A_1667 = arith.constant 352 : index
      %get3A_1668 = tpu.vector_load %arg6[%get3A_1667] {strides = array<i32>} : memref<400xi32, #tpu.memory_space<vmem>>, vector<16xi32>,
      %get3A_1669 = vector.shape_cast %get3A_1668 : vector<16xi32> to vector<16xi32>
      %get3A_1670 = arith.constant 352 : index
      %get3A_1671 = tpu.vector_load %arg7[%get3A_1670] {strides = array<i32>} : memref<400xi32, #tpu.memory_space<vmem>>, vector<16xi32>,
      %get3A_1672 = vector.shape_cast %get3A_1671 : vector<16xi32> to vector<16xi32>
      %get3A_1673 = arith.constant 352 : index
      %get3A_1674 = tpu.vector_load %arg8[%get3A_1673] {strides = array<i32>} : memref<400xi32, #tpu.memory_space<vmem>>, vector<16xi32>,
      %get3A_1675 = vector.shape_cast %get3A_1674 : vector<16xi32> to vector<16xi32>
      %shift_right_arithmetic3A_1676 = arith.constant 4 : i32
      %shift_right_arithmetic3A_1677 = vector.broadcast %shift_right_arithmetic3A_1676 : i32 to vector<16xi32>
      %shift_right_arithmetic3A_1678 = arith.shrsi %get3A_1669, %shift_right_arithmetic3A_1677 : vector<16xi32>
      %shift_left3A_1679 = arith.constant 8 : i32
      %shift_left3A_1680 = vector.broadcast %shift_left3A_1679 : i32 to vector<16xi32>
      %shift_left3A_1681 = arith.shli %shift_right_arithmetic3A_1678, %shift_left3A_1680 : vector<16xi32>
      %shift_right_arithmetic3A_1682 = arith.constant 4 : i32
      %shift_right_arithmetic3A_1683 = vector.broadcast %shift_right_arithmetic3A_1682 : i32 to vector<16xi32>
      %shift_right_arithmetic3A_1684 = arith.shrsi %get3A_1672, %shift_right_arithmetic3A_1683 : vector<16xi32>
      %shift_left3A_1685 = arith.constant 4 : i32
      %shift_left3A_1686 = vector.broadcast %shift_left3A_1685 : i32 to vector<16xi32>
      %shift_left3A_1687 = arith.shli %shift_right_arithmetic3A_1684, %shift_left3A_1686 : vector<16xi32>
      %or3A_1688 = arith.ori %shift_left3A_1681, %shift_left3A_1687 : vector<16xi32>
      %shift_right_arithmetic3A_1689 = arith.constant 4 : i32
      %shift_right_arithmetic3A_1690 = vector.broadcast %shift_right_arithmetic3A_1689 : i32 to vector<16xi32>
      %shift_right_arithmetic3A_1691 = arith.shrsi %get3A_1675, %shift_right_arithmetic3A_1690 : vector<16xi32>
      %or3A_1692 = arith.ori %or3A_1688, %shift_right_arithmetic3A_1691 : vector<16xi32>
      %mul3A_1693 = arith.constant 400 : i32
      %mul3A_1694 = arith.muli %mul3A_906, %mul3A_1693 : i32
      %add3A_1695 = arith.constant 352 : i32
      %add3A_1696 = arith.addi %mul3A_1694, %add3A_1695 : i32
      %swap3A_1697 = arith.index_cast %add3A_1696 : i32 to index
      %swap3A_1698 = tpu.vector_load %arg5[%swap3A_1697] {strides = array<i32>} : memref<10000xi32, #tpu.memory_space<vmem>>, vector<16xi32>,
      %swap3A_1699 = vector.shape_cast %swap3A_1698 : vector<16xi32> to vector<16xi32>
      %swap3A_1700 = vector.shape_cast %or3A_1692 : vector<16xi32> to vector<16xi32>
      tpu.vector_store %arg5[%swap3A_1697], %swap3A_1700 {strides = array<i32>} : memref<10000xi32, #tpu.memory_space<vmem>>, vector<16xi32>,
      %get3A_1701 = arith.constant 368 : index
      %get3A_1702 = tpu.vector_load %arg6[%get3A_1701] {strides = array<i32>} : memref<400xi32, #tpu.memory_space<vmem>>, vector<16xi32>,
      %get3A_1703 = vector.shape_cast %get3A_1702 : vector<16xi32> to vector<16xi32>
      %get3A_1704 = arith.constant 368 : index
      %get3A_1705 = tpu.vector_load %arg7[%get3A_1704] {strides = array<i32>} : memref<400xi32, #tpu.memory_space<vmem>>, vector<16xi32>,
      %get3A_1706 = vector.shape_cast %get3A_1705 : vector<16xi32> to vector<16xi32>
      %get3A_1707 = arith.constant 368 : index
      %get3A_1708 = tpu.vector_load %arg8[%get3A_1707] {strides = array<i32>} : memref<400xi32, #tpu.memory_space<vmem>>, vector<16xi32>,
      %get3A_1709 = vector.shape_cast %get3A_1708 : vector<16xi32> to vector<16xi32>
      %shift_right_arithmetic3A_1710 = arith.constant 4 : i32
      %shift_right_arithmetic3A_1711 = vector.broadcast %shift_right_arithmetic3A_1710 : i32 to vector<16xi32>
      %shift_right_arithmetic3A_1712 = arith.shrsi %get3A_1703, %shift_right_arithmetic3A_1711 : vector<16xi32>
      %shift_left3A_1713 = arith.constant 8 : i32
      %shift_left3A_1714 = vector.broadcast %shift_left3A_1713 : i32 to vector<16xi32>
      %shift_left3A_1715 = arith.shli %shift_right_arithmetic3A_1712, %shift_left3A_1714 : vector<16xi32>
      %shift_right_arithmetic3A_1716 = arith.constant 4 : i32
      %shift_right_arithmetic3A_1717 = vector.broadcast %shift_right_arithmetic3A_1716 : i32 to vector<16xi32>
      %shift_right_arithmetic3A_1718 = arith.shrsi %get3A_1706, %shift_right_arithmetic3A_1717 : vector<16xi32>
      %shift_left3A_1719 = arith.constant 4 : i32
      %shift_left3A_1720 = vector.broadcast %shift_left3A_1719 : i32 to vector<16xi32>
      %shift_left3A_1721 = arith.shli %shift_right_arithmetic3A_1718, %shift_left3A_1720 : vector<16xi32>
      %or3A_1722 = arith.ori %shift_left3A_1715, %shift_left3A_1721 : vector<16xi32>
      %shift_right_arithmetic3A_1723 = arith.constant 4 : i32
      %shift_right_arithmetic3A_1724 = vector.broadcast %shift_right_arithmetic3A_1723 : i32 to vector<16xi32>
      %shift_right_arithmetic3A_1725 = arith.shrsi %get3A_1709, %shift_right_arithmetic3A_1724 : vector<16xi32>
      %or3A_1726 = arith.ori %or3A_1722, %shift_right_arithmetic3A_1725 : vector<16xi32>
      %mul3A_1727 = arith.constant 400 : i32
      %mul3A_1728 = arith.muli %mul3A_906, %mul3A_1727 : i32
      %add3A_1729 = arith.constant 368 : i32
      %add3A_1730 = arith.addi %mul3A_1728, %add3A_1729 : i32
      %swap3A_1731 = arith.index_cast %add3A_1730 : i32 to index
      %swap3A_1732 = tpu.vector_load %arg5[%swap3A_1731] {strides = array<i32>} : memref<10000xi32, #tpu.memory_space<vmem>>, vector<16xi32>,
      %swap3A_1733 = vector.shape_cast %swap3A_1732 : vector<16xi32> to vector<16xi32>
      %swap3A_1734 = vector.shape_cast %or3A_1726 : vector<16xi32> to vector<16xi32>
      tpu.vector_store %arg5[%swap3A_1731], %swap3A_1734 {strides = array<i32>} : memref<10000xi32, #tpu.memory_space<vmem>>, vector<16xi32>,
      %get3A_1735 = arith.constant 384 : index
      %get3A_1736 = tpu.vector_load %arg6[%get3A_1735] {strides = array<i32>} : memref<400xi32, #tpu.memory_space<vmem>>, vector<16xi32>,
      %get3A_1737 = vector.shape_cast %get3A_1736 : vector<16xi32> to vector<16xi32>
      %get3A_1738 = arith.constant 384 : index
      %get3A_1739 = tpu.vector_load %arg7[%get3A_1738] {strides = array<i32>} : memref<400xi32, #tpu.memory_space<vmem>>, vector<16xi32>,
      %get3A_1740 = vector.shape_cast %get3A_1739 : vector<16xi32> to vector<16xi32>
      %get3A_1741 = arith.constant 384 : index
      %get3A_1742 = tpu.vector_load %arg8[%get3A_1741] {strides = array<i32>} : memref<400xi32, #tpu.memory_space<vmem>>, vector<16xi32>,
      %get3A_1743 = vector.shape_cast %get3A_1742 : vector<16xi32> to vector<16xi32>
      %shift_right_arithmetic3A_1744 = arith.constant 4 : i32
      %shift_right_arithmetic3A_1745 = vector.broadcast %shift_right_arithmetic3A_1744 : i32 to vector<16xi32>
      %shift_right_arithmetic3A_1746 = arith.shrsi %get3A_1737, %shift_right_arithmetic3A_1745 : vector<16xi32>
      %shift_left3A_1747 = arith.constant 8 : i32
      %shift_left3A_1748 = vector.broadcast %shift_left3A_1747 : i32 to vector<16xi32>
      %shift_left3A_1749 = arith.shli %shift_right_arithmetic3A_1746, %shift_left3A_1748 : vector<16xi32>
      %shift_right_arithmetic3A_1750 = arith.constant 4 : i32
      %shift_right_arithmetic3A_1751 = vector.broadcast %shift_right_arithmetic3A_1750 : i32 to vector<16xi32>
      %shift_right_arithmetic3A_1752 = arith.shrsi %get3A_1740, %shift_right_arithmetic3A_1751 : vector<16xi32>
      %shift_left3A_1753 = arith.constant 4 : i32
      %shift_left3A_1754 = vector.broadcast %shift_left3A_1753 : i32 to vector<16xi32>
      %shift_left3A_1755 = arith.shli %shift_right_arithmetic3A_1752, %shift_left3A_1754 : vector<16xi32>
      %or3A_1756 = arith.ori %shift_left3A_1749, %shift_left3A_1755 : vector<16xi32>
      %shift_right_arithmetic3A_1757 = arith.constant 4 : i32
      %shift_right_arithmetic3A_1758 = vector.broadcast %shift_right_arithmetic3A_1757 : i32 to vector<16xi32>
      %shift_right_arithmetic3A_1759 = arith.shrsi %get3A_1743, %shift_right_arithmetic3A_1758 : vector<16xi32>
      %or3A_1760 = arith.ori %or3A_1756, %shift_right_arithmetic3A_1759 : vector<16xi32>
      %mul3A_1761 = arith.constant 400 : i32
      %mul3A_1762 = arith.muli %mul3A_906, %mul3A_1761 : i32
      %add3A_1763 = arith.constant 384 : i32
      %add3A_1764 = arith.addi %mul3A_1762, %add3A_1763 : i32
      %swap3A_1765 = arith.index_cast %add3A_1764 : i32 to index
      %swap3A_1766 = tpu.vector_load %arg5[%swap3A_1765] {strides = array<i32>} : memref<10000xi32, #tpu.memory_space<vmem>>, vector<16xi32>,
      %swap3A_1767 = vector.shape_cast %swap3A_1766 : vector<16xi32> to vector<16xi32>
      %swap3A_1768 = vector.shape_cast %or3A_1760 : vector<16xi32> to vector<16xi32>
      tpu.vector_store %arg5[%swap3A_1765], %swap3A_1768 {strides = array<i32>} : memref<10000xi32, #tpu.memory_space<vmem>>, vector<16xi32>,
      %add3A_1769 = arith.constant 2 : i32
      %add3A_1770 = arith.addi %mul3A_906, %add3A_1769 : i32
      %lt3A = arith.constant 25 : i32
      %lt3A_1771 = arith.cmpi slt, %add3A_1770, %lt3A : i32
      %convert_element_type3A = arith.extui %lt3A_1771 : i1 to i32
      %cond3A = arith.constant 0 : i32
      %cond3A_1772 = arith.cmpi ne, %convert_element_type3A, %cond3A : i32
      scf.if %cond3A_1772 {
        %add3A_2645 = arith.constant 2 : i32
        %add3A_2646 = arith.addi %mul3A_906, %add3A_2645 : i32
        %mul3A_2647 = arith.constant 400 : i32
        %mul3A_2648 = arith.muli %add3A_2646, %mul3A_2647 : i32
        %add3A_2649 = arith.addi %mul3A_2, %mul3A_2648 : i32
        %dma_start3A_2650 = tpu.memref_slice %arg3[%add3A_2649] : memref<960000xi32, #tpu.memory_space<hbm>> -> memref<400xi32, #tpu.memory_space<hbm>>
        %dma_start3A_2651 = tpu.memref_slice %arg3[%add3A_2649] : memref<960000xi32, #tpu.memory_space<hbm>> -> memref<400xi32, #tpu.memory_space<hbm>>
        tpu.enqueue_dma source(%dma_start3A_2651 : memref<400xi32, #tpu.memory_space<hbm>>) target(%arg6 : memref<400xi32, #tpu.memory_space<vmem>>) target_semaphore(%arg28 : memref<!tpu.dma_semaphore, #tpu.memory_space<semaphore_mem>>)
        %add3A_2652 = arith.constant 320000 : i32
        %add3A_2653 = arith.addi %add3A_2652, %add3A_2649 : i32
        %dma_start3A_2654 = tpu.memref_slice %arg3[%add3A_2653] : memref<960000xi32, #tpu.memory_space<hbm>> -> memref<400xi32, #tpu.memory_space<hbm>>
        %dma_start3A_2655 = tpu.memref_slice %arg3[%add3A_2653] : memref<960000xi32, #tpu.memory_space<hbm>> -> memref<400xi32, #tpu.memory_space<hbm>>
        tpu.enqueue_dma source(%dma_start3A_2655 : memref<400xi32, #tpu.memory_space<hbm>>) target(%arg7 : memref<400xi32, #tpu.memory_space<vmem>>) target_semaphore(%arg29 : memref<!tpu.dma_semaphore, #tpu.memory_space<semaphore_mem>>)
        %add3A_2656 = arith.constant 640000 : i32
        %add3A_2657 = arith.addi %add3A_2656, %add3A_2649 : i32
        %dma_start3A_2658 = tpu.memref_slice %arg3[%add3A_2657] : memref<960000xi32, #tpu.memory_space<hbm>> -> memref<400xi32, #tpu.memory_space<hbm>>
        %dma_start3A_2659 = tpu.memref_slice %arg3[%add3A_2657] : memref<960000xi32, #tpu.memory_space<hbm>> -> memref<400xi32, #tpu.memory_space<hbm>>
        tpu.enqueue_dma source(%dma_start3A_2659 : memref<400xi32, #tpu.memory_space<hbm>>) target(%arg8 : memref<400xi32, #tpu.memory_space<vmem>>) target_semaphore(%arg30 : memref<!tpu.dma_semaphore, #tpu.memory_space<semaphore_mem>>)
      } else {
      }
      %dma_wait3A_1773 = arith.constant 0 : i32
      %dma_wait3A_1774 = tpu.memref_slice %arg3[%dma_wait3A_1773] : memref<960000xi32, #tpu.memory_space<hbm>> -> memref<400xi32, #tpu.memory_space<hbm>>
      %dma_wait3A_1775 = arith.constant 0 : i32
      %dma_wait3A_1776 = tpu.memref_slice %arg3[%dma_wait3A_1775] : memref<960000xi32, #tpu.memory_space<hbm>> -> memref<400xi32, #tpu.memory_space<hbm>>
      tpu.wait_dma2 semaphore(%arg31 : memref<!tpu.dma_semaphore, #tpu.memory_space<semaphore_mem>>) src(%dma_wait3A_1776 : memref<400xi32, #tpu.memory_space<hbm>>) dst(%arg9 : memref<400xi32, #tpu.memory_space<vmem>>)
      %dma_wait3A_1777 = arith.constant 0 : i32
      %dma_wait3A_1778 = tpu.memref_slice %arg3[%dma_wait3A_1777] : memref<960000xi32, #tpu.memory_space<hbm>> -> memref<400xi32, #tpu.memory_space<hbm>>
      %dma_wait3A_1779 = arith.constant 0 : i32
      %dma_wait3A_1780 = tpu.memref_slice %arg3[%dma_wait3A_1779] : memref<960000xi32, #tpu.memory_space<hbm>> -> memref<400xi32, #tpu.memory_space<hbm>>
      tpu.wait_dma2 semaphore(%arg32 : memref<!tpu.dma_semaphore, #tpu.memory_space<semaphore_mem>>) src(%dma_wait3A_1780 : memref<400xi32, #tpu.memory_space<hbm>>) dst(%arg10 : memref<400xi32, #tpu.memory_space<vmem>>)
      %dma_wait3A_1781 = arith.constant 0 : i32
      %dma_wait3A_1782 = tpu.memref_slice %arg3[%dma_wait3A_1781] : memref<960000xi32, #tpu.memory_space<hbm>> -> memref<400xi32, #tpu.memory_space<hbm>>
      %dma_wait3A_1783 = arith.constant 0 : i32
      %dma_wait3A_1784 = tpu.memref_slice %arg3[%dma_wait3A_1783] : memref<960000xi32, #tpu.memory_space<hbm>> -> memref<400xi32, #tpu.memory_space<hbm>>
      tpu.wait_dma2 semaphore(%arg33 : memref<!tpu.dma_semaphore, #tpu.memory_space<semaphore_mem>>) src(%dma_wait3A_1784 : memref<400xi32, #tpu.memory_space<hbm>>) dst(%arg11 : memref<400xi32, #tpu.memory_space<vmem>>)
      %add3A_1785 = arith.constant 1 : i32
      %add3A_1786 = arith.addi %mul3A_906, %add3A_1785 : i32
      %get3A_1787 = arith.constant 0 : index
      %get3A_1788 = tpu.vector_load %arg9[%get3A_1787] {strides = array<i32>} : memref<400xi32, #tpu.memory_space<vmem>>, vector<16xi32>,
      %get3A_1789 = vector.shape_cast %get3A_1788 : vector<16xi32> to vector<16xi32>
      %get3A_1790 = arith.constant 0 : index
      %get3A_1791 = tpu.vector_load %arg10[%get3A_1790] {strides = array<i32>} : memref<400xi32, #tpu.memory_space<vmem>>, vector<16xi32>,
      %get3A_1792 = vector.shape_cast %get3A_1791 : vector<16xi32> to vector<16xi32>
      %get3A_1793 = arith.constant 0 : index
      %get3A_1794 = tpu.vector_load %arg11[%get3A_1793] {strides = array<i32>} : memref<400xi32, #tpu.memory_space<vmem>>, vector<16xi32>,
      %get3A_1795 = vector.shape_cast %get3A_1794 : vector<16xi32> to vector<16xi32>
      %shift_right_arithmetic3A_1796 = arith.constant 4 : i32
      %shift_right_arithmetic3A_1797 = vector.broadcast %shift_right_arithmetic3A_1796 : i32 to vector<16xi32>
      %shift_right_arithmetic3A_1798 = arith.shrsi %get3A_1789, %shift_right_arithmetic3A_1797 : vector<16xi32>
      %shift_left3A_1799 = arith.constant 8 : i32
      %shift_left3A_1800 = vector.broadcast %shift_left3A_1799 : i32 to vector<16xi32>
      %shift_left3A_1801 = arith.shli %shift_right_arithmetic3A_1798, %shift_left3A_1800 : vector<16xi32>
      %shift_right_arithmetic3A_1802 = arith.constant 4 : i32
      %shift_right_arithmetic3A_1803 = vector.broadcast %shift_right_arithmetic3A_1802 : i32 to vector<16xi32>
      %shift_right_arithmetic3A_1804 = arith.shrsi %get3A_1792, %shift_right_arithmetic3A_1803 : vector<16xi32>
      %shift_left3A_1805 = arith.constant 4 : i32
      %shift_left3A_1806 = vector.broadcast %shift_left3A_1805 : i32 to vector<16xi32>
      %shift_left3A_1807 = arith.shli %shift_right_arithmetic3A_1804, %shift_left3A_1806 : vector<16xi32>
      %or3A_1808 = arith.ori %shift_left3A_1801, %shift_left3A_1807 : vector<16xi32>
      %shift_right_arithmetic3A_1809 = arith.constant 4 : i32
      %shift_right_arithmetic3A_1810 = vector.broadcast %shift_right_arithmetic3A_1809 : i32 to vector<16xi32>
      %shift_right_arithmetic3A_1811 = arith.shrsi %get3A_1795, %shift_right_arithmetic3A_1810 : vector<16xi32>
      %or3A_1812 = arith.ori %or3A_1808, %shift_right_arithmetic3A_1811 : vector<16xi32>
      %mul3A_1813 = arith.constant 400 : i32
      %mul3A_1814 = arith.muli %add3A_1786, %mul3A_1813 : i32
      %add3A_1815 = arith.constant 0 : i32
      %add3A_1816 = arith.addi %mul3A_1814, %add3A_1815 : i32
      %swap3A_1817 = arith.index_cast %add3A_1816 : i32 to index
      %swap3A_1818 = tpu.vector_load %arg5[%swap3A_1817] {strides = array<i32>} : memref<10000xi32, #tpu.memory_space<vmem>>, vector<16xi32>,
      %swap3A_1819 = vector.shape_cast %swap3A_1818 : vector<16xi32> to vector<16xi32>
      %swap3A_1820 = vector.shape_cast %or3A_1812 : vector<16xi32> to vector<16xi32>
      tpu.vector_store %arg5[%swap3A_1817], %swap3A_1820 {strides = array<i32>} : memref<10000xi32, #tpu.memory_space<vmem>>, vector<16xi32>,
      %get3A_1821 = arith.constant 16 : index
      %get3A_1822 = tpu.vector_load %arg9[%get3A_1821] {strides = array<i32>} : memref<400xi32, #tpu.memory_space<vmem>>, vector<16xi32>,
      %get3A_1823 = vector.shape_cast %get3A_1822 : vector<16xi32> to vector<16xi32>
      %get3A_1824 = arith.constant 16 : index
      %get3A_1825 = tpu.vector_load %arg10[%get3A_1824] {strides = array<i32>} : memref<400xi32, #tpu.memory_space<vmem>>, vector<16xi32>,
      %get3A_1826 = vector.shape_cast %get3A_1825 : vector<16xi32> to vector<16xi32>
      %get3A_1827 = arith.constant 16 : index
      %get3A_1828 = tpu.vector_load %arg11[%get3A_1827] {strides = array<i32>} : memref<400xi32, #tpu.memory_space<vmem>>, vector<16xi32>,
      %get3A_1829 = vector.shape_cast %get3A_1828 : vector<16xi32> to vector<16xi32>
      %shift_right_arithmetic3A_1830 = arith.constant 4 : i32
      %shift_right_arithmetic3A_1831 = vector.broadcast %shift_right_arithmetic3A_1830 : i32 to vector<16xi32>
      %shift_right_arithmetic3A_1832 = arith.shrsi %get3A_1823, %shift_right_arithmetic3A_1831 : vector<16xi32>
      %shift_left3A_1833 = arith.constant 8 : i32
      %shift_left3A_1834 = vector.broadcast %shift_left3A_1833 : i32 to vector<16xi32>
      %shift_left3A_1835 = arith.shli %shift_right_arithmetic3A_1832, %shift_left3A_1834 : vector<16xi32>
      %shift_right_arithmetic3A_1836 = arith.constant 4 : i32
      %shift_right_arithmetic3A_1837 = vector.broadcast %shift_right_arithmetic3A_1836 : i32 to vector<16xi32>
      %shift_right_arithmetic3A_1838 = arith.shrsi %get3A_1826, %shift_right_arithmetic3A_1837 : vector<16xi32>
      %shift_left3A_1839 = arith.constant 4 : i32
      %shift_left3A_1840 = vector.broadcast %shift_left3A_1839 : i32 to vector<16xi32>
      %shift_left3A_1841 = arith.shli %shift_right_arithmetic3A_1838, %shift_left3A_1840 : vector<16xi32>
      %or3A_1842 = arith.ori %shift_left3A_1835, %shift_left3A_1841 : vector<16xi32>
      %shift_right_arithmetic3A_1843 = arith.constant 4 : i32
      %shift_right_arithmetic3A_1844 = vector.broadcast %shift_right_arithmetic3A_1843 : i32 to vector<16xi32>
      %shift_right_arithmetic3A_1845 = arith.shrsi %get3A_1829, %shift_right_arithmetic3A_1844 : vector<16xi32>
      %or3A_1846 = arith.ori %or3A_1842, %shift_right_arithmetic3A_1845 : vector<16xi32>
      %mul3A_1847 = arith.constant 400 : i32
      %mul3A_1848 = arith.muli %add3A_1786, %mul3A_1847 : i32
      %add3A_1849 = arith.constant 16 : i32
      %add3A_1850 = arith.addi %mul3A_1848, %add3A_1849 : i32
      %swap3A_1851 = arith.index_cast %add3A_1850 : i32 to index
      %swap3A_1852 = tpu.vector_load %arg5[%swap3A_1851] {strides = array<i32>} : memref<10000xi32, #tpu.memory_space<vmem>>, vector<16xi32>,
      %swap3A_1853 = vector.shape_cast %swap3A_1852 : vector<16xi32> to vector<16xi32>
      %swap3A_1854 = vector.shape_cast %or3A_1846 : vector<16xi32> to vector<16xi32>
      tpu.vector_store %arg5[%swap3A_1851], %swap3A_1854 {strides = array<i32>} : memref<10000xi32, #tpu.memory_space<vmem>>, vector<16xi32>,
      %get3A_1855 = arith.constant 32 : index
      %get3A_1856 = tpu.vector_load %arg9[%get3A_1855] {strides = array<i32>} : memref<400xi32, #tpu.memory_space<vmem>>, vector<16xi32>,
      %get3A_1857 = vector.shape_cast %get3A_1856 : vector<16xi32> to vector<16xi32>
      %get3A_1858 = arith.constant 32 : index
      %get3A_1859 = tpu.vector_load %arg10[%get3A_1858] {strides = array<i32>} : memref<400xi32, #tpu.memory_space<vmem>>, vector<16xi32>,
      %get3A_1860 = vector.shape_cast %get3A_1859 : vector<16xi32> to vector<16xi32>
      %get3A_1861 = arith.constant 32 : index
      %get3A_1862 = tpu.vector_load %arg11[%get3A_1861] {strides = array<i32>} : memref<400xi32, #tpu.memory_space<vmem>>, vector<16xi32>,
      %get3A_1863 = vector.shape_cast %get3A_1862 : vector<16xi32> to vector<16xi32>
      %shift_right_arithmetic3A_1864 = arith.constant 4 : i32
      %shift_right_arithmetic3A_1865 = vector.broadcast %shift_right_arithmetic3A_1864 : i32 to vector<16xi32>
      %shift_right_arithmetic3A_1866 = arith.shrsi %get3A_1857, %shift_right_arithmetic3A_1865 : vector<16xi32>
      %shift_left3A_1867 = arith.constant 8 : i32
      %shift_left3A_1868 = vector.broadcast %shift_left3A_1867 : i32 to vector<16xi32>
      %shift_left3A_1869 = arith.shli %shift_right_arithmetic3A_1866, %shift_left3A_1868 : vector<16xi32>
      %shift_right_arithmetic3A_1870 = arith.constant 4 : i32
      %shift_right_arithmetic3A_1871 = vector.broadcast %shift_right_arithmetic3A_1870 : i32 to vector<16xi32>
      %shift_right_arithmetic3A_1872 = arith.shrsi %get3A_1860, %shift_right_arithmetic3A_1871 : vector<16xi32>
      %shift_left3A_1873 = arith.constant 4 : i32
      %shift_left3A_1874 = vector.broadcast %shift_left3A_1873 : i32 to vector<16xi32>
      %shift_left3A_1875 = arith.shli %shift_right_arithmetic3A_1872, %shift_left3A_1874 : vector<16xi32>
      %or3A_1876 = arith.ori %shift_left3A_1869, %shift_left3A_1875 : vector<16xi32>
      %shift_right_arithmetic3A_1877 = arith.constant 4 : i32
      %shift_right_arithmetic3A_1878 = vector.broadcast %shift_right_arithmetic3A_1877 : i32 to vector<16xi32>
      %shift_right_arithmetic3A_1879 = arith.shrsi %get3A_1863, %shift_right_arithmetic3A_1878 : vector<16xi32>
      %or3A_1880 = arith.ori %or3A_1876, %shift_right_arithmetic3A_1879 : vector<16xi32>
      %mul3A_1881 = arith.constant 400 : i32
      %mul3A_1882 = arith.muli %add3A_1786, %mul3A_1881 : i32
      %add3A_1883 = arith.constant 32 : i32
      %add3A_1884 = arith.addi %mul3A_1882, %add3A_1883 : i32
      %swap3A_1885 = arith.index_cast %add3A_1884 : i32 to index
      %swap3A_1886 = tpu.vector_load %arg5[%swap3A_1885] {strides = array<i32>} : memref<10000xi32, #tpu.memory_space<vmem>>, vector<16xi32>,
      %swap3A_1887 = vector.shape_cast %swap3A_1886 : vector<16xi32> to vector<16xi32>
      %swap3A_1888 = vector.shape_cast %or3A_1880 : vector<16xi32> to vector<16xi32>
      tpu.vector_store %arg5[%swap3A_1885], %swap3A_1888 {strides = array<i32>} : memref<10000xi32, #tpu.memory_space<vmem>>, vector<16xi32>,
      %get3A_1889 = arith.constant 48 : index
      %get3A_1890 = tpu.vector_load %arg9[%get3A_1889] {strides = array<i32>} : memref<400xi32, #tpu.memory_space<vmem>>, vector<16xi32>,
      %get3A_1891 = vector.shape_cast %get3A_1890 : vector<16xi32> to vector<16xi32>
      %get3A_1892 = arith.constant 48 : index
      %get3A_1893 = tpu.vector_load %arg10[%get3A_1892] {strides = array<i32>} : memref<400xi32, #tpu.memory_space<vmem>>, vector<16xi32>,
      %get3A_1894 = vector.shape_cast %get3A_1893 : vector<16xi32> to vector<16xi32>
      %get3A_1895 = arith.constant 48 : index
      %get3A_1896 = tpu.vector_load %arg11[%get3A_1895] {strides = array<i32>} : memref<400xi32, #tpu.memory_space<vmem>>, vector<16xi32>,
      %get3A_1897 = vector.shape_cast %get3A_1896 : vector<16xi32> to vector<16xi32>
      %shift_right_arithmetic3A_1898 = arith.constant 4 : i32
      %shift_right_arithmetic3A_1899 = vector.broadcast %shift_right_arithmetic3A_1898 : i32 to vector<16xi32>
      %shift_right_arithmetic3A_1900 = arith.shrsi %get3A_1891, %shift_right_arithmetic3A_1899 : vector<16xi32>
      %shift_left3A_1901 = arith.constant 8 : i32
      %shift_left3A_1902 = vector.broadcast %shift_left3A_1901 : i32 to vector<16xi32>
      %shift_left3A_1903 = arith.shli %shift_right_arithmetic3A_1900, %shift_left3A_1902 : vector<16xi32>
      %shift_right_arithmetic3A_1904 = arith.constant 4 : i32
      %shift_right_arithmetic3A_1905 = vector.broadcast %shift_right_arithmetic3A_1904 : i32 to vector<16xi32>
      %shift_right_arithmetic3A_1906 = arith.shrsi %get3A_1894, %shift_right_arithmetic3A_1905 : vector<16xi32>
      %shift_left3A_1907 = arith.constant 4 : i32
      %shift_left3A_1908 = vector.broadcast %shift_left3A_1907 : i32 to vector<16xi32>
      %shift_left3A_1909 = arith.shli %shift_right_arithmetic3A_1906, %shift_left3A_1908 : vector<16xi32>
      %or3A_1910 = arith.ori %shift_left3A_1903, %shift_left3A_1909 : vector<16xi32>
      %shift_right_arithmetic3A_1911 = arith.constant 4 : i32
      %shift_right_arithmetic3A_1912 = vector.broadcast %shift_right_arithmetic3A_1911 : i32 to vector<16xi32>
      %shift_right_arithmetic3A_1913 = arith.shrsi %get3A_1897, %shift_right_arithmetic3A_1912 : vector<16xi32>
      %or3A_1914 = arith.ori %or3A_1910, %shift_right_arithmetic3A_1913 : vector<16xi32>
      %mul3A_1915 = arith.constant 400 : i32
      %mul3A_1916 = arith.muli %add3A_1786, %mul3A_1915 : i32
      %add3A_1917 = arith.constant 48 : i32
      %add3A_1918 = arith.addi %mul3A_1916, %add3A_1917 : i32
      %swap3A_1919 = arith.index_cast %add3A_1918 : i32 to index
      %swap3A_1920 = tpu.vector_load %arg5[%swap3A_1919] {strides = array<i32>} : memref<10000xi32, #tpu.memory_space<vmem>>, vector<16xi32>,
      %swap3A_1921 = vector.shape_cast %swap3A_1920 : vector<16xi32> to vector<16xi32>
      %swap3A_1922 = vector.shape_cast %or3A_1914 : vector<16xi32> to vector<16xi32>
      tpu.vector_store %arg5[%swap3A_1919], %swap3A_1922 {strides = array<i32>} : memref<10000xi32, #tpu.memory_space<vmem>>, vector<16xi32>,
      %get3A_1923 = arith.constant 64 : index
      %get3A_1924 = tpu.vector_load %arg9[%get3A_1923] {strides = array<i32>} : memref<400xi32, #tpu.memory_space<vmem>>, vector<16xi32>,
      %get3A_1925 = vector.shape_cast %get3A_1924 : vector<16xi32> to vector<16xi32>
      %get3A_1926 = arith.constant 64 : index
      %get3A_1927 = tpu.vector_load %arg10[%get3A_1926] {strides = array<i32>} : memref<400xi32, #tpu.memory_space<vmem>>, vector<16xi32>,
      %get3A_1928 = vector.shape_cast %get3A_1927 : vector<16xi32> to vector<16xi32>
      %get3A_1929 = arith.constant 64 : index
      %get3A_1930 = tpu.vector_load %arg11[%get3A_1929] {strides = array<i32>} : memref<400xi32, #tpu.memory_space<vmem>>, vector<16xi32>,
      %get3A_1931 = vector.shape_cast %get3A_1930 : vector<16xi32> to vector<16xi32>
      %shift_right_arithmetic3A_1932 = arith.constant 4 : i32
      %shift_right_arithmetic3A_1933 = vector.broadcast %shift_right_arithmetic3A_1932 : i32 to vector<16xi32>
      %shift_right_arithmetic3A_1934 = arith.shrsi %get3A_1925, %shift_right_arithmetic3A_1933 : vector<16xi32>
      %shift_left3A_1935 = arith.constant 8 : i32
      %shift_left3A_1936 = vector.broadcast %shift_left3A_1935 : i32 to vector<16xi32>
      %shift_left3A_1937 = arith.shli %shift_right_arithmetic3A_1934, %shift_left3A_1936 : vector<16xi32>
      %shift_right_arithmetic3A_1938 = arith.constant 4 : i32
      %shift_right_arithmetic3A_1939 = vector.broadcast %shift_right_arithmetic3A_1938 : i32 to vector<16xi32>
      %shift_right_arithmetic3A_1940 = arith.shrsi %get3A_1928, %shift_right_arithmetic3A_1939 : vector<16xi32>
      %shift_left3A_1941 = arith.constant 4 : i32
      %shift_left3A_1942 = vector.broadcast %shift_left3A_1941 : i32 to vector<16xi32>
      %shift_left3A_1943 = arith.shli %shift_right_arithmetic3A_1940, %shift_left3A_1942 : vector<16xi32>
      %or3A_1944 = arith.ori %shift_left3A_1937, %shift_left3A_1943 : vector<16xi32>
      %shift_right_arithmetic3A_1945 = arith.constant 4 : i32
      %shift_right_arithmetic3A_1946 = vector.broadcast %shift_right_arithmetic3A_1945 : i32 to vector<16xi32>
      %shift_right_arithmetic3A_1947 = arith.shrsi %get3A_1931, %shift_right_arithmetic3A_1946 : vector<16xi32>
      %or3A_1948 = arith.ori %or3A_1944, %shift_right_arithmetic3A_1947 : vector<16xi32>
      %mul3A_1949 = arith.constant 400 : i32
      %mul3A_1950 = arith.muli %add3A_1786, %mul3A_1949 : i32
      %add3A_1951 = arith.constant 64 : i32
      %add3A_1952 = arith.addi %mul3A_1950, %add3A_1951 : i32
      %swap3A_1953 = arith.index_cast %add3A_1952 : i32 to index
      %swap3A_1954 = tpu.vector_load %arg5[%swap3A_1953] {strides = array<i32>} : memref<10000xi32, #tpu.memory_space<vmem>>, vector<16xi32>,
      %swap3A_1955 = vector.shape_cast %swap3A_1954 : vector<16xi32> to vector<16xi32>
      %swap3A_1956 = vector.shape_cast %or3A_1948 : vector<16xi32> to vector<16xi32>
      tpu.vector_store %arg5[%swap3A_1953], %swap3A_1956 {strides = array<i32>} : memref<10000xi32, #tpu.memory_space<vmem>>, vector<16xi32>,
      %get3A_1957 = arith.constant 80 : index
      %get3A_1958 = tpu.vector_load %arg9[%get3A_1957] {strides = array<i32>} : memref<400xi32, #tpu.memory_space<vmem>>, vector<16xi32>,
      %get3A_1959 = vector.shape_cast %get3A_1958 : vector<16xi32> to vector<16xi32>
      %get3A_1960 = arith.constant 80 : index
      %get3A_1961 = tpu.vector_load %arg10[%get3A_1960] {strides = array<i32>} : memref<400xi32, #tpu.memory_space<vmem>>, vector<16xi32>,
      %get3A_1962 = vector.shape_cast %get3A_1961 : vector<16xi32> to vector<16xi32>
      %get3A_1963 = arith.constant 80 : index
      %get3A_1964 = tpu.vector_load %arg11[%get3A_1963] {strides = array<i32>} : memref<400xi32, #tpu.memory_space<vmem>>, vector<16xi32>,
      %get3A_1965 = vector.shape_cast %get3A_1964 : vector<16xi32> to vector<16xi32>
      %shift_right_arithmetic3A_1966 = arith.constant 4 : i32
      %shift_right_arithmetic3A_1967 = vector.broadcast %shift_right_arithmetic3A_1966 : i32 to vector<16xi32>
      %shift_right_arithmetic3A_1968 = arith.shrsi %get3A_1959, %shift_right_arithmetic3A_1967 : vector<16xi32>
      %shift_left3A_1969 = arith.constant 8 : i32
      %shift_left3A_1970 = vector.broadcast %shift_left3A_1969 : i32 to vector<16xi32>
      %shift_left3A_1971 = arith.shli %shift_right_arithmetic3A_1968, %shift_left3A_1970 : vector<16xi32>
      %shift_right_arithmetic3A_1972 = arith.constant 4 : i32
      %shift_right_arithmetic3A_1973 = vector.broadcast %shift_right_arithmetic3A_1972 : i32 to vector<16xi32>
      %shift_right_arithmetic3A_1974 = arith.shrsi %get3A_1962, %shift_right_arithmetic3A_1973 : vector<16xi32>
      %shift_left3A_1975 = arith.constant 4 : i32
      %shift_left3A_1976 = vector.broadcast %shift_left3A_1975 : i32 to vector<16xi32>
      %shift_left3A_1977 = arith.shli %shift_right_arithmetic3A_1974, %shift_left3A_1976 : vector<16xi32>
      %or3A_1978 = arith.ori %shift_left3A_1971, %shift_left3A_1977 : vector<16xi32>
      %shift_right_arithmetic3A_1979 = arith.constant 4 : i32
      %shift_right_arithmetic3A_1980 = vector.broadcast %shift_right_arithmetic3A_1979 : i32 to vector<16xi32>
      %shift_right_arithmetic3A_1981 = arith.shrsi %get3A_1965, %shift_right_arithmetic3A_1980 : vector<16xi32>
      %or3A_1982 = arith.ori %or3A_1978, %shift_right_arithmetic3A_1981 : vector<16xi32>
      %mul3A_1983 = arith.constant 400 : i32
      %mul3A_1984 = arith.muli %add3A_1786, %mul3A_1983 : i32
      %add3A_1985 = arith.constant 80 : i32
      %add3A_1986 = arith.addi %mul3A_1984, %add3A_1985 : i32
      %swap3A_1987 = arith.index_cast %add3A_1986 : i32 to index
      %swap3A_1988 = tpu.vector_load %arg5[%swap3A_1987] {strides = array<i32>} : memref<10000xi32, #tpu.memory_space<vmem>>, vector<16xi32>,
      %swap3A_1989 = vector.shape_cast %swap3A_1988 : vector<16xi32> to vector<16xi32>
      %swap3A_1990 = vector.shape_cast %or3A_1982 : vector<16xi32> to vector<16xi32>
      tpu.vector_store %arg5[%swap3A_1987], %swap3A_1990 {strides = array<i32>} : memref<10000xi32, #tpu.memory_space<vmem>>, vector<16xi32>,
      %get3A_1991 = arith.constant 96 : index
      %get3A_1992 = tpu.vector_load %arg9[%get3A_1991] {strides = array<i32>} : memref<400xi32, #tpu.memory_space<vmem>>, vector<16xi32>,
      %get3A_1993 = vector.shape_cast %get3A_1992 : vector<16xi32> to vector<16xi32>
      %get3A_1994 = arith.constant 96 : index
      %get3A_1995 = tpu.vector_load %arg10[%get3A_1994] {strides = array<i32>} : memref<400xi32, #tpu.memory_space<vmem>>, vector<16xi32>,
      %get3A_1996 = vector.shape_cast %get3A_1995 : vector<16xi32> to vector<16xi32>
      %get3A_1997 = arith.constant 96 : index
      %get3A_1998 = tpu.vector_load %arg11[%get3A_1997] {strides = array<i32>} : memref<400xi32, #tpu.memory_space<vmem>>, vector<16xi32>,
      %get3A_1999 = vector.shape_cast %get3A_1998 : vector<16xi32> to vector<16xi32>
      %shift_right_arithmetic3A_2000 = arith.constant 4 : i32
      %shift_right_arithmetic3A_2001 = vector.broadcast %shift_right_arithmetic3A_2000 : i32 to vector<16xi32>
      %shift_right_arithmetic3A_2002 = arith.shrsi %get3A_1993, %shift_right_arithmetic3A_2001 : vector<16xi32>
      %shift_left3A_2003 = arith.constant 8 : i32
      %shift_left3A_2004 = vector.broadcast %shift_left3A_2003 : i32 to vector<16xi32>
      %shift_left3A_2005 = arith.shli %shift_right_arithmetic3A_2002, %shift_left3A_2004 : vector<16xi32>
      %shift_right_arithmetic3A_2006 = arith.constant 4 : i32
      %shift_right_arithmetic3A_2007 = vector.broadcast %shift_right_arithmetic3A_2006 : i32 to vector<16xi32>
      %shift_right_arithmetic3A_2008 = arith.shrsi %get3A_1996, %shift_right_arithmetic3A_2007 : vector<16xi32>
      %shift_left3A_2009 = arith.constant 4 : i32
      %shift_left3A_2010 = vector.broadcast %shift_left3A_2009 : i32 to vector<16xi32>
      %shift_left3A_2011 = arith.shli %shift_right_arithmetic3A_2008, %shift_left3A_2010 : vector<16xi32>
      %or3A_2012 = arith.ori %shift_left3A_2005, %shift_left3A_2011 : vector<16xi32>
      %shift_right_arithmetic3A_2013 = arith.constant 4 : i32
      %shift_right_arithmetic3A_2014 = vector.broadcast %shift_right_arithmetic3A_2013 : i32 to vector<16xi32>
      %shift_right_arithmetic3A_2015 = arith.shrsi %get3A_1999, %shift_right_arithmetic3A_2014 : vector<16xi32>
      %or3A_2016 = arith.ori %or3A_2012, %shift_right_arithmetic3A_2015 : vector<16xi32>
      %mul3A_2017 = arith.constant 400 : i32
      %mul3A_2018 = arith.muli %add3A_1786, %mul3A_2017 : i32
      %add3A_2019 = arith.constant 96 : i32
      %add3A_2020 = arith.addi %mul3A_2018, %add3A_2019 : i32
      %swap3A_2021 = arith.index_cast %add3A_2020 : i32 to index
      %swap3A_2022 = tpu.vector_load %arg5[%swap3A_2021] {strides = array<i32>} : memref<10000xi32, #tpu.memory_space<vmem>>, vector<16xi32>,
      %swap3A_2023 = vector.shape_cast %swap3A_2022 : vector<16xi32> to vector<16xi32>
      %swap3A_2024 = vector.shape_cast %or3A_2016 : vector<16xi32> to vector<16xi32>
      tpu.vector_store %arg5[%swap3A_2021], %swap3A_2024 {strides = array<i32>} : memref<10000xi32, #tpu.memory_space<vmem>>, vector<16xi32>,
      %get3A_2025 = arith.constant 112 : index
      %get3A_2026 = tpu.vector_load %arg9[%get3A_2025] {strides = array<i32>} : memref<400xi32, #tpu.memory_space<vmem>>, vector<16xi32>,
      %get3A_2027 = vector.shape_cast %get3A_2026 : vector<16xi32> to vector<16xi32>
      %get3A_2028 = arith.constant 112 : index
      %get3A_2029 = tpu.vector_load %arg10[%get3A_2028] {strides = array<i32>} : memref<400xi32, #tpu.memory_space<vmem>>, vector<16xi32>,
      %get3A_2030 = vector.shape_cast %get3A_2029 : vector<16xi32> to vector<16xi32>
      %get3A_2031 = arith.constant 112 : index
      %get3A_2032 = tpu.vector_load %arg11[%get3A_2031] {strides = array<i32>} : memref<400xi32, #tpu.memory_space<vmem>>, vector<16xi32>,
      %get3A_2033 = vector.shape_cast %get3A_2032 : vector<16xi32> to vector<16xi32>
      %shift_right_arithmetic3A_2034 = arith.constant 4 : i32
      %shift_right_arithmetic3A_2035 = vector.broadcast %shift_right_arithmetic3A_2034 : i32 to vector<16xi32>
      %shift_right_arithmetic3A_2036 = arith.shrsi %get3A_2027, %shift_right_arithmetic3A_2035 : vector<16xi32>
      %shift_left3A_2037 = arith.constant 8 : i32
      %shift_left3A_2038 = vector.broadcast %shift_left3A_2037 : i32 to vector<16xi32>
      %shift_left3A_2039 = arith.shli %shift_right_arithmetic3A_2036, %shift_left3A_2038 : vector<16xi32>
      %shift_right_arithmetic3A_2040 = arith.constant 4 : i32
      %shift_right_arithmetic3A_2041 = vector.broadcast %shift_right_arithmetic3A_2040 : i32 to vector<16xi32>
      %shift_right_arithmetic3A_2042 = arith.shrsi %get3A_2030, %shift_right_arithmetic3A_2041 : vector<16xi32>
      %shift_left3A_2043 = arith.constant 4 : i32
      %shift_left3A_2044 = vector.broadcast %shift_left3A_2043 : i32 to vector<16xi32>
      %shift_left3A_2045 = arith.shli %shift_right_arithmetic3A_2042, %shift_left3A_2044 : vector<16xi32>
      %or3A_2046 = arith.ori %shift_left3A_2039, %shift_left3A_2045 : vector<16xi32>
      %shift_right_arithmetic3A_2047 = arith.constant 4 : i32
      %shift_right_arithmetic3A_2048 = vector.broadcast %shift_right_arithmetic3A_2047 : i32 to vector<16xi32>
      %shift_right_arithmetic3A_2049 = arith.shrsi %get3A_2033, %shift_right_arithmetic3A_2048 : vector<16xi32>
      %or3A_2050 = arith.ori %or3A_2046, %shift_right_arithmetic3A_2049 : vector<16xi32>
      %mul3A_2051 = arith.constant 400 : i32
      %mul3A_2052 = arith.muli %add3A_1786, %mul3A_2051 : i32
      %add3A_2053 = arith.constant 112 : i32
      %add3A_2054 = arith.addi %mul3A_2052, %add3A_2053 : i32
      %swap3A_2055 = arith.index_cast %add3A_2054 : i32 to index
      %swap3A_2056 = tpu.vector_load %arg5[%swap3A_2055] {strides = array<i32>} : memref<10000xi32, #tpu.memory_space<vmem>>, vector<16xi32>,
      %swap3A_2057 = vector.shape_cast %swap3A_2056 : vector<16xi32> to vector<16xi32>
      %swap3A_2058 = vector.shape_cast %or3A_2050 : vector<16xi32> to vector<16xi32>
      tpu.vector_store %arg5[%swap3A_2055], %swap3A_2058 {strides = array<i32>} : memref<10000xi32, #tpu.memory_space<vmem>>, vector<16xi32>,
      %get3A_2059 = arith.constant 128 : index
      %get3A_2060 = tpu.vector_load %arg9[%get3A_2059] {strides = array<i32>} : memref<400xi32, #tpu.memory_space<vmem>>, vector<16xi32>,
      %get3A_2061 = vector.shape_cast %get3A_2060 : vector<16xi32> to vector<16xi32>
      %get3A_2062 = arith.constant 128 : index
      %get3A_2063 = tpu.vector_load %arg10[%get3A_2062] {strides = array<i32>} : memref<400xi32, #tpu.memory_space<vmem>>, vector<16xi32>,
      %get3A_2064 = vector.shape_cast %get3A_2063 : vector<16xi32> to vector<16xi32>
      %get3A_2065 = arith.constant 128 : index
      %get3A_2066 = tpu.vector_load %arg11[%get3A_2065] {strides = array<i32>} : memref<400xi32, #tpu.memory_space<vmem>>, vector<16xi32>,
      %get3A_2067 = vector.shape_cast %get3A_2066 : vector<16xi32> to vector<16xi32>
      %shift_right_arithmetic3A_2068 = arith.constant 4 : i32
      %shift_right_arithmetic3A_2069 = vector.broadcast %shift_right_arithmetic3A_2068 : i32 to vector<16xi32>
      %shift_right_arithmetic3A_2070 = arith.shrsi %get3A_2061, %shift_right_arithmetic3A_2069 : vector<16xi32>
      %shift_left3A_2071 = arith.constant 8 : i32
      %shift_left3A_2072 = vector.broadcast %shift_left3A_2071 : i32 to vector<16xi32>
      %shift_left3A_2073 = arith.shli %shift_right_arithmetic3A_2070, %shift_left3A_2072 : vector<16xi32>
      %shift_right_arithmetic3A_2074 = arith.constant 4 : i32
      %shift_right_arithmetic3A_2075 = vector.broadcast %shift_right_arithmetic3A_2074 : i32 to vector<16xi32>
      %shift_right_arithmetic3A_2076 = arith.shrsi %get3A_2064, %shift_right_arithmetic3A_2075 : vector<16xi32>
      %shift_left3A_2077 = arith.constant 4 : i32
      %shift_left3A_2078 = vector.broadcast %shift_left3A_2077 : i32 to vector<16xi32>
      %shift_left3A_2079 = arith.shli %shift_right_arithmetic3A_2076, %shift_left3A_2078 : vector<16xi32>
      %or3A_2080 = arith.ori %shift_left3A_2073, %shift_left3A_2079 : vector<16xi32>
      %shift_right_arithmetic3A_2081 = arith.constant 4 : i32
      %shift_right_arithmetic3A_2082 = vector.broadcast %shift_right_arithmetic3A_2081 : i32 to vector<16xi32>
      %shift_right_arithmetic3A_2083 = arith.shrsi %get3A_2067, %shift_right_arithmetic3A_2082 : vector<16xi32>
      %or3A_2084 = arith.ori %or3A_2080, %shift_right_arithmetic3A_2083 : vector<16xi32>
      %mul3A_2085 = arith.constant 400 : i32
      %mul3A_2086 = arith.muli %add3A_1786, %mul3A_2085 : i32
      %add3A_2087 = arith.constant 128 : i32
      %add3A_2088 = arith.addi %mul3A_2086, %add3A_2087 : i32
      %swap3A_2089 = arith.index_cast %add3A_2088 : i32 to index
      %swap3A_2090 = tpu.vector_load %arg5[%swap3A_2089] {strides = array<i32>} : memref<10000xi32, #tpu.memory_space<vmem>>, vector<16xi32>,
      %swap3A_2091 = vector.shape_cast %swap3A_2090 : vector<16xi32> to vector<16xi32>
      %swap3A_2092 = vector.shape_cast %or3A_2084 : vector<16xi32> to vector<16xi32>
      tpu.vector_store %arg5[%swap3A_2089], %swap3A_2092 {strides = array<i32>} : memref<10000xi32, #tpu.memory_space<vmem>>, vector<16xi32>,
      %get3A_2093 = arith.constant 144 : index
      %get3A_2094 = tpu.vector_load %arg9[%get3A_2093] {strides = array<i32>} : memref<400xi32, #tpu.memory_space<vmem>>, vector<16xi32>,
      %get3A_2095 = vector.shape_cast %get3A_2094 : vector<16xi32> to vector<16xi32>
      %get3A_2096 = arith.constant 144 : index
      %get3A_2097 = tpu.vector_load %arg10[%get3A_2096] {strides = array<i32>} : memref<400xi32, #tpu.memory_space<vmem>>, vector<16xi32>,
      %get3A_2098 = vector.shape_cast %get3A_2097 : vector<16xi32> to vector<16xi32>
      %get3A_2099 = arith.constant 144 : index
      %get3A_2100 = tpu.vector_load %arg11[%get3A_2099] {strides = array<i32>} : memref<400xi32, #tpu.memory_space<vmem>>, vector<16xi32>,
      %get3A_2101 = vector.shape_cast %get3A_2100 : vector<16xi32> to vector<16xi32>
      %shift_right_arithmetic3A_2102 = arith.constant 4 : i32
      %shift_right_arithmetic3A_2103 = vector.broadcast %shift_right_arithmetic3A_2102 : i32 to vector<16xi32>
      %shift_right_arithmetic3A_2104 = arith.shrsi %get3A_2095, %shift_right_arithmetic3A_2103 : vector<16xi32>
      %shift_left3A_2105 = arith.constant 8 : i32
      %shift_left3A_2106 = vector.broadcast %shift_left3A_2105 : i32 to vector<16xi32>
      %shift_left3A_2107 = arith.shli %shift_right_arithmetic3A_2104, %shift_left3A_2106 : vector<16xi32>
      %shift_right_arithmetic3A_2108 = arith.constant 4 : i32
      %shift_right_arithmetic3A_2109 = vector.broadcast %shift_right_arithmetic3A_2108 : i32 to vector<16xi32>
      %shift_right_arithmetic3A_2110 = arith.shrsi %get3A_2098, %shift_right_arithmetic3A_2109 : vector<16xi32>
      %shift_left3A_2111 = arith.constant 4 : i32
      %shift_left3A_2112 = vector.broadcast %shift_left3A_2111 : i32 to vector<16xi32>
      %shift_left3A_2113 = arith.shli %shift_right_arithmetic3A_2110, %shift_left3A_2112 : vector<16xi32>
      %or3A_2114 = arith.ori %shift_left3A_2107, %shift_left3A_2113 : vector<16xi32>
      %shift_right_arithmetic3A_2115 = arith.constant 4 : i32
      %shift_right_arithmetic3A_2116 = vector.broadcast %shift_right_arithmetic3A_2115 : i32 to vector<16xi32>
      %shift_right_arithmetic3A_2117 = arith.shrsi %get3A_2101, %shift_right_arithmetic3A_2116 : vector<16xi32>
      %or3A_2118 = arith.ori %or3A_2114, %shift_right_arithmetic3A_2117 : vector<16xi32>
      %mul3A_2119 = arith.constant 400 : i32
      %mul3A_2120 = arith.muli %add3A_1786, %mul3A_2119 : i32
      %add3A_2121 = arith.constant 144 : i32
      %add3A_2122 = arith.addi %mul3A_2120, %add3A_2121 : i32
      %swap3A_2123 = arith.index_cast %add3A_2122 : i32 to index
      %swap3A_2124 = tpu.vector_load %arg5[%swap3A_2123] {strides = array<i32>} : memref<10000xi32, #tpu.memory_space<vmem>>, vector<16xi32>,
      %swap3A_2125 = vector.shape_cast %swap3A_2124 : vector<16xi32> to vector<16xi32>
      %swap3A_2126 = vector.shape_cast %or3A_2118 : vector<16xi32> to vector<16xi32>
      tpu.vector_store %arg5[%swap3A_2123], %swap3A_2126 {strides = array<i32>} : memref<10000xi32, #tpu.memory_space<vmem>>, vector<16xi32>,
      %get3A_2127 = arith.constant 160 : index
      %get3A_2128 = tpu.vector_load %arg9[%get3A_2127] {strides = array<i32>} : memref<400xi32, #tpu.memory_space<vmem>>, vector<16xi32>,
      %get3A_2129 = vector.shape_cast %get3A_2128 : vector<16xi32> to vector<16xi32>
      %get3A_2130 = arith.constant 160 : index
      %get3A_2131 = tpu.vector_load %arg10[%get3A_2130] {strides = array<i32>} : memref<400xi32, #tpu.memory_space<vmem>>, vector<16xi32>,
      %get3A_2132 = vector.shape_cast %get3A_2131 : vector<16xi32> to vector<16xi32>
      %get3A_2133 = arith.constant 160 : index
      %get3A_2134 = tpu.vector_load %arg11[%get3A_2133] {strides = array<i32>} : memref<400xi32, #tpu.memory_space<vmem>>, vector<16xi32>,
      %get3A_2135 = vector.shape_cast %get3A_2134 : vector<16xi32> to vector<16xi32>
      %shift_right_arithmetic3A_2136 = arith.constant 4 : i32
      %shift_right_arithmetic3A_2137 = vector.broadcast %shift_right_arithmetic3A_2136 : i32 to vector<16xi32>
      %shift_right_arithmetic3A_2138 = arith.shrsi %get3A_2129, %shift_right_arithmetic3A_2137 : vector<16xi32>
      %shift_left3A_2139 = arith.constant 8 : i32
      %shift_left3A_2140 = vector.broadcast %shift_left3A_2139 : i32 to vector<16xi32>
      %shift_left3A_2141 = arith.shli %shift_right_arithmetic3A_2138, %shift_left3A_2140 : vector<16xi32>
      %shift_right_arithmetic3A_2142 = arith.constant 4 : i32
      %shift_right_arithmetic3A_2143 = vector.broadcast %shift_right_arithmetic3A_2142 : i32 to vector<16xi32>
      %shift_right_arithmetic3A_2144 = arith.shrsi %get3A_2132, %shift_right_arithmetic3A_2143 : vector<16xi32>
      %shift_left3A_2145 = arith.constant 4 : i32
      %shift_left3A_2146 = vector.broadcast %shift_left3A_2145 : i32 to vector<16xi32>
      %shift_left3A_2147 = arith.shli %shift_right_arithmetic3A_2144, %shift_left3A_2146 : vector<16xi32>
      %or3A_2148 = arith.ori %shift_left3A_2141, %shift_left3A_2147 : vector<16xi32>
      %shift_right_arithmetic3A_2149 = arith.constant 4 : i32
      %shift_right_arithmetic3A_2150 = vector.broadcast %shift_right_arithmetic3A_2149 : i32 to vector<16xi32>
      %shift_right_arithmetic3A_2151 = arith.shrsi %get3A_2135, %shift_right_arithmetic3A_2150 : vector<16xi32>
      %or3A_2152 = arith.ori %or3A_2148, %shift_right_arithmetic3A_2151 : vector<16xi32>
      %mul3A_2153 = arith.constant 400 : i32
      %mul3A_2154 = arith.muli %add3A_1786, %mul3A_2153 : i32
      %add3A_2155 = arith.constant 160 : i32
      %add3A_2156 = arith.addi %mul3A_2154, %add3A_2155 : i32
      %swap3A_2157 = arith.index_cast %add3A_2156 : i32 to index
      %swap3A_2158 = tpu.vector_load %arg5[%swap3A_2157] {strides = array<i32>} : memref<10000xi32, #tpu.memory_space<vmem>>, vector<16xi32>,
      %swap3A_2159 = vector.shape_cast %swap3A_2158 : vector<16xi32> to vector<16xi32>
      %swap3A_2160 = vector.shape_cast %or3A_2152 : vector<16xi32> to vector<16xi32>
      tpu.vector_store %arg5[%swap3A_2157], %swap3A_2160 {strides = array<i32>} : memref<10000xi32, #tpu.memory_space<vmem>>, vector<16xi32>,
      %get3A_2161 = arith.constant 176 : index
      %get3A_2162 = tpu.vector_load %arg9[%get3A_2161] {strides = array<i32>} : memref<400xi32, #tpu.memory_space<vmem>>, vector<16xi32>,
      %get3A_2163 = vector.shape_cast %get3A_2162 : vector<16xi32> to vector<16xi32>
      %get3A_2164 = arith.constant 176 : index
      %get3A_2165 = tpu.vector_load %arg10[%get3A_2164] {strides = array<i32>} : memref<400xi32, #tpu.memory_space<vmem>>, vector<16xi32>,
      %get3A_2166 = vector.shape_cast %get3A_2165 : vector<16xi32> to vector<16xi32>
      %get3A_2167 = arith.constant 176 : index
      %get3A_2168 = tpu.vector_load %arg11[%get3A_2167] {strides = array<i32>} : memref<400xi32, #tpu.memory_space<vmem>>, vector<16xi32>,
      %get3A_2169 = vector.shape_cast %get3A_2168 : vector<16xi32> to vector<16xi32>
      %shift_right_arithmetic3A_2170 = arith.constant 4 : i32
      %shift_right_arithmetic3A_2171 = vector.broadcast %shift_right_arithmetic3A_2170 : i32 to vector<16xi32>
      %shift_right_arithmetic3A_2172 = arith.shrsi %get3A_2163, %shift_right_arithmetic3A_2171 : vector<16xi32>
      %shift_left3A_2173 = arith.constant 8 : i32
      %shift_left3A_2174 = vector.broadcast %shift_left3A_2173 : i32 to vector<16xi32>
      %shift_left3A_2175 = arith.shli %shift_right_arithmetic3A_2172, %shift_left3A_2174 : vector<16xi32>
      %shift_right_arithmetic3A_2176 = arith.constant 4 : i32
      %shift_right_arithmetic3A_2177 = vector.broadcast %shift_right_arithmetic3A_2176 : i32 to vector<16xi32>
      %shift_right_arithmetic3A_2178 = arith.shrsi %get3A_2166, %shift_right_arithmetic3A_2177 : vector<16xi32>
      %shift_left3A_2179 = arith.constant 4 : i32
      %shift_left3A_2180 = vector.broadcast %shift_left3A_2179 : i32 to vector<16xi32>
      %shift_left3A_2181 = arith.shli %shift_right_arithmetic3A_2178, %shift_left3A_2180 : vector<16xi32>
      %or3A_2182 = arith.ori %shift_left3A_2175, %shift_left3A_2181 : vector<16xi32>
      %shift_right_arithmetic3A_2183 = arith.constant 4 : i32
      %shift_right_arithmetic3A_2184 = vector.broadcast %shift_right_arithmetic3A_2183 : i32 to vector<16xi32>
      %shift_right_arithmetic3A_2185 = arith.shrsi %get3A_2169, %shift_right_arithmetic3A_2184 : vector<16xi32>
      %or3A_2186 = arith.ori %or3A_2182, %shift_right_arithmetic3A_2185 : vector<16xi32>
      %mul3A_2187 = arith.constant 400 : i32
      %mul3A_2188 = arith.muli %add3A_1786, %mul3A_2187 : i32
      %add3A_2189 = arith.constant 176 : i32
      %add3A_2190 = arith.addi %mul3A_2188, %add3A_2189 : i32
      %swap3A_2191 = arith.index_cast %add3A_2190 : i32 to index
      %swap3A_2192 = tpu.vector_load %arg5[%swap3A_2191] {strides = array<i32>} : memref<10000xi32, #tpu.memory_space<vmem>>, vector<16xi32>,
      %swap3A_2193 = vector.shape_cast %swap3A_2192 : vector<16xi32> to vector<16xi32>
      %swap3A_2194 = vector.shape_cast %or3A_2186 : vector<16xi32> to vector<16xi32>
      tpu.vector_store %arg5[%swap3A_2191], %swap3A_2194 {strides = array<i32>} : memref<10000xi32, #tpu.memory_space<vmem>>, vector<16xi32>,
      %get3A_2195 = arith.constant 192 : index
      %get3A_2196 = tpu.vector_load %arg9[%get3A_2195] {strides = array<i32>} : memref<400xi32, #tpu.memory_space<vmem>>, vector<16xi32>,
      %get3A_2197 = vector.shape_cast %get3A_2196 : vector<16xi32> to vector<16xi32>
      %get3A_2198 = arith.constant 192 : index
      %get3A_2199 = tpu.vector_load %arg10[%get3A_2198] {strides = array<i32>} : memref<400xi32, #tpu.memory_space<vmem>>, vector<16xi32>,
      %get3A_2200 = vector.shape_cast %get3A_2199 : vector<16xi32> to vector<16xi32>
      %get3A_2201 = arith.constant 192 : index
      %get3A_2202 = tpu.vector_load %arg11[%get3A_2201] {strides = array<i32>} : memref<400xi32, #tpu.memory_space<vmem>>, vector<16xi32>,
      %get3A_2203 = vector.shape_cast %get3A_2202 : vector<16xi32> to vector<16xi32>
      %shift_right_arithmetic3A_2204 = arith.constant 4 : i32
      %shift_right_arithmetic3A_2205 = vector.broadcast %shift_right_arithmetic3A_2204 : i32 to vector<16xi32>
      %shift_right_arithmetic3A_2206 = arith.shrsi %get3A_2197, %shift_right_arithmetic3A_2205 : vector<16xi32>
      %shift_left3A_2207 = arith.constant 8 : i32
      %shift_left3A_2208 = vector.broadcast %shift_left3A_2207 : i32 to vector<16xi32>
      %shift_left3A_2209 = arith.shli %shift_right_arithmetic3A_2206, %shift_left3A_2208 : vector<16xi32>
      %shift_right_arithmetic3A_2210 = arith.constant 4 : i32
      %shift_right_arithmetic3A_2211 = vector.broadcast %shift_right_arithmetic3A_2210 : i32 to vector<16xi32>
      %shift_right_arithmetic3A_2212 = arith.shrsi %get3A_2200, %shift_right_arithmetic3A_2211 : vector<16xi32>
      %shift_left3A_2213 = arith.constant 4 : i32
      %shift_left3A_2214 = vector.broadcast %shift_left3A_2213 : i32 to vector<16xi32>
      %shift_left3A_2215 = arith.shli %shift_right_arithmetic3A_2212, %shift_left3A_2214 : vector<16xi32>
      %or3A_2216 = arith.ori %shift_left3A_2209, %shift_left3A_2215 : vector<16xi32>
      %shift_right_arithmetic3A_2217 = arith.constant 4 : i32
      %shift_right_arithmetic3A_2218 = vector.broadcast %shift_right_arithmetic3A_2217 : i32 to vector<16xi32>
      %shift_right_arithmetic3A_2219 = arith.shrsi %get3A_2203, %shift_right_arithmetic3A_2218 : vector<16xi32>
      %or3A_2220 = arith.ori %or3A_2216, %shift_right_arithmetic3A_2219 : vector<16xi32>
      %mul3A_2221 = arith.constant 400 : i32
      %mul3A_2222 = arith.muli %add3A_1786, %mul3A_2221 : i32
      %add3A_2223 = arith.constant 192 : i32
      %add3A_2224 = arith.addi %mul3A_2222, %add3A_2223 : i32
      %swap3A_2225 = arith.index_cast %add3A_2224 : i32 to index
      %swap3A_2226 = tpu.vector_load %arg5[%swap3A_2225] {strides = array<i32>} : memref<10000xi32, #tpu.memory_space<vmem>>, vector<16xi32>,
      %swap3A_2227 = vector.shape_cast %swap3A_2226 : vector<16xi32> to vector<16xi32>
      %swap3A_2228 = vector.shape_cast %or3A_2220 : vector<16xi32> to vector<16xi32>
      tpu.vector_store %arg5[%swap3A_2225], %swap3A_2228 {strides = array<i32>} : memref<10000xi32, #tpu.memory_space<vmem>>, vector<16xi32>,
      %get3A_2229 = arith.constant 208 : index
      %get3A_2230 = tpu.vector_load %arg9[%get3A_2229] {strides = array<i32>} : memref<400xi32, #tpu.memory_space<vmem>>, vector<16xi32>,
      %get3A_2231 = vector.shape_cast %get3A_2230 : vector<16xi32> to vector<16xi32>
      %get3A_2232 = arith.constant 208 : index
      %get3A_2233 = tpu.vector_load %arg10[%get3A_2232] {strides = array<i32>} : memref<400xi32, #tpu.memory_space<vmem>>, vector<16xi32>,
      %get3A_2234 = vector.shape_cast %get3A_2233 : vector<16xi32> to vector<16xi32>
      %get3A_2235 = arith.constant 208 : index
      %get3A_2236 = tpu.vector_load %arg11[%get3A_2235] {strides = array<i32>} : memref<400xi32, #tpu.memory_space<vmem>>, vector<16xi32>,
      %get3A_2237 = vector.shape_cast %get3A_2236 : vector<16xi32> to vector<16xi32>
      %shift_right_arithmetic3A_2238 = arith.constant 4 : i32
      %shift_right_arithmetic3A_2239 = vector.broadcast %shift_right_arithmetic3A_2238 : i32 to vector<16xi32>
      %shift_right_arithmetic3A_2240 = arith.shrsi %get3A_2231, %shift_right_arithmetic3A_2239 : vector<16xi32>
      %shift_left3A_2241 = arith.constant 8 : i32
      %shift_left3A_2242 = vector.broadcast %shift_left3A_2241 : i32 to vector<16xi32>
      %shift_left3A_2243 = arith.shli %shift_right_arithmetic3A_2240, %shift_left3A_2242 : vector<16xi32>
      %shift_right_arithmetic3A_2244 = arith.constant 4 : i32
      %shift_right_arithmetic3A_2245 = vector.broadcast %shift_right_arithmetic3A_2244 : i32 to vector<16xi32>
      %shift_right_arithmetic3A_2246 = arith.shrsi %get3A_2234, %shift_right_arithmetic3A_2245 : vector<16xi32>
      %shift_left3A_2247 = arith.constant 4 : i32
      %shift_left3A_2248 = vector.broadcast %shift_left3A_2247 : i32 to vector<16xi32>
      %shift_left3A_2249 = arith.shli %shift_right_arithmetic3A_2246, %shift_left3A_2248 : vector<16xi32>
      %or3A_2250 = arith.ori %shift_left3A_2243, %shift_left3A_2249 : vector<16xi32>
      %shift_right_arithmetic3A_2251 = arith.constant 4 : i32
      %shift_right_arithmetic3A_2252 = vector.broadcast %shift_right_arithmetic3A_2251 : i32 to vector<16xi32>
      %shift_right_arithmetic3A_2253 = arith.shrsi %get3A_2237, %shift_right_arithmetic3A_2252 : vector<16xi32>
      %or3A_2254 = arith.ori %or3A_2250, %shift_right_arithmetic3A_2253 : vector<16xi32>
      %mul3A_2255 = arith.constant 400 : i32
      %mul3A_2256 = arith.muli %add3A_1786, %mul3A_2255 : i32
      %add3A_2257 = arith.constant 208 : i32
      %add3A_2258 = arith.addi %mul3A_2256, %add3A_2257 : i32
      %swap3A_2259 = arith.index_cast %add3A_2258 : i32 to index
      %swap3A_2260 = tpu.vector_load %arg5[%swap3A_2259] {strides = array<i32>} : memref<10000xi32, #tpu.memory_space<vmem>>, vector<16xi32>,
      %swap3A_2261 = vector.shape_cast %swap3A_2260 : vector<16xi32> to vector<16xi32>
      %swap3A_2262 = vector.shape_cast %or3A_2254 : vector<16xi32> to vector<16xi32>
      tpu.vector_store %arg5[%swap3A_2259], %swap3A_2262 {strides = array<i32>} : memref<10000xi32, #tpu.memory_space<vmem>>, vector<16xi32>,
      %get3A_2263 = arith.constant 224 : index
      %get3A_2264 = tpu.vector_load %arg9[%get3A_2263] {strides = array<i32>} : memref<400xi32, #tpu.memory_space<vmem>>, vector<16xi32>,
      %get3A_2265 = vector.shape_cast %get3A_2264 : vector<16xi32> to vector<16xi32>
      %get3A_2266 = arith.constant 224 : index
      %get3A_2267 = tpu.vector_load %arg10[%get3A_2266] {strides = array<i32>} : memref<400xi32, #tpu.memory_space<vmem>>, vector<16xi32>,
      %get3A_2268 = vector.shape_cast %get3A_2267 : vector<16xi32> to vector<16xi32>
      %get3A_2269 = arith.constant 224 : index
      %get3A_2270 = tpu.vector_load %arg11[%get3A_2269] {strides = array<i32>} : memref<400xi32, #tpu.memory_space<vmem>>, vector<16xi32>,
      %get3A_2271 = vector.shape_cast %get3A_2270 : vector<16xi32> to vector<16xi32>
      %shift_right_arithmetic3A_2272 = arith.constant 4 : i32
      %shift_right_arithmetic3A_2273 = vector.broadcast %shift_right_arithmetic3A_2272 : i32 to vector<16xi32>
      %shift_right_arithmetic3A_2274 = arith.shrsi %get3A_2265, %shift_right_arithmetic3A_2273 : vector<16xi32>
      %shift_left3A_2275 = arith.constant 8 : i32
      %shift_left3A_2276 = vector.broadcast %shift_left3A_2275 : i32 to vector<16xi32>
      %shift_left3A_2277 = arith.shli %shift_right_arithmetic3A_2274, %shift_left3A_2276 : vector<16xi32>
      %shift_right_arithmetic3A_2278 = arith.constant 4 : i32
      %shift_right_arithmetic3A_2279 = vector.broadcast %shift_right_arithmetic3A_2278 : i32 to vector<16xi32>
      %shift_right_arithmetic3A_2280 = arith.shrsi %get3A_2268, %shift_right_arithmetic3A_2279 : vector<16xi32>
      %shift_left3A_2281 = arith.constant 4 : i32
      %shift_left3A_2282 = vector.broadcast %shift_left3A_2281 : i32 to vector<16xi32>
      %shift_left3A_2283 = arith.shli %shift_right_arithmetic3A_2280, %shift_left3A_2282 : vector<16xi32>
      %or3A_2284 = arith.ori %shift_left3A_2277, %shift_left3A_2283 : vector<16xi32>
      %shift_right_arithmetic3A_2285 = arith.constant 4 : i32
      %shift_right_arithmetic3A_2286 = vector.broadcast %shift_right_arithmetic3A_2285 : i32 to vector<16xi32>
      %shift_right_arithmetic3A_2287 = arith.shrsi %get3A_2271, %shift_right_arithmetic3A_2286 : vector<16xi32>
      %or3A_2288 = arith.ori %or3A_2284, %shift_right_arithmetic3A_2287 : vector<16xi32>
      %mul3A_2289 = arith.constant 400 : i32
      %mul3A_2290 = arith.muli %add3A_1786, %mul3A_2289 : i32
      %add3A_2291 = arith.constant 224 : i32
      %add3A_2292 = arith.addi %mul3A_2290, %add3A_2291 : i32
      %swap3A_2293 = arith.index_cast %add3A_2292 : i32 to index
      %swap3A_2294 = tpu.vector_load %arg5[%swap3A_2293] {strides = array<i32>} : memref<10000xi32, #tpu.memory_space<vmem>>, vector<16xi32>,
      %swap3A_2295 = vector.shape_cast %swap3A_2294 : vector<16xi32> to vector<16xi32>
      %swap3A_2296 = vector.shape_cast %or3A_2288 : vector<16xi32> to vector<16xi32>
      tpu.vector_store %arg5[%swap3A_2293], %swap3A_2296 {strides = array<i32>} : memref<10000xi32, #tpu.memory_space<vmem>>, vector<16xi32>,
      %get3A_2297 = arith.constant 240 : index
      %get3A_2298 = tpu.vector_load %arg9[%get3A_2297] {strides = array<i32>} : memref<400xi32, #tpu.memory_space<vmem>>, vector<16xi32>,
      %get3A_2299 = vector.shape_cast %get3A_2298 : vector<16xi32> to vector<16xi32>
      %get3A_2300 = arith.constant 240 : index
      %get3A_2301 = tpu.vector_load %arg10[%get3A_2300] {strides = array<i32>} : memref<400xi32, #tpu.memory_space<vmem>>, vector<16xi32>,
      %get3A_2302 = vector.shape_cast %get3A_2301 : vector<16xi32> to vector<16xi32>
      %get3A_2303 = arith.constant 240 : index
      %get3A_2304 = tpu.vector_load %arg11[%get3A_2303] {strides = array<i32>} : memref<400xi32, #tpu.memory_space<vmem>>, vector<16xi32>,
      %get3A_2305 = vector.shape_cast %get3A_2304 : vector<16xi32> to vector<16xi32>
      %shift_right_arithmetic3A_2306 = arith.constant 4 : i32
      %shift_right_arithmetic3A_2307 = vector.broadcast %shift_right_arithmetic3A_2306 : i32 to vector<16xi32>
      %shift_right_arithmetic3A_2308 = arith.shrsi %get3A_2299, %shift_right_arithmetic3A_2307 : vector<16xi32>
      %shift_left3A_2309 = arith.constant 8 : i32
      %shift_left3A_2310 = vector.broadcast %shift_left3A_2309 : i32 to vector<16xi32>
      %shift_left3A_2311 = arith.shli %shift_right_arithmetic3A_2308, %shift_left3A_2310 : vector<16xi32>
      %shift_right_arithmetic3A_2312 = arith.constant 4 : i32
      %shift_right_arithmetic3A_2313 = vector.broadcast %shift_right_arithmetic3A_2312 : i32 to vector<16xi32>
      %shift_right_arithmetic3A_2314 = arith.shrsi %get3A_2302, %shift_right_arithmetic3A_2313 : vector<16xi32>
      %shift_left3A_2315 = arith.constant 4 : i32
      %shift_left3A_2316 = vector.broadcast %shift_left3A_2315 : i32 to vector<16xi32>
      %shift_left3A_2317 = arith.shli %shift_right_arithmetic3A_2314, %shift_left3A_2316 : vector<16xi32>
      %or3A_2318 = arith.ori %shift_left3A_2311, %shift_left3A_2317 : vector<16xi32>
      %shift_right_arithmetic3A_2319 = arith.constant 4 : i32
      %shift_right_arithmetic3A_2320 = vector.broadcast %shift_right_arithmetic3A_2319 : i32 to vector<16xi32>
      %shift_right_arithmetic3A_2321 = arith.shrsi %get3A_2305, %shift_right_arithmetic3A_2320 : vector<16xi32>
      %or3A_2322 = arith.ori %or3A_2318, %shift_right_arithmetic3A_2321 : vector<16xi32>
      %mul3A_2323 = arith.constant 400 : i32
      %mul3A_2324 = arith.muli %add3A_1786, %mul3A_2323 : i32
      %add3A_2325 = arith.constant 240 : i32
      %add3A_2326 = arith.addi %mul3A_2324, %add3A_2325 : i32
      %swap3A_2327 = arith.index_cast %add3A_2326 : i32 to index
      %swap3A_2328 = tpu.vector_load %arg5[%swap3A_2327] {strides = array<i32>} : memref<10000xi32, #tpu.memory_space<vmem>>, vector<16xi32>,
      %swap3A_2329 = vector.shape_cast %swap3A_2328 : vector<16xi32> to vector<16xi32>
      %swap3A_2330 = vector.shape_cast %or3A_2322 : vector<16xi32> to vector<16xi32>
      tpu.vector_store %arg5[%swap3A_2327], %swap3A_2330 {strides = array<i32>} : memref<10000xi32, #tpu.memory_space<vmem>>, vector<16xi32>,
      %get3A_2331 = arith.constant 256 : index
      %get3A_2332 = tpu.vector_load %arg9[%get3A_2331] {strides = array<i32>} : memref<400xi32, #tpu.memory_space<vmem>>, vector<16xi32>,
      %get3A_2333 = vector.shape_cast %get3A_2332 : vector<16xi32> to vector<16xi32>
      %get3A_2334 = arith.constant 256 : index
      %get3A_2335 = tpu.vector_load %arg10[%get3A_2334] {strides = array<i32>} : memref<400xi32, #tpu.memory_space<vmem>>, vector<16xi32>,
      %get3A_2336 = vector.shape_cast %get3A_2335 : vector<16xi32> to vector<16xi32>
      %get3A_2337 = arith.constant 256 : index
      %get3A_2338 = tpu.vector_load %arg11[%get3A_2337] {strides = array<i32>} : memref<400xi32, #tpu.memory_space<vmem>>, vector<16xi32>,
      %get3A_2339 = vector.shape_cast %get3A_2338 : vector<16xi32> to vector<16xi32>
      %shift_right_arithmetic3A_2340 = arith.constant 4 : i32
      %shift_right_arithmetic3A_2341 = vector.broadcast %shift_right_arithmetic3A_2340 : i32 to vector<16xi32>
      %shift_right_arithmetic3A_2342 = arith.shrsi %get3A_2333, %shift_right_arithmetic3A_2341 : vector<16xi32>
      %shift_left3A_2343 = arith.constant 8 : i32
      %shift_left3A_2344 = vector.broadcast %shift_left3A_2343 : i32 to vector<16xi32>
      %shift_left3A_2345 = arith.shli %shift_right_arithmetic3A_2342, %shift_left3A_2344 : vector<16xi32>
      %shift_right_arithmetic3A_2346 = arith.constant 4 : i32
      %shift_right_arithmetic3A_2347 = vector.broadcast %shift_right_arithmetic3A_2346 : i32 to vector<16xi32>
      %shift_right_arithmetic3A_2348 = arith.shrsi %get3A_2336, %shift_right_arithmetic3A_2347 : vector<16xi32>
      %shift_left3A_2349 = arith.constant 4 : i32
      %shift_left3A_2350 = vector.broadcast %shift_left3A_2349 : i32 to vector<16xi32>
      %shift_left3A_2351 = arith.shli %shift_right_arithmetic3A_2348, %shift_left3A_2350 : vector<16xi32>
      %or3A_2352 = arith.ori %shift_left3A_2345, %shift_left3A_2351 : vector<16xi32>
      %shift_right_arithmetic3A_2353 = arith.constant 4 : i32
      %shift_right_arithmetic3A_2354 = vector.broadcast %shift_right_arithmetic3A_2353 : i32 to vector<16xi32>
      %shift_right_arithmetic3A_2355 = arith.shrsi %get3A_2339, %shift_right_arithmetic3A_2354 : vector<16xi32>
      %or3A_2356 = arith.ori %or3A_2352, %shift_right_arithmetic3A_2355 : vector<16xi32>
      %mul3A_2357 = arith.constant 400 : i32
      %mul3A_2358 = arith.muli %add3A_1786, %mul3A_2357 : i32
      %add3A_2359 = arith.constant 256 : i32
      %add3A_2360 = arith.addi %mul3A_2358, %add3A_2359 : i32
      %swap3A_2361 = arith.index_cast %add3A_2360 : i32 to index
      %swap3A_2362 = tpu.vector_load %arg5[%swap3A_2361] {strides = array<i32>} : memref<10000xi32, #tpu.memory_space<vmem>>, vector<16xi32>,
      %swap3A_2363 = vector.shape_cast %swap3A_2362 : vector<16xi32> to vector<16xi32>
      %swap3A_2364 = vector.shape_cast %or3A_2356 : vector<16xi32> to vector<16xi32>
      tpu.vector_store %arg5[%swap3A_2361], %swap3A_2364 {strides = array<i32>} : memref<10000xi32, #tpu.memory_space<vmem>>, vector<16xi32>,
      %get3A_2365 = arith.constant 272 : index
      %get3A_2366 = tpu.vector_load %arg9[%get3A_2365] {strides = array<i32>} : memref<400xi32, #tpu.memory_space<vmem>>, vector<16xi32>,
      %get3A_2367 = vector.shape_cast %get3A_2366 : vector<16xi32> to vector<16xi32>
      %get3A_2368 = arith.constant 272 : index
      %get3A_2369 = tpu.vector_load %arg10[%get3A_2368] {strides = array<i32>} : memref<400xi32, #tpu.memory_space<vmem>>, vector<16xi32>,
      %get3A_2370 = vector.shape_cast %get3A_2369 : vector<16xi32> to vector<16xi32>
      %get3A_2371 = arith.constant 272 : index
      %get3A_2372 = tpu.vector_load %arg11[%get3A_2371] {strides = array<i32>} : memref<400xi32, #tpu.memory_space<vmem>>, vector<16xi32>,
      %get3A_2373 = vector.shape_cast %get3A_2372 : vector<16xi32> to vector<16xi32>
      %shift_right_arithmetic3A_2374 = arith.constant 4 : i32
      %shift_right_arithmetic3A_2375 = vector.broadcast %shift_right_arithmetic3A_2374 : i32 to vector<16xi32>
      %shift_right_arithmetic3A_2376 = arith.shrsi %get3A_2367, %shift_right_arithmetic3A_2375 : vector<16xi32>
      %shift_left3A_2377 = arith.constant 8 : i32
      %shift_left3A_2378 = vector.broadcast %shift_left3A_2377 : i32 to vector<16xi32>
      %shift_left3A_2379 = arith.shli %shift_right_arithmetic3A_2376, %shift_left3A_2378 : vector<16xi32>
      %shift_right_arithmetic3A_2380 = arith.constant 4 : i32
      %shift_right_arithmetic3A_2381 = vector.broadcast %shift_right_arithmetic3A_2380 : i32 to vector<16xi32>
      %shift_right_arithmetic3A_2382 = arith.shrsi %get3A_2370, %shift_right_arithmetic3A_2381 : vector<16xi32>
      %shift_left3A_2383 = arith.constant 4 : i32
      %shift_left3A_2384 = vector.broadcast %shift_left3A_2383 : i32 to vector<16xi32>
      %shift_left3A_2385 = arith.shli %shift_right_arithmetic3A_2382, %shift_left3A_2384 : vector<16xi32>
      %or3A_2386 = arith.ori %shift_left3A_2379, %shift_left3A_2385 : vector<16xi32>
      %shift_right_arithmetic3A_2387 = arith.constant 4 : i32
      %shift_right_arithmetic3A_2388 = vector.broadcast %shift_right_arithmetic3A_2387 : i32 to vector<16xi32>
      %shift_right_arithmetic3A_2389 = arith.shrsi %get3A_2373, %shift_right_arithmetic3A_2388 : vector<16xi32>
      %or3A_2390 = arith.ori %or3A_2386, %shift_right_arithmetic3A_2389 : vector<16xi32>
      %mul3A_2391 = arith.constant 400 : i32
      %mul3A_2392 = arith.muli %add3A_1786, %mul3A_2391 : i32
      %add3A_2393 = arith.constant 272 : i32
      %add3A_2394 = arith.addi %mul3A_2392, %add3A_2393 : i32
      %swap3A_2395 = arith.index_cast %add3A_2394 : i32 to index
      %swap3A_2396 = tpu.vector_load %arg5[%swap3A_2395] {strides = array<i32>} : memref<10000xi32, #tpu.memory_space<vmem>>, vector<16xi32>,
      %swap3A_2397 = vector.shape_cast %swap3A_2396 : vector<16xi32> to vector<16xi32>
      %swap3A_2398 = vector.shape_cast %or3A_2390 : vector<16xi32> to vector<16xi32>
      tpu.vector_store %arg5[%swap3A_2395], %swap3A_2398 {strides = array<i32>} : memref<10000xi32, #tpu.memory_space<vmem>>, vector<16xi32>,
      %get3A_2399 = arith.constant 288 : index
      %get3A_2400 = tpu.vector_load %arg9[%get3A_2399] {strides = array<i32>} : memref<400xi32, #tpu.memory_space<vmem>>, vector<16xi32>,
      %get3A_2401 = vector.shape_cast %get3A_2400 : vector<16xi32> to vector<16xi32>
      %get3A_2402 = arith.constant 288 : index
      %get3A_2403 = tpu.vector_load %arg10[%get3A_2402] {strides = array<i32>} : memref<400xi32, #tpu.memory_space<vmem>>, vector<16xi32>,
      %get3A_2404 = vector.shape_cast %get3A_2403 : vector<16xi32> to vector<16xi32>
      %get3A_2405 = arith.constant 288 : index
      %get3A_2406 = tpu.vector_load %arg11[%get3A_2405] {strides = array<i32>} : memref<400xi32, #tpu.memory_space<vmem>>, vector<16xi32>,
      %get3A_2407 = vector.shape_cast %get3A_2406 : vector<16xi32> to vector<16xi32>
      %shift_right_arithmetic3A_2408 = arith.constant 4 : i32
      %shift_right_arithmetic3A_2409 = vector.broadcast %shift_right_arithmetic3A_2408 : i32 to vector<16xi32>
      %shift_right_arithmetic3A_2410 = arith.shrsi %get3A_2401, %shift_right_arithmetic3A_2409 : vector<16xi32>
      %shift_left3A_2411 = arith.constant 8 : i32
      %shift_left3A_2412 = vector.broadcast %shift_left3A_2411 : i32 to vector<16xi32>
      %shift_left3A_2413 = arith.shli %shift_right_arithmetic3A_2410, %shift_left3A_2412 : vector<16xi32>
      %shift_right_arithmetic3A_2414 = arith.constant 4 : i32
      %shift_right_arithmetic3A_2415 = vector.broadcast %shift_right_arithmetic3A_2414 : i32 to vector<16xi32>
      %shift_right_arithmetic3A_2416 = arith.shrsi %get3A_2404, %shift_right_arithmetic3A_2415 : vector<16xi32>
      %shift_left3A_2417 = arith.constant 4 : i32
      %shift_left3A_2418 = vector.broadcast %shift_left3A_2417 : i32 to vector<16xi32>
      %shift_left3A_2419 = arith.shli %shift_right_arithmetic3A_2416, %shift_left3A_2418 : vector<16xi32>
      %or3A_2420 = arith.ori %shift_left3A_2413, %shift_left3A_2419 : vector<16xi32>
      %shift_right_arithmetic3A_2421 = arith.constant 4 : i32
      %shift_right_arithmetic3A_2422 = vector.broadcast %shift_right_arithmetic3A_2421 : i32 to vector<16xi32>
      %shift_right_arithmetic3A_2423 = arith.shrsi %get3A_2407, %shift_right_arithmetic3A_2422 : vector<16xi32>
      %or3A_2424 = arith.ori %or3A_2420, %shift_right_arithmetic3A_2423 : vector<16xi32>
      %mul3A_2425 = arith.constant 400 : i32
      %mul3A_2426 = arith.muli %add3A_1786, %mul3A_2425 : i32
      %add3A_2427 = arith.constant 288 : i32
      %add3A_2428 = arith.addi %mul3A_2426, %add3A_2427 : i32
      %swap3A_2429 = arith.index_cast %add3A_2428 : i32 to index
      %swap3A_2430 = tpu.vector_load %arg5[%swap3A_2429] {strides = array<i32>} : memref<10000xi32, #tpu.memory_space<vmem>>, vector<16xi32>,
      %swap3A_2431 = vector.shape_cast %swap3A_2430 : vector<16xi32> to vector<16xi32>
      %swap3A_2432 = vector.shape_cast %or3A_2424 : vector<16xi32> to vector<16xi32>
      tpu.vector_store %arg5[%swap3A_2429], %swap3A_2432 {strides = array<i32>} : memref<10000xi32, #tpu.memory_space<vmem>>, vector<16xi32>,
      %get3A_2433 = arith.constant 304 : index
      %get3A_2434 = tpu.vector_load %arg9[%get3A_2433] {strides = array<i32>} : memref<400xi32, #tpu.memory_space<vmem>>, vector<16xi32>,
      %get3A_2435 = vector.shape_cast %get3A_2434 : vector<16xi32> to vector<16xi32>
      %get3A_2436 = arith.constant 304 : index
      %get3A_2437 = tpu.vector_load %arg10[%get3A_2436] {strides = array<i32>} : memref<400xi32, #tpu.memory_space<vmem>>, vector<16xi32>,
      %get3A_2438 = vector.shape_cast %get3A_2437 : vector<16xi32> to vector<16xi32>
      %get3A_2439 = arith.constant 304 : index
      %get3A_2440 = tpu.vector_load %arg11[%get3A_2439] {strides = array<i32>} : memref<400xi32, #tpu.memory_space<vmem>>, vector<16xi32>,
      %get3A_2441 = vector.shape_cast %get3A_2440 : vector<16xi32> to vector<16xi32>
      %shift_right_arithmetic3A_2442 = arith.constant 4 : i32
      %shift_right_arithmetic3A_2443 = vector.broadcast %shift_right_arithmetic3A_2442 : i32 to vector<16xi32>
      %shift_right_arithmetic3A_2444 = arith.shrsi %get3A_2435, %shift_right_arithmetic3A_2443 : vector<16xi32>
      %shift_left3A_2445 = arith.constant 8 : i32
      %shift_left3A_2446 = vector.broadcast %shift_left3A_2445 : i32 to vector<16xi32>
      %shift_left3A_2447 = arith.shli %shift_right_arithmetic3A_2444, %shift_left3A_2446 : vector<16xi32>
      %shift_right_arithmetic3A_2448 = arith.constant 4 : i32
      %shift_right_arithmetic3A_2449 = vector.broadcast %shift_right_arithmetic3A_2448 : i32 to vector<16xi32>
      %shift_right_arithmetic3A_2450 = arith.shrsi %get3A_2438, %shift_right_arithmetic3A_2449 : vector<16xi32>
      %shift_left3A_2451 = arith.constant 4 : i32
      %shift_left3A_2452 = vector.broadcast %shift_left3A_2451 : i32 to vector<16xi32>
      %shift_left3A_2453 = arith.shli %shift_right_arithmetic3A_2450, %shift_left3A_2452 : vector<16xi32>
      %or3A_2454 = arith.ori %shift_left3A_2447, %shift_left3A_2453 : vector<16xi32>
      %shift_right_arithmetic3A_2455 = arith.constant 4 : i32
      %shift_right_arithmetic3A_2456 = vector.broadcast %shift_right_arithmetic3A_2455 : i32 to vector<16xi32>
      %shift_right_arithmetic3A_2457 = arith.shrsi %get3A_2441, %shift_right_arithmetic3A_2456 : vector<16xi32>
      %or3A_2458 = arith.ori %or3A_2454, %shift_right_arithmetic3A_2457 : vector<16xi32>
      %mul3A_2459 = arith.constant 400 : i32
      %mul3A_2460 = arith.muli %add3A_1786, %mul3A_2459 : i32
      %add3A_2461 = arith.constant 304 : i32
      %add3A_2462 = arith.addi %mul3A_2460, %add3A_2461 : i32
      %swap3A_2463 = arith.index_cast %add3A_2462 : i32 to index
      %swap3A_2464 = tpu.vector_load %arg5[%swap3A_2463] {strides = array<i32>} : memref<10000xi32, #tpu.memory_space<vmem>>, vector<16xi32>,
      %swap3A_2465 = vector.shape_cast %swap3A_2464 : vector<16xi32> to vector<16xi32>
      %swap3A_2466 = vector.shape_cast %or3A_2458 : vector<16xi32> to vector<16xi32>
      tpu.vector_store %arg5[%swap3A_2463], %swap3A_2466 {strides = array<i32>} : memref<10000xi32, #tpu.memory_space<vmem>>, vector<16xi32>,
      %get3A_2467 = arith.constant 320 : index
      %get3A_2468 = tpu.vector_load %arg9[%get3A_2467] {strides = array<i32>} : memref<400xi32, #tpu.memory_space<vmem>>, vector<16xi32>,
      %get3A_2469 = vector.shape_cast %get3A_2468 : vector<16xi32> to vector<16xi32>
      %get3A_2470 = arith.constant 320 : index
      %get3A_2471 = tpu.vector_load %arg10[%get3A_2470] {strides = array<i32>} : memref<400xi32, #tpu.memory_space<vmem>>, vector<16xi32>,
      %get3A_2472 = vector.shape_cast %get3A_2471 : vector<16xi32> to vector<16xi32>
      %get3A_2473 = arith.constant 320 : index
      %get3A_2474 = tpu.vector_load %arg11[%get3A_2473] {strides = array<i32>} : memref<400xi32, #tpu.memory_space<vmem>>, vector<16xi32>,
      %get3A_2475 = vector.shape_cast %get3A_2474 : vector<16xi32> to vector<16xi32>
      %shift_right_arithmetic3A_2476 = arith.constant 4 : i32
      %shift_right_arithmetic3A_2477 = vector.broadcast %shift_right_arithmetic3A_2476 : i32 to vector<16xi32>
      %shift_right_arithmetic3A_2478 = arith.shrsi %get3A_2469, %shift_right_arithmetic3A_2477 : vector<16xi32>
      %shift_left3A_2479 = arith.constant 8 : i32
      %shift_left3A_2480 = vector.broadcast %shift_left3A_2479 : i32 to vector<16xi32>
      %shift_left3A_2481 = arith.shli %shift_right_arithmetic3A_2478, %shift_left3A_2480 : vector<16xi32>
      %shift_right_arithmetic3A_2482 = arith.constant 4 : i32
      %shift_right_arithmetic3A_2483 = vector.broadcast %shift_right_arithmetic3A_2482 : i32 to vector<16xi32>
      %shift_right_arithmetic3A_2484 = arith.shrsi %get3A_2472, %shift_right_arithmetic3A_2483 : vector<16xi32>
      %shift_left3A_2485 = arith.constant 4 : i32
      %shift_left3A_2486 = vector.broadcast %shift_left3A_2485 : i32 to vector<16xi32>
      %shift_left3A_2487 = arith.shli %shift_right_arithmetic3A_2484, %shift_left3A_2486 : vector<16xi32>
      %or3A_2488 = arith.ori %shift_left3A_2481, %shift_left3A_2487 : vector<16xi32>
      %shift_right_arithmetic3A_2489 = arith.constant 4 : i32
      %shift_right_arithmetic3A_2490 = vector.broadcast %shift_right_arithmetic3A_2489 : i32 to vector<16xi32>
      %shift_right_arithmetic3A_2491 = arith.shrsi %get3A_2475, %shift_right_arithmetic3A_2490 : vector<16xi32>
      %or3A_2492 = arith.ori %or3A_2488, %shift_right_arithmetic3A_2491 : vector<16xi32>
      %mul3A_2493 = arith.constant 400 : i32
      %mul3A_2494 = arith.muli %add3A_1786, %mul3A_2493 : i32
      %add3A_2495 = arith.constant 320 : i32
      %add3A_2496 = arith.addi %mul3A_2494, %add3A_2495 : i32
      %swap3A_2497 = arith.index_cast %add3A_2496 : i32 to index
      %swap3A_2498 = tpu.vector_load %arg5[%swap3A_2497] {strides = array<i32>} : memref<10000xi32, #tpu.memory_space<vmem>>, vector<16xi32>,
      %swap3A_2499 = vector.shape_cast %swap3A_2498 : vector<16xi32> to vector<16xi32>
      %swap3A_2500 = vector.shape_cast %or3A_2492 : vector<16xi32> to vector<16xi32>
      tpu.vector_store %arg5[%swap3A_2497], %swap3A_2500 {strides = array<i32>} : memref<10000xi32, #tpu.memory_space<vmem>>, vector<16xi32>,
      %get3A_2501 = arith.constant 336 : index
      %get3A_2502 = tpu.vector_load %arg9[%get3A_2501] {strides = array<i32>} : memref<400xi32, #tpu.memory_space<vmem>>, vector<16xi32>,
      %get3A_2503 = vector.shape_cast %get3A_2502 : vector<16xi32> to vector<16xi32>
      %get3A_2504 = arith.constant 336 : index
      %get3A_2505 = tpu.vector_load %arg10[%get3A_2504] {strides = array<i32>} : memref<400xi32, #tpu.memory_space<vmem>>, vector<16xi32>,
      %get3A_2506 = vector.shape_cast %get3A_2505 : vector<16xi32> to vector<16xi32>
      %get3A_2507 = arith.constant 336 : index
      %get3A_2508 = tpu.vector_load %arg11[%get3A_2507] {strides = array<i32>} : memref<400xi32, #tpu.memory_space<vmem>>, vector<16xi32>,
      %get3A_2509 = vector.shape_cast %get3A_2508 : vector<16xi32> to vector<16xi32>
      %shift_right_arithmetic3A_2510 = arith.constant 4 : i32
      %shift_right_arithmetic3A_2511 = vector.broadcast %shift_right_arithmetic3A_2510 : i32 to vector<16xi32>
      %shift_right_arithmetic3A_2512 = arith.shrsi %get3A_2503, %shift_right_arithmetic3A_2511 : vector<16xi32>
      %shift_left3A_2513 = arith.constant 8 : i32
      %shift_left3A_2514 = vector.broadcast %shift_left3A_2513 : i32 to vector<16xi32>
      %shift_left3A_2515 = arith.shli %shift_right_arithmetic3A_2512, %shift_left3A_2514 : vector<16xi32>
      %shift_right_arithmetic3A_2516 = arith.constant 4 : i32
      %shift_right_arithmetic3A_2517 = vector.broadcast %shift_right_arithmetic3A_2516 : i32 to vector<16xi32>
      %shift_right_arithmetic3A_2518 = arith.shrsi %get3A_2506, %shift_right_arithmetic3A_2517 : vector<16xi32>
      %shift_left3A_2519 = arith.constant 4 : i32
      %shift_left3A_2520 = vector.broadcast %shift_left3A_2519 : i32 to vector<16xi32>
      %shift_left3A_2521 = arith.shli %shift_right_arithmetic3A_2518, %shift_left3A_2520 : vector<16xi32>
      %or3A_2522 = arith.ori %shift_left3A_2515, %shift_left3A_2521 : vector<16xi32>
      %shift_right_arithmetic3A_2523 = arith.constant 4 : i32
      %shift_right_arithmetic3A_2524 = vector.broadcast %shift_right_arithmetic3A_2523 : i32 to vector<16xi32>
      %shift_right_arithmetic3A_2525 = arith.shrsi %get3A_2509, %shift_right_arithmetic3A_2524 : vector<16xi32>
      %or3A_2526 = arith.ori %or3A_2522, %shift_right_arithmetic3A_2525 : vector<16xi32>
      %mul3A_2527 = arith.constant 400 : i32
      %mul3A_2528 = arith.muli %add3A_1786, %mul3A_2527 : i32
      %add3A_2529 = arith.constant 336 : i32
      %add3A_2530 = arith.addi %mul3A_2528, %add3A_2529 : i32
      %swap3A_2531 = arith.index_cast %add3A_2530 : i32 to index
      %swap3A_2532 = tpu.vector_load %arg5[%swap3A_2531] {strides = array<i32>} : memref<10000xi32, #tpu.memory_space<vmem>>, vector<16xi32>,
      %swap3A_2533 = vector.shape_cast %swap3A_2532 : vector<16xi32> to vector<16xi32>
      %swap3A_2534 = vector.shape_cast %or3A_2526 : vector<16xi32> to vector<16xi32>
      tpu.vector_store %arg5[%swap3A_2531], %swap3A_2534 {strides = array<i32>} : memref<10000xi32, #tpu.memory_space<vmem>>, vector<16xi32>,
      %get3A_2535 = arith.constant 352 : index
      %get3A_2536 = tpu.vector_load %arg9[%get3A_2535] {strides = array<i32>} : memref<400xi32, #tpu.memory_space<vmem>>, vector<16xi32>,
      %get3A_2537 = vector.shape_cast %get3A_2536 : vector<16xi32> to vector<16xi32>
      %get3A_2538 = arith.constant 352 : index
      %get3A_2539 = tpu.vector_load %arg10[%get3A_2538] {strides = array<i32>} : memref<400xi32, #tpu.memory_space<vmem>>, vector<16xi32>,
      %get3A_2540 = vector.shape_cast %get3A_2539 : vector<16xi32> to vector<16xi32>
      %get3A_2541 = arith.constant 352 : index
      %get3A_2542 = tpu.vector_load %arg11[%get3A_2541] {strides = array<i32>} : memref<400xi32, #tpu.memory_space<vmem>>, vector<16xi32>,
      %get3A_2543 = vector.shape_cast %get3A_2542 : vector<16xi32> to vector<16xi32>
      %shift_right_arithmetic3A_2544 = arith.constant 4 : i32
      %shift_right_arithmetic3A_2545 = vector.broadcast %shift_right_arithmetic3A_2544 : i32 to vector<16xi32>
      %shift_right_arithmetic3A_2546 = arith.shrsi %get3A_2537, %shift_right_arithmetic3A_2545 : vector<16xi32>
      %shift_left3A_2547 = arith.constant 8 : i32
      %shift_left3A_2548 = vector.broadcast %shift_left3A_2547 : i32 to vector<16xi32>
      %shift_left3A_2549 = arith.shli %shift_right_arithmetic3A_2546, %shift_left3A_2548 : vector<16xi32>
      %shift_right_arithmetic3A_2550 = arith.constant 4 : i32
      %shift_right_arithmetic3A_2551 = vector.broadcast %shift_right_arithmetic3A_2550 : i32 to vector<16xi32>
      %shift_right_arithmetic3A_2552 = arith.shrsi %get3A_2540, %shift_right_arithmetic3A_2551 : vector<16xi32>
      %shift_left3A_2553 = arith.constant 4 : i32
      %shift_left3A_2554 = vector.broadcast %shift_left3A_2553 : i32 to vector<16xi32>
      %shift_left3A_2555 = arith.shli %shift_right_arithmetic3A_2552, %shift_left3A_2554 : vector<16xi32>
      %or3A_2556 = arith.ori %shift_left3A_2549, %shift_left3A_2555 : vector<16xi32>
      %shift_right_arithmetic3A_2557 = arith.constant 4 : i32
      %shift_right_arithmetic3A_2558 = vector.broadcast %shift_right_arithmetic3A_2557 : i32 to vector<16xi32>
      %shift_right_arithmetic3A_2559 = arith.shrsi %get3A_2543, %shift_right_arithmetic3A_2558 : vector<16xi32>
      %or3A_2560 = arith.ori %or3A_2556, %shift_right_arithmetic3A_2559 : vector<16xi32>
      %mul3A_2561 = arith.constant 400 : i32
      %mul3A_2562 = arith.muli %add3A_1786, %mul3A_2561 : i32
      %add3A_2563 = arith.constant 352 : i32
      %add3A_2564 = arith.addi %mul3A_2562, %add3A_2563 : i32
      %swap3A_2565 = arith.index_cast %add3A_2564 : i32 to index
      %swap3A_2566 = tpu.vector_load %arg5[%swap3A_2565] {strides = array<i32>} : memref<10000xi32, #tpu.memory_space<vmem>>, vector<16xi32>,
      %swap3A_2567 = vector.shape_cast %swap3A_2566 : vector<16xi32> to vector<16xi32>
      %swap3A_2568 = vector.shape_cast %or3A_2560 : vector<16xi32> to vector<16xi32>
      tpu.vector_store %arg5[%swap3A_2565], %swap3A_2568 {strides = array<i32>} : memref<10000xi32, #tpu.memory_space<vmem>>, vector<16xi32>,
      %get3A_2569 = arith.constant 368 : index
      %get3A_2570 = tpu.vector_load %arg9[%get3A_2569] {strides = array<i32>} : memref<400xi32, #tpu.memory_space<vmem>>, vector<16xi32>,
      %get3A_2571 = vector.shape_cast %get3A_2570 : vector<16xi32> to vector<16xi32>
      %get3A_2572 = arith.constant 368 : index
      %get3A_2573 = tpu.vector_load %arg10[%get3A_2572] {strides = array<i32>} : memref<400xi32, #tpu.memory_space<vmem>>, vector<16xi32>,
      %get3A_2574 = vector.shape_cast %get3A_2573 : vector<16xi32> to vector<16xi32>
      %get3A_2575 = arith.constant 368 : index
      %get3A_2576 = tpu.vector_load %arg11[%get3A_2575] {strides = array<i32>} : memref<400xi32, #tpu.memory_space<vmem>>, vector<16xi32>,
      %get3A_2577 = vector.shape_cast %get3A_2576 : vector<16xi32> to vector<16xi32>
      %shift_right_arithmetic3A_2578 = arith.constant 4 : i32
      %shift_right_arithmetic3A_2579 = vector.broadcast %shift_right_arithmetic3A_2578 : i32 to vector<16xi32>
      %shift_right_arithmetic3A_2580 = arith.shrsi %get3A_2571, %shift_right_arithmetic3A_2579 : vector<16xi32>
      %shift_left3A_2581 = arith.constant 8 : i32
      %shift_left3A_2582 = vector.broadcast %shift_left3A_2581 : i32 to vector<16xi32>
      %shift_left3A_2583 = arith.shli %shift_right_arithmetic3A_2580, %shift_left3A_2582 : vector<16xi32>
      %shift_right_arithmetic3A_2584 = arith.constant 4 : i32
      %shift_right_arithmetic3A_2585 = vector.broadcast %shift_right_arithmetic3A_2584 : i32 to vector<16xi32>
      %shift_right_arithmetic3A_2586 = arith.shrsi %get3A_2574, %shift_right_arithmetic3A_2585 : vector<16xi32>
      %shift_left3A_2587 = arith.constant 4 : i32
      %shift_left3A_2588 = vector.broadcast %shift_left3A_2587 : i32 to vector<16xi32>
      %shift_left3A_2589 = arith.shli %shift_right_arithmetic3A_2586, %shift_left3A_2588 : vector<16xi32>
      %or3A_2590 = arith.ori %shift_left3A_2583, %shift_left3A_2589 : vector<16xi32>
      %shift_right_arithmetic3A_2591 = arith.constant 4 : i32
      %shift_right_arithmetic3A_2592 = vector.broadcast %shift_right_arithmetic3A_2591 : i32 to vector<16xi32>
      %shift_right_arithmetic3A_2593 = arith.shrsi %get3A_2577, %shift_right_arithmetic3A_2592 : vector<16xi32>
      %or3A_2594 = arith.ori %or3A_2590, %shift_right_arithmetic3A_2593 : vector<16xi32>
      %mul3A_2595 = arith.constant 400 : i32
      %mul3A_2596 = arith.muli %add3A_1786, %mul3A_2595 : i32
      %add3A_2597 = arith.constant 368 : i32
      %add3A_2598 = arith.addi %mul3A_2596, %add3A_2597 : i32
      %swap3A_2599 = arith.index_cast %add3A_2598 : i32 to index
      %swap3A_2600 = tpu.vector_load %arg5[%swap3A_2599] {strides = array<i32>} : memref<10000xi32, #tpu.memory_space<vmem>>, vector<16xi32>,
      %swap3A_2601 = vector.shape_cast %swap3A_2600 : vector<16xi32> to vector<16xi32>
      %swap3A_2602 = vector.shape_cast %or3A_2594 : vector<16xi32> to vector<16xi32>
      tpu.vector_store %arg5[%swap3A_2599], %swap3A_2602 {strides = array<i32>} : memref<10000xi32, #tpu.memory_space<vmem>>, vector<16xi32>,
      %get3A_2603 = arith.constant 384 : index
      %get3A_2604 = tpu.vector_load %arg9[%get3A_2603] {strides = array<i32>} : memref<400xi32, #tpu.memory_space<vmem>>, vector<16xi32>,
      %get3A_2605 = vector.shape_cast %get3A_2604 : vector<16xi32> to vector<16xi32>
      %get3A_2606 = arith.constant 384 : index
      %get3A_2607 = tpu.vector_load %arg10[%get3A_2606] {strides = array<i32>} : memref<400xi32, #tpu.memory_space<vmem>>, vector<16xi32>,
      %get3A_2608 = vector.shape_cast %get3A_2607 : vector<16xi32> to vector<16xi32>
      %get3A_2609 = arith.constant 384 : index
      %get3A_2610 = tpu.vector_load %arg11[%get3A_2609] {strides = array<i32>} : memref<400xi32, #tpu.memory_space<vmem>>, vector<16xi32>,
      %get3A_2611 = vector.shape_cast %get3A_2610 : vector<16xi32> to vector<16xi32>
      %shift_right_arithmetic3A_2612 = arith.constant 4 : i32
      %shift_right_arithmetic3A_2613 = vector.broadcast %shift_right_arithmetic3A_2612 : i32 to vector<16xi32>
      %shift_right_arithmetic3A_2614 = arith.shrsi %get3A_2605, %shift_right_arithmetic3A_2613 : vector<16xi32>
      %shift_left3A_2615 = arith.constant 8 : i32
      %shift_left3A_2616 = vector.broadcast %shift_left3A_2615 : i32 to vector<16xi32>
      %shift_left3A_2617 = arith.shli %shift_right_arithmetic3A_2614, %shift_left3A_2616 : vector<16xi32>
      %shift_right_arithmetic3A_2618 = arith.constant 4 : i32
      %shift_right_arithmetic3A_2619 = vector.broadcast %shift_right_arithmetic3A_2618 : i32 to vector<16xi32>
      %shift_right_arithmetic3A_2620 = arith.shrsi %get3A_2608, %shift_right_arithmetic3A_2619 : vector<16xi32>
      %shift_left3A_2621 = arith.constant 4 : i32
      %shift_left3A_2622 = vector.broadcast %shift_left3A_2621 : i32 to vector<16xi32>
      %shift_left3A_2623 = arith.shli %shift_right_arithmetic3A_2620, %shift_left3A_2622 : vector<16xi32>
      %or3A_2624 = arith.ori %shift_left3A_2617, %shift_left3A_2623 : vector<16xi32>
      %shift_right_arithmetic3A_2625 = arith.constant 4 : i32
      %shift_right_arithmetic3A_2626 = vector.broadcast %shift_right_arithmetic3A_2625 : i32 to vector<16xi32>
      %shift_right_arithmetic3A_2627 = arith.shrsi %get3A_2611, %shift_right_arithmetic3A_2626 : vector<16xi32>
      %or3A_2628 = arith.ori %or3A_2624, %shift_right_arithmetic3A_2627 : vector<16xi32>
      %mul3A_2629 = arith.constant 400 : i32
      %mul3A_2630 = arith.muli %add3A_1786, %mul3A_2629 : i32
      %add3A_2631 = arith.constant 384 : i32
      %add3A_2632 = arith.addi %mul3A_2630, %add3A_2631 : i32
      %swap3A_2633 = arith.index_cast %add3A_2632 : i32 to index
      %swap3A_2634 = tpu.vector_load %arg5[%swap3A_2633] {strides = array<i32>} : memref<10000xi32, #tpu.memory_space<vmem>>, vector<16xi32>,
      %swap3A_2635 = vector.shape_cast %swap3A_2634 : vector<16xi32> to vector<16xi32>
      %swap3A_2636 = vector.shape_cast %or3A_2628 : vector<16xi32> to vector<16xi32>
      tpu.vector_store %arg5[%swap3A_2633], %swap3A_2636 {strides = array<i32>} : memref<10000xi32, #tpu.memory_space<vmem>>, vector<16xi32>,
      %add3A_2637 = arith.constant 3 : i32
      %add3A_2638 = arith.addi %mul3A_906, %add3A_2637 : i32
      %lt3A_2639 = arith.constant 25 : i32
      %lt3A_2640 = arith.cmpi slt, %add3A_2638, %lt3A_2639 : i32
      %convert_element_type3A_2641 = arith.extui %lt3A_2640 : i1 to i32
      %cond3A_2642 = arith.constant 0 : i32
      %cond3A_2643 = arith.cmpi ne, %convert_element_type3A_2641, %cond3A_2642 : i32
      scf.if %cond3A_2643 {
        %add3A_2645 = arith.constant 3 : i32
        %add3A_2646 = arith.addi %mul3A_906, %add3A_2645 : i32
        %mul3A_2647 = arith.constant 400 : i32
        %mul3A_2648 = arith.muli %add3A_2646, %mul3A_2647 : i32
        %add3A_2649 = arith.addi %mul3A_2, %mul3A_2648 : i32
        %dma_start3A_2650 = tpu.memref_slice %arg3[%add3A_2649] : memref<960000xi32, #tpu.memory_space<hbm>> -> memref<400xi32, #tpu.memory_space<hbm>>
        %dma_start3A_2651 = tpu.memref_slice %arg3[%add3A_2649] : memref<960000xi32, #tpu.memory_space<hbm>> -> memref<400xi32, #tpu.memory_space<hbm>>
        tpu.enqueue_dma source(%dma_start3A_2651 : memref<400xi32, #tpu.memory_space<hbm>>) target(%arg9 : memref<400xi32, #tpu.memory_space<vmem>>) target_semaphore(%arg31 : memref<!tpu.dma_semaphore, #tpu.memory_space<semaphore_mem>>)
        %add3A_2652 = arith.constant 320000 : i32
        %add3A_2653 = arith.addi %add3A_2652, %add3A_2649 : i32
        %dma_start3A_2654 = tpu.memref_slice %arg3[%add3A_2653] : memref<960000xi32, #tpu.memory_space<hbm>> -> memref<400xi32, #tpu.memory_space<hbm>>
        %dma_start3A_2655 = tpu.memref_slice %arg3[%add3A_2653] : memref<960000xi32, #tpu.memory_space<hbm>> -> memref<400xi32, #tpu.memory_space<hbm>>
        tpu.enqueue_dma source(%dma_start3A_2655 : memref<400xi32, #tpu.memory_space<hbm>>) target(%arg10 : memref<400xi32, #tpu.memory_space<vmem>>) target_semaphore(%arg32 : memref<!tpu.dma_semaphore, #tpu.memory_space<semaphore_mem>>)
        %add3A_2656 = arith.constant 640000 : i32
        %add3A_2657 = arith.addi %add3A_2656, %add3A_2649 : i32
        %dma_start3A_2658 = tpu.memref_slice %arg3[%add3A_2657] : memref<960000xi32, #tpu.memory_space<hbm>> -> memref<400xi32, #tpu.memory_space<hbm>>
        %dma_start3A_2659 = tpu.memref_slice %arg3[%add3A_2657] : memref<960000xi32, #tpu.memory_space<hbm>> -> memref<400xi32, #tpu.memory_space<hbm>>
        tpu.enqueue_dma source(%dma_start3A_2659 : memref<400xi32, #tpu.memory_space<hbm>>) target(%arg11 : memref<400xi32, #tpu.memory_space<vmem>>) target_semaphore(%arg33 : memref<!tpu.dma_semaphore, #tpu.memory_space<semaphore_mem>>)
      } else {
      }
      %scan3A_2644 = arith.constant 0 : i32
      scf.yield %scan3A_2644 : i32
    }
    %scan3A_63 = arith.constant 12 : i32
    %dma_wait3A = arith.constant 0 : i32
    %dma_wait3A_64 = tpu.memref_slice %arg3[%dma_wait3A] : memref<960000xi32, #tpu.memory_space<hbm>> -> memref<400xi32, #tpu.memory_space<hbm>>
    %dma_wait3A_65 = arith.constant 0 : i32
    %dma_wait3A_66 = tpu.memref_slice %arg3[%dma_wait3A_65] : memref<960000xi32, #tpu.memory_space<hbm>> -> memref<400xi32, #tpu.memory_space<hbm>>
    tpu.wait_dma2 semaphore(%arg28 : memref<!tpu.dma_semaphore, #tpu.memory_space<semaphore_mem>>) src(%dma_wait3A_66 : memref<400xi32, #tpu.memory_space<hbm>>) dst(%arg6 : memref<400xi32, #tpu.memory_space<vmem>>)
    %dma_wait3A_67 = arith.constant 0 : i32
    %dma_wait3A_68 = tpu.memref_slice %arg3[%dma_wait3A_67] : memref<960000xi32, #tpu.memory_space<hbm>> -> memref<400xi32, #tpu.memory_space<hbm>>
    %dma_wait3A_69 = arith.constant 0 : i32
    %dma_wait3A_70 = tpu.memref_slice %arg3[%dma_wait3A_69] : memref<960000xi32, #tpu.memory_space<hbm>> -> memref<400xi32, #tpu.memory_space<hbm>>
    tpu.wait_dma2 semaphore(%arg29 : memref<!tpu.dma_semaphore, #tpu.memory_space<semaphore_mem>>) src(%dma_wait3A_70 : memref<400xi32, #tpu.memory_space<hbm>>) dst(%arg7 : memref<400xi32, #tpu.memory_space<vmem>>)
    %dma_wait3A_71 = arith.constant 0 : i32
    %dma_wait3A_72 = tpu.memref_slice %arg3[%dma_wait3A_71] : memref<960000xi32, #tpu.memory_space<hbm>> -> memref<400xi32, #tpu.memory_space<hbm>>
    %dma_wait3A_73 = arith.constant 0 : i32
    %dma_wait3A_74 = tpu.memref_slice %arg3[%dma_wait3A_73] : memref<960000xi32, #tpu.memory_space<hbm>> -> memref<400xi32, #tpu.memory_space<hbm>>
    tpu.wait_dma2 semaphore(%arg30 : memref<!tpu.dma_semaphore, #tpu.memory_space<semaphore_mem>>) src(%dma_wait3A_74 : memref<400xi32, #tpu.memory_space<hbm>>) dst(%arg8 : memref<400xi32, #tpu.memory_space<vmem>>)
    %get3A = arith.constant 0 : index
    %get3A_75 = tpu.vector_load %arg6[%get3A] {strides = array<i32>} : memref<400xi32, #tpu.memory_space<vmem>>, vector<16xi32>,
    %get3A_76 = vector.shape_cast %get3A_75 : vector<16xi32> to vector<16xi32>
    %get3A_77 = arith.constant 0 : index
    %get3A_78 = tpu.vector_load %arg7[%get3A_77] {strides = array<i32>} : memref<400xi32, #tpu.memory_space<vmem>>, vector<16xi32>,
    %get3A_79 = vector.shape_cast %get3A_78 : vector<16xi32> to vector<16xi32>
    %get3A_80 = arith.constant 0 : index
    %get3A_81 = tpu.vector_load %arg8[%get3A_80] {strides = array<i32>} : memref<400xi32, #tpu.memory_space<vmem>>, vector<16xi32>,
    %get3A_82 = vector.shape_cast %get3A_81 : vector<16xi32> to vector<16xi32>
    %shift_right_arithmetic3A = arith.constant 4 : i32
    %shift_right_arithmetic3A_83 = vector.broadcast %shift_right_arithmetic3A : i32 to vector<16xi32>
    %shift_right_arithmetic3A_84 = arith.shrsi %get3A_76, %shift_right_arithmetic3A_83 : vector<16xi32>
    %shift_left3A = arith.constant 8 : i32
    %shift_left3A_85 = vector.broadcast %shift_left3A : i32 to vector<16xi32>
    %shift_left3A_86 = arith.shli %shift_right_arithmetic3A_84, %shift_left3A_85 : vector<16xi32>
    %shift_right_arithmetic3A_87 = arith.constant 4 : i32
    %shift_right_arithmetic3A_88 = vector.broadcast %shift_right_arithmetic3A_87 : i32 to vector<16xi32>
    %shift_right_arithmetic3A_89 = arith.shrsi %get3A_79, %shift_right_arithmetic3A_88 : vector<16xi32>
    %shift_left3A_90 = arith.constant 4 : i32
    %shift_left3A_91 = vector.broadcast %shift_left3A_90 : i32 to vector<16xi32>
    %shift_left3A_92 = arith.shli %shift_right_arithmetic3A_89, %shift_left3A_91 : vector<16xi32>
    %or3A = arith.ori %shift_left3A_86, %shift_left3A_92 : vector<16xi32>
    %shift_right_arithmetic3A_93 = arith.constant 4 : i32
    %shift_right_arithmetic3A_94 = vector.broadcast %shift_right_arithmetic3A_93 : i32 to vector<16xi32>
    %shift_right_arithmetic3A_95 = arith.shrsi %get3A_82, %shift_right_arithmetic3A_94 : vector<16xi32>
    %or3A_96 = arith.ori %or3A, %shift_right_arithmetic3A_95 : vector<16xi32>
    %swap3A = arith.constant 9600 : index
    %swap3A_97 = tpu.vector_load %arg5[%swap3A] {strides = array<i32>} : memref<10000xi32, #tpu.memory_space<vmem>>, vector<16xi32>,
    %swap3A_98 = vector.shape_cast %swap3A_97 : vector<16xi32> to vector<16xi32>
    %swap3A_99 = vector.shape_cast %or3A_96 : vector<16xi32> to vector<16xi32>
    tpu.vector_store %arg5[%swap3A], %swap3A_99 {strides = array<i32>} : memref<10000xi32, #tpu.memory_space<vmem>>, vector<16xi32>,
    %get3A_100 = arith.constant 16 : index
    %get3A_101 = tpu.vector_load %arg6[%get3A_100] {strides = array<i32>} : memref<400xi32, #tpu.memory_space<vmem>>, vector<16xi32>,
    %get3A_102 = vector.shape_cast %get3A_101 : vector<16xi32> to vector<16xi32>
    %get3A_103 = arith.constant 16 : index
    %get3A_104 = tpu.vector_load %arg7[%get3A_103] {strides = array<i32>} : memref<400xi32, #tpu.memory_space<vmem>>, vector<16xi32>,
    %get3A_105 = vector.shape_cast %get3A_104 : vector<16xi32> to vector<16xi32>
    %get3A_106 = arith.constant 16 : index
    %get3A_107 = tpu.vector_load %arg8[%get3A_106] {strides = array<i32>} : memref<400xi32, #tpu.memory_space<vmem>>, vector<16xi32>,
    %get3A_108 = vector.shape_cast %get3A_107 : vector<16xi32> to vector<16xi32>
    %shift_right_arithmetic3A_109 = arith.constant 4 : i32
    %shift_right_arithmetic3A_110 = vector.broadcast %shift_right_arithmetic3A_109 : i32 to vector<16xi32>
    %shift_right_arithmetic3A_111 = arith.shrsi %get3A_102, %shift_right_arithmetic3A_110 : vector<16xi32>
    %shift_left3A_112 = arith.constant 8 : i32
    %shift_left3A_113 = vector.broadcast %shift_left3A_112 : i32 to vector<16xi32>
    %shift_left3A_114 = arith.shli %shift_right_arithmetic3A_111, %shift_left3A_113 : vector<16xi32>
    %shift_right_arithmetic3A_115 = arith.constant 4 : i32
    %shift_right_arithmetic3A_116 = vector.broadcast %shift_right_arithmetic3A_115 : i32 to vector<16xi32>
    %shift_right_arithmetic3A_117 = arith.shrsi %get3A_105, %shift_right_arithmetic3A_116 : vector<16xi32>
    %shift_left3A_118 = arith.constant 4 : i32
    %shift_left3A_119 = vector.broadcast %shift_left3A_118 : i32 to vector<16xi32>
    %shift_left3A_120 = arith.shli %shift_right_arithmetic3A_117, %shift_left3A_119 : vector<16xi32>
    %or3A_121 = arith.ori %shift_left3A_114, %shift_left3A_120 : vector<16xi32>
    %shift_right_arithmetic3A_122 = arith.constant 4 : i32
    %shift_right_arithmetic3A_123 = vector.broadcast %shift_right_arithmetic3A_122 : i32 to vector<16xi32>
    %shift_right_arithmetic3A_124 = arith.shrsi %get3A_108, %shift_right_arithmetic3A_123 : vector<16xi32>
    %or3A_125 = arith.ori %or3A_121, %shift_right_arithmetic3A_124 : vector<16xi32>
    %swap3A_126 = arith.constant 9616 : index
    %swap3A_127 = tpu.vector_load %arg5[%swap3A_126] {strides = array<i32>} : memref<10000xi32, #tpu.memory_space<vmem>>, vector<16xi32>,
    %swap3A_128 = vector.shape_cast %swap3A_127 : vector<16xi32> to vector<16xi32>
    %swap3A_129 = vector.shape_cast %or3A_125 : vector<16xi32> to vector<16xi32>
    tpu.vector_store %arg5[%swap3A_126], %swap3A_129 {strides = array<i32>} : memref<10000xi32, #tpu.memory_space<vmem>>, vector<16xi32>,
    %get3A_130 = arith.constant 32 : index
    %get3A_131 = tpu.vector_load %arg6[%get3A_130] {strides = array<i32>} : memref<400xi32, #tpu.memory_space<vmem>>, vector<16xi32>,
    %get3A_132 = vector.shape_cast %get3A_131 : vector<16xi32> to vector<16xi32>
    %get3A_133 = arith.constant 32 : index
    %get3A_134 = tpu.vector_load %arg7[%get3A_133] {strides = array<i32>} : memref<400xi32, #tpu.memory_space<vmem>>, vector<16xi32>,
    %get3A_135 = vector.shape_cast %get3A_134 : vector<16xi32> to vector<16xi32>
    %get3A_136 = arith.constant 32 : index
    %get3A_137 = tpu.vector_load %arg8[%get3A_136] {strides = array<i32>} : memref<400xi32, #tpu.memory_space<vmem>>, vector<16xi32>,
    %get3A_138 = vector.shape_cast %get3A_137 : vector<16xi32> to vector<16xi32>
    %shift_right_arithmetic3A_139 = arith.constant 4 : i32
    %shift_right_arithmetic3A_140 = vector.broadcast %shift_right_arithmetic3A_139 : i32 to vector<16xi32>
    %shift_right_arithmetic3A_141 = arith.shrsi %get3A_132, %shift_right_arithmetic3A_140 : vector<16xi32>
    %shift_left3A_142 = arith.constant 8 : i32
    %shift_left3A_143 = vector.broadcast %shift_left3A_142 : i32 to vector<16xi32>
    %shift_left3A_144 = arith.shli %shift_right_arithmetic3A_141, %shift_left3A_143 : vector<16xi32>
    %shift_right_arithmetic3A_145 = arith.constant 4 : i32
    %shift_right_arithmetic3A_146 = vector.broadcast %shift_right_arithmetic3A_145 : i32 to vector<16xi32>
    %shift_right_arithmetic3A_147 = arith.shrsi %get3A_135, %shift_right_arithmetic3A_146 : vector<16xi32>
    %shift_left3A_148 = arith.constant 4 : i32
    %shift_left3A_149 = vector.broadcast %shift_left3A_148 : i32 to vector<16xi32>
    %shift_left3A_150 = arith.shli %shift_right_arithmetic3A_147, %shift_left3A_149 : vector<16xi32>
    %or3A_151 = arith.ori %shift_left3A_144, %shift_left3A_150 : vector<16xi32>
    %shift_right_arithmetic3A_152 = arith.constant 4 : i32
    %shift_right_arithmetic3A_153 = vector.broadcast %shift_right_arithmetic3A_152 : i32 to vector<16xi32>
    %shift_right_arithmetic3A_154 = arith.shrsi %get3A_138, %shift_right_arithmetic3A_153 : vector<16xi32>
    %or3A_155 = arith.ori %or3A_151, %shift_right_arithmetic3A_154 : vector<16xi32>
    %swap3A_156 = arith.constant 9632 : index
    %swap3A_157 = tpu.vector_load %arg5[%swap3A_156] {strides = array<i32>} : memref<10000xi32, #tpu.memory_space<vmem>>, vector<16xi32>,
    %swap3A_158 = vector.shape_cast %swap3A_157 : vector<16xi32> to vector<16xi32>
    %swap3A_159 = vector.shape_cast %or3A_155 : vector<16xi32> to vector<16xi32>
    tpu.vector_store %arg5[%swap3A_156], %swap3A_159 {strides = array<i32>} : memref<10000xi32, #tpu.memory_space<vmem>>, vector<16xi32>,
    %get3A_160 = arith.constant 48 : index
    %get3A_161 = tpu.vector_load %arg6[%get3A_160] {strides = array<i32>} : memref<400xi32, #tpu.memory_space<vmem>>, vector<16xi32>,
    %get3A_162 = vector.shape_cast %get3A_161 : vector<16xi32> to vector<16xi32>
    %get3A_163 = arith.constant 48 : index
    %get3A_164 = tpu.vector_load %arg7[%get3A_163] {strides = array<i32>} : memref<400xi32, #tpu.memory_space<vmem>>, vector<16xi32>,
    %get3A_165 = vector.shape_cast %get3A_164 : vector<16xi32> to vector<16xi32>
    %get3A_166 = arith.constant 48 : index
    %get3A_167 = tpu.vector_load %arg8[%get3A_166] {strides = array<i32>} : memref<400xi32, #tpu.memory_space<vmem>>, vector<16xi32>,
    %get3A_168 = vector.shape_cast %get3A_167 : vector<16xi32> to vector<16xi32>
    %shift_right_arithmetic3A_169 = arith.constant 4 : i32
    %shift_right_arithmetic3A_170 = vector.broadcast %shift_right_arithmetic3A_169 : i32 to vector<16xi32>
    %shift_right_arithmetic3A_171 = arith.shrsi %get3A_162, %shift_right_arithmetic3A_170 : vector<16xi32>
    %shift_left3A_172 = arith.constant 8 : i32
    %shift_left3A_173 = vector.broadcast %shift_left3A_172 : i32 to vector<16xi32>
    %shift_left3A_174 = arith.shli %shift_right_arithmetic3A_171, %shift_left3A_173 : vector<16xi32>
    %shift_right_arithmetic3A_175 = arith.constant 4 : i32
    %shift_right_arithmetic3A_176 = vector.broadcast %shift_right_arithmetic3A_175 : i32 to vector<16xi32>
    %shift_right_arithmetic3A_177 = arith.shrsi %get3A_165, %shift_right_arithmetic3A_176 : vector<16xi32>
    %shift_left3A_178 = arith.constant 4 : i32
    %shift_left3A_179 = vector.broadcast %shift_left3A_178 : i32 to vector<16xi32>
    %shift_left3A_180 = arith.shli %shift_right_arithmetic3A_177, %shift_left3A_179 : vector<16xi32>
    %or3A_181 = arith.ori %shift_left3A_174, %shift_left3A_180 : vector<16xi32>
    %shift_right_arithmetic3A_182 = arith.constant 4 : i32
    %shift_right_arithmetic3A_183 = vector.broadcast %shift_right_arithmetic3A_182 : i32 to vector<16xi32>
    %shift_right_arithmetic3A_184 = arith.shrsi %get3A_168, %shift_right_arithmetic3A_183 : vector<16xi32>
    %or3A_185 = arith.ori %or3A_181, %shift_right_arithmetic3A_184 : vector<16xi32>
    %swap3A_186 = arith.constant 9648 : index
    %swap3A_187 = tpu.vector_load %arg5[%swap3A_186] {strides = array<i32>} : memref<10000xi32, #tpu.memory_space<vmem>>, vector<16xi32>,
    %swap3A_188 = vector.shape_cast %swap3A_187 : vector<16xi32> to vector<16xi32>
    %swap3A_189 = vector.shape_cast %or3A_185 : vector<16xi32> to vector<16xi32>
    tpu.vector_store %arg5[%swap3A_186], %swap3A_189 {strides = array<i32>} : memref<10000xi32, #tpu.memory_space<vmem>>, vector<16xi32>,
    %get3A_190 = arith.constant 64 : index
    %get3A_191 = tpu.vector_load %arg6[%get3A_190] {strides = array<i32>} : memref<400xi32, #tpu.memory_space<vmem>>, vector<16xi32>,
    %get3A_192 = vector.shape_cast %get3A_191 : vector<16xi32> to vector<16xi32>
    %get3A_193 = arith.constant 64 : index
    %get3A_194 = tpu.vector_load %arg7[%get3A_193] {strides = array<i32>} : memref<400xi32, #tpu.memory_space<vmem>>, vector<16xi32>,
    %get3A_195 = vector.shape_cast %get3A_194 : vector<16xi32> to vector<16xi32>
    %get3A_196 = arith.constant 64 : index
    %get3A_197 = tpu.vector_load %arg8[%get3A_196] {strides = array<i32>} : memref<400xi32, #tpu.memory_space<vmem>>, vector<16xi32>,
    %get3A_198 = vector.shape_cast %get3A_197 : vector<16xi32> to vector<16xi32>
    %shift_right_arithmetic3A_199 = arith.constant 4 : i32
    %shift_right_arithmetic3A_200 = vector.broadcast %shift_right_arithmetic3A_199 : i32 to vector<16xi32>
    %shift_right_arithmetic3A_201 = arith.shrsi %get3A_192, %shift_right_arithmetic3A_200 : vector<16xi32>
    %shift_left3A_202 = arith.constant 8 : i32
    %shift_left3A_203 = vector.broadcast %shift_left3A_202 : i32 to vector<16xi32>
    %shift_left3A_204 = arith.shli %shift_right_arithmetic3A_201, %shift_left3A_203 : vector<16xi32>
    %shift_right_arithmetic3A_205 = arith.constant 4 : i32
    %shift_right_arithmetic3A_206 = vector.broadcast %shift_right_arithmetic3A_205 : i32 to vector<16xi32>
    %shift_right_arithmetic3A_207 = arith.shrsi %get3A_195, %shift_right_arithmetic3A_206 : vector<16xi32>
    %shift_left3A_208 = arith.constant 4 : i32
    %shift_left3A_209 = vector.broadcast %shift_left3A_208 : i32 to vector<16xi32>
    %shift_left3A_210 = arith.shli %shift_right_arithmetic3A_207, %shift_left3A_209 : vector<16xi32>
    %or3A_211 = arith.ori %shift_left3A_204, %shift_left3A_210 : vector<16xi32>
    %shift_right_arithmetic3A_212 = arith.constant 4 : i32
    %shift_right_arithmetic3A_213 = vector.broadcast %shift_right_arithmetic3A_212 : i32 to vector<16xi32>
    %shift_right_arithmetic3A_214 = arith.shrsi %get3A_198, %shift_right_arithmetic3A_213 : vector<16xi32>
    %or3A_215 = arith.ori %or3A_211, %shift_right_arithmetic3A_214 : vector<16xi32>
    %swap3A_216 = arith.constant 9664 : index
    %swap3A_217 = tpu.vector_load %arg5[%swap3A_216] {strides = array<i32>} : memref<10000xi32, #tpu.memory_space<vmem>>, vector<16xi32>,
    %swap3A_218 = vector.shape_cast %swap3A_217 : vector<16xi32> to vector<16xi32>
    %swap3A_219 = vector.shape_cast %or3A_215 : vector<16xi32> to vector<16xi32>
    tpu.vector_store %arg5[%swap3A_216], %swap3A_219 {strides = array<i32>} : memref<10000xi32, #tpu.memory_space<vmem>>, vector<16xi32>,
    %get3A_220 = arith.constant 80 : index
    %get3A_221 = tpu.vector_load %arg6[%get3A_220] {strides = array<i32>} : memref<400xi32, #tpu.memory_space<vmem>>, vector<16xi32>,
    %get3A_222 = vector.shape_cast %get3A_221 : vector<16xi32> to vector<16xi32>
    %get3A_223 = arith.constant 80 : index
    %get3A_224 = tpu.vector_load %arg7[%get3A_223] {strides = array<i32>} : memref<400xi32, #tpu.memory_space<vmem>>, vector<16xi32>,
    %get3A_225 = vector.shape_cast %get3A_224 : vector<16xi32> to vector<16xi32>
    %get3A_226 = arith.constant 80 : index
    %get3A_227 = tpu.vector_load %arg8[%get3A_226] {strides = array<i32>} : memref<400xi32, #tpu.memory_space<vmem>>, vector<16xi32>,
    %get3A_228 = vector.shape_cast %get3A_227 : vector<16xi32> to vector<16xi32>
    %shift_right_arithmetic3A_229 = arith.constant 4 : i32
    %shift_right_arithmetic3A_230 = vector.broadcast %shift_right_arithmetic3A_229 : i32 to vector<16xi32>
    %shift_right_arithmetic3A_231 = arith.shrsi %get3A_222, %shift_right_arithmetic3A_230 : vector<16xi32>
    %shift_left3A_232 = arith.constant 8 : i32
    %shift_left3A_233 = vector.broadcast %shift_left3A_232 : i32 to vector<16xi32>
    %shift_left3A_234 = arith.shli %shift_right_arithmetic3A_231, %shift_left3A_233 : vector<16xi32>
    %shift_right_arithmetic3A_235 = arith.constant 4 : i32
    %shift_right_arithmetic3A_236 = vector.broadcast %shift_right_arithmetic3A_235 : i32 to vector<16xi32>
    %shift_right_arithmetic3A_237 = arith.shrsi %get3A_225, %shift_right_arithmetic3A_236 : vector<16xi32>
    %shift_left3A_238 = arith.constant 4 : i32
    %shift_left3A_239 = vector.broadcast %shift_left3A_238 : i32 to vector<16xi32>
    %shift_left3A_240 = arith.shli %shift_right_arithmetic3A_237, %shift_left3A_239 : vector<16xi32>
    %or3A_241 = arith.ori %shift_left3A_234, %shift_left3A_240 : vector<16xi32>
    %shift_right_arithmetic3A_242 = arith.constant 4 : i32
    %shift_right_arithmetic3A_243 = vector.broadcast %shift_right_arithmetic3A_242 : i32 to vector<16xi32>
    %shift_right_arithmetic3A_244 = arith.shrsi %get3A_228, %shift_right_arithmetic3A_243 : vector<16xi32>
    %or3A_245 = arith.ori %or3A_241, %shift_right_arithmetic3A_244 : vector<16xi32>
    %swap3A_246 = arith.constant 9680 : index
    %swap3A_247 = tpu.vector_load %arg5[%swap3A_246] {strides = array<i32>} : memref<10000xi32, #tpu.memory_space<vmem>>, vector<16xi32>,
    %swap3A_248 = vector.shape_cast %swap3A_247 : vector<16xi32> to vector<16xi32>
    %swap3A_249 = vector.shape_cast %or3A_245 : vector<16xi32> to vector<16xi32>
    tpu.vector_store %arg5[%swap3A_246], %swap3A_249 {strides = array<i32>} : memref<10000xi32, #tpu.memory_space<vmem>>, vector<16xi32>,
    %get3A_250 = arith.constant 96 : index
    %get3A_251 = tpu.vector_load %arg6[%get3A_250] {strides = array<i32>} : memref<400xi32, #tpu.memory_space<vmem>>, vector<16xi32>,
    %get3A_252 = vector.shape_cast %get3A_251 : vector<16xi32> to vector<16xi32>
    %get3A_253 = arith.constant 96 : index
    %get3A_254 = tpu.vector_load %arg7[%get3A_253] {strides = array<i32>} : memref<400xi32, #tpu.memory_space<vmem>>, vector<16xi32>,
    %get3A_255 = vector.shape_cast %get3A_254 : vector<16xi32> to vector<16xi32>
    %get3A_256 = arith.constant 96 : index
    %get3A_257 = tpu.vector_load %arg8[%get3A_256] {strides = array<i32>} : memref<400xi32, #tpu.memory_space<vmem>>, vector<16xi32>,
    %get3A_258 = vector.shape_cast %get3A_257 : vector<16xi32> to vector<16xi32>
    %shift_right_arithmetic3A_259 = arith.constant 4 : i32
    %shift_right_arithmetic3A_260 = vector.broadcast %shift_right_arithmetic3A_259 : i32 to vector<16xi32>
    %shift_right_arithmetic3A_261 = arith.shrsi %get3A_252, %shift_right_arithmetic3A_260 : vector<16xi32>
    %shift_left3A_262 = arith.constant 8 : i32
    %shift_left3A_263 = vector.broadcast %shift_left3A_262 : i32 to vector<16xi32>
    %shift_left3A_264 = arith.shli %shift_right_arithmetic3A_261, %shift_left3A_263 : vector<16xi32>
    %shift_right_arithmetic3A_265 = arith.constant 4 : i32
    %shift_right_arithmetic3A_266 = vector.broadcast %shift_right_arithmetic3A_265 : i32 to vector<16xi32>
    %shift_right_arithmetic3A_267 = arith.shrsi %get3A_255, %shift_right_arithmetic3A_266 : vector<16xi32>
    %shift_left3A_268 = arith.constant 4 : i32
    %shift_left3A_269 = vector.broadcast %shift_left3A_268 : i32 to vector<16xi32>
    %shift_left3A_270 = arith.shli %shift_right_arithmetic3A_267, %shift_left3A_269 : vector<16xi32>
    %or3A_271 = arith.ori %shift_left3A_264, %shift_left3A_270 : vector<16xi32>
    %shift_right_arithmetic3A_272 = arith.constant 4 : i32
    %shift_right_arithmetic3A_273 = vector.broadcast %shift_right_arithmetic3A_272 : i32 to vector<16xi32>
    %shift_right_arithmetic3A_274 = arith.shrsi %get3A_258, %shift_right_arithmetic3A_273 : vector<16xi32>
    %or3A_275 = arith.ori %or3A_271, %shift_right_arithmetic3A_274 : vector<16xi32>
    %swap3A_276 = arith.constant 9696 : index
    %swap3A_277 = tpu.vector_load %arg5[%swap3A_276] {strides = array<i32>} : memref<10000xi32, #tpu.memory_space<vmem>>, vector<16xi32>,
    %swap3A_278 = vector.shape_cast %swap3A_277 : vector<16xi32> to vector<16xi32>
    %swap3A_279 = vector.shape_cast %or3A_275 : vector<16xi32> to vector<16xi32>
    tpu.vector_store %arg5[%swap3A_276], %swap3A_279 {strides = array<i32>} : memref<10000xi32, #tpu.memory_space<vmem>>, vector<16xi32>,
    %get3A_280 = arith.constant 112 : index
    %get3A_281 = tpu.vector_load %arg6[%get3A_280] {strides = array<i32>} : memref<400xi32, #tpu.memory_space<vmem>>, vector<16xi32>,
    %get3A_282 = vector.shape_cast %get3A_281 : vector<16xi32> to vector<16xi32>
    %get3A_283 = arith.constant 112 : index
    %get3A_284 = tpu.vector_load %arg7[%get3A_283] {strides = array<i32>} : memref<400xi32, #tpu.memory_space<vmem>>, vector<16xi32>,
    %get3A_285 = vector.shape_cast %get3A_284 : vector<16xi32> to vector<16xi32>
    %get3A_286 = arith.constant 112 : index
    %get3A_287 = tpu.vector_load %arg8[%get3A_286] {strides = array<i32>} : memref<400xi32, #tpu.memory_space<vmem>>, vector<16xi32>,
    %get3A_288 = vector.shape_cast %get3A_287 : vector<16xi32> to vector<16xi32>
    %shift_right_arithmetic3A_289 = arith.constant 4 : i32
    %shift_right_arithmetic3A_290 = vector.broadcast %shift_right_arithmetic3A_289 : i32 to vector<16xi32>
    %shift_right_arithmetic3A_291 = arith.shrsi %get3A_282, %shift_right_arithmetic3A_290 : vector<16xi32>
    %shift_left3A_292 = arith.constant 8 : i32
    %shift_left3A_293 = vector.broadcast %shift_left3A_292 : i32 to vector<16xi32>
    %shift_left3A_294 = arith.shli %shift_right_arithmetic3A_291, %shift_left3A_293 : vector<16xi32>
    %shift_right_arithmetic3A_295 = arith.constant 4 : i32
    %shift_right_arithmetic3A_296 = vector.broadcast %shift_right_arithmetic3A_295 : i32 to vector<16xi32>
    %shift_right_arithmetic3A_297 = arith.shrsi %get3A_285, %shift_right_arithmetic3A_296 : vector<16xi32>
    %shift_left3A_298 = arith.constant 4 : i32
    %shift_left3A_299 = vector.broadcast %shift_left3A_298 : i32 to vector<16xi32>
    %shift_left3A_300 = arith.shli %shift_right_arithmetic3A_297, %shift_left3A_299 : vector<16xi32>
    %or3A_301 = arith.ori %shift_left3A_294, %shift_left3A_300 : vector<16xi32>
    %shift_right_arithmetic3A_302 = arith.constant 4 : i32
    %shift_right_arithmetic3A_303 = vector.broadcast %shift_right_arithmetic3A_302 : i32 to vector<16xi32>
    %shift_right_arithmetic3A_304 = arith.shrsi %get3A_288, %shift_right_arithmetic3A_303 : vector<16xi32>
    %or3A_305 = arith.ori %or3A_301, %shift_right_arithmetic3A_304 : vector<16xi32>
    %swap3A_306 = arith.constant 9712 : index
    %swap3A_307 = tpu.vector_load %arg5[%swap3A_306] {strides = array<i32>} : memref<10000xi32, #tpu.memory_space<vmem>>, vector<16xi32>,
    %swap3A_308 = vector.shape_cast %swap3A_307 : vector<16xi32> to vector<16xi32>
    %swap3A_309 = vector.shape_cast %or3A_305 : vector<16xi32> to vector<16xi32>
    tpu.vector_store %arg5[%swap3A_306], %swap3A_309 {strides = array<i32>} : memref<10000xi32, #tpu.memory_space<vmem>>, vector<16xi32>,
    %get3A_310 = arith.constant 128 : index
    %get3A_311 = tpu.vector_load %arg6[%get3A_310] {strides = array<i32>} : memref<400xi32, #tpu.memory_space<vmem>>, vector<16xi32>,
    %get3A_312 = vector.shape_cast %get3A_311 : vector<16xi32> to vector<16xi32>
    %get3A_313 = arith.constant 128 : index
    %get3A_314 = tpu.vector_load %arg7[%get3A_313] {strides = array<i32>} : memref<400xi32, #tpu.memory_space<vmem>>, vector<16xi32>,
    %get3A_315 = vector.shape_cast %get3A_314 : vector<16xi32> to vector<16xi32>
    %get3A_316 = arith.constant 128 : index
    %get3A_317 = tpu.vector_load %arg8[%get3A_316] {strides = array<i32>} : memref<400xi32, #tpu.memory_space<vmem>>, vector<16xi32>,
    %get3A_318 = vector.shape_cast %get3A_317 : vector<16xi32> to vector<16xi32>
    %shift_right_arithmetic3A_319 = arith.constant 4 : i32
    %shift_right_arithmetic3A_320 = vector.broadcast %shift_right_arithmetic3A_319 : i32 to vector<16xi32>
    %shift_right_arithmetic3A_321 = arith.shrsi %get3A_312, %shift_right_arithmetic3A_320 : vector<16xi32>
    %shift_left3A_322 = arith.constant 8 : i32
    %shift_left3A_323 = vector.broadcast %shift_left3A_322 : i32 to vector<16xi32>
    %shift_left3A_324 = arith.shli %shift_right_arithmetic3A_321, %shift_left3A_323 : vector<16xi32>
    %shift_right_arithmetic3A_325 = arith.constant 4 : i32
    %shift_right_arithmetic3A_326 = vector.broadcast %shift_right_arithmetic3A_325 : i32 to vector<16xi32>
    %shift_right_arithmetic3A_327 = arith.shrsi %get3A_315, %shift_right_arithmetic3A_326 : vector<16xi32>
    %shift_left3A_328 = arith.constant 4 : i32
    %shift_left3A_329 = vector.broadcast %shift_left3A_328 : i32 to vector<16xi32>
    %shift_left3A_330 = arith.shli %shift_right_arithmetic3A_327, %shift_left3A_329 : vector<16xi32>
    %or3A_331 = arith.ori %shift_left3A_324, %shift_left3A_330 : vector<16xi32>
    %shift_right_arithmetic3A_332 = arith.constant 4 : i32
    %shift_right_arithmetic3A_333 = vector.broadcast %shift_right_arithmetic3A_332 : i32 to vector<16xi32>
    %shift_right_arithmetic3A_334 = arith.shrsi %get3A_318, %shift_right_arithmetic3A_333 : vector<16xi32>
    %or3A_335 = arith.ori %or3A_331, %shift_right_arithmetic3A_334 : vector<16xi32>
    %swap3A_336 = arith.constant 9728 : index
    %swap3A_337 = tpu.vector_load %arg5[%swap3A_336] {strides = array<i32>} : memref<10000xi32, #tpu.memory_space<vmem>>, vector<16xi32>,
    %swap3A_338 = vector.shape_cast %swap3A_337 : vector<16xi32> to vector<16xi32>
    %swap3A_339 = vector.shape_cast %or3A_335 : vector<16xi32> to vector<16xi32>
    tpu.vector_store %arg5[%swap3A_336], %swap3A_339 {strides = array<i32>} : memref<10000xi32, #tpu.memory_space<vmem>>, vector<16xi32>,
    %get3A_340 = arith.constant 144 : index
    %get3A_341 = tpu.vector_load %arg6[%get3A_340] {strides = array<i32>} : memref<400xi32, #tpu.memory_space<vmem>>, vector<16xi32>,
    %get3A_342 = vector.shape_cast %get3A_341 : vector<16xi32> to vector<16xi32>
    %get3A_343 = arith.constant 144 : index
    %get3A_344 = tpu.vector_load %arg7[%get3A_343] {strides = array<i32>} : memref<400xi32, #tpu.memory_space<vmem>>, vector<16xi32>,
    %get3A_345 = vector.shape_cast %get3A_344 : vector<16xi32> to vector<16xi32>
    %get3A_346 = arith.constant 144 : index
    %get3A_347 = tpu.vector_load %arg8[%get3A_346] {strides = array<i32>} : memref<400xi32, #tpu.memory_space<vmem>>, vector<16xi32>,
    %get3A_348 = vector.shape_cast %get3A_347 : vector<16xi32> to vector<16xi32>
    %shift_right_arithmetic3A_349 = arith.constant 4 : i32
    %shift_right_arithmetic3A_350 = vector.broadcast %shift_right_arithmetic3A_349 : i32 to vector<16xi32>
    %shift_right_arithmetic3A_351 = arith.shrsi %get3A_342, %shift_right_arithmetic3A_350 : vector<16xi32>
    %shift_left3A_352 = arith.constant 8 : i32
    %shift_left3A_353 = vector.broadcast %shift_left3A_352 : i32 to vector<16xi32>
    %shift_left3A_354 = arith.shli %shift_right_arithmetic3A_351, %shift_left3A_353 : vector<16xi32>
    %shift_right_arithmetic3A_355 = arith.constant 4 : i32
    %shift_right_arithmetic3A_356 = vector.broadcast %shift_right_arithmetic3A_355 : i32 to vector<16xi32>
    %shift_right_arithmetic3A_357 = arith.shrsi %get3A_345, %shift_right_arithmetic3A_356 : vector<16xi32>
    %shift_left3A_358 = arith.constant 4 : i32
    %shift_left3A_359 = vector.broadcast %shift_left3A_358 : i32 to vector<16xi32>
    %shift_left3A_360 = arith.shli %shift_right_arithmetic3A_357, %shift_left3A_359 : vector<16xi32>
    %or3A_361 = arith.ori %shift_left3A_354, %shift_left3A_360 : vector<16xi32>
    %shift_right_arithmetic3A_362 = arith.constant 4 : i32
    %shift_right_arithmetic3A_363 = vector.broadcast %shift_right_arithmetic3A_362 : i32 to vector<16xi32>
    %shift_right_arithmetic3A_364 = arith.shrsi %get3A_348, %shift_right_arithmetic3A_363 : vector<16xi32>
    %or3A_365 = arith.ori %or3A_361, %shift_right_arithmetic3A_364 : vector<16xi32>
    %swap3A_366 = arith.constant 9744 : index
    %swap3A_367 = tpu.vector_load %arg5[%swap3A_366] {strides = array<i32>} : memref<10000xi32, #tpu.memory_space<vmem>>, vector<16xi32>,
    %swap3A_368 = vector.shape_cast %swap3A_367 : vector<16xi32> to vector<16xi32>
    %swap3A_369 = vector.shape_cast %or3A_365 : vector<16xi32> to vector<16xi32>
    tpu.vector_store %arg5[%swap3A_366], %swap3A_369 {strides = array<i32>} : memref<10000xi32, #tpu.memory_space<vmem>>, vector<16xi32>,
    %get3A_370 = arith.constant 160 : index
    %get3A_371 = tpu.vector_load %arg6[%get3A_370] {strides = array<i32>} : memref<400xi32, #tpu.memory_space<vmem>>, vector<16xi32>,
    %get3A_372 = vector.shape_cast %get3A_371 : vector<16xi32> to vector<16xi32>
    %get3A_373 = arith.constant 160 : index
    %get3A_374 = tpu.vector_load %arg7[%get3A_373] {strides = array<i32>} : memref<400xi32, #tpu.memory_space<vmem>>, vector<16xi32>,
    %get3A_375 = vector.shape_cast %get3A_374 : vector<16xi32> to vector<16xi32>
    %get3A_376 = arith.constant 160 : index
    %get3A_377 = tpu.vector_load %arg8[%get3A_376] {strides = array<i32>} : memref<400xi32, #tpu.memory_space<vmem>>, vector<16xi32>,
    %get3A_378 = vector.shape_cast %get3A_377 : vector<16xi32> to vector<16xi32>
    %shift_right_arithmetic3A_379 = arith.constant 4 : i32
    %shift_right_arithmetic3A_380 = vector.broadcast %shift_right_arithmetic3A_379 : i32 to vector<16xi32>
    %shift_right_arithmetic3A_381 = arith.shrsi %get3A_372, %shift_right_arithmetic3A_380 : vector<16xi32>
    %shift_left3A_382 = arith.constant 8 : i32
    %shift_left3A_383 = vector.broadcast %shift_left3A_382 : i32 to vector<16xi32>
    %shift_left3A_384 = arith.shli %shift_right_arithmetic3A_381, %shift_left3A_383 : vector<16xi32>
    %shift_right_arithmetic3A_385 = arith.constant 4 : i32
    %shift_right_arithmetic3A_386 = vector.broadcast %shift_right_arithmetic3A_385 : i32 to vector<16xi32>
    %shift_right_arithmetic3A_387 = arith.shrsi %get3A_375, %shift_right_arithmetic3A_386 : vector<16xi32>
    %shift_left3A_388 = arith.constant 4 : i32
    %shift_left3A_389 = vector.broadcast %shift_left3A_388 : i32 to vector<16xi32>
    %shift_left3A_390 = arith.shli %shift_right_arithmetic3A_387, %shift_left3A_389 : vector<16xi32>
    %or3A_391 = arith.ori %shift_left3A_384, %shift_left3A_390 : vector<16xi32>
    %shift_right_arithmetic3A_392 = arith.constant 4 : i32
    %shift_right_arithmetic3A_393 = vector.broadcast %shift_right_arithmetic3A_392 : i32 to vector<16xi32>
    %shift_right_arithmetic3A_394 = arith.shrsi %get3A_378, %shift_right_arithmetic3A_393 : vector<16xi32>
    %or3A_395 = arith.ori %or3A_391, %shift_right_arithmetic3A_394 : vector<16xi32>
    %swap3A_396 = arith.constant 9760 : index
    %swap3A_397 = tpu.vector_load %arg5[%swap3A_396] {strides = array<i32>} : memref<10000xi32, #tpu.memory_space<vmem>>, vector<16xi32>,
    %swap3A_398 = vector.shape_cast %swap3A_397 : vector<16xi32> to vector<16xi32>
    %swap3A_399 = vector.shape_cast %or3A_395 : vector<16xi32> to vector<16xi32>
    tpu.vector_store %arg5[%swap3A_396], %swap3A_399 {strides = array<i32>} : memref<10000xi32, #tpu.memory_space<vmem>>, vector<16xi32>,
    %get3A_400 = arith.constant 176 : index
    %get3A_401 = tpu.vector_load %arg6[%get3A_400] {strides = array<i32>} : memref<400xi32, #tpu.memory_space<vmem>>, vector<16xi32>,
    %get3A_402 = vector.shape_cast %get3A_401 : vector<16xi32> to vector<16xi32>
    %get3A_403 = arith.constant 176 : index
    %get3A_404 = tpu.vector_load %arg7[%get3A_403] {strides = array<i32>} : memref<400xi32, #tpu.memory_space<vmem>>, vector<16xi32>,
    %get3A_405 = vector.shape_cast %get3A_404 : vector<16xi32> to vector<16xi32>
    %get3A_406 = arith.constant 176 : index
    %get3A_407 = tpu.vector_load %arg8[%get3A_406] {strides = array<i32>} : memref<400xi32, #tpu.memory_space<vmem>>, vector<16xi32>,
    %get3A_408 = vector.shape_cast %get3A_407 : vector<16xi32> to vector<16xi32>
    %shift_right_arithmetic3A_409 = arith.constant 4 : i32
    %shift_right_arithmetic3A_410 = vector.broadcast %shift_right_arithmetic3A_409 : i32 to vector<16xi32>
    %shift_right_arithmetic3A_411 = arith.shrsi %get3A_402, %shift_right_arithmetic3A_410 : vector<16xi32>
    %shift_left3A_412 = arith.constant 8 : i32
    %shift_left3A_413 = vector.broadcast %shift_left3A_412 : i32 to vector<16xi32>
    %shift_left3A_414 = arith.shli %shift_right_arithmetic3A_411, %shift_left3A_413 : vector<16xi32>
    %shift_right_arithmetic3A_415 = arith.constant 4 : i32
    %shift_right_arithmetic3A_416 = vector.broadcast %shift_right_arithmetic3A_415 : i32 to vector<16xi32>
    %shift_right_arithmetic3A_417 = arith.shrsi %get3A_405, %shift_right_arithmetic3A_416 : vector<16xi32>
    %shift_left3A_418 = arith.constant 4 : i32
    %shift_left3A_419 = vector.broadcast %shift_left3A_418 : i32 to vector<16xi32>
    %shift_left3A_420 = arith.shli %shift_right_arithmetic3A_417, %shift_left3A_419 : vector<16xi32>
    %or3A_421 = arith.ori %shift_left3A_414, %shift_left3A_420 : vector<16xi32>
    %shift_right_arithmetic3A_422 = arith.constant 4 : i32
    %shift_right_arithmetic3A_423 = vector.broadcast %shift_right_arithmetic3A_422 : i32 to vector<16xi32>
    %shift_right_arithmetic3A_424 = arith.shrsi %get3A_408, %shift_right_arithmetic3A_423 : vector<16xi32>
    %or3A_425 = arith.ori %or3A_421, %shift_right_arithmetic3A_424 : vector<16xi32>
    %swap3A_426 = arith.constant 9776 : index
    %swap3A_427 = tpu.vector_load %arg5[%swap3A_426] {strides = array<i32>} : memref<10000xi32, #tpu.memory_space<vmem>>, vector<16xi32>,
    %swap3A_428 = vector.shape_cast %swap3A_427 : vector<16xi32> to vector<16xi32>
    %swap3A_429 = vector.shape_cast %or3A_425 : vector<16xi32> to vector<16xi32>
    tpu.vector_store %arg5[%swap3A_426], %swap3A_429 {strides = array<i32>} : memref<10000xi32, #tpu.memory_space<vmem>>, vector<16xi32>,
    %get3A_430 = arith.constant 192 : index
    %get3A_431 = tpu.vector_load %arg6[%get3A_430] {strides = array<i32>} : memref<400xi32, #tpu.memory_space<vmem>>, vector<16xi32>,
    %get3A_432 = vector.shape_cast %get3A_431 : vector<16xi32> to vector<16xi32>
    %get3A_433 = arith.constant 192 : index
    %get3A_434 = tpu.vector_load %arg7[%get3A_433] {strides = array<i32>} : memref<400xi32, #tpu.memory_space<vmem>>, vector<16xi32>,
    %get3A_435 = vector.shape_cast %get3A_434 : vector<16xi32> to vector<16xi32>
    %get3A_436 = arith.constant 192 : index
    %get3A_437 = tpu.vector_load %arg8[%get3A_436] {strides = array<i32>} : memref<400xi32, #tpu.memory_space<vmem>>, vector<16xi32>,
    %get3A_438 = vector.shape_cast %get3A_437 : vector<16xi32> to vector<16xi32>
    %shift_right_arithmetic3A_439 = arith.constant 4 : i32
    %shift_right_arithmetic3A_440 = vector.broadcast %shift_right_arithmetic3A_439 : i32 to vector<16xi32>
    %shift_right_arithmetic3A_441 = arith.shrsi %get3A_432, %shift_right_arithmetic3A_440 : vector<16xi32>
    %shift_left3A_442 = arith.constant 8 : i32
    %shift_left3A_443 = vector.broadcast %shift_left3A_442 : i32 to vector<16xi32>
    %shift_left3A_444 = arith.shli %shift_right_arithmetic3A_441, %shift_left3A_443 : vector<16xi32>
    %shift_right_arithmetic3A_445 = arith.constant 4 : i32
    %shift_right_arithmetic3A_446 = vector.broadcast %shift_right_arithmetic3A_445 : i32 to vector<16xi32>
    %shift_right_arithmetic3A_447 = arith.shrsi %get3A_435, %shift_right_arithmetic3A_446 : vector<16xi32>
    %shift_left3A_448 = arith.constant 4 : i32
    %shift_left3A_449 = vector.broadcast %shift_left3A_448 : i32 to vector<16xi32>
    %shift_left3A_450 = arith.shli %shift_right_arithmetic3A_447, %shift_left3A_449 : vector<16xi32>
    %or3A_451 = arith.ori %shift_left3A_444, %shift_left3A_450 : vector<16xi32>
    %shift_right_arithmetic3A_452 = arith.constant 4 : i32
    %shift_right_arithmetic3A_453 = vector.broadcast %shift_right_arithmetic3A_452 : i32 to vector<16xi32>
    %shift_right_arithmetic3A_454 = arith.shrsi %get3A_438, %shift_right_arithmetic3A_453 : vector<16xi32>
    %or3A_455 = arith.ori %or3A_451, %shift_right_arithmetic3A_454 : vector<16xi32>
    %swap3A_456 = arith.constant 9792 : index
    %swap3A_457 = tpu.vector_load %arg5[%swap3A_456] {strides = array<i32>} : memref<10000xi32, #tpu.memory_space<vmem>>, vector<16xi32>,
    %swap3A_458 = vector.shape_cast %swap3A_457 : vector<16xi32> to vector<16xi32>
    %swap3A_459 = vector.shape_cast %or3A_455 : vector<16xi32> to vector<16xi32>
    tpu.vector_store %arg5[%swap3A_456], %swap3A_459 {strides = array<i32>} : memref<10000xi32, #tpu.memory_space<vmem>>, vector<16xi32>,
    %get3A_460 = arith.constant 208 : index
    %get3A_461 = tpu.vector_load %arg6[%get3A_460] {strides = array<i32>} : memref<400xi32, #tpu.memory_space<vmem>>, vector<16xi32>,
    %get3A_462 = vector.shape_cast %get3A_461 : vector<16xi32> to vector<16xi32>
    %get3A_463 = arith.constant 208 : index
    %get3A_464 = tpu.vector_load %arg7[%get3A_463] {strides = array<i32>} : memref<400xi32, #tpu.memory_space<vmem>>, vector<16xi32>,
    %get3A_465 = vector.shape_cast %get3A_464 : vector<16xi32> to vector<16xi32>
    %get3A_466 = arith.constant 208 : index
    %get3A_467 = tpu.vector_load %arg8[%get3A_466] {strides = array<i32>} : memref<400xi32, #tpu.memory_space<vmem>>, vector<16xi32>,
    %get3A_468 = vector.shape_cast %get3A_467 : vector<16xi32> to vector<16xi32>
    %shift_right_arithmetic3A_469 = arith.constant 4 : i32
    %shift_right_arithmetic3A_470 = vector.broadcast %shift_right_arithmetic3A_469 : i32 to vector<16xi32>
    %shift_right_arithmetic3A_471 = arith.shrsi %get3A_462, %shift_right_arithmetic3A_470 : vector<16xi32>
    %shift_left3A_472 = arith.constant 8 : i32
    %shift_left3A_473 = vector.broadcast %shift_left3A_472 : i32 to vector<16xi32>
    %shift_left3A_474 = arith.shli %shift_right_arithmetic3A_471, %shift_left3A_473 : vector<16xi32>
    %shift_right_arithmetic3A_475 = arith.constant 4 : i32
    %shift_right_arithmetic3A_476 = vector.broadcast %shift_right_arithmetic3A_475 : i32 to vector<16xi32>
    %shift_right_arithmetic3A_477 = arith.shrsi %get3A_465, %shift_right_arithmetic3A_476 : vector<16xi32>
    %shift_left3A_478 = arith.constant 4 : i32
    %shift_left3A_479 = vector.broadcast %shift_left3A_478 : i32 to vector<16xi32>
    %shift_left3A_480 = arith.shli %shift_right_arithmetic3A_477, %shift_left3A_479 : vector<16xi32>
    %or3A_481 = arith.ori %shift_left3A_474, %shift_left3A_480 : vector<16xi32>
    %shift_right_arithmetic3A_482 = arith.constant 4 : i32
    %shift_right_arithmetic3A_483 = vector.broadcast %shift_right_arithmetic3A_482 : i32 to vector<16xi32>
    %shift_right_arithmetic3A_484 = arith.shrsi %get3A_468, %shift_right_arithmetic3A_483 : vector<16xi32>
    %or3A_485 = arith.ori %or3A_481, %shift_right_arithmetic3A_484 : vector<16xi32>
    %swap3A_486 = arith.constant 9808 : index
    %swap3A_487 = tpu.vector_load %arg5[%swap3A_486] {strides = array<i32>} : memref<10000xi32, #tpu.memory_space<vmem>>, vector<16xi32>,
    %swap3A_488 = vector.shape_cast %swap3A_487 : vector<16xi32> to vector<16xi32>
    %swap3A_489 = vector.shape_cast %or3A_485 : vector<16xi32> to vector<16xi32>
    tpu.vector_store %arg5[%swap3A_486], %swap3A_489 {strides = array<i32>} : memref<10000xi32, #tpu.memory_space<vmem>>, vector<16xi32>,
    %get3A_490 = arith.constant 224 : index
    %get3A_491 = tpu.vector_load %arg6[%get3A_490] {strides = array<i32>} : memref<400xi32, #tpu.memory_space<vmem>>, vector<16xi32>,
    %get3A_492 = vector.shape_cast %get3A_491 : vector<16xi32> to vector<16xi32>
    %get3A_493 = arith.constant 224 : index
    %get3A_494 = tpu.vector_load %arg7[%get3A_493] {strides = array<i32>} : memref<400xi32, #tpu.memory_space<vmem>>, vector<16xi32>,
    %get3A_495 = vector.shape_cast %get3A_494 : vector<16xi32> to vector<16xi32>
    %get3A_496 = arith.constant 224 : index
    %get3A_497 = tpu.vector_load %arg8[%get3A_496] {strides = array<i32>} : memref<400xi32, #tpu.memory_space<vmem>>, vector<16xi32>,
    %get3A_498 = vector.shape_cast %get3A_497 : vector<16xi32> to vector<16xi32>
    %shift_right_arithmetic3A_499 = arith.constant 4 : i32
    %shift_right_arithmetic3A_500 = vector.broadcast %shift_right_arithmetic3A_499 : i32 to vector<16xi32>
    %shift_right_arithmetic3A_501 = arith.shrsi %get3A_492, %shift_right_arithmetic3A_500 : vector<16xi32>
    %shift_left3A_502 = arith.constant 8 : i32
    %shift_left3A_503 = vector.broadcast %shift_left3A_502 : i32 to vector<16xi32>
    %shift_left3A_504 = arith.shli %shift_right_arithmetic3A_501, %shift_left3A_503 : vector<16xi32>
    %shift_right_arithmetic3A_505 = arith.constant 4 : i32
    %shift_right_arithmetic3A_506 = vector.broadcast %shift_right_arithmetic3A_505 : i32 to vector<16xi32>
    %shift_right_arithmetic3A_507 = arith.shrsi %get3A_495, %shift_right_arithmetic3A_506 : vector<16xi32>
    %shift_left3A_508 = arith.constant 4 : i32
    %shift_left3A_509 = vector.broadcast %shift_left3A_508 : i32 to vector<16xi32>
    %shift_left3A_510 = arith.shli %shift_right_arithmetic3A_507, %shift_left3A_509 : vector<16xi32>
    %or3A_511 = arith.ori %shift_left3A_504, %shift_left3A_510 : vector<16xi32>
    %shift_right_arithmetic3A_512 = arith.constant 4 : i32
    %shift_right_arithmetic3A_513 = vector.broadcast %shift_right_arithmetic3A_512 : i32 to vector<16xi32>
    %shift_right_arithmetic3A_514 = arith.shrsi %get3A_498, %shift_right_arithmetic3A_513 : vector<16xi32>
    %or3A_515 = arith.ori %or3A_511, %shift_right_arithmetic3A_514 : vector<16xi32>
    %swap3A_516 = arith.constant 9824 : index
    %swap3A_517 = tpu.vector_load %arg5[%swap3A_516] {strides = array<i32>} : memref<10000xi32, #tpu.memory_space<vmem>>, vector<16xi32>,
    %swap3A_518 = vector.shape_cast %swap3A_517 : vector<16xi32> to vector<16xi32>
    %swap3A_519 = vector.shape_cast %or3A_515 : vector<16xi32> to vector<16xi32>
    tpu.vector_store %arg5[%swap3A_516], %swap3A_519 {strides = array<i32>} : memref<10000xi32, #tpu.memory_space<vmem>>, vector<16xi32>,
    %get3A_520 = arith.constant 240 : index
    %get3A_521 = tpu.vector_load %arg6[%get3A_520] {strides = array<i32>} : memref<400xi32, #tpu.memory_space<vmem>>, vector<16xi32>,
    %get3A_522 = vector.shape_cast %get3A_521 : vector<16xi32> to vector<16xi32>
    %get3A_523 = arith.constant 240 : index
    %get3A_524 = tpu.vector_load %arg7[%get3A_523] {strides = array<i32>} : memref<400xi32, #tpu.memory_space<vmem>>, vector<16xi32>,
    %get3A_525 = vector.shape_cast %get3A_524 : vector<16xi32> to vector<16xi32>
    %get3A_526 = arith.constant 240 : index
    %get3A_527 = tpu.vector_load %arg8[%get3A_526] {strides = array<i32>} : memref<400xi32, #tpu.memory_space<vmem>>, vector<16xi32>,
    %get3A_528 = vector.shape_cast %get3A_527 : vector<16xi32> to vector<16xi32>
    %shift_right_arithmetic3A_529 = arith.constant 4 : i32
    %shift_right_arithmetic3A_530 = vector.broadcast %shift_right_arithmetic3A_529 : i32 to vector<16xi32>
    %shift_right_arithmetic3A_531 = arith.shrsi %get3A_522, %shift_right_arithmetic3A_530 : vector<16xi32>
    %shift_left3A_532 = arith.constant 8 : i32
    %shift_left3A_533 = vector.broadcast %shift_left3A_532 : i32 to vector<16xi32>
    %shift_left3A_534 = arith.shli %shift_right_arithmetic3A_531, %shift_left3A_533 : vector<16xi32>
    %shift_right_arithmetic3A_535 = arith.constant 4 : i32
    %shift_right_arithmetic3A_536 = vector.broadcast %shift_right_arithmetic3A_535 : i32 to vector<16xi32>
    %shift_right_arithmetic3A_537 = arith.shrsi %get3A_525, %shift_right_arithmetic3A_536 : vector<16xi32>
    %shift_left3A_538 = arith.constant 4 : i32
    %shift_left3A_539 = vector.broadcast %shift_left3A_538 : i32 to vector<16xi32>
    %shift_left3A_540 = arith.shli %shift_right_arithmetic3A_537, %shift_left3A_539 : vector<16xi32>
    %or3A_541 = arith.ori %shift_left3A_534, %shift_left3A_540 : vector<16xi32>
    %shift_right_arithmetic3A_542 = arith.constant 4 : i32
    %shift_right_arithmetic3A_543 = vector.broadcast %shift_right_arithmetic3A_542 : i32 to vector<16xi32>
    %shift_right_arithmetic3A_544 = arith.shrsi %get3A_528, %shift_right_arithmetic3A_543 : vector<16xi32>
    %or3A_545 = arith.ori %or3A_541, %shift_right_arithmetic3A_544 : vector<16xi32>
    %swap3A_546 = arith.constant 9840 : index
    %swap3A_547 = tpu.vector_load %arg5[%swap3A_546] {strides = array<i32>} : memref<10000xi32, #tpu.memory_space<vmem>>, vector<16xi32>,
    %swap3A_548 = vector.shape_cast %swap3A_547 : vector<16xi32> to vector<16xi32>
    %swap3A_549 = vector.shape_cast %or3A_545 : vector<16xi32> to vector<16xi32>
    tpu.vector_store %arg5[%swap3A_546], %swap3A_549 {strides = array<i32>} : memref<10000xi32, #tpu.memory_space<vmem>>, vector<16xi32>,
    %get3A_550 = arith.constant 256 : index
    %get3A_551 = tpu.vector_load %arg6[%get3A_550] {strides = array<i32>} : memref<400xi32, #tpu.memory_space<vmem>>, vector<16xi32>,
    %get3A_552 = vector.shape_cast %get3A_551 : vector<16xi32> to vector<16xi32>
    %get3A_553 = arith.constant 256 : index
    %get3A_554 = tpu.vector_load %arg7[%get3A_553] {strides = array<i32>} : memref<400xi32, #tpu.memory_space<vmem>>, vector<16xi32>,
    %get3A_555 = vector.shape_cast %get3A_554 : vector<16xi32> to vector<16xi32>
    %get3A_556 = arith.constant 256 : index
    %get3A_557 = tpu.vector_load %arg8[%get3A_556] {strides = array<i32>} : memref<400xi32, #tpu.memory_space<vmem>>, vector<16xi32>,
    %get3A_558 = vector.shape_cast %get3A_557 : vector<16xi32> to vector<16xi32>
    %shift_right_arithmetic3A_559 = arith.constant 4 : i32
    %shift_right_arithmetic3A_560 = vector.broadcast %shift_right_arithmetic3A_559 : i32 to vector<16xi32>
    %shift_right_arithmetic3A_561 = arith.shrsi %get3A_552, %shift_right_arithmetic3A_560 : vector<16xi32>
    %shift_left3A_562 = arith.constant 8 : i32
    %shift_left3A_563 = vector.broadcast %shift_left3A_562 : i32 to vector<16xi32>
    %shift_left3A_564 = arith.shli %shift_right_arithmetic3A_561, %shift_left3A_563 : vector<16xi32>
    %shift_right_arithmetic3A_565 = arith.constant 4 : i32
    %shift_right_arithmetic3A_566 = vector.broadcast %shift_right_arithmetic3A_565 : i32 to vector<16xi32>
    %shift_right_arithmetic3A_567 = arith.shrsi %get3A_555, %shift_right_arithmetic3A_566 : vector<16xi32>
    %shift_left3A_568 = arith.constant 4 : i32
    %shift_left3A_569 = vector.broadcast %shift_left3A_568 : i32 to vector<16xi32>
    %shift_left3A_570 = arith.shli %shift_right_arithmetic3A_567, %shift_left3A_569 : vector<16xi32>
    %or3A_571 = arith.ori %shift_left3A_564, %shift_left3A_570 : vector<16xi32>
    %shift_right_arithmetic3A_572 = arith.constant 4 : i32
    %shift_right_arithmetic3A_573 = vector.broadcast %shift_right_arithmetic3A_572 : i32 to vector<16xi32>
    %shift_right_arithmetic3A_574 = arith.shrsi %get3A_558, %shift_right_arithmetic3A_573 : vector<16xi32>
    %or3A_575 = arith.ori %or3A_571, %shift_right_arithmetic3A_574 : vector<16xi32>
    %swap3A_576 = arith.constant 9856 : index
    %swap3A_577 = tpu.vector_load %arg5[%swap3A_576] {strides = array<i32>} : memref<10000xi32, #tpu.memory_space<vmem>>, vector<16xi32>,
    %swap3A_578 = vector.shape_cast %swap3A_577 : vector<16xi32> to vector<16xi32>
    %swap3A_579 = vector.shape_cast %or3A_575 : vector<16xi32> to vector<16xi32>
    tpu.vector_store %arg5[%swap3A_576], %swap3A_579 {strides = array<i32>} : memref<10000xi32, #tpu.memory_space<vmem>>, vector<16xi32>,
    %get3A_580 = arith.constant 272 : index
    %get3A_581 = tpu.vector_load %arg6[%get3A_580] {strides = array<i32>} : memref<400xi32, #tpu.memory_space<vmem>>, vector<16xi32>,
    %get3A_582 = vector.shape_cast %get3A_581 : vector<16xi32> to vector<16xi32>
    %get3A_583 = arith.constant 272 : index
    %get3A_584 = tpu.vector_load %arg7[%get3A_583] {strides = array<i32>} : memref<400xi32, #tpu.memory_space<vmem>>, vector<16xi32>,
    %get3A_585 = vector.shape_cast %get3A_584 : vector<16xi32> to vector<16xi32>
    %get3A_586 = arith.constant 272 : index
    %get3A_587 = tpu.vector_load %arg8[%get3A_586] {strides = array<i32>} : memref<400xi32, #tpu.memory_space<vmem>>, vector<16xi32>,
    %get3A_588 = vector.shape_cast %get3A_587 : vector<16xi32> to vector<16xi32>
    %shift_right_arithmetic3A_589 = arith.constant 4 : i32
    %shift_right_arithmetic3A_590 = vector.broadcast %shift_right_arithmetic3A_589 : i32 to vector<16xi32>
    %shift_right_arithmetic3A_591 = arith.shrsi %get3A_582, %shift_right_arithmetic3A_590 : vector<16xi32>
    %shift_left3A_592 = arith.constant 8 : i32
    %shift_left3A_593 = vector.broadcast %shift_left3A_592 : i32 to vector<16xi32>
    %shift_left3A_594 = arith.shli %shift_right_arithmetic3A_591, %shift_left3A_593 : vector<16xi32>
    %shift_right_arithmetic3A_595 = arith.constant 4 : i32
    %shift_right_arithmetic3A_596 = vector.broadcast %shift_right_arithmetic3A_595 : i32 to vector<16xi32>
    %shift_right_arithmetic3A_597 = arith.shrsi %get3A_585, %shift_right_arithmetic3A_596 : vector<16xi32>
    %shift_left3A_598 = arith.constant 4 : i32
    %shift_left3A_599 = vector.broadcast %shift_left3A_598 : i32 to vector<16xi32>
    %shift_left3A_600 = arith.shli %shift_right_arithmetic3A_597, %shift_left3A_599 : vector<16xi32>
    %or3A_601 = arith.ori %shift_left3A_594, %shift_left3A_600 : vector<16xi32>
    %shift_right_arithmetic3A_602 = arith.constant 4 : i32
    %shift_right_arithmetic3A_603 = vector.broadcast %shift_right_arithmetic3A_602 : i32 to vector<16xi32>
    %shift_right_arithmetic3A_604 = arith.shrsi %get3A_588, %shift_right_arithmetic3A_603 : vector<16xi32>
    %or3A_605 = arith.ori %or3A_601, %shift_right_arithmetic3A_604 : vector<16xi32>
    %swap3A_606 = arith.constant 9872 : index
    %swap3A_607 = tpu.vector_load %arg5[%swap3A_606] {strides = array<i32>} : memref<10000xi32, #tpu.memory_space<vmem>>, vector<16xi32>,
    %swap3A_608 = vector.shape_cast %swap3A_607 : vector<16xi32> to vector<16xi32>
    %swap3A_609 = vector.shape_cast %or3A_605 : vector<16xi32> to vector<16xi32>
    tpu.vector_store %arg5[%swap3A_606], %swap3A_609 {strides = array<i32>} : memref<10000xi32, #tpu.memory_space<vmem>>, vector<16xi32>,
    %get3A_610 = arith.constant 288 : index
    %get3A_611 = tpu.vector_load %arg6[%get3A_610] {strides = array<i32>} : memref<400xi32, #tpu.memory_space<vmem>>, vector<16xi32>,
    %get3A_612 = vector.shape_cast %get3A_611 : vector<16xi32> to vector<16xi32>
    %get3A_613 = arith.constant 288 : index
    %get3A_614 = tpu.vector_load %arg7[%get3A_613] {strides = array<i32>} : memref<400xi32, #tpu.memory_space<vmem>>, vector<16xi32>,
    %get3A_615 = vector.shape_cast %get3A_614 : vector<16xi32> to vector<16xi32>
    %get3A_616 = arith.constant 288 : index
    %get3A_617 = tpu.vector_load %arg8[%get3A_616] {strides = array<i32>} : memref<400xi32, #tpu.memory_space<vmem>>, vector<16xi32>,
    %get3A_618 = vector.shape_cast %get3A_617 : vector<16xi32> to vector<16xi32>
    %shift_right_arithmetic3A_619 = arith.constant 4 : i32
    %shift_right_arithmetic3A_620 = vector.broadcast %shift_right_arithmetic3A_619 : i32 to vector<16xi32>
    %shift_right_arithmetic3A_621 = arith.shrsi %get3A_612, %shift_right_arithmetic3A_620 : vector<16xi32>
    %shift_left3A_622 = arith.constant 8 : i32
    %shift_left3A_623 = vector.broadcast %shift_left3A_622 : i32 to vector<16xi32>
    %shift_left3A_624 = arith.shli %shift_right_arithmetic3A_621, %shift_left3A_623 : vector<16xi32>
    %shift_right_arithmetic3A_625 = arith.constant 4 : i32
    %shift_right_arithmetic3A_626 = vector.broadcast %shift_right_arithmetic3A_625 : i32 to vector<16xi32>
    %shift_right_arithmetic3A_627 = arith.shrsi %get3A_615, %shift_right_arithmetic3A_626 : vector<16xi32>
    %shift_left3A_628 = arith.constant 4 : i32
    %shift_left3A_629 = vector.broadcast %shift_left3A_628 : i32 to vector<16xi32>
    %shift_left3A_630 = arith.shli %shift_right_arithmetic3A_627, %shift_left3A_629 : vector<16xi32>
    %or3A_631 = arith.ori %shift_left3A_624, %shift_left3A_630 : vector<16xi32>
    %shift_right_arithmetic3A_632 = arith.constant 4 : i32
    %shift_right_arithmetic3A_633 = vector.broadcast %shift_right_arithmetic3A_632 : i32 to vector<16xi32>
    %shift_right_arithmetic3A_634 = arith.shrsi %get3A_618, %shift_right_arithmetic3A_633 : vector<16xi32>
    %or3A_635 = arith.ori %or3A_631, %shift_right_arithmetic3A_634 : vector<16xi32>
    %swap3A_636 = arith.constant 9888 : index
    %swap3A_637 = tpu.vector_load %arg5[%swap3A_636] {strides = array<i32>} : memref<10000xi32, #tpu.memory_space<vmem>>, vector<16xi32>,
    %swap3A_638 = vector.shape_cast %swap3A_637 : vector<16xi32> to vector<16xi32>
    %swap3A_639 = vector.shape_cast %or3A_635 : vector<16xi32> to vector<16xi32>
    tpu.vector_store %arg5[%swap3A_636], %swap3A_639 {strides = array<i32>} : memref<10000xi32, #tpu.memory_space<vmem>>, vector<16xi32>,
    %get3A_640 = arith.constant 304 : index
    %get3A_641 = tpu.vector_load %arg6[%get3A_640] {strides = array<i32>} : memref<400xi32, #tpu.memory_space<vmem>>, vector<16xi32>,
    %get3A_642 = vector.shape_cast %get3A_641 : vector<16xi32> to vector<16xi32>
    %get3A_643 = arith.constant 304 : index
    %get3A_644 = tpu.vector_load %arg7[%get3A_643] {strides = array<i32>} : memref<400xi32, #tpu.memory_space<vmem>>, vector<16xi32>,
    %get3A_645 = vector.shape_cast %get3A_644 : vector<16xi32> to vector<16xi32>
    %get3A_646 = arith.constant 304 : index
    %get3A_647 = tpu.vector_load %arg8[%get3A_646] {strides = array<i32>} : memref<400xi32, #tpu.memory_space<vmem>>, vector<16xi32>,
    %get3A_648 = vector.shape_cast %get3A_647 : vector<16xi32> to vector<16xi32>
    %shift_right_arithmetic3A_649 = arith.constant 4 : i32
    %shift_right_arithmetic3A_650 = vector.broadcast %shift_right_arithmetic3A_649 : i32 to vector<16xi32>
    %shift_right_arithmetic3A_651 = arith.shrsi %get3A_642, %shift_right_arithmetic3A_650 : vector<16xi32>
    %shift_left3A_652 = arith.constant 8 : i32
    %shift_left3A_653 = vector.broadcast %shift_left3A_652 : i32 to vector<16xi32>
    %shift_left3A_654 = arith.shli %shift_right_arithmetic3A_651, %shift_left3A_653 : vector<16xi32>
    %shift_right_arithmetic3A_655 = arith.constant 4 : i32
    %shift_right_arithmetic3A_656 = vector.broadcast %shift_right_arithmetic3A_655 : i32 to vector<16xi32>
    %shift_right_arithmetic3A_657 = arith.shrsi %get3A_645, %shift_right_arithmetic3A_656 : vector<16xi32>
    %shift_left3A_658 = arith.constant 4 : i32
    %shift_left3A_659 = vector.broadcast %shift_left3A_658 : i32 to vector<16xi32>
    %shift_left3A_660 = arith.shli %shift_right_arithmetic3A_657, %shift_left3A_659 : vector<16xi32>
    %or3A_661 = arith.ori %shift_left3A_654, %shift_left3A_660 : vector<16xi32>
    %shift_right_arithmetic3A_662 = arith.constant 4 : i32
    %shift_right_arithmetic3A_663 = vector.broadcast %shift_right_arithmetic3A_662 : i32 to vector<16xi32>
    %shift_right_arithmetic3A_664 = arith.shrsi %get3A_648, %shift_right_arithmetic3A_663 : vector<16xi32>
    %or3A_665 = arith.ori %or3A_661, %shift_right_arithmetic3A_664 : vector<16xi32>
    %swap3A_666 = arith.constant 9904 : index
    %swap3A_667 = tpu.vector_load %arg5[%swap3A_666] {strides = array<i32>} : memref<10000xi32, #tpu.memory_space<vmem>>, vector<16xi32>,
    %swap3A_668 = vector.shape_cast %swap3A_667 : vector<16xi32> to vector<16xi32>
    %swap3A_669 = vector.shape_cast %or3A_665 : vector<16xi32> to vector<16xi32>
    tpu.vector_store %arg5[%swap3A_666], %swap3A_669 {strides = array<i32>} : memref<10000xi32, #tpu.memory_space<vmem>>, vector<16xi32>,
    %get3A_670 = arith.constant 320 : index
    %get3A_671 = tpu.vector_load %arg6[%get3A_670] {strides = array<i32>} : memref<400xi32, #tpu.memory_space<vmem>>, vector<16xi32>,
    %get3A_672 = vector.shape_cast %get3A_671 : vector<16xi32> to vector<16xi32>
    %get3A_673 = arith.constant 320 : index
    %get3A_674 = tpu.vector_load %arg7[%get3A_673] {strides = array<i32>} : memref<400xi32, #tpu.memory_space<vmem>>, vector<16xi32>,
    %get3A_675 = vector.shape_cast %get3A_674 : vector<16xi32> to vector<16xi32>
    %get3A_676 = arith.constant 320 : index
    %get3A_677 = tpu.vector_load %arg8[%get3A_676] {strides = array<i32>} : memref<400xi32, #tpu.memory_space<vmem>>, vector<16xi32>,
    %get3A_678 = vector.shape_cast %get3A_677 : vector<16xi32> to vector<16xi32>
    %shift_right_arithmetic3A_679 = arith.constant 4 : i32
    %shift_right_arithmetic3A_680 = vector.broadcast %shift_right_arithmetic3A_679 : i32 to vector<16xi32>
    %shift_right_arithmetic3A_681 = arith.shrsi %get3A_672, %shift_right_arithmetic3A_680 : vector<16xi32>
    %shift_left3A_682 = arith.constant 8 : i32
    %shift_left3A_683 = vector.broadcast %shift_left3A_682 : i32 to vector<16xi32>
    %shift_left3A_684 = arith.shli %shift_right_arithmetic3A_681, %shift_left3A_683 : vector<16xi32>
    %shift_right_arithmetic3A_685 = arith.constant 4 : i32
    %shift_right_arithmetic3A_686 = vector.broadcast %shift_right_arithmetic3A_685 : i32 to vector<16xi32>
    %shift_right_arithmetic3A_687 = arith.shrsi %get3A_675, %shift_right_arithmetic3A_686 : vector<16xi32>
    %shift_left3A_688 = arith.constant 4 : i32
    %shift_left3A_689 = vector.broadcast %shift_left3A_688 : i32 to vector<16xi32>
    %shift_left3A_690 = arith.shli %shift_right_arithmetic3A_687, %shift_left3A_689 : vector<16xi32>
    %or3A_691 = arith.ori %shift_left3A_684, %shift_left3A_690 : vector<16xi32>
    %shift_right_arithmetic3A_692 = arith.constant 4 : i32
    %shift_right_arithmetic3A_693 = vector.broadcast %shift_right_arithmetic3A_692 : i32 to vector<16xi32>
    %shift_right_arithmetic3A_694 = arith.shrsi %get3A_678, %shift_right_arithmetic3A_693 : vector<16xi32>
    %or3A_695 = arith.ori %or3A_691, %shift_right_arithmetic3A_694 : vector<16xi32>
    %swap3A_696 = arith.constant 9920 : index
    %swap3A_697 = tpu.vector_load %arg5[%swap3A_696] {strides = array<i32>} : memref<10000xi32, #tpu.memory_space<vmem>>, vector<16xi32>,
    %swap3A_698 = vector.shape_cast %swap3A_697 : vector<16xi32> to vector<16xi32>
    %swap3A_699 = vector.shape_cast %or3A_695 : vector<16xi32> to vector<16xi32>
    tpu.vector_store %arg5[%swap3A_696], %swap3A_699 {strides = array<i32>} : memref<10000xi32, #tpu.memory_space<vmem>>, vector<16xi32>,
    %get3A_700 = arith.constant 336 : index
    %get3A_701 = tpu.vector_load %arg6[%get3A_700] {strides = array<i32>} : memref<400xi32, #tpu.memory_space<vmem>>, vector<16xi32>,
    %get3A_702 = vector.shape_cast %get3A_701 : vector<16xi32> to vector<16xi32>
    %get3A_703 = arith.constant 336 : index
    %get3A_704 = tpu.vector_load %arg7[%get3A_703] {strides = array<i32>} : memref<400xi32, #tpu.memory_space<vmem>>, vector<16xi32>,
    %get3A_705 = vector.shape_cast %get3A_704 : vector<16xi32> to vector<16xi32>
    %get3A_706 = arith.constant 336 : index
    %get3A_707 = tpu.vector_load %arg8[%get3A_706] {strides = array<i32>} : memref<400xi32, #tpu.memory_space<vmem>>, vector<16xi32>,
    %get3A_708 = vector.shape_cast %get3A_707 : vector<16xi32> to vector<16xi32>
    %shift_right_arithmetic3A_709 = arith.constant 4 : i32
    %shift_right_arithmetic3A_710 = vector.broadcast %shift_right_arithmetic3A_709 : i32 to vector<16xi32>
    %shift_right_arithmetic3A_711 = arith.shrsi %get3A_702, %shift_right_arithmetic3A_710 : vector<16xi32>
    %shift_left3A_712 = arith.constant 8 : i32
    %shift_left3A_713 = vector.broadcast %shift_left3A_712 : i32 to vector<16xi32>
    %shift_left3A_714 = arith.shli %shift_right_arithmetic3A_711, %shift_left3A_713 : vector<16xi32>
    %shift_right_arithmetic3A_715 = arith.constant 4 : i32
    %shift_right_arithmetic3A_716 = vector.broadcast %shift_right_arithmetic3A_715 : i32 to vector<16xi32>
    %shift_right_arithmetic3A_717 = arith.shrsi %get3A_705, %shift_right_arithmetic3A_716 : vector<16xi32>
    %shift_left3A_718 = arith.constant 4 : i32
    %shift_left3A_719 = vector.broadcast %shift_left3A_718 : i32 to vector<16xi32>
    %shift_left3A_720 = arith.shli %shift_right_arithmetic3A_717, %shift_left3A_719 : vector<16xi32>
    %or3A_721 = arith.ori %shift_left3A_714, %shift_left3A_720 : vector<16xi32>
    %shift_right_arithmetic3A_722 = arith.constant 4 : i32
    %shift_right_arithmetic3A_723 = vector.broadcast %shift_right_arithmetic3A_722 : i32 to vector<16xi32>
    %shift_right_arithmetic3A_724 = arith.shrsi %get3A_708, %shift_right_arithmetic3A_723 : vector<16xi32>
    %or3A_725 = arith.ori %or3A_721, %shift_right_arithmetic3A_724 : vector<16xi32>
    %swap3A_726 = arith.constant 9936 : index
    %swap3A_727 = tpu.vector_load %arg5[%swap3A_726] {strides = array<i32>} : memref<10000xi32, #tpu.memory_space<vmem>>, vector<16xi32>,
    %swap3A_728 = vector.shape_cast %swap3A_727 : vector<16xi32> to vector<16xi32>
    %swap3A_729 = vector.shape_cast %or3A_725 : vector<16xi32> to vector<16xi32>
    tpu.vector_store %arg5[%swap3A_726], %swap3A_729 {strides = array<i32>} : memref<10000xi32, #tpu.memory_space<vmem>>, vector<16xi32>,
    %get3A_730 = arith.constant 352 : index
    %get3A_731 = tpu.vector_load %arg6[%get3A_730] {strides = array<i32>} : memref<400xi32, #tpu.memory_space<vmem>>, vector<16xi32>,
    %get3A_732 = vector.shape_cast %get3A_731 : vector<16xi32> to vector<16xi32>
    %get3A_733 = arith.constant 352 : index
    %get3A_734 = tpu.vector_load %arg7[%get3A_733] {strides = array<i32>} : memref<400xi32, #tpu.memory_space<vmem>>, vector<16xi32>,
    %get3A_735 = vector.shape_cast %get3A_734 : vector<16xi32> to vector<16xi32>
    %get3A_736 = arith.constant 352 : index
    %get3A_737 = tpu.vector_load %arg8[%get3A_736] {strides = array<i32>} : memref<400xi32, #tpu.memory_space<vmem>>, vector<16xi32>,
    %get3A_738 = vector.shape_cast %get3A_737 : vector<16xi32> to vector<16xi32>
    %shift_right_arithmetic3A_739 = arith.constant 4 : i32
    %shift_right_arithmetic3A_740 = vector.broadcast %shift_right_arithmetic3A_739 : i32 to vector<16xi32>
    %shift_right_arithmetic3A_741 = arith.shrsi %get3A_732, %shift_right_arithmetic3A_740 : vector<16xi32>
    %shift_left3A_742 = arith.constant 8 : i32
    %shift_left3A_743 = vector.broadcast %shift_left3A_742 : i32 to vector<16xi32>
    %shift_left3A_744 = arith.shli %shift_right_arithmetic3A_741, %shift_left3A_743 : vector<16xi32>
    %shift_right_arithmetic3A_745 = arith.constant 4 : i32
    %shift_right_arithmetic3A_746 = vector.broadcast %shift_right_arithmetic3A_745 : i32 to vector<16xi32>
    %shift_right_arithmetic3A_747 = arith.shrsi %get3A_735, %shift_right_arithmetic3A_746 : vector<16xi32>
    %shift_left3A_748 = arith.constant 4 : i32
    %shift_left3A_749 = vector.broadcast %shift_left3A_748 : i32 to vector<16xi32>
    %shift_left3A_750 = arith.shli %shift_right_arithmetic3A_747, %shift_left3A_749 : vector<16xi32>
    %or3A_751 = arith.ori %shift_left3A_744, %shift_left3A_750 : vector<16xi32>
    %shift_right_arithmetic3A_752 = arith.constant 4 : i32
    %shift_right_arithmetic3A_753 = vector.broadcast %shift_right_arithmetic3A_752 : i32 to vector<16xi32>
    %shift_right_arithmetic3A_754 = arith.shrsi %get3A_738, %shift_right_arithmetic3A_753 : vector<16xi32>
    %or3A_755 = arith.ori %or3A_751, %shift_right_arithmetic3A_754 : vector<16xi32>
    %swap3A_756 = arith.constant 9952 : index
    %swap3A_757 = tpu.vector_load %arg5[%swap3A_756] {strides = array<i32>} : memref<10000xi32, #tpu.memory_space<vmem>>, vector<16xi32>,
    %swap3A_758 = vector.shape_cast %swap3A_757 : vector<16xi32> to vector<16xi32>
    %swap3A_759 = vector.shape_cast %or3A_755 : vector<16xi32> to vector<16xi32>
    tpu.vector_store %arg5[%swap3A_756], %swap3A_759 {strides = array<i32>} : memref<10000xi32, #tpu.memory_space<vmem>>, vector<16xi32>,
    %get3A_760 = arith.constant 368 : index
    %get3A_761 = tpu.vector_load %arg6[%get3A_760] {strides = array<i32>} : memref<400xi32, #tpu.memory_space<vmem>>, vector<16xi32>,
    %get3A_762 = vector.shape_cast %get3A_761 : vector<16xi32> to vector<16xi32>
    %get3A_763 = arith.constant 368 : index
    %get3A_764 = tpu.vector_load %arg7[%get3A_763] {strides = array<i32>} : memref<400xi32, #tpu.memory_space<vmem>>, vector<16xi32>,
    %get3A_765 = vector.shape_cast %get3A_764 : vector<16xi32> to vector<16xi32>
    %get3A_766 = arith.constant 368 : index
    %get3A_767 = tpu.vector_load %arg8[%get3A_766] {strides = array<i32>} : memref<400xi32, #tpu.memory_space<vmem>>, vector<16xi32>,
    %get3A_768 = vector.shape_cast %get3A_767 : vector<16xi32> to vector<16xi32>
    %shift_right_arithmetic3A_769 = arith.constant 4 : i32
    %shift_right_arithmetic3A_770 = vector.broadcast %shift_right_arithmetic3A_769 : i32 to vector<16xi32>
    %shift_right_arithmetic3A_771 = arith.shrsi %get3A_762, %shift_right_arithmetic3A_770 : vector<16xi32>
    %shift_left3A_772 = arith.constant 8 : i32
    %shift_left3A_773 = vector.broadcast %shift_left3A_772 : i32 to vector<16xi32>
    %shift_left3A_774 = arith.shli %shift_right_arithmetic3A_771, %shift_left3A_773 : vector<16xi32>
    %shift_right_arithmetic3A_775 = arith.constant 4 : i32
    %shift_right_arithmetic3A_776 = vector.broadcast %shift_right_arithmetic3A_775 : i32 to vector<16xi32>
    %shift_right_arithmetic3A_777 = arith.shrsi %get3A_765, %shift_right_arithmetic3A_776 : vector<16xi32>
    %shift_left3A_778 = arith.constant 4 : i32
    %shift_left3A_779 = vector.broadcast %shift_left3A_778 : i32 to vector<16xi32>
    %shift_left3A_780 = arith.shli %shift_right_arithmetic3A_777, %shift_left3A_779 : vector<16xi32>
    %or3A_781 = arith.ori %shift_left3A_774, %shift_left3A_780 : vector<16xi32>
    %shift_right_arithmetic3A_782 = arith.constant 4 : i32
    %shift_right_arithmetic3A_783 = vector.broadcast %shift_right_arithmetic3A_782 : i32 to vector<16xi32>
    %shift_right_arithmetic3A_784 = arith.shrsi %get3A_768, %shift_right_arithmetic3A_783 : vector<16xi32>
    %or3A_785 = arith.ori %or3A_781, %shift_right_arithmetic3A_784 : vector<16xi32>
    %swap3A_786 = arith.constant 9968 : index
    %swap3A_787 = tpu.vector_load %arg5[%swap3A_786] {strides = array<i32>} : memref<10000xi32, #tpu.memory_space<vmem>>, vector<16xi32>,
    %swap3A_788 = vector.shape_cast %swap3A_787 : vector<16xi32> to vector<16xi32>
    %swap3A_789 = vector.shape_cast %or3A_785 : vector<16xi32> to vector<16xi32>
    tpu.vector_store %arg5[%swap3A_786], %swap3A_789 {strides = array<i32>} : memref<10000xi32, #tpu.memory_space<vmem>>, vector<16xi32>,
    %get3A_790 = arith.constant 384 : index
    %get3A_791 = tpu.vector_load %arg6[%get3A_790] {strides = array<i32>} : memref<400xi32, #tpu.memory_space<vmem>>, vector<16xi32>,
    %get3A_792 = vector.shape_cast %get3A_791 : vector<16xi32> to vector<16xi32>
    %get3A_793 = arith.constant 384 : index
    %get3A_794 = tpu.vector_load %arg7[%get3A_793] {strides = array<i32>} : memref<400xi32, #tpu.memory_space<vmem>>, vector<16xi32>,
    %get3A_795 = vector.shape_cast %get3A_794 : vector<16xi32> to vector<16xi32>
    %get3A_796 = arith.constant 384 : index
    %get3A_797 = tpu.vector_load %arg8[%get3A_796] {strides = array<i32>} : memref<400xi32, #tpu.memory_space<vmem>>, vector<16xi32>,
    %get3A_798 = vector.shape_cast %get3A_797 : vector<16xi32> to vector<16xi32>
    %shift_right_arithmetic3A_799 = arith.constant 4 : i32
    %shift_right_arithmetic3A_800 = vector.broadcast %shift_right_arithmetic3A_799 : i32 to vector<16xi32>
    %shift_right_arithmetic3A_801 = arith.shrsi %get3A_792, %shift_right_arithmetic3A_800 : vector<16xi32>
    %shift_left3A_802 = arith.constant 8 : i32
    %shift_left3A_803 = vector.broadcast %shift_left3A_802 : i32 to vector<16xi32>
    %shift_left3A_804 = arith.shli %shift_right_arithmetic3A_801, %shift_left3A_803 : vector<16xi32>
    %shift_right_arithmetic3A_805 = arith.constant 4 : i32
    %shift_right_arithmetic3A_806 = vector.broadcast %shift_right_arithmetic3A_805 : i32 to vector<16xi32>
    %shift_right_arithmetic3A_807 = arith.shrsi %get3A_795, %shift_right_arithmetic3A_806 : vector<16xi32>
    %shift_left3A_808 = arith.constant 4 : i32
    %shift_left3A_809 = vector.broadcast %shift_left3A_808 : i32 to vector<16xi32>
    %shift_left3A_810 = arith.shli %shift_right_arithmetic3A_807, %shift_left3A_809 : vector<16xi32>
    %or3A_811 = arith.ori %shift_left3A_804, %shift_left3A_810 : vector<16xi32>
    %shift_right_arithmetic3A_812 = arith.constant 4 : i32
    %shift_right_arithmetic3A_813 = vector.broadcast %shift_right_arithmetic3A_812 : i32 to vector<16xi32>
    %shift_right_arithmetic3A_814 = arith.shrsi %get3A_798, %shift_right_arithmetic3A_813 : vector<16xi32>
    %or3A_815 = arith.ori %or3A_811, %shift_right_arithmetic3A_814 : vector<16xi32>
    %swap3A_816 = arith.constant 9984 : index
    %swap3A_817 = tpu.vector_load %arg5[%swap3A_816] {strides = array<i32>} : memref<10000xi32, #tpu.memory_space<vmem>>, vector<16xi32>,
    %swap3A_818 = vector.shape_cast %swap3A_817 : vector<16xi32> to vector<16xi32>
    %swap3A_819 = vector.shape_cast %or3A_815 : vector<16xi32> to vector<16xi32>
    tpu.vector_store %arg5[%swap3A_816], %swap3A_819 {strides = array<i32>} : memref<10000xi32, #tpu.memory_space<vmem>>, vector<16xi32>,
    %barrier3A = arith.constant 0 : index
    tpu.barrier barrier_id(%barrier3A)
    %dma_wait3A_820 = arith.constant 0 : i32
    %dma_wait3A_821 = arith.constant 0 : i32
    %dma_wait3A_822 = tpu.memref_slice %arg2[%dma_wait3A_820, %dma_wait3A_821] : memref<320000x128xf32, #tpu.memory_space<hbm>> -> memref<128x128xf32, #tpu.memory_space<hbm>>
    %dma_wait3A_823 = arith.constant 0 : i32
    %dma_wait3A_824 = arith.constant 0 : i32
    %dma_wait3A_825 = tpu.memref_slice %arg2[%dma_wait3A_823, %dma_wait3A_824] : memref<320000x128xf32, #tpu.memory_space<hbm>> -> memref<128x128xf32, #tpu.memory_space<hbm>>
    tpu.wait_dma2 semaphore(%arg18 : memref<!tpu.dma_semaphore, #tpu.memory_space<semaphore_mem>>) src(%dma_wait3A_825 : memref<128x128xf32, #tpu.memory_space<hbm>>) dst(%arg12 : memref<128x128xf32, #tpu.memory_space<vmem>>)
    %dma_start3A_826 = arith.constant 0 : i32
    %dma_start3A_827 = tpu.memref_slice %arg5[%dma_start3A_826] : memref<10000xi32, #tpu.memory_space<vmem>> -> memref<128xi32, #tpu.memory_space<vmem>>
    %dma_start3A_828 = arith.constant 0 : i32
    %dma_start3A_829 = arith.constant 0 : i32
    %dma_start3A_830 = tpu.memref_slice %arg17[%dma_start3A_828, %dma_start3A_829] : memref<4096x128xf32, #tpu.memory_space<vmem_shared>> -> memref<4096x128xf32, #tpu.memory_space<vmem_shared>>
    tpu.enqueue_indirect_dma source(%arg12 : memref<128x128xf32, #tpu.memory_space<vmem>>) target(%dma_start3A_830 : memref<4096x128xf32, #tpu.memory_space<vmem_shared>>) offsets(%dma_start3A_827 : memref<128xi32, #tpu.memory_space<vmem>>) semaphore(%arg23 : memref<!tpu.dma_semaphore, #tpu.memory_space<semaphore_mem>>) {add = true}
    %add3A_831 = arith.constant 384 : i32
    %add3A_832 = arith.addi %mul3A_2, %add3A_831 : i32
    %dma_start3A_833 = arith.constant 0 : i32
    %dma_start3A_834 = tpu.memref_slice %arg2[%add3A_832, %dma_start3A_833] : memref<320000x128xf32, #tpu.memory_space<hbm>> -> memref<128x128xf32, #tpu.memory_space<hbm>>
    %dma_start3A_835 = arith.constant 0 : i32
    %dma_start3A_836 = tpu.memref_slice %arg2[%add3A_832, %dma_start3A_835] : memref<320000x128xf32, #tpu.memory_space<hbm>> -> memref<128x128xf32, #tpu.memory_space<hbm>>
    tpu.enqueue_dma source(%dma_start3A_836 : memref<128x128xf32, #tpu.memory_space<hbm>>) target(%arg15 : memref<128x128xf32, #tpu.memory_space<vmem>>) target_semaphore(%arg21 : memref<!tpu.dma_semaphore, #tpu.memory_space<semaphore_mem>>)
    %dma_wait3A_837 = arith.constant 0 : i32
    %dma_wait3A_838 = arith.constant 0 : i32
    %dma_wait3A_839 = tpu.memref_slice %arg2[%dma_wait3A_837, %dma_wait3A_838] : memref<320000x128xf32, #tpu.memory_space<hbm>> -> memref<128x128xf32, #tpu.memory_space<hbm>>
    %dma_wait3A_840 = arith.constant 0 : i32
    %dma_wait3A_841 = arith.constant 0 : i32
    %dma_wait3A_842 = tpu.memref_slice %arg2[%dma_wait3A_840, %dma_wait3A_841] : memref<320000x128xf32, #tpu.memory_space<hbm>> -> memref<128x128xf32, #tpu.memory_space<hbm>>
    tpu.wait_dma2 semaphore(%arg19 : memref<!tpu.dma_semaphore, #tpu.memory_space<semaphore_mem>>) src(%dma_wait3A_842 : memref<128x128xf32, #tpu.memory_space<hbm>>) dst(%arg13 : memref<128x128xf32, #tpu.memory_space<vmem>>)
    %dma_start3A_843 = arith.constant 128 : i32
    %dma_start3A_844 = tpu.memref_slice %arg5[%dma_start3A_843] : memref<10000xi32, #tpu.memory_space<vmem>> -> memref<128xi32, #tpu.memory_space<vmem>>
    %dma_start3A_845 = arith.constant 0 : i32
    %dma_start3A_846 = arith.constant 0 : i32
    %dma_start3A_847 = tpu.memref_slice %arg17[%dma_start3A_845, %dma_start3A_846] : memref<4096x128xf32, #tpu.memory_space<vmem_shared>> -> memref<4096x128xf32, #tpu.memory_space<vmem_shared>>
    tpu.enqueue_indirect_dma source(%arg13 : memref<128x128xf32, #tpu.memory_space<vmem>>) target(%dma_start3A_847 : memref<4096x128xf32, #tpu.memory_space<vmem_shared>>) offsets(%dma_start3A_844 : memref<128xi32, #tpu.memory_space<vmem>>) semaphore(%arg24 : memref<!tpu.dma_semaphore, #tpu.memory_space<semaphore_mem>>) {add = true}
    %add3A_848 = arith.constant 512 : i32
    %add3A_849 = arith.addi %mul3A_2, %add3A_848 : i32
    %dma_start3A_850 = arith.constant 0 : i32
    %dma_start3A_851 = tpu.memref_slice %arg2[%add3A_849, %dma_start3A_850] : memref<320000x128xf32, #tpu.memory_space<hbm>> -> memref<128x128xf32, #tpu.memory_space<hbm>>
    %dma_start3A_852 = arith.constant 0 : i32
    %dma_start3A_853 = tpu.memref_slice %arg2[%add3A_849, %dma_start3A_852] : memref<320000x128xf32, #tpu.memory_space<hbm>> -> memref<128x128xf32, #tpu.memory_space<hbm>>
    tpu.enqueue_dma source(%dma_start3A_853 : memref<128x128xf32, #tpu.memory_space<hbm>>) target(%arg16 : memref<128x128xf32, #tpu.memory_space<vmem>>) target_semaphore(%arg22 : memref<!tpu.dma_semaphore, #tpu.memory_space<semaphore_mem>>)
    %dma_wait3A_854 = arith.constant 0 : i32
    %dma_wait3A_855 = arith.constant 0 : i32
    %dma_wait3A_856 = tpu.memref_slice %arg2[%dma_wait3A_854, %dma_wait3A_855] : memref<320000x128xf32, #tpu.memory_space<hbm>> -> memref<128x128xf32, #tpu.memory_space<hbm>>
    %dma_wait3A_857 = arith.constant 0 : i32
    %dma_wait3A_858 = arith.constant 0 : i32
    %dma_wait3A_859 = tpu.memref_slice %arg2[%dma_wait3A_857, %dma_wait3A_858] : memref<320000x128xf32, #tpu.memory_space<hbm>> -> memref<128x128xf32, #tpu.memory_space<hbm>>
    tpu.wait_dma2 semaphore(%arg20 : memref<!tpu.dma_semaphore, #tpu.memory_space<semaphore_mem>>) src(%dma_wait3A_859 : memref<128x128xf32, #tpu.memory_space<hbm>>) dst(%arg14 : memref<128x128xf32, #tpu.memory_space<vmem>>)
    %dma_start3A_860 = arith.constant 256 : i32
    %dma_start3A_861 = tpu.memref_slice %arg5[%dma_start3A_860] : memref<10000xi32, #tpu.memory_space<vmem>> -> memref<128xi32, #tpu.memory_space<vmem>>
    %dma_start3A_862 = arith.constant 0 : i32
    %dma_start3A_863 = arith.constant 0 : i32
    %dma_start3A_864 = tpu.memref_slice %arg17[%dma_start3A_862, %dma_start3A_863] : memref<4096x128xf32, #tpu.memory_space<vmem_shared>> -> memref<4096x128xf32, #tpu.memory_space<vmem_shared>>
    tpu.enqueue_indirect_dma source(%arg14 : memref<128x128xf32, #tpu.memory_space<vmem>>) target(%dma_start3A_864 : memref<4096x128xf32, #tpu.memory_space<vmem_shared>>) offsets(%dma_start3A_861 : memref<128xi32, #tpu.memory_space<vmem>>) semaphore(%arg25 : memref<!tpu.dma_semaphore, #tpu.memory_space<semaphore_mem>>) {add = true}
    %dma_wait3A_865 = arith.constant 0 : i32
    %dma_wait3A_866 = tpu.memref_slice %arg5[%dma_wait3A_865] : memref<10000xi32, #tpu.memory_space<vmem>> -> memref<128xi32, #tpu.memory_space<vmem>>
    %dma_wait3A_867 = arith.constant 0 : i32
    %dma_wait3A_868 = arith.constant 0 : i32
    %dma_wait3A_869 = tpu.memref_slice %arg17[%dma_wait3A_867, %dma_wait3A_868] : memref<4096x128xf32, #tpu.memory_space<vmem_shared>> -> memref<4096x128xf32, #tpu.memory_space<vmem_shared>>
    tpu.wait_indirect_dma semaphore(%arg23 : memref<!tpu.dma_semaphore, #tpu.memory_space<semaphore_mem>>) src(%arg12 : memref<128x128xf32, #tpu.memory_space<vmem>>) dst(%dma_wait3A_869 : memref<4096x128xf32, #tpu.memory_space<vmem_shared>>)
    %add3A_870 = arith.constant 640 : i32
    %add3A_871 = arith.addi %mul3A_2, %add3A_870 : i32
    %dma_start3A_872 = arith.constant 0 : i32
    %dma_start3A_873 = tpu.memref_slice %arg2[%add3A_871, %dma_start3A_872] : memref<320000x128xf32, #tpu.memory_space<hbm>> -> memref<128x128xf32, #tpu.memory_space<hbm>>
    %dma_start3A_874 = arith.constant 0 : i32
    %dma_start3A_875 = tpu.memref_slice %arg2[%add3A_871, %dma_start3A_874] : memref<320000x128xf32, #tpu.memory_space<hbm>> -> memref<128x128xf32, #tpu.memory_space<hbm>>
    tpu.enqueue_dma source(%dma_start3A_875 : memref<128x128xf32, #tpu.memory_space<hbm>>) target(%arg12 : memref<128x128xf32, #tpu.memory_space<vmem>>) target_semaphore(%arg18 : memref<!tpu.dma_semaphore, #tpu.memory_space<semaphore_mem>>)
    %scan3A_876 = arith.constant 0 : i32
    %scan3A_877 = arith.constant 0 : i32
    %scan3A_878 = arith.constant 15 : i32
    %scan3A_879 = arith.addi %scan3A_877, %scan3A_878 : i32
    %scan3A_880 = arith.constant 1 : i32
    %scan3A_881 = scf.for %scan3A_903 = %scan3A_877 to %scan3A_879 step %scan3A_880 iter_args(%scan3A_904 = %scan3A_876) -> (i32)  : i32 {
      %mul3A_905 = arith.constant 5 : i32
      %mul3A_906 = arith.muli %mul3A_905, %scan3A_903 : i32
      %add3A_907 = arith.constant 3 : i32
      %add3A_908 = arith.addi %mul3A_906, %add3A_907 : i32
      %add3A_909 = arith.constant 0 : i32
      %add3A_910 = arith.addi %add3A_908, %add3A_909 : i32
      %dma_wait3A_911 = arith.constant 0 : i32
      %dma_wait3A_912 = arith.constant 0 : i32
      %dma_wait3A_913 = tpu.memref_slice %arg2[%dma_wait3A_911, %dma_wait3A_912] : memref<320000x128xf32, #tpu.memory_space<hbm>> -> memref<128x128xf32, #tpu.memory_space<hbm>>
      %dma_wait3A_914 = arith.constant 0 : i32
      %dma_wait3A_915 = arith.constant 0 : i32
      %dma_wait3A_916 = tpu.memref_slice %arg2[%dma_wait3A_914, %dma_wait3A_915] : memref<320000x128xf32, #tpu.memory_space<hbm>> -> memref<128x128xf32, #tpu.memory_space<hbm>>
      tpu.wait_dma2 semaphore(%arg21 : memref<!tpu.dma_semaphore, #tpu.memory_space<semaphore_mem>>) src(%dma_wait3A_916 : memref<128x128xf32, #tpu.memory_space<hbm>>) dst(%arg15 : memref<128x128xf32, #tpu.memory_space<vmem>>)
      %mul3A_917 = arith.constant 128 : i32
      %mul3A_918 = arith.muli %add3A_910, %mul3A_917 : i32
      %dma_start3A_919 = tpu.memref_slice %arg5[%mul3A_918] : memref<10000xi32, #tpu.memory_space<vmem>> -> memref<128xi32, #tpu.memory_space<vmem>>
      %dma_start3A_920 = arith.constant 0 : i32
      %dma_start3A_921 = arith.constant 0 : i32
      %dma_start3A_922 = tpu.memref_slice %arg17[%dma_start3A_920, %dma_start3A_921] : memref<4096x128xf32, #tpu.memory_space<vmem_shared>> -> memref<4096x128xf32, #tpu.memory_space<vmem_shared>>
      tpu.enqueue_indirect_dma source(%arg15 : memref<128x128xf32, #tpu.memory_space<vmem>>) target(%dma_start3A_922 : memref<4096x128xf32, #tpu.memory_space<vmem_shared>>) offsets(%dma_start3A_919 : memref<128xi32, #tpu.memory_space<vmem>>) semaphore(%arg26 : memref<!tpu.dma_semaphore, #tpu.memory_space<semaphore_mem>>) {add = true}
      %sub3A = arith.constant 2 : i32
      %sub3A_923 = arith.subi %add3A_910, %sub3A : i32
      %mul3A_924 = arith.constant 128 : i32
      %mul3A_925 = arith.muli %sub3A_923, %mul3A_924 : i32
      %dma_wait3A_926 = tpu.memref_slice %arg5[%mul3A_925] : memref<10000xi32, #tpu.memory_space<vmem>> -> memref<128xi32, #tpu.memory_space<vmem>>
      %dma_wait3A_927 = arith.constant 0 : i32
      %dma_wait3A_928 = arith.constant 0 : i32
      %dma_wait3A_929 = tpu.memref_slice %arg17[%dma_wait3A_927, %dma_wait3A_928] : memref<4096x128xf32, #tpu.memory_space<vmem_shared>> -> memref<4096x128xf32, #tpu.memory_space<vmem_shared>>
      tpu.wait_indirect_dma semaphore(%arg24 : memref<!tpu.dma_semaphore, #tpu.memory_space<semaphore_mem>>) src(%arg13 : memref<128x128xf32, #tpu.memory_space<vmem>>) dst(%dma_wait3A_929 : memref<4096x128xf32, #tpu.memory_space<vmem_shared>>)
      %add3A_930 = arith.constant 3 : i32
      %add3A_931 = arith.addi %add3A_910, %add3A_930 : i32
      %lt3A = arith.constant 78 : i32
      %lt3A_932 = arith.cmpi slt, %add3A_931, %lt3A : i32
      %convert_element_type3A = arith.extui %lt3A_932 : i1 to i32
      %cond3A = arith.constant 0 : i32
      %cond3A_933 = arith.cmpi ne, %convert_element_type3A, %cond3A : i32
      scf.if %cond3A_933 {
        %add3A_1067 = arith.constant 3 : i32
        %add3A_1068 = arith.addi %add3A_910, %add3A_1067 : i32
        %mul3A_1069 = arith.constant 128 : i32
        %mul3A_1070 = arith.muli %add3A_1068, %mul3A_1069 : i32
        %add3A_1071 = arith.addi %mul3A_2, %mul3A_1070 : i32
        %dma_start3A_1072 = arith.constant 0 : i32
        %dma_start3A_1073 = tpu.memref_slice %arg2[%add3A_1071, %dma_start3A_1072] : memref<320000x128xf32, #tpu.memory_space<hbm>> -> memref<128x128xf32, #tpu.memory_space<hbm>>
        %dma_start3A_1074 = arith.constant 0 : i32
        %dma_start3A_1075 = tpu.memref_slice %arg2[%add3A_1071, %dma_start3A_1074] : memref<320000x128xf32, #tpu.memory_space<hbm>> -> memref<128x128xf32, #tpu.memory_space<hbm>>
        tpu.enqueue_dma source(%dma_start3A_1075 : memref<128x128xf32, #tpu.memory_space<hbm>>) target(%arg13 : memref<128x128xf32, #tpu.memory_space<vmem>>) target_semaphore(%arg19 : memref<!tpu.dma_semaphore, #tpu.memory_space<semaphore_mem>>)
      } else {
      }
      %mul3A_934 = arith.constant 5 : i32
      %mul3A_935 = arith.muli %mul3A_934, %scan3A_903 : i32
      %add3A_936 = arith.constant 3 : i32
      %add3A_937 = arith.addi %mul3A_935, %add3A_936 : i32
      %add3A_938 = arith.constant 1 : i32
      %add3A_939 = arith.addi %add3A_937, %add3A_938 : i32
      %dma_wait3A_940 = arith.constant 0 : i32
      %dma_wait3A_941 = arith.constant 0 : i32
      %dma_wait3A_942 = tpu.memref_slice %arg2[%dma_wait3A_940, %dma_wait3A_941] : memref<320000x128xf32, #tpu.memory_space<hbm>> -> memref<128x128xf32, #tpu.memory_space<hbm>>
      %dma_wait3A_943 = arith.constant 0 : i32
      %dma_wait3A_944 = arith.constant 0 : i32
      %dma_wait3A_945 = tpu.memref_slice %arg2[%dma_wait3A_943, %dma_wait3A_944] : memref<320000x128xf32, #tpu.memory_space<hbm>> -> memref<128x128xf32, #tpu.memory_space<hbm>>
      tpu.wait_dma2 semaphore(%arg22 : memref<!tpu.dma_semaphore, #tpu.memory_space<semaphore_mem>>) src(%dma_wait3A_945 : memref<128x128xf32, #tpu.memory_space<hbm>>) dst(%arg16 : memref<128x128xf32, #tpu.memory_space<vmem>>)
      %mul3A_946 = arith.constant 128 : i32
      %mul3A_947 = arith.muli %add3A_939, %mul3A_946 : i32
      %dma_start3A_948 = tpu.memref_slice %arg5[%mul3A_947] : memref<10000xi32, #tpu.memory_space<vmem>> -> memref<128xi32, #tpu.memory_space<vmem>>
      %dma_start3A_949 = arith.constant 0 : i32
      %dma_start3A_950 = arith.constant 0 : i32
      %dma_start3A_951 = tpu.memref_slice %arg17[%dma_start3A_949, %dma_start3A_950] : memref<4096x128xf32, #tpu.memory_space<vmem_shared>> -> memref<4096x128xf32, #tpu.memory_space<vmem_shared>>
      tpu.enqueue_indirect_dma source(%arg16 : memref<128x128xf32, #tpu.memory_space<vmem>>) target(%dma_start3A_951 : memref<4096x128xf32, #tpu.memory_space<vmem_shared>>) offsets(%dma_start3A_948 : memref<128xi32, #tpu.memory_space<vmem>>) semaphore(%arg27 : memref<!tpu.dma_semaphore, #tpu.memory_space<semaphore_mem>>) {add = true}
      %sub3A_952 = arith.constant 2 : i32
      %sub3A_953 = arith.subi %add3A_939, %sub3A_952 : i32
      %mul3A_954 = arith.constant 128 : i32
      %mul3A_955 = arith.muli %sub3A_953, %mul3A_954 : i32
      %dma_wait3A_956 = tpu.memref_slice %arg5[%mul3A_955] : memref<10000xi32, #tpu.memory_space<vmem>> -> memref<128xi32, #tpu.memory_space<vmem>>
      %dma_wait3A_957 = arith.constant 0 : i32
      %dma_wait3A_958 = arith.constant 0 : i32
      %dma_wait3A_959 = tpu.memref_slice %arg17[%dma_wait3A_957, %dma_wait3A_958] : memref<4096x128xf32, #tpu.memory_space<vmem_shared>> -> memref<4096x128xf32, #tpu.memory_space<vmem_shared>>
      tpu.wait_indirect_dma semaphore(%arg25 : memref<!tpu.dma_semaphore, #tpu.memory_space<semaphore_mem>>) src(%arg14 : memref<128x128xf32, #tpu.memory_space<vmem>>) dst(%dma_wait3A_959 : memref<4096x128xf32, #tpu.memory_space<vmem_shared>>)
      %add3A_960 = arith.constant 3 : i32
      %add3A_961 = arith.addi %add3A_939, %add3A_960 : i32
      %lt3A_962 = arith.constant 78 : i32
      %lt3A_963 = arith.cmpi slt, %add3A_961, %lt3A_962 : i32
      %convert_element_type3A_964 = arith.extui %lt3A_963 : i1 to i32
      %cond3A_965 = arith.constant 0 : i32
      %cond3A_966 = arith.cmpi ne, %convert_element_type3A_964, %cond3A_965 : i32
      scf.if %cond3A_966 {
        %add3A_1067 = arith.constant 3 : i32
        %add3A_1068 = arith.addi %add3A_939, %add3A_1067 : i32
        %mul3A_1069 = arith.constant 128 : i32
        %mul3A_1070 = arith.muli %add3A_1068, %mul3A_1069 : i32
        %add3A_1071 = arith.addi %mul3A_2, %mul3A_1070 : i32
        %dma_start3A_1072 = arith.constant 0 : i32
        %dma_start3A_1073 = tpu.memref_slice %arg2[%add3A_1071, %dma_start3A_1072] : memref<320000x128xf32, #tpu.memory_space<hbm>> -> memref<128x128xf32, #tpu.memory_space<hbm>>
        %dma_start3A_1074 = arith.constant 0 : i32
        %dma_start3A_1075 = tpu.memref_slice %arg2[%add3A_1071, %dma_start3A_1074] : memref<320000x128xf32, #tpu.memory_space<hbm>> -> memref<128x128xf32, #tpu.memory_space<hbm>>
        tpu.enqueue_dma source(%dma_start3A_1075 : memref<128x128xf32, #tpu.memory_space<hbm>>) target(%arg14 : memref<128x128xf32, #tpu.memory_space<vmem>>) target_semaphore(%arg20 : memref<!tpu.dma_semaphore, #tpu.memory_space<semaphore_mem>>)
      } else {
      }
      %mul3A_967 = arith.constant 5 : i32
      %mul3A_968 = arith.muli %mul3A_967, %scan3A_903 : i32
      %add3A_969 = arith.constant 3 : i32
      %add3A_970 = arith.addi %mul3A_968, %add3A_969 : i32
      %add3A_971 = arith.constant 2 : i32
      %add3A_972 = arith.addi %add3A_970, %add3A_971 : i32
      %dma_wait3A_973 = arith.constant 0 : i32
      %dma_wait3A_974 = arith.constant 0 : i32
      %dma_wait3A_975 = tpu.memref_slice %arg2[%dma_wait3A_973, %dma_wait3A_974] : memref<320000x128xf32, #tpu.memory_space<hbm>> -> memref<128x128xf32, #tpu.memory_space<hbm>>
      %dma_wait3A_976 = arith.constant 0 : i32
      %dma_wait3A_977 = arith.constant 0 : i32
      %dma_wait3A_978 = tpu.memref_slice %arg2[%dma_wait3A_976, %dma_wait3A_977] : memref<320000x128xf32, #tpu.memory_space<hbm>> -> memref<128x128xf32, #tpu.memory_space<hbm>>
      tpu.wait_dma2 semaphore(%arg18 : memref<!tpu.dma_semaphore, #tpu.memory_space<semaphore_mem>>) src(%dma_wait3A_978 : memref<128x128xf32, #tpu.memory_space<hbm>>) dst(%arg12 : memref<128x128xf32, #tpu.memory_space<vmem>>)
      %mul3A_979 = arith.constant 128 : i32
      %mul3A_980 = arith.muli %add3A_972, %mul3A_979 : i32
      %dma_start3A_981 = tpu.memref_slice %arg5[%mul3A_980] : memref<10000xi32, #tpu.memory_space<vmem>> -> memref<128xi32, #tpu.memory_space<vmem>>
      %dma_start3A_982 = arith.constant 0 : i32
      %dma_start3A_983 = arith.constant 0 : i32
      %dma_start3A_984 = tpu.memref_slice %arg17[%dma_start3A_982, %dma_start3A_983] : memref<4096x128xf32, #tpu.memory_space<vmem_shared>> -> memref<4096x128xf32, #tpu.memory_space<vmem_shared>>
      tpu.enqueue_indirect_dma source(%arg12 : memref<128x128xf32, #tpu.memory_space<vmem>>) target(%dma_start3A_984 : memref<4096x128xf32, #tpu.memory_space<vmem_shared>>) offsets(%dma_start3A_981 : memref<128xi32, #tpu.memory_space<vmem>>) semaphore(%arg23 : memref<!tpu.dma_semaphore, #tpu.memory_space<semaphore_mem>>) {add = true}
      %sub3A_985 = arith.constant 2 : i32
      %sub3A_986 = arith.subi %add3A_972, %sub3A_985 : i32
      %mul3A_987 = arith.constant 128 : i32
      %mul3A_988 = arith.muli %sub3A_986, %mul3A_987 : i32
      %dma_wait3A_989 = tpu.memref_slice %arg5[%mul3A_988] : memref<10000xi32, #tpu.memory_space<vmem>> -> memref<128xi32, #tpu.memory_space<vmem>>
      %dma_wait3A_990 = arith.constant 0 : i32
      %dma_wait3A_991 = arith.constant 0 : i32
      %dma_wait3A_992 = tpu.memref_slice %arg17[%dma_wait3A_990, %dma_wait3A_991] : memref<4096x128xf32, #tpu.memory_space<vmem_shared>> -> memref<4096x128xf32, #tpu.memory_space<vmem_shared>>
      tpu.wait_indirect_dma semaphore(%arg26 : memref<!tpu.dma_semaphore, #tpu.memory_space<semaphore_mem>>) src(%arg15 : memref<128x128xf32, #tpu.memory_space<vmem>>) dst(%dma_wait3A_992 : memref<4096x128xf32, #tpu.memory_space<vmem_shared>>)
      %add3A_993 = arith.constant 3 : i32
      %add3A_994 = arith.addi %add3A_972, %add3A_993 : i32
      %lt3A_995 = arith.constant 78 : i32
      %lt3A_996 = arith.cmpi slt, %add3A_994, %lt3A_995 : i32
      %convert_element_type3A_997 = arith.extui %lt3A_996 : i1 to i32
      %cond3A_998 = arith.constant 0 : i32
      %cond3A_999 = arith.cmpi ne, %convert_element_type3A_997, %cond3A_998 : i32
      scf.if %cond3A_999 {
        %add3A_1067 = arith.constant 3 : i32
        %add3A_1068 = arith.addi %add3A_972, %add3A_1067 : i32
        %mul3A_1069 = arith.constant 128 : i32
        %mul3A_1070 = arith.muli %add3A_1068, %mul3A_1069 : i32
        %add3A_1071 = arith.addi %mul3A_2, %mul3A_1070 : i32
        %dma_start3A_1072 = arith.constant 0 : i32
        %dma_start3A_1073 = tpu.memref_slice %arg2[%add3A_1071, %dma_start3A_1072] : memref<320000x128xf32, #tpu.memory_space<hbm>> -> memref<128x128xf32, #tpu.memory_space<hbm>>
        %dma_start3A_1074 = arith.constant 0 : i32
        %dma_start3A_1075 = tpu.memref_slice %arg2[%add3A_1071, %dma_start3A_1074] : memref<320000x128xf32, #tpu.memory_space<hbm>> -> memref<128x128xf32, #tpu.memory_space<hbm>>
        tpu.enqueue_dma source(%dma_start3A_1075 : memref<128x128xf32, #tpu.memory_space<hbm>>) target(%arg15 : memref<128x128xf32, #tpu.memory_space<vmem>>) target_semaphore(%arg21 : memref<!tpu.dma_semaphore, #tpu.memory_space<semaphore_mem>>)
      } else {
      }
      %mul3A_1000 = arith.constant 5 : i32
      %mul3A_1001 = arith.muli %mul3A_1000, %scan3A_903 : i32
      %add3A_1002 = arith.constant 3 : i32
      %add3A_1003 = arith.addi %mul3A_1001, %add3A_1002 : i32
      %add3A_1004 = arith.constant 3 : i32
      %add3A_1005 = arith.addi %add3A_1003, %add3A_1004 : i32
      %dma_wait3A_1006 = arith.constant 0 : i32
      %dma_wait3A_1007 = arith.constant 0 : i32
      %dma_wait3A_1008 = tpu.memref_slice %arg2[%dma_wait3A_1006, %dma_wait3A_1007] : memref<320000x128xf32, #tpu.memory_space<hbm>> -> memref<128x128xf32, #tpu.memory_space<hbm>>
      %dma_wait3A_1009 = arith.constant 0 : i32
      %dma_wait3A_1010 = arith.constant 0 : i32
      %dma_wait3A_1011 = tpu.memref_slice %arg2[%dma_wait3A_1009, %dma_wait3A_1010] : memref<320000x128xf32, #tpu.memory_space<hbm>> -> memref<128x128xf32, #tpu.memory_space<hbm>>
      tpu.wait_dma2 semaphore(%arg19 : memref<!tpu.dma_semaphore, #tpu.memory_space<semaphore_mem>>) src(%dma_wait3A_1011 : memref<128x128xf32, #tpu.memory_space<hbm>>) dst(%arg13 : memref<128x128xf32, #tpu.memory_space<vmem>>)
      %mul3A_1012 = arith.constant 128 : i32
      %mul3A_1013 = arith.muli %add3A_1005, %mul3A_1012 : i32
      %dma_start3A_1014 = tpu.memref_slice %arg5[%mul3A_1013] : memref<10000xi32, #tpu.memory_space<vmem>> -> memref<128xi32, #tpu.memory_space<vmem>>
      %dma_start3A_1015 = arith.constant 0 : i32
      %dma_start3A_1016 = arith.constant 0 : i32
      %dma_start3A_1017 = tpu.memref_slice %arg17[%dma_start3A_1015, %dma_start3A_1016] : memref<4096x128xf32, #tpu.memory_space<vmem_shared>> -> memref<4096x128xf32, #tpu.memory_space<vmem_shared>>
      tpu.enqueue_indirect_dma source(%arg13 : memref<128x128xf32, #tpu.memory_space<vmem>>) target(%dma_start3A_1017 : memref<4096x128xf32, #tpu.memory_space<vmem_shared>>) offsets(%dma_start3A_1014 : memref<128xi32, #tpu.memory_space<vmem>>) semaphore(%arg24 : memref<!tpu.dma_semaphore, #tpu.memory_space<semaphore_mem>>) {add = true}
      %sub3A_1018 = arith.constant 2 : i32
      %sub3A_1019 = arith.subi %add3A_1005, %sub3A_1018 : i32
      %mul3A_1020 = arith.constant 128 : i32
      %mul3A_1021 = arith.muli %sub3A_1019, %mul3A_1020 : i32
      %dma_wait3A_1022 = tpu.memref_slice %arg5[%mul3A_1021] : memref<10000xi32, #tpu.memory_space<vmem>> -> memref<128xi32, #tpu.memory_space<vmem>>
      %dma_wait3A_1023 = arith.constant 0 : i32
      %dma_wait3A_1024 = arith.constant 0 : i32
      %dma_wait3A_1025 = tpu.memref_slice %arg17[%dma_wait3A_1023, %dma_wait3A_1024] : memref<4096x128xf32, #tpu.memory_space<vmem_shared>> -> memref<4096x128xf32, #tpu.memory_space<vmem_shared>>
      tpu.wait_indirect_dma semaphore(%arg27 : memref<!tpu.dma_semaphore, #tpu.memory_space<semaphore_mem>>) src(%arg16 : memref<128x128xf32, #tpu.memory_space<vmem>>) dst(%dma_wait3A_1025 : memref<4096x128xf32, #tpu.memory_space<vmem_shared>>)
      %add3A_1026 = arith.constant 3 : i32
      %add3A_1027 = arith.addi %add3A_1005, %add3A_1026 : i32
      %lt3A_1028 = arith.constant 78 : i32
      %lt3A_1029 = arith.cmpi slt, %add3A_1027, %lt3A_1028 : i32
      %convert_element_type3A_1030 = arith.extui %lt3A_1029 : i1 to i32
      %cond3A_1031 = arith.constant 0 : i32
      %cond3A_1032 = arith.cmpi ne, %convert_element_type3A_1030, %cond3A_1031 : i32
      scf.if %cond3A_1032 {
        %add3A_1067 = arith.constant 3 : i32
        %add3A_1068 = arith.addi %add3A_1005, %add3A_1067 : i32
        %mul3A_1069 = arith.constant 128 : i32
        %mul3A_1070 = arith.muli %add3A_1068, %mul3A_1069 : i32
        %add3A_1071 = arith.addi %mul3A_2, %mul3A_1070 : i32
        %dma_start3A_1072 = arith.constant 0 : i32
        %dma_start3A_1073 = tpu.memref_slice %arg2[%add3A_1071, %dma_start3A_1072] : memref<320000x128xf32, #tpu.memory_space<hbm>> -> memref<128x128xf32, #tpu.memory_space<hbm>>
        %dma_start3A_1074 = arith.constant 0 : i32
        %dma_start3A_1075 = tpu.memref_slice %arg2[%add3A_1071, %dma_start3A_1074] : memref<320000x128xf32, #tpu.memory_space<hbm>> -> memref<128x128xf32, #tpu.memory_space<hbm>>
        tpu.enqueue_dma source(%dma_start3A_1075 : memref<128x128xf32, #tpu.memory_space<hbm>>) target(%arg16 : memref<128x128xf32, #tpu.memory_space<vmem>>) target_semaphore(%arg22 : memref<!tpu.dma_semaphore, #tpu.memory_space<semaphore_mem>>)
      } else {
      }
      %mul3A_1033 = arith.constant 5 : i32
      %mul3A_1034 = arith.muli %mul3A_1033, %scan3A_903 : i32
      %add3A_1035 = arith.constant 3 : i32
      %add3A_1036 = arith.addi %mul3A_1034, %add3A_1035 : i32
      %add3A_1037 = arith.constant 4 : i32
      %add3A_1038 = arith.addi %add3A_1036, %add3A_1037 : i32
      %dma_wait3A_1039 = arith.constant 0 : i32
      %dma_wait3A_1040 = arith.constant 0 : i32
      %dma_wait3A_1041 = tpu.memref_slice %arg2[%dma_wait3A_1039, %dma_wait3A_1040] : memref<320000x128xf32, #tpu.memory_space<hbm>> -> memref<128x128xf32, #tpu.memory_space<hbm>>
      %dma_wait3A_1042 = arith.constant 0 : i32
      %dma_wait3A_1043 = arith.constant 0 : i32
      %dma_wait3A_1044 = tpu.memref_slice %arg2[%dma_wait3A_1042, %dma_wait3A_1043] : memref<320000x128xf32, #tpu.memory_space<hbm>> -> memref<128x128xf32, #tpu.memory_space<hbm>>
      tpu.wait_dma2 semaphore(%arg20 : memref<!tpu.dma_semaphore, #tpu.memory_space<semaphore_mem>>) src(%dma_wait3A_1044 : memref<128x128xf32, #tpu.memory_space<hbm>>) dst(%arg14 : memref<128x128xf32, #tpu.memory_space<vmem>>)
      %mul3A_1045 = arith.constant 128 : i32
      %mul3A_1046 = arith.muli %add3A_1038, %mul3A_1045 : i32
      %dma_start3A_1047 = tpu.memref_slice %arg5[%mul3A_1046] : memref<10000xi32, #tpu.memory_space<vmem>> -> memref<128xi32, #tpu.memory_space<vmem>>
      %dma_start3A_1048 = arith.constant 0 : i32
      %dma_start3A_1049 = arith.constant 0 : i32
      %dma_start3A_1050 = tpu.memref_slice %arg17[%dma_start3A_1048, %dma_start3A_1049] : memref<4096x128xf32, #tpu.memory_space<vmem_shared>> -> memref<4096x128xf32, #tpu.memory_space<vmem_shared>>
      tpu.enqueue_indirect_dma source(%arg14 : memref<128x128xf32, #tpu.memory_space<vmem>>) target(%dma_start3A_1050 : memref<4096x128xf32, #tpu.memory_space<vmem_shared>>) offsets(%dma_start3A_1047 : memref<128xi32, #tpu.memory_space<vmem>>) semaphore(%arg25 : memref<!tpu.dma_semaphore, #tpu.memory_space<semaphore_mem>>) {add = true}
      %sub3A_1051 = arith.constant 2 : i32
      %sub3A_1052 = arith.subi %add3A_1038, %sub3A_1051 : i32
      %mul3A_1053 = arith.constant 128 : i32
      %mul3A_1054 = arith.muli %sub3A_1052, %mul3A_1053 : i32
      %dma_wait3A_1055 = tpu.memref_slice %arg5[%mul3A_1054] : memref<10000xi32, #tpu.memory_space<vmem>> -> memref<128xi32, #tpu.memory_space<vmem>>
      %dma_wait3A_1056 = arith.constant 0 : i32
      %dma_wait3A_1057 = arith.constant 0 : i32
      %dma_wait3A_1058 = tpu.memref_slice %arg17[%dma_wait3A_1056, %dma_wait3A_1057] : memref<4096x128xf32, #tpu.memory_space<vmem_shared>> -> memref<4096x128xf32, #tpu.memory_space<vmem_shared>>
      tpu.wait_indirect_dma semaphore(%arg23 : memref<!tpu.dma_semaphore, #tpu.memory_space<semaphore_mem>>) src(%arg12 : memref<128x128xf32, #tpu.memory_space<vmem>>) dst(%dma_wait3A_1058 : memref<4096x128xf32, #tpu.memory_space<vmem_shared>>)
      %add3A_1059 = arith.constant 3 : i32
      %add3A_1060 = arith.addi %add3A_1038, %add3A_1059 : i32
      %lt3A_1061 = arith.constant 78 : i32
      %lt3A_1062 = arith.cmpi slt, %add3A_1060, %lt3A_1061 : i32
      %convert_element_type3A_1063 = arith.extui %lt3A_1062 : i1 to i32
      %cond3A_1064 = arith.constant 0 : i32
      %cond3A_1065 = arith.cmpi ne, %convert_element_type3A_1063, %cond3A_1064 : i32
      scf.if %cond3A_1065 {
        %add3A_1067 = arith.constant 3 : i32
        %add3A_1068 = arith.addi %add3A_1038, %add3A_1067 : i32
        %mul3A_1069 = arith.constant 128 : i32
        %mul3A_1070 = arith.muli %add3A_1068, %mul3A_1069 : i32
        %add3A_1071 = arith.addi %mul3A_2, %mul3A_1070 : i32
        %dma_start3A_1072 = arith.constant 0 : i32
        %dma_start3A_1073 = tpu.memref_slice %arg2[%add3A_1071, %dma_start3A_1072] : memref<320000x128xf32, #tpu.memory_space<hbm>> -> memref<128x128xf32, #tpu.memory_space<hbm>>
        %dma_start3A_1074 = arith.constant 0 : i32
        %dma_start3A_1075 = tpu.memref_slice %arg2[%add3A_1071, %dma_start3A_1074] : memref<320000x128xf32, #tpu.memory_space<hbm>> -> memref<128x128xf32, #tpu.memory_space<hbm>>
        tpu.enqueue_dma source(%dma_start3A_1075 : memref<128x128xf32, #tpu.memory_space<hbm>>) target(%arg12 : memref<128x128xf32, #tpu.memory_space<vmem>>) target_semaphore(%arg18 : memref<!tpu.dma_semaphore, #tpu.memory_space<semaphore_mem>>)
      } else {
      }
      %scan3A_1066 = arith.constant 0 : i32
      scf.yield %scan3A_1066 : i32
    }
    %scan3A_882 = arith.constant 15 : i32
    %dma_wait3A_883 = arith.constant 9728 : i32
    %dma_wait3A_884 = tpu.memref_slice %arg5[%dma_wait3A_883] : memref<10000xi32, #tpu.memory_space<vmem>> -> memref<128xi32, #tpu.memory_space<vmem>>
    %dma_wait3A_885 = arith.constant 0 : i32
    %dma_wait3A_886 = arith.constant 0 : i32
    %dma_wait3A_887 = tpu.memref_slice %arg17[%dma_wait3A_885, %dma_wait3A_886] : memref<4096x128xf32, #tpu.memory_space<vmem_shared>> -> memref<4096x128xf32, #tpu.memory_space<vmem_shared>>
    tpu.wait_indirect_dma semaphore(%arg24 : memref<!tpu.dma_semaphore, #tpu.memory_space<semaphore_mem>>) src(%arg13 : memref<128x128xf32, #tpu.memory_space<vmem>>) dst(%dma_wait3A_887 : memref<4096x128xf32, #tpu.memory_space<vmem_shared>>)
    %dma_wait3A_888 = arith.constant 9856 : i32
    %dma_wait3A_889 = tpu.memref_slice %arg5[%dma_wait3A_888] : memref<10000xi32, #tpu.memory_space<vmem>> -> memref<128xi32, #tpu.memory_space<vmem>>
    %dma_wait3A_890 = arith.constant 0 : i32
    %dma_wait3A_891 = arith.constant 0 : i32
    %dma_wait3A_892 = tpu.memref_slice %arg17[%dma_wait3A_890, %dma_wait3A_891] : memref<4096x128xf32, #tpu.memory_space<vmem_shared>> -> memref<4096x128xf32, #tpu.memory_space<vmem_shared>>
    tpu.wait_indirect_dma semaphore(%arg25 : memref<!tpu.dma_semaphore, #tpu.memory_space<semaphore_mem>>) src(%arg14 : memref<128x128xf32, #tpu.memory_space<vmem>>) dst(%dma_wait3A_892 : memref<4096x128xf32, #tpu.memory_space<vmem_shared>>)
    %add3A_893 = arith.constant 9984 : i32
    %add3A_894 = arith.addi %mul3A_2, %add3A_893 : i32
    "tpu.region"() ({
      %run_scoped3A = tpu.sem_alloc : memref<!tpu.dma_semaphore, #tpu.memory_space<semaphore_mem>>
      %dma_start3A_903 = arith.constant 0 : i32
      %dma_start3A_904 = arith.constant 0 : i32
      %dma_start3A_905 = tpu.memref_slice %arg12[%dma_start3A_903, %dma_start3A_904] : memref<128x128xf32, #tpu.memory_space<vmem>> -> memref<16x128xf32, #tpu.memory_space<vmem>>
      %dma_start3A_906 = arith.constant 0 : i32
      %dma_start3A_907 = tpu.memref_slice %arg2[%add3A_894, %dma_start3A_906] : memref<320000x128xf32, #tpu.memory_space<hbm>> -> memref<16x128xf32, #tpu.memory_space<hbm>>
      %dma_start3A_908 = arith.constant 0 : i32
      %dma_start3A_909 = arith.constant 0 : i32
      %dma_start3A_910 = tpu.memref_slice %arg12[%dma_start3A_908, %dma_start3A_909] : memref<128x128xf32, #tpu.memory_space<vmem>> -> memref<16x128xf32, #tpu.memory_space<vmem>>
      %dma_start3A_911 = arith.constant 0 : i32
      %dma_start3A_912 = tpu.memref_slice %arg2[%add3A_894, %dma_start3A_911] : memref<320000x128xf32, #tpu.memory_space<hbm>> -> memref<16x128xf32, #tpu.memory_space<hbm>>
      tpu.enqueue_dma source(%dma_start3A_912 : memref<16x128xf32, #tpu.memory_space<hbm>>) target(%dma_start3A_910 : memref<16x128xf32, #tpu.memory_space<vmem>>) target_semaphore(%run_scoped3A : memref<!tpu.dma_semaphore, #tpu.memory_space<semaphore_mem>>)
      %dma_wait3A_913 = arith.constant 0 : i32
      %dma_wait3A_914 = arith.constant 0 : i32
      %dma_wait3A_915 = tpu.memref_slice %arg12[%dma_wait3A_913, %dma_wait3A_914] : memref<128x128xf32, #tpu.memory_space<vmem>> -> memref<16x128xf32, #tpu.memory_space<vmem>>
      %dma_wait3A_916 = arith.constant 0 : i32
      %dma_wait3A_917 = tpu.memref_slice %arg2[%add3A_894, %dma_wait3A_916] : memref<320000x128xf32, #tpu.memory_space<hbm>> -> memref<16x128xf32, #tpu.memory_space<hbm>>
      %dma_wait3A_918 = arith.constant 0 : i32
      %dma_wait3A_919 = arith.constant 0 : i32
      %dma_wait3A_920 = tpu.memref_slice %arg12[%dma_wait3A_918, %dma_wait3A_919] : memref<128x128xf32, #tpu.memory_space<vmem>> -> memref<16x128xf32, #tpu.memory_space<vmem>>
      %dma_wait3A_921 = arith.constant 0 : i32
      %dma_wait3A_922 = tpu.memref_slice %arg2[%add3A_894, %dma_wait3A_921] : memref<320000x128xf32, #tpu.memory_space<hbm>> -> memref<16x128xf32, #tpu.memory_space<hbm>>
      tpu.wait_dma2 semaphore(%run_scoped3A : memref<!tpu.dma_semaphore, #tpu.memory_space<semaphore_mem>>) src(%dma_wait3A_922 : memref<16x128xf32, #tpu.memory_space<hbm>>) dst(%dma_wait3A_920 : memref<16x128xf32, #tpu.memory_space<vmem>>)
      tpu.yield
    }) : () -> ()
    "tpu.region"() ({
      %run_scoped3A = tpu.sem_alloc : memref<!tpu.dma_semaphore, #tpu.memory_space<semaphore_mem>>
      %dma_start3A_903 = arith.constant 0 : i32
      %dma_start3A_904 = arith.constant 0 : i32
      %dma_start3A_905 = tpu.memref_slice %arg12[%dma_start3A_903, %dma_start3A_904] : memref<128x128xf32, #tpu.memory_space<vmem>> -> memref<16x128xf32, #tpu.memory_space<vmem>>
      %dma_start3A_906 = arith.constant 9984 : i32
      %dma_start3A_907 = tpu.memref_slice %arg5[%dma_start3A_906] : memref<10000xi32, #tpu.memory_space<vmem>> -> memref<16xi32, #tpu.memory_space<vmem>>
      %dma_start3A_908 = arith.constant 0 : i32
      %dma_start3A_909 = arith.constant 0 : i32
      %dma_start3A_910 = tpu.memref_slice %arg17[%dma_start3A_908, %dma_start3A_909] : memref<4096x128xf32, #tpu.memory_space<vmem_shared>> -> memref<4096x128xf32, #tpu.memory_space<vmem_shared>>
      tpu.enqueue_indirect_dma source(%dma_start3A_905 : memref<16x128xf32, #tpu.memory_space<vmem>>) target(%dma_start3A_910 : memref<4096x128xf32, #tpu.memory_space<vmem_shared>>) offsets(%dma_start3A_907 : memref<16xi32, #tpu.memory_space<vmem>>) semaphore(%run_scoped3A : memref<!tpu.dma_semaphore, #tpu.memory_space<semaphore_mem>>) {add = true}
      %dma_wait3A_911 = arith.constant 0 : i32
      %dma_wait3A_912 = arith.constant 0 : i32
      %dma_wait3A_913 = tpu.memref_slice %arg12[%dma_wait3A_911, %dma_wait3A_912] : memref<128x128xf32, #tpu.memory_space<vmem>> -> memref<16x128xf32, #tpu.memory_space<vmem>>
      %dma_wait3A_914 = arith.constant 9984 : i32
      %dma_wait3A_915 = tpu.memref_slice %arg5[%dma_wait3A_914] : memref<10000xi32, #tpu.memory_space<vmem>> -> memref<16xi32, #tpu.memory_space<vmem>>
      %dma_wait3A_916 = arith.constant 0 : i32
      %dma_wait3A_917 = arith.constant 0 : i32
      %dma_wait3A_918 = tpu.memref_slice %arg17[%dma_wait3A_916, %dma_wait3A_917] : memref<4096x128xf32, #tpu.memory_space<vmem_shared>> -> memref<4096x128xf32, #tpu.memory_space<vmem_shared>>
      tpu.wait_indirect_dma semaphore(%run_scoped3A : memref<!tpu.dma_semaphore, #tpu.memory_space<semaphore_mem>>) src(%dma_wait3A_913 : memref<16x128xf32, #tpu.memory_space<vmem>>) dst(%dma_wait3A_918 : memref<4096x128xf32, #tpu.memory_space<vmem_shared>>)
      tpu.yield
    }) : () -> ()
    %barrier3A_895 = arith.constant 0 : index
    tpu.barrier barrier_id(%barrier3A_895)
    %mul3A_896 = arith.constant 256 : i32
    %mul3A_897 = arith.muli %arg1, %mul3A_896 : i32
    %mul3A_898 = arith.constant 4096 : i32
    %mul3A_899 = arith.muli %arg0, %mul3A_898 : i32
    %mul3A_900 = arith.constant 256 : i32
    %mul3A_901 = arith.muli %arg1, %mul3A_900 : i32
    %add3A_902 = arith.addi %mul3A_899, %mul3A_901 : i32
    "tpu.region"() ({
      %run_scoped3A = tpu.sem_alloc : memref<!tpu.dma_semaphore, #tpu.memory_space<semaphore_mem>>
      %dma_start3A_903 = arith.constant 0 : i32
      %dma_start3A_904 = tpu.memref_slice %arg4[%add3A_902, %dma_start3A_903] : memref<8192x128xf32, #tpu.memory_space<hbm>> -> memref<256x128xf32, #tpu.memory_space<hbm>>
      %dma_start3A_905 = arith.constant 0 : i32
      %dma_start3A_906 = tpu.memref_slice %arg17[%mul3A_897, %dma_start3A_905] : memref<4096x128xf32, #tpu.memory_space<vmem_shared>> -> memref<256x128xf32, #tpu.memory_space<vmem_shared>>
      tpu.enqueue_dma source(%dma_start3A_906 : memref<256x128xf32, #tpu.memory_space<vmem_shared>>) target(%dma_start3A_904 : memref<256x128xf32, #tpu.memory_space<hbm>>) target_semaphore(%run_scoped3A : memref<!tpu.dma_semaphore, #tpu.memory_space<semaphore_mem>>)
      %dma_wait3A_907 = arith.constant 0 : i32
      %dma_wait3A_908 = tpu.memref_slice %arg4[%add3A_902, %dma_wait3A_907] : memref<8192x128xf32, #tpu.memory_space<hbm>> -> memref<256x128xf32, #tpu.memory_space<hbm>>
      %dma_wait3A_909 = arith.constant 0 : i32
      %dma_wait3A_910 = tpu.memref_slice %arg17[%mul3A_897, %dma_wait3A_909] : memref<4096x128xf32, #tpu.memory_space<vmem_shared>> -> memref<256x128xf32, #tpu.memory_space<vmem_shared>>
      tpu.wait_dma2 semaphore(%run_scoped3A : memref<!tpu.dma_semaphore, #tpu.memory_space<semaphore_mem>>) src(%dma_wait3A_910 : memref<256x128xf32, #tpu.memory_space<vmem_shared>>) dst(%dma_wait3A_908 : memref<256x128xf32, #tpu.memory_space<hbm>>)
      tpu.yield
    }) : () -> ()
    return
  }
}

module attributes {stable_mosaic.version = 14 : i64} {
  func.func @_add_partials(%arg0: memref<2x4096x128xf32, #tpu.memory_space<vmem>>, %arg1: memref<4096x128xf32, #tpu.memory_space<vmem>>) attributes {dimension_semantics = [], scalar_prefetch = 0 : i64, scratch_operands = 0 : i64, tpu.core_type = #tpu.core_type<tc>} {
    %get3A = arith.constant 0 : index
    %get3A_0 = arith.constant 0 : index
    %get3A_1 = arith.constant 0 : index
    %get3A_2 = vector.load %arg0[%get3A, %get3A_0, %get3A_1] : memref<2x4096x128xf32, #tpu.memory_space<vmem>>, vector<1x4096x128xf32>
    %get3A_3 = vector.shape_cast %get3A_2 : vector<1x4096x128xf32> to vector<4096x128xf32>
    %get3A_4 = arith.constant 1 : index
    %get3A_5 = arith.constant 0 : index
    %get3A_6 = arith.constant 0 : index
    %get3A_7 = vector.load %arg0[%get3A_4, %get3A_5, %get3A_6] : memref<2x4096x128xf32, #tpu.memory_space<vmem>>, vector<1x4096x128xf32>
    %get3A_8 = vector.shape_cast %get3A_7 : vector<1x4096x128xf32> to vector<4096x128xf32>
    %add3A = arith.addf %get3A_3, %get3A_8 : vector<4096x128xf32>
    %swap3A = arith.constant 0 : index
    %swap3A_9 = arith.constant 0 : index
    %swap3A_10 = vector.load %arg1[%swap3A, %swap3A_9] : memref<4096x128xf32, #tpu.memory_space<vmem>>, vector<4096x128xf32>
    tpu.vector_store %arg1[%swap3A, %swap3A_9], %add3A {strides = array<i32>} : memref<4096x128xf32, #tpu.memory_space<vmem>>, vector<4096x128xf32>,
    return
  }
}

</mosaic_0001>

<sc_bundles>
// kernel: kernel.4.cloned.1.call-start
scs
__scs_entry_jumppad:
0x0: {  	(pc) =	sbr.rel $0x88, $3  }
0x1: {  	(tag) =	ssettag $0x0;
	lr =	simm.s32 $0x1  }
0x2: {  	[smem:$0x3F9F] =	sst lr;
	_ =	strace $0xD0000000  }
0x3: {  	_ = 	snop  }
0x4: {  	_ = 	snop  }
0x5: {  	_ = 	snop  }
0x6: {  	_ = 	snop  }
0x7: {  	_ = 	snop  }
__scs_overlays_trampoline_lowered:
0x8: {  	[smem:$0x3FAE] =	sst s0  }
0x9: {  	[smem:$0x3FAF] =	sst s1  }
0xa: {  	[smem:$0x3FB0] =	sst s2  }
0xb: {  	[smem:$0x3FB1] =	sst s3  }
0xc: {  	[smem:$0x3FB2] =	sst s4  }
0xd: {  	[smem:$0x3FB3] =	sst s5  }
0xe: {  	[smem:$0x3FB4] =	sst s6  }
0xf: {  	[smem:$0x3FB5] =	sst s7  }
0x10: {  	[smem:$0x3FB6] =	sst s8  }
0x11: {  	[smem:$0x3FB7] =	sst s9;
	s0 =	simm.s32 @!p0 $0x0  }
0x12: {  	s1 =	sld [smem:$0x3F9D];
	s0 =	simm.s32 @p0 $0x1  }
0x13: {  	[smem:$0x3FB8] =	sst s0;
	s0 =	simm.s32 @!p1 $0x0  }
0x14: {  	s2 =	sld [smem:$0x3F9C];
	s0 =	simm.s32 @p1 $0x1  }
0x15: {  	[smem:$0x3FB9] =	sst s0;
	s0 =	simm.s32 @!p2 $0x0  }
0x16: {  	s3 =	sld [smem:$0x3FDB];
	s0 =	simm.s32 @p2 $0x1  }
0x17: {  	s4 =	simm.s32 $0x1BF5;
	[smem:$0x3FBB] =	sst s0  }
0x18: {  	s0 =	sld [smem:$0x3F9E];
	_ =	swait.ge [sflag:s4], $0x0  }
0x19: {  	s7 =	sld [smem:$0x3F9F]  }
0x1a: {  	s8 =	sadd.s32 $0xFFFFE003, lr  }
0x1b: {  	s9 =	sadd.s32 $0xFFFFFEF7, lr;
	s5 =	simm.s32 $0xFFFFFFFF;
	p2 =	slt.u32 s8, $0xFFFFF086  }
0x1c: {  	p1 =	slt.u32 s9, $0xF7A;
	s5 =	simm.s32 @!p2 $0x0  }
0x1d: {  	s5 =	simm.s32 @p1 $0x1;
	p0 =	seq.s32 s7, s2  }
0x1e: {  	s7 =	smul.u32 @!p0 $0xF7A, s2;
	p2 =	seq.s32 @!p0 s5, $0x0  }
0x1f: {  	s9 =	smul.u32 $0xF7A, s1;
	s8 =	simm.s32 @!p0 $0x1BF5;
	p2 =	por !p2, p0  }
0x20: {  	[sflag:s8] =	ssyncset.s32 @!p0 $0xFFFFF086;
	s6 =	sadd.s32 @!p0 s3, s7;
	s7 =	simm.s32 @!p0 $0x108  }
0x21: {  	s3 =	sadd.s32 s3, s9;
	s6 =	sadd.s32 @!p0 $0x88, s6;
	s7 =	simm.s32 @p2 $0x1082  }
0x22: {  	[simem:s7], [sflag:s8] =	dma.local @!p0 [hbm:s6], $0xF7A  }
0x23: {  	s9 =	sor.u32 $0xD0000000, s2;
	s6 =	simm.s32 $0x108;
	_ =	swait.ge @!p0 [sflag:s8], $0x0  }
0x24: {  	s3 =	sadd.s32 $0x88, s3;
	s6 =	simm.s32 @!p1 $0x1082;
	[sflag:s4] =	ssyncset.s32 $0xFFFFF086  }
0x25: {  	[simem:s6], [sflag:s4] =	dma.local [hbm:s3], $0xF7A  }
0x26: {  	[smem:$0x3F9F] =	sst s1;
	(tag) =	ssettag s2;
	_ =	strace s9  }
0x27: {  	s1 =	sld [smem:$0x3FAF]  }
0x28: {  	s2 =	sld [smem:$0x3FB0]  }
0x29: {  	s4 =	sld [smem:$0x3FB2]  }
0x2a: {  	p0 =	seq.s32 s5, $0x0;
	s5 =	sld [smem:$0x3FB3]  }
0x2b: {  	s6 =	sld [smem:$0x3FB4]  }
0x2c: {  	s7 =	sld [smem:$0x3FB5]  }
0x2d: {  	s3 =	simm.s32 $0x108;
	s8 =	sld [smem:$0x3FB6]  }
0x2e: {  	s3 =	simm.s32 @!p0 $0x1082;
	s9 =	sld [smem:$0x3FB7]  }
0x2f: {  	lr =	sadd.s32 s0, s3;
	s0 =	sld [smem:$0x3FAE]  }
0x30: {  	s3 =	sld [smem:$0x3FB1]  }
0x31: {  	[smem:$0x3FBA] =	sst s10  }
0x32: {  	s10 =	sld [smem:$0x3FB8];
	_ =	sdelay $0x3  }
0x33: {  	p0 =	seq.s32 s10, $0x1;
	s10 =	sld [smem:$0x3FBA];
	_ =	sdelay $0x3  }
0x34: {  	[smem:$0x3FBA] =	sst s10  }
0x35: {  	s10 =	sld [smem:$0x3FB9];
	_ =	sdelay $0x3  }
0x36: {  	p1 =	seq.s32 s10, $0x1;
	s10 =	sld [smem:$0x3FBA];
	_ =	sdelay $0x3  }
0x37: {  	[smem:$0x3FBA] =	sst s10  }
0x38: {  	s10 =	sld [smem:$0x3FBB]  }
0x39: {  	_ = 	snop;
	(pc) =	sbr.ind lr, $3  }
0x3a: {  	_ = 	snop  }
0x3b: {  	_ = 	snop  }
0x3c: {  	p2 =	seq.s32 s10, $0x1;
	s10 =	sld [smem:$0x3FBA]  }
0x3d: {  	_ =	shalt  }
0x3e: {  	_ =	shalt  }
0x3f: {  	_ =	shalt  }
0x40: {  	_ =	shalt  }
0x41: {  	_ =	shalt  }
0x42: {  	_ =	shalt  }
0x43: {  	_ =	shalt  }
0x44: {  	_ =	shalt  }
0x45: {  	_ =	shalt  }
0x46: {  	_ =	shalt  }
0x47: {  	_ =	shalt  }
0x48: {  	_ =	shalt  }
0x49: {  	_ =	shalt  }
0x4a: {  	_ =	shalt  }
0x4b: {  	_ =	shalt  }
0x4c: {  	_ =	shalt  }
0x4d: {  	_ =	shalt  }
0x4e: {  	_ =	shalt  }
0x4f: {  	_ =	shalt  }
0x50: {  	_ =	shalt  }
0x51: {  	_ =	shalt  }
0x52: {  	_ =	shalt  }
0x53: {  	_ =	shalt  }
0x54: {  	_ =	shalt  }
0x55: {  	_ =	shalt  }
0x56: {  	_ =	shalt  }
0x57: {  	_ =	shalt  }
0x58: {  	_ =	shalt  }
0x59: {  	_ =	shalt  }
0x5a: {  	_ =	shalt  }
0x5b: {  	_ =	shalt  }
0x5c: {  	_ =	shalt  }
0x5d: {  	_ =	shalt  }
0x5e: {  	_ =	shalt  }
0x5f: {  	_ =	shalt  }
0x60: {  	_ =	shalt  }
0x61: {  	_ =	shalt  }
0x62: {  	_ =	shalt  }
0x63: {  	_ =	shalt  }
0x64: {  	_ =	shalt  }
0x65: {  	_ =	shalt  }
0x66: {  	_ =	shalt  }
0x67: {  	_ =	shalt  }
0x68: {  	_ =	shalt  }
0x69: {  	_ =	shalt  }
0x6a: {  	_ =	shalt  }
0x6b: {  	_ =	shalt  }
0x6c: {  	_ =	shalt  }
0x6d: {  	_ =	shalt  }
0x6e: {  	_ =	shalt  }
0x6f: {  	_ =	shalt  }
0x70: {  	_ =	shalt  }
0x71: {  	_ =	shalt  }
0x72: {  	_ =	shalt  }
0x73: {  	_ =	shalt  }
0x74: {  	_ =	shalt  }
0x75: {  	_ =	shalt  }
0x76: {  	_ =	shalt  }
0x77: {  	_ =	shalt  }
0x78: {  	_ =	shalt  }
0x79: {  	_ =	shalt  }
0x7a: {  	_ =	shalt  }
0x7b: {  	_ =	shalt  }
0x7c: {  	_ =	shalt  }
0x7d: {  	_ =	shalt  }
0x7e: {  	_ =	shalt  }
0x7f: {  	_ =	shalt  }
0x80: {  	_ =	shalt  }
0x81: {  	_ =	shalt  }
0x82: {  	_ =	shalt  }
0x83: {  	_ =	shalt  }
0x84: {  	_ =	shalt  }
0x85: {  	_ =	shalt  }
0x86: {  	_ =	shalt  }
0x87: {  	_ =	shalt  }
.Lfunc_end0:
.L_simem_size_0:
called_computation_lowered:
.L_overlay_start_0:
0x88: {  	s2 =	sld [smem:$0x3FD9]  }
0x89: {  	s3 =	sld [smem:$0x3FFE];
	_ =	sdelay $0x1  }
0x8a: {  	s1 =	srdreg.scid  }
0x8b: {  	s0 =	sand.u32 $0x1, s1  }
0x8c: {  	s17 =	sshll.u32 s0, $0xA;
	s2 =	sadd.s32 s3, s2  }
0x8d: {  	s2 =	sadd.s32 s2, s17  }
0x8e: {  	[smem:$0x3FC6] =	sst s2  }
0x8f: {  	_ = 	snop  }
0x90: {  	s2 =	sld [smem:$0x3FC9];
	(tm) =	ssettm $0x1  }
0x91: {  	s18 =	sld [smem:$0x3FFB];
	_ =	sdelay $0x3  }
0x92: {  	_ =	strace s18  }
0x93: {  	s3 =	sld [smem:$0x3FFC];
	_ =	sdelay $0x3  }
0x94: {  	_ =	strace s3  }
0x95: {  	s3 =	sld [smem:$0x3FFD];
	_ =	sdelay $0x3  }
0x96: {  	_ =	strace s3  }
0x97: {  	_ =	strace $0x8FFFFFFF  }
0x98: {  	s19 =	sld [smem:$0x3FDB];
	_ =	sdelay $0x1  }
0x99: {  	s4 =	simm.s32 $_scs_section_size  }
0x9a: {  	s5 =	simm.s32 $_size__tile_overlayer_lowered;
	s6 =	simm.s32 $_tile_overlayer_lowered  }
0x9b: {  	s22 =	simm.s32 $0x1BFF;
	s21 =	sshll.u32 s6, $0x1;
	s3 =	sadd.s32 s4, s19  }
0x9c: {  	s7 =	simm.s32 $0x0;
	s20 =	sshll.u32 s5, $0x1;
	s5 =	sadd.s32 s21, s3  }
0x9d: {  	[timem:s7], [sflag:s22] =	dma.local [hbm:s5], s20  }
0x9e: {  	_ =	swait.ge [sflag:s22], s20  }
0x9f: {  	s4 =	ssub.s32 $0x0, s20;
	[sflag:s22] =	ssyncset.done $0x0  }
0xa0: {  	[sflag:s22] =	ssyncadd.s32 s4;
	_ =	sdelay $0x1  }
0xa1: {  	s23 =	simm.s32 $0x1B8B  }
0xa2: {  	_ =	swait.ge [sflag:s23], $0x1  }
0xa3: {  	[sflag:s23] =	ssyncset.done $0x0  }
0xa4: {  	s25 =	simm.s32 $0x1B8E;
	s24 =	sld [smem:$0x3FFE];
	[sflag:s23] =	ssyncadd.s32 $0xFFFFFFFF  }
0xa5: {  	s26 =	simm.s32 $execute0_lowered;
	[smem:$0x3FD2] =	sst s25  }
0xa6: {  	s5 =	sshll.u32 s26, $0x1;
	_ =	strace $0x80000046;
	[dreg:$0x1] =	wrdreg $0xFFFFFFFF  }
0xa7: {  	s28 =	simm.s32 $_size_execute0_lowered;
	s3 =	sadd.s32 s3, s5;
	[dreg:$0x0] =	wrdreg $0x0  }
0xa8: {  	s5 =	sshll.u32 s28, $0x1;
	[dreg:$0x2] =	wrdreg s3  }
0xa9: {  	[dreg:$0x3] =	wrdreg s5  }
0xaa: {  	[dreg:$0x4] =	wrdreg $0xC0  }
0xab: {  	_ =	task [dreg:s7], $0x5FFFF  }
0xac: {  	[dreg:$0x1] =	wrdreg $0xFFFFFFFF  }
0xad: {  	[dreg:$0x0] =	wrdreg $0x60  }
0xae: {  	[dreg:$0x2] =	wrdreg s2  }
0xaf: {  	[dreg:$0x3] =	wrdreg s24  }
0xb0: {  	[dreg:$0x4] =	wrdreg $0x173800  }
0xb1: {  	[dreg:$0x5] =	wrdreg $0x9  }
0xb2: {  	_ =	task.clear_ibuf [dreg:s7], $0x6FFFF;
	_ =	strace $0x90000046  }
0xb3: {  	s29 =	simm.s32 $0x9;
	_ =	strace $0x80000048  }
0xb4: {  	_ =	swait.ge [sflag:s29], $0x1  }
0xb5: {  	[sflag:s29] =	ssyncadd.s32 $0xFFFFFFFF  }
0xb6: {  	_ =	strace $0x90000048  }
0xb7: {  	_ =	sfence  }
0xb8: {  	s30 =	sld [smem:$0x0];
	_ =	sdelay $0x2  }
0xb9: {  	s31 =	sshll.u32 s1, $0xD;
	s1 =	sshrl.u32 s1, $0x2  }
0xba: {  	s3 =	sand.u32 $0x4000, s31;
	s1 =	sadd.s32 s1, s30  }
0xbb: {  	s0 =	sor.u32 s3, s0;
	s1 =	sshll.u32 s1, $0x11  }
0xbc: {  	s0 =	sor.u32 s1, s0  }
0xbd: {  	s0 =	sadd.s32 $0x8F2B, s0  }
0xbe: {  	[sflag:s0] =	ssyncadd.remote.s32 $0x1  }
0xbf: {  	_ =	sfence.sel $0xFFFF  }
0xc0: {  	[dreg:$0x0] =	wrdreg $0xFFFFFFFF;
	(pc) =	sbr.abs _section_cstart, $3  }
0xc1: {  	[dreg:$0x1] =	wrdreg $0xFFFFFFFF  }
0xc2: {  	_ =	task.clear_ibuf [dreg:s7], $0x2FFFF;
	_ =	strace $0x9FFFFFFF  }
0xc3: {  	(tm) =	ssettm $0x7FFFFFFF  }
tec
execute0_lowered:
.L_overlay_start_1:
0x0: {  	(tag) =	ssettag $0x1  }
0x1: {  	s0 =	rddreg [dreg:$0x0]  }
0x2: {  	s1 =	rddreg [dreg:$0x1]  }
0x3: {  	s2 =	rddreg [dreg:$0x2]  }
0x4: {  	s3 =	simm.s32 $0x0;
	s10 =	stileid.u32;
	s4 =	srdreg.scid  }
0x5: {  	s28 =	simm.s32 $0xB380;
	s29 =	simm.s32 $0xB;
	s30 =	simm.s32 $0xC  }
0x6: {  	s31 =	simm.s32 $0xD;
	[smem:$0x7FF] =	sst s3;
	s4 =	sand.u32 $0x1, s4  }
0x7: {  	s5 =	sshll.u32 s10, $0x1;
	s20 =	sadd.s32 $0x600, s1;
	s12 =	smul.u32 $0x4E20, s10  }
0x8: {  	s6 =	sshll.u32 s10, $0xC;
	s24 =	sshll.u32 s10, $0xF;
	s18 =	smul.u32 $0x271000, s10  }
0x9: {  	_ =	strace $0x80000047;
	s5 =	sor.u32 s4, s5;
	s14 =	smul.u32 $0x2710, s4  }
0xa: {  	s7 =	ssub.s32 $0x2, s4;
	s16 =	sshll.u32 s4, $0x10;
	s4 =	smul.u32 $0x138800, s4  }
0xb: {  	s1 =	sadd.s32 s6, s1;
	s19 =	sadd.s32 s24, s2;
	s8 =	smul.u32 $0x2710, s5  }
0xc: {  	[dreg:$0x4] =	wrdreg s20;
	s22 =	sshrl.u32 s7, $0x1;
	s9 =	smul.u32 $0x138800, s5  }
0xd: {  	s5 =	smul.u32 $0x27100, s5;
	s1 =	sadd.s32 s16, s1;
	[dreg:$0x6] =	wrdreg s19  }
0xe: {  	s6 =	ssub.s32 s7, s22;
	s17 =	sadd.s32 s14, s12;
	s1 =	sadd.s32 $0x1DC00, s1  }
0xf: {  	s4 =	sadd.s32 s4, s18;
	s18 =	sadd.s32 $0x4000, s19;
	s23 =	sshrl.u32 s8, $0x3  }
0x10: {  	s25 =	sshrl.u32 s9, $0x3;
	s5 =	sadd.s32 s0, s5;
	[dreg:$0xe] =	wrdreg s1  }
0x11: {  	s21 =	sadd.s32 $0x4B0, s17;
	s6 =	smax.u32 s6, $0x1;
	s22 =	sadd.s32 $0x9C8B0, s17  }
0x12: {  	s24 =	sadd.s32 $0x4E6B0, s17;
	s7 =	sadd.s32 $0x24000, s4;
	[dreg:$0x1a] =	wrdreg s18  }
0x13: {  	s10 =	sadd.s32 $0x9C720, s17;
	s12 =	sadd.s32 $0x4E520, s17;
	[dreg:$0x7] =	wrdreg s5  }
0x14: {  	s11 =	sadd.s32 s20, s23;
	s26 =	sadd.s32 s0, s25;
	[dreg:$0xf] =	wrdreg s6  }
0x15: {  	s1 =	sshrl.u32 s21, $0x3;
	s8 =	sadd.s32 $0x800, s26;
	[dreg:$0x5] =	wrdreg s11  }
0x16: {  	s23 =	sshrl.u32 s22, $0x3;
	s9 =	sadd.s32 $0x1000, s26;
	[dreg:$0x8] =	wrdreg s8  }
0x17: {  	s25 =	sadd.s32 $0x28000, s4;
	s13 =	sadd.s32 $0x2000, s26;
	[dreg:$0x9] =	wrdreg s9  }
0x18: {  	s15 =	sadd.s32 $0x2800, s26;
	s5 =	sadd.s32 $0x27000, s26;
	[dreg:$0xb] =	wrdreg s13  }
0x19: {  	s1 =	sadd.s32 s1, s20;
	s6 =	sshrl.u32 s25, $0x3;
	[dreg:$0xc] =	wrdreg s15  }
0x1a: {  	s14 =	sadd.s32 $0x13880, s11;
	s16 =	sadd.s32 $0x9C72, s11;
	[dreg:$0xd] =	wrdreg s5  }
0x1b: {  	s8 =	sadd.s32 $0x1800, s26;
	[dreg:$0x10] =	wrdreg s1;
	s1 =	sadd.s32 s23, s20  }
0x1c: {  	s26 =	sadd.s32 s6, s0;
	s6 =	sshrl.u32 s7, $0x3;
	[dreg:$0x16] =	wrdreg s14  }
0x1d: {  	s7 =	sadd.s32 $0x20000, s4;
	s13 =	sadd.s32 $0x9C40, s11;
	[dreg:$0x18] =	wrdreg s16  }
0x1e: {  	s15 =	sadd.s32 $0x32, s11;
	s5 =	simm.s32 $0x10;
	[dreg:$0xa] =	wrdreg s8  }
0x1f: {  	s14 =	simm.s32 $0x80;
	s16 =	simm.s32 $0x0;
	[dreg:$0x11] =	wrdreg s1  }
0x20: {  	s1 =	sshrl.u32 s24, $0x3;
	[dreg:$0x13] =	wrdreg s26;
	s8 =	sadd.s32 $0x1C000, s4  }
0x21: {  	s4 =	sadd.s32 $0x18000, s4;
	s24 =	sadd.s32 $0x320, s17;
	[dreg:$0x15] =	wrdreg s13  }
0x22: {  	[dreg:$0x17] =	wrdreg s15;
	s17 =	sadd.s32 $0x138B2, s11;
	s13 =	simm.s32 $0x3380  }
0x23: {  	s11 =	simm.s32 $0x8;
	s1 =	sadd.s32 s1, s20;
	[dreg:$0x19] =	wrdreg s17  }
0x24: {  	s15 =	simm.s32 $0x9;
	s9 =	sshrl.u32 s4, $0x3;
	[dreg:$0x12] =	wrdreg s1  }
0x25: {  	s1 =	sadd.s32 s6, s0;
	s6 =	sshrl.u32 s8, $0x3;
	s23 =	sadd.s32 s9, s0  }
0x26: {  	s8 =	simm.s32 $0x4;
	s9 =	simm.s32 $0x7;
	[dreg:$0x14] =	wrdreg s1  }
.Ltmp0:
0x27: {  	s1 =	sshrl.u32 s7, $0x3;
	s22 =	sadd.s32 s6, s0;
	(pc) =	sbr.rel .LBB2_1-.Ltmp0, $4  }
0x28: {  	s6 =	simm.s32 $0x1;
	s7 =	simm.s32 $0x6;
	s21 =	sadd.s32 s1, s0  }
0x29: {  	s0 =	sshrl.u32 s10, $0x3;
	s1 =	sshrl.u32 s12, $0x3;
	s12 =	simm.s32 $0x3  }
0x2a: {  	s10 =	simm.s32 $0x5;
	s25 =	sadd.s32 s0, s20;
	s26 =	sadd.s32 s1, s20  }
0x2b: {  	v0 =	vimm.f32 $0.0e+00;
	s0 =	simm.s32 $0xE;
	s1 =	simm.s32 $0xF;
	[dreg:$0x1b] =	wrdreg s21  }
.LBB2_9:
0x2c: {  	_ =	swait.ge [sflag:s9], $0x4000  }
0x2d: {  	[sflag:s9] =	ssyncset.done $0x0  }
0x2e: {  	[sflag:s9] =	ssyncadd.s32 $0xFFFFC000  }
0x2f: {  	_ =	swait.ge [sflag:s11], $0x4000  }
0x30: {  	[sflag:s11] =	ssyncset.done $0x0  }
0x31: {  	s18 =	simm.s32 $0x11;
	s4 =	rddreg [dreg:$0xd];
	[sflag:s11] =	ssyncadd.s32 $0xFFFFC000  }
0x32: {  	[tilespmem:s13], [sflag:$0x11] =	stream.linear.gather [hbm4b:s4+s3], $0x800, $0x38;
	[tilespmem:$0x1F380] =	vst v63  }
0x33: {  	_ =	swait.ge [sflag:s18], $0x800  }
0x34: {  	[sflag:s18] =	ssyncset.done $0x0  }
0x35: {  	s17 =	simm.s32 $0x2700;
	[sflag:s18] =	ssyncadd.s32 $0xFFFFF800  }
0x36: {  	[spmem:s2] =	stream.indirect.scatter.add.f32 [tilespmem:s13], [sflag:$0x11], $0x80, s17, s5, $0xb8;
	[tilespmem:$0x1F380] =	vst v63  }
0x37: {  	_ =	swait.ge [sflag:s18], $0x800  }
0x38: {  	[sflag:s18] =	ssyncset.done $0x0  }
0x39: {  	[sflag:s18] =	ssyncadd.s32 $0xFFFFF800  }
0x3a: {  	s19 =	stileid.u32;
	[bflag:$0x0] =	sbarrier.arrive $0xFFFF  }
0x3b: {  	s4 =	sshll.u32 s19, $0x6;
	s19 =	rddreg [dreg:$0x6]  }
0x3c: {  	s4 =	sor.u32 $0x1C11, s4;
	s17 =	rddreg [dreg:$0xe];
	s16 =	sshrl.u32 s19, $0x3  }
0x3d: {  	[hbm:s17], [sflag:s4] =	dma.local [spmem:s16], $0x1000  }
0x3e: {  	_ =	swait.ge [sflag:s18], $0x1000  }
0x3f: {  	s20 =	rddreg [dreg:$0x1c]  }
0x40: {  	s21 =	rddreg [dreg:$0xf];
	s16 =	sadd.s32 $0x1, s20  }
0x41: {  	p0 =	sne.s32 s16, s21  }
.Ltmp1:
0x42: {  	_ = 	snop;
	(pc) =	sbr.rel @!p0 .LBB2_10-.Ltmp1, $3  }
0x43: {  	_ =	sdelay $0x1  }
0x44: {  	[sflag:s18] =	ssyncset.done $0x0  }
0x45: {  	[sflag:s18] =	ssyncadd.s32 $0xFFFFF000;
	s20 =	rddreg [dreg:$0x4]  }
.LBB2_1:
0x46: {  	[dreg:$0x1c] =	wrdreg s16  }
0x47: {  	s4 =	rddreg [dreg:$0x5];
	s21 =	simm.s32 $0x2780  }
0x48: {  	[tilespmem:s21], [sflag:$0xB] =	stream.linear.gather [hbm4b:s4+s3], $0x190, $0x38;
	[tilespmem:$0x1F380] =	vst v63  }
0x49: {  	s16 =	rddreg [dreg:$0x15];
	s17 =	simm.s32 $0x2980  }
0x4a: {  	[tilespmem:s17], [sflag:$0xC] =	stream.linear.gather [hbm4b:s16+s3], $0x190, $0x38;
	[tilespmem:$0x1F380] =	vst v63  }
0x4b: {  	s18 =	rddreg [dreg:$0x16];
	s21 =	simm.s32 $0x2B80  }
0x4c: {  	[tilespmem:s21], [sflag:$0xD] =	stream.linear.gather [hbm4b:s18+s3], $0x190, $0x38;
	[tilespmem:$0x1F380] =	vst v63  }
0x4d: {  	s16 =	rddreg [dreg:$0x17];
	s17 =	simm.s32 $0x2D80  }
0x4e: {  	[tilespmem:s17], [sflag:$0xE] =	stream.linear.gather [hbm4b:s16+s3], $0x190, $0x38;
	[tilespmem:$0x1F380] =	vst v63  }
0x4f: {  	s18 =	rddreg [dreg:$0x18];
	s21 =	simm.s32 $0x2F80  }
0x50: {  	[tilespmem:s21], [sflag:$0xF] =	stream.linear.gather [hbm4b:s18+s3], $0x190, $0x38;
	[tilespmem:$0x1F380] =	vst v63  }
0x51: {  	s16 =	rddreg [dreg:$0x19];
	s17 =	simm.s32 $0x3180;
	s18 =	sand.u32 $0xFE00, s3  }
0x52: {  	[tilespmem:s17], [sflag:$0x10] =	stream.linear.gather [hbm4b:s16+s3], $0x190, $0x38;
	[tilespmem:$0x1F380] =	vst v63  }
0x53: {  	s21 =	sand.u32 $0x70, s3;
	s17 =	sshrl.u32 s18, $0x2  }
0x54: {  	s4 =	simm.s32 $0x40;
	s16 =	simm.s32 $0x0;
	s17 =	sor.u32 s21, s17  }
.LBB2_2:
0x55: {  	p0 =	sne.s32 s4, $0xFFC0  }
0x56: {  	[tilespmem:s17+$0x3380] =	vst v0;
	s16 =	sadd.s32 $0x10, s16;
	s17 =	smov.u32 s4;
	s4 =	sadd.s32 $0x40, s4  }
.Ltmp2:
0x57: {  	(pc) =	sbr.rel @p0 .LBB2_2-.Ltmp2, $4  }
0x58: {  	_ = 	snop  }
0x59: {  	s17 =	sand.u32 $0xFE00, s17  }
0x5a: {  	s18 =	sand.u32 $0x70, s16;
	s17 =	sshrl.u32 s17, $0x2  }
0x5b: {  	s17 =	sor.u32 s18, s17  }
0x5c: {  	[tilespmem:s17+$0x3380] =	vst v0;
	s16 =	simm.s32 $0x11  }
0x5d: {  	[spmem:s19] =	stream.linear.scatter [tilespmem:s13], [sflag:$0x11], $0x4000, $0x38;
	[tilespmem:$0x1F380] =	vst v63  }
0x5e: {  	_ =	swait.ge [sflag:s16], $0x4000  }
0x5f: {  	[sflag:s16] =	ssyncset.done $0x0  }
0x60: {  	s4 =	rddreg [dreg:$0x1a];
	[sflag:s16] =	ssyncadd.s32 $0xFFFFC000  }
0x61: {  	[spmem:s4] =	stream.linear.scatter [tilespmem:s13], [sflag:$0x11], $0x4000, $0x38;
	[tilespmem:$0x1F380] =	vst v63  }
0x62: {  	_ =	swait.ge [sflag:s16], $0x4000  }
0x63: {  	[sflag:s16] =	ssyncset.done $0x0  }
0x64: {  	s17 =	rddreg [dreg:$0x7];
	[sflag:s16] =	ssyncadd.s32 $0xFFFFC000;
	s16 =	simm.s32 $0x0  }
0x65: {  	[tilespmem:s13], [sflag:$0x1] =	stream.linear.gather [hbm4b:s17+s16], $0x4000, $0x38;
	[tilespmem:$0x1F380] =	vst v63  }
0x66: {  	s19 =	simm.s32 $0x7380;
	s18 =	rddreg [dreg:$0x8]  }
0x67: {  	[tilespmem:s19], [sflag:$0x2] =	stream.linear.gather [hbm4b:s18+s16], $0x4000, $0x38;
	[tilespmem:$0x1F380] =	vst v63  }
0x68: {  	s4 =	simm.s32 $0x0;
	s21 =	rddreg [dreg:$0x9];
	s17 =	simm.s32 $0x190  }
0x69: {  	[tilespmem:s28], [sflag:$0x3] =	stream.linear.gather [hbm4b:s21+s16], $0x4000, $0x38;
	[tilespmem:$0x1F380] =	vst v63  }
.LBB2_4:
0x6a: {  	_ =	swait.ge [sflag:s29], $0x190  }
0x6b: {  	[sflag:s29] =	ssyncset.done $0x0  }
0x6c: {  	[sflag:s29] =	ssyncadd.s32 $0xFFFFFE70  }
0x6d: {  	_ =	swait.ge [sflag:s30], $0x190  }
0x6e: {  	[sflag:s30] =	ssyncset.done $0x0  }
0x6f: {  	[sflag:s30] =	ssyncadd.s32 $0xFFFFFE70  }
0x70: {  	_ =	swait.ge [sflag:s31], $0x190  }
0x71: {  	[sflag:s31] =	ssyncset.done $0x0  }
0x72: {  	[sflag:s31] =	ssyncadd.s32 $0xFFFFFE70  }
0x73: {  	v1 =	vld [tilespmem:$0x2780]  }
0x74: {  	v2 =	vld [tilespmem:$0x2980]  }
0x75: {  	v3 =	vld [tilespmem:$0x2B80];
	_ =	sdelay $0x2  }
0x76: {  	v1 =	vshll.u32 v1, $0x4  }
0x77: {  	v2 =	vand.u32 $0xFFFFFFF0, v2;
	v1 =	vand.u32 $0xFFFFFF00, v1  }
0x78: {  	v1 =	vor.u32 v2, v1;
	v2 =	vshra.s32 v3, $0x4  }
0x79: {  	v1 =	vor.u32 v2, v1  }
0x7a: {  	[tilespmem:s17+$0xFFFFFE70] =	vst v1  }
0x7b: {  	v1 =	vld [tilespmem:$0x2790]  }
0x7c: {  	v2 =	vld [tilespmem:$0x2990]  }
0x7d: {  	v3 =	vld [tilespmem:$0x2B90];
	_ =	sdelay $0x2  }
0x7e: {  	v1 =	vshll.u32 v1, $0x4  }
0x7f: {  	v2 =	vand.u32 $0xFFFFFFF0, v2;
	v1 =	vand.u32 $0xFFFFFF00, v1  }
0x80: {  	v1 =	vor.u32 v2, v1;
	v2 =	vshra.s32 v3, $0x4  }
0x81: {  	v1 =	vor.u32 v2, v1  }
0x82: {  	[tilespmem:s17+$0xFFFFFE80] =	vst v1  }
0x83: {  	v1 =	vld [tilespmem:$0x27A0]  }
0x84: {  	v2 =	vld [tilespmem:$0x29A0]  }
0x85: {  	v3 =	vld [tilespmem:$0x2BA0];
	_ =	sdelay $0x2  }
0x86: {  	v1 =	vshll.u32 v1, $0x4  }
0x87: {  	v2 =	vand.u32 $0xFFFFFFF0, v2;
	v1 =	vand.u32 $0xFFFFFF00, v1  }
0x88: {  	v1 =	vor.u32 v2, v1;
	v2 =	vshra.s32 v3, $0x4  }
0x89: {  	v1 =	vor.u32 v2, v1  }
0x8a: {  	[tilespmem:s17+$0xFFFFFE90] =	vst v1  }
0x8b: {  	v1 =	vld [tilespmem:$0x27B0]  }
0x8c: {  	v2 =	vld [tilespmem:$0x29B0]  }
0x8d: {  	v3 =	vld [tilespmem:$0x2BB0];
	_ =	sdelay $0x2  }
0x8e: {  	v1 =	vshll.u32 v1, $0x4  }
0x8f: {  	v2 =	vand.u32 $0xFFFFFFF0, v2;
	v1 =	vand.u32 $0xFFFFFF00, v1  }
0x90: {  	v1 =	vor.u32 v2, v1;
	v2 =	vshra.s32 v3, $0x4  }
0x91: {  	v1 =	vor.u32 v2, v1  }
0x92: {  	[tilespmem:s17+$0xFFFFFEA0] =	vst v1  }
0x93: {  	v1 =	vld [tilespmem:$0x27C0]  }
0x94: {  	v2 =	vld [tilespmem:$0x29C0]  }
0x95: {  	v3 =	vld [tilespmem:$0x2BC0];
	_ =	sdelay $0x2  }
0x96: {  	v1 =	vshll.u32 v1, $0x4  }
0x97: {  	v2 =	vand.u32 $0xFFFFFFF0, v2;
	v1 =	vand.u32 $0xFFFFFF00, v1  }
0x98: {  	v1 =	vor.u32 v2, v1;
	v2 =	vshra.s32 v3, $0x4  }
0x99: {  	v1 =	vor.u32 v2, v1  }
0x9a: {  	[tilespmem:s17+$0xFFFFFEB0] =	vst v1  }
0x9b: {  	v1 =	vld [tilespmem:$0x27D0]  }
0x9c: {  	v2 =	vld [tilespmem:$0x29D0]  }
0x9d: {  	v3 =	vld [tilespmem:$0x2BD0];
	_ =	sdelay $0x2  }
0x9e: {  	v1 =	vshll.u32 v1, $0x4  }
0x9f: {  	v2 =	vand.u32 $0xFFFFFFF0, v2;
	v1 =	vand.u32 $0xFFFFFF00, v1  }
0xa0: {  	v1 =	vor.u32 v2, v1;
	v2 =	vshra.s32 v3, $0x4  }
0xa1: {  	v1 =	vor.u32 v2, v1  }
0xa2: {  	[tilespmem:s17+$0xFFFFFEC0] =	vst v1  }
0xa3: {  	v1 =	vld [tilespmem:$0x27E0]  }
0xa4: {  	v2 =	vld [tilespmem:$0x29E0]  }
0xa5: {  	v3 =	vld [tilespmem:$0x2BE0];
	_ =	sdelay $0x2  }
0xa6: {  	v1 =	vshll.u32 v1, $0x4  }
0xa7: {  	v2 =	vand.u32 $0xFFFFFFF0, v2;
	v1 =	vand.u32 $0xFFFFFF00, v1  }
0xa8: {  	v1 =	vor.u32 v2, v1;
	v2 =	vshra.s32 v3, $0x4  }
0xa9: {  	v1 =	vor.u32 v2, v1  }
0xaa: {  	[tilespmem:s17+$0xFFFFFED0] =	vst v1  }
0xab: {  	v1 =	vld [tilespmem:$0x27F0]  }
0xac: {  	v2 =	vld [tilespmem:$0x29F0]  }
0xad: {  	v3 =	vld [tilespmem:$0x2BF0];
	_ =	sdelay $0x2  }
0xae: {  	v1 =	vshll.u32 v1, $0x4  }
0xaf: {  	v2 =	vand.u32 $0xFFFFFFF0, v2;
	v1 =	vand.u32 $0xFFFFFF00, v1  }
0xb0: {  	v1 =	vor.u32 v2, v1;
	v2 =	vshra.s32 v3, $0x4  }
0xb1: {  	v1 =	vor.u32 v2, v1  }
0xb2: {  	[tilespmem:s17+$0xFFFFFEE0] =	vst v1  }
0xb3: {  	v1 =	vld [tilespmem:$0x2800]  }
0xb4: {  	v2 =	vld [tilespmem:$0x2A00]  }
0xb5: {  	v3 =	vld [tilespmem:$0x2C00];
	_ =	sdelay $0x2  }
0xb6: {  	v1 =	vshll.u32 v1, $0x4  }
0xb7: {  	v2 =	vand.u32 $0xFFFFFFF0, v2;
	v1 =	vand.u32 $0xFFFFFF00, v1  }
0xb8: {  	v1 =	vor.u32 v2, v1;
	v2 =	vshra.s32 v3, $0x4  }
0xb9: {  	s18 =	sand.u32 $0x3FE0, s16;
	v1 =	vor.u32 v2, v1  }
0xba: {  	[tilespmem:s18+$0x80] =	vst v1  }
0xbb: {  	v1 =	vld [tilespmem:$0x2810]  }
0xbc: {  	v2 =	vld [tilespmem:$0x2A10]  }
0xbd: {  	v3 =	vld [tilespmem:$0x2C10];
	_ =	sdelay $0x2  }
0xbe: {  	v1 =	vshll.u32 v1, $0x4  }
0xbf: {  	v2 =	vand.u32 $0xFFFFFFF0, v2;
	v1 =	vand.u32 $0xFFFFFF00, v1  }
0xc0: {  	v1 =	vor.u32 v2, v1;
	v2 =	vshra.s32 v3, $0x4  }
0xc1: {  	v1 =	vor.u32 v2, v1  }
0xc2: {  	[tilespmem:s17+$0xFFFFFF00] =	vst v1  }
0xc3: {  	v1 =	vld [tilespmem:$0x2820]  }
0xc4: {  	v2 =	vld [tilespmem:$0x2A20]  }
0xc5: {  	v3 =	vld [tilespmem:$0x2C20];
	_ =	sdelay $0x2  }
0xc6: {  	v1 =	vshll.u32 v1, $0x4  }
0xc7: {  	v2 =	vand.u32 $0xFFFFFFF0, v2;
	v1 =	vand.u32 $0xFFFFFF00, v1  }
0xc8: {  	v1 =	vor.u32 v2, v1;
	v2 =	vshra.s32 v3, $0x4  }
0xc9: {  	v1 =	vor.u32 v2, v1  }
0xca: {  	[tilespmem:s17+$0xFFFFFF10] =	vst v1  }
0xcb: {  	v1 =	vld [tilespmem:$0x2830]  }
0xcc: {  	v2 =	vld [tilespmem:$0x2A30]  }
0xcd: {  	v3 =	vld [tilespmem:$0x2C30];
	_ =	sdelay $0x2  }
0xce: {  	v1 =	vshll.u32 v1, $0x4  }
0xcf: {  	v2 =	vand.u32 $0xFFFFFFF0, v2;
	v1 =	vand.u32 $0xFFFFFF00, v1  }
0xd0: {  	v1 =	vor.u32 v2, v1;
	v2 =	vshra.s32 v3, $0x4  }
0xd1: {  	v1 =	vor.u32 v2, v1  }
0xd2: {  	[tilespmem:s17+$0xFFFFFF20] =	vst v1  }
0xd3: {  	v1 =	vld [tilespmem:$0x2840]  }
0xd4: {  	v2 =	vld [tilespmem:$0x2A40]  }
0xd5: {  	v3 =	vld [tilespmem:$0x2C40];
	_ =	sdelay $0x2  }
0xd6: {  	v1 =	vshll.u32 v1, $0x4  }
0xd7: {  	v2 =	vand.u32 $0xFFFFFFF0, v2;
	v1 =	vand.u32 $0xFFFFFF00, v1  }
0xd8: {  	v1 =	vor.u32 v2, v1;
	v2 =	vshra.s32 v3, $0x4  }
0xd9: {  	v1 =	vor.u32 v2, v1  }
0xda: {  	[tilespmem:s17+$0xFFFFFF30] =	vst v1  }
0xdb: {  	v1 =	vld [tilespmem:$0x2850]  }
0xdc: {  	v2 =	vld [tilespmem:$0x2A50]  }
0xdd: {  	v3 =	vld [tilespmem:$0x2C50];
	_ =	sdelay $0x2  }
0xde: {  	v1 =	vshll.u32 v1, $0x4  }
0xdf: {  	v2 =	vand.u32 $0xFFFFFFF0, v2;
	v1 =	vand.u32 $0xFFFFFF00, v1  }
0xe0: {  	v1 =	vor.u32 v2, v1;
	v2 =	vshra.s32 v3, $0x4  }
0xe1: {  	v1 =	vor.u32 v2, v1  }
0xe2: {  	[tilespmem:s17+$0xFFFFFF40] =	vst v1  }
0xe3: {  	v1 =	vld [tilespmem:$0x2860]  }
0xe4: {  	v2 =	vld [tilespmem:$0x2A60]  }
0xe5: {  	v3 =	vld [tilespmem:$0x2C60];
	_ =	sdelay $0x2  }
0xe6: {  	v1 =	vshll.u32 v1, $0x4  }
0xe7: {  	v2 =	vand.u32 $0xFFFFFFF0, v2;
	v1 =	vand.u32 $0xFFFFFF00, v1  }
0xe8: {  	v1 =	vor.u32 v2, v1;
	v2 =	vshra.s32 v3, $0x4  }
0xe9: {  	v1 =	vor.u32 v2, v1  }
0xea: {  	[tilespmem:s17+$0xFFFFFF50] =	vst v1  }
0xeb: {  	v1 =	vld [tilespmem:$0x2870]  }
0xec: {  	v2 =	vld [tilespmem:$0x2A70]  }
0xed: {  	v3 =	vld [tilespmem:$0x2C70];
	_ =	sdelay $0x2  }
0xee: {  	v1 =	vshll.u32 v1, $0x4  }
0xef: {  	v2 =	vand.u32 $0xFFFFFFF0, v2;
	v1 =	vand.u32 $0xFFFFFF00, v1  }
0xf0: {  	v1 =	vor.u32 v2, v1;
	v2 =	vshra.s32 v3, $0x4  }
0xf1: {  	v1 =	vor.u32 v2, v1  }
0xf2: {  	[tilespmem:s17+$0xFFFFFF60] =	vst v1  }
0xf3: {  	v1 =	vld [tilespmem:$0x2880]  }
0xf4: {  	v2 =	vld [tilespmem:$0x2A80]  }
0xf5: {  	v3 =	vld [tilespmem:$0x2C80];
	_ =	sdelay $0x2  }
0xf6: {  	v1 =	vshll.u32 v1, $0x4  }
0xf7: {  	v2 =	vand.u32 $0xFFFFFFF0, v2;
	v1 =	vand.u32 $0xFFFFFF00, v1  }
0xf8: {  	v1 =	vor.u32 v2, v1;
	v2 =	vshra.s32 v3, $0x4  }
0xf9: {  	v1 =	vor.u32 v2, v1  }
0xfa: {  	[tilespmem:s18+$0x100] =	vst v1  }
0xfb: {  	v1 =	vld [tilespmem:$0x2890]  }
0xfc: {  	v2 =	vld [tilespmem:$0x2A90]  }
0xfd: {  	v3 =	vld [tilespmem:$0x2C90];
	_ =	sdelay $0x2  }
0xfe: {  	v1 =	vshll.u32 v1, $0x4  }
0xff: {  	v2 =	vand.u32 $0xFFFFFFF0, v2;
	v1 =	vand.u32 $0xFFFFFF00, v1  }
0x100: {  	v1 =	vor.u32 v2, v1;
	v2 =	vshra.s32 v3, $0x4  }
0x101: {  	v1 =	vor.u32 v2, v1  }
0x102: {  	[tilespmem:s17+$0xFFFFFF80] =	vst v1  }
0x103: {  	v1 =	vld [tilespmem:$0x28A0]  }
0x104: {  	v2 =	vld [tilespmem:$0x2AA0]  }
0x105: {  	v3 =	vld [tilespmem:$0x2CA0];
	_ =	sdelay $0x2  }
0x106: {  	v1 =	vshll.u32 v1, $0x4  }
0x107: {  	v2 =	vand.u32 $0xFFFFFFF0, v2;
	v1 =	vand.u32 $0xFFFFFF00, v1  }
0x108: {  	v1 =	vor.u32 v2, v1;
	v2 =	vshra.s32 v3, $0x4  }
0x109: {  	v1 =	vor.u32 v2, v1  }
0x10a: {  	[tilespmem:s17+$0xFFFFFF90] =	vst v1  }
0x10b: {  	v1 =	vld [tilespmem:$0x28B0]  }
0x10c: {  	v2 =	vld [tilespmem:$0x2AB0]  }
0x10d: {  	v3 =	vld [tilespmem:$0x2CB0];
	_ =	sdelay $0x2  }
0x10e: {  	v1 =	vshll.u32 v1, $0x4  }
0x10f: {  	v2 =	vand.u32 $0xFFFFFFF0, v2;
	v1 =	vand.u32 $0xFFFFFF00, v1  }
0x110: {  	v1 =	vor.u32 v2, v1;
	v2 =	vshra.s32 v3, $0x4  }
0x111: {  	v1 =	vor.u32 v2, v1  }
0x112: {  	[tilespmem:s17+$0xFFFFFFA0] =	vst v1  }
0x113: {  	v1 =	vld [tilespmem:$0x28C0]  }
0x114: {  	v2 =	vld [tilespmem:$0x2AC0]  }
0x115: {  	v3 =	vld [tilespmem:$0x2CC0];
	_ =	sdelay $0x2  }
0x116: {  	v1 =	vshll.u32 v1, $0x4  }
0x117: {  	v2 =	vand.u32 $0xFFFFFFF0, v2;
	v1 =	vand.u32 $0xFFFFFF00, v1  }
0x118: {  	v1 =	vor.u32 v2, v1;
	v2 =	vshra.s32 v3, $0x4  }
0x119: {  	v1 =	vor.u32 v2, v1  }
0x11a: {  	[tilespmem:s17+$0xFFFFFFB0] =	vst v1  }
0x11b: {  	v1 =	vld [tilespmem:$0x28D0]  }
0x11c: {  	v2 =	vld [tilespmem:$0x2AD0]  }
0x11d: {  	v3 =	vld [tilespmem:$0x2CD0];
	_ =	sdelay $0x2  }
0x11e: {  	v1 =	vshll.u32 v1, $0x4  }
0x11f: {  	v2 =	vand.u32 $0xFFFFFFF0, v2;
	v1 =	vand.u32 $0xFFFFFF00, v1  }
0x120: {  	v1 =	vor.u32 v2, v1;
	v2 =	vshra.s32 v3, $0x4  }
0x121: {  	v1 =	vor.u32 v2, v1  }
0x122: {  	[tilespmem:s17+$0xFFFFFFC0] =	vst v1  }
0x123: {  	v1 =	vld [tilespmem:$0x28E0]  }
0x124: {  	v2 =	vld [tilespmem:$0x2AE0]  }
0x125: {  	v3 =	vld [tilespmem:$0x2CE0];
	_ =	sdelay $0x2  }
0x126: {  	v1 =	vshll.u32 v1, $0x4  }
0x127: {  	v2 =	vand.u32 $0xFFFFFFF0, v2;
	v1 =	vand.u32 $0xFFFFFF00, v1  }
0x128: {  	v1 =	vor.u32 v2, v1;
	v2 =	vshra.s32 v3, $0x4  }
0x129: {  	v1 =	vor.u32 v2, v1  }
0x12a: {  	[tilespmem:s17+$0xFFFFFFD0] =	vst v1  }
0x12b: {  	v1 =	vld [tilespmem:$0x28F0]  }
0x12c: {  	v2 =	vld [tilespmem:$0x2AF0]  }
0x12d: {  	v3 =	vld [tilespmem:$0x2CF0];
	_ =	sdelay $0x2  }
0x12e: {  	v1 =	vshll.u32 v1, $0x4  }
0x12f: {  	v2 =	vand.u32 $0xFFFFFFF0, v2;
	v1 =	vand.u32 $0xFFFFFF00, v1  }
0x130: {  	v1 =	vor.u32 v2, v1;
	v2 =	vshra.s32 v3, $0x4  }
0x131: {  	v1 =	vor.u32 v2, v1  }
0x132: {  	[tilespmem:s17+$0xFFFFFFE0] =	vst v1  }
0x133: {  	v1 =	vld [tilespmem:$0x2900]  }
0x134: {  	v2 =	vld [tilespmem:$0x2B00]  }
0x135: {  	v3 =	vld [tilespmem:$0x2D00];
	_ =	sdelay $0x2  }
0x136: {  	v1 =	vshll.u32 v1, $0x4  }
0x137: {  	v2 =	vand.u32 $0xFFFFFFF0, v2;
	v1 =	vand.u32 $0xFFFFFF00, v1  }
0x138: {  	s19 =	sadd.s32 s16, s24;
	v1 =	vor.u32 v2, v1;
	v2 =	vshra.s32 v3, $0x4  }
0x139: {  	s19 =	sshrl.u32 s19, $0x3;
	v1 =	vor.u32 v2, v1  }
0x13a: {  	s21 =	simm.s32 $0x2780;
	s19 =	sadd.s32 s20, s19;
	[tilespmem:s18+$0x180] =	vst v1  }
0x13b: {  	[tilespmem:s21], [sflag:$0xB] =	stream.linear.gather [hbm4b:s19+s3], $0x190, $0x38;
	[tilespmem:$0x1F380] =	vst v63  }
0x13c: {  	s19 =	sadd.s32 s4, s26;
	s21 =	simm.s32 $0x2980  }
0x13d: {  	[tilespmem:s21], [sflag:$0xC] =	stream.linear.gather [hbm4b:s19+s3], $0x190, $0x38;
	[tilespmem:$0x1F380] =	vst v63  }
0x13e: {  	s19 =	sadd.s32 s4, s25;
	s21 =	simm.s32 $0x2B80  }
0x13f: {  	[tilespmem:s21], [sflag:$0xD] =	stream.linear.gather [hbm4b:s19+s3], $0x190, $0x38;
	[tilespmem:$0x1F380] =	vst v63  }
0x140: {  	_ =	swait.ge [sflag:s0], $0x190  }
0x141: {  	[sflag:s0] =	ssyncset.done $0x0  }
0x142: {  	[sflag:s0] =	ssyncadd.s32 $0xFFFFFE70  }
0x143: {  	_ =	swait.ge [sflag:s1], $0x190  }
0x144: {  	[sflag:s1] =	ssyncset.done $0x0  }
0x145: {  	[sflag:s1] =	ssyncadd.s32 $0xFFFFFE70  }
0x146: {  	_ =	swait.ge [sflag:s5], $0x190  }
0x147: {  	[sflag:s5] =	ssyncset.done $0x0  }
0x148: {  	[sflag:s5] =	ssyncadd.s32 $0xFFFFFE70  }
0x149: {  	v1 =	vld [tilespmem:$0x2D80]  }
0x14a: {  	v2 =	vld [tilespmem:$0x2F80]  }
0x14b: {  	v3 =	vld [tilespmem:$0x3180];
	_ =	sdelay $0x2  }
0x14c: {  	v1 =	vshll.u32 v1, $0x4  }
0x14d: {  	v2 =	vand.u32 $0xFFFFFFF0, v2;
	v1 =	vand.u32 $0xFFFFFF00, v1  }
0x14e: {  	v1 =	vor.u32 v2, v1;
	v2 =	vshra.s32 v3, $0x4  }
0x14f: {  	v1 =	vor.u32 v2, v1  }
0x150: {  	[tilespmem:s17+$0x0] =	vst v1  }
0x151: {  	v1 =	vld [tilespmem:$0x2D90]  }
0x152: {  	v2 =	vld [tilespmem:$0x2F90]  }
0x153: {  	v3 =	vld [tilespmem:$0x3190];
	_ =	sdelay $0x2  }
0x154: {  	v1 =	vshll.u32 v1, $0x4  }
0x155: {  	v2 =	vand.u32 $0xFFFFFFF0, v2;
	v1 =	vand.u32 $0xFFFFFF00, v1  }
0x156: {  	v1 =	vor.u32 v2, v1;
	v2 =	vshra.s32 v3, $0x4  }
0x157: {  	v1 =	vor.u32 v2, v1  }
0x158: {  	[tilespmem:s17+$0x10] =	vst v1  }
0x159: {  	v1 =	vld [tilespmem:$0x2DA0]  }
0x15a: {  	v2 =	vld [tilespmem:$0x2FA0]  }
0x15b: {  	v3 =	vld [tilespmem:$0x31A0];
	_ =	sdelay $0x2  }
0x15c: {  	v1 =	vshll.u32 v1, $0x4  }
0x15d: {  	v2 =	vand.u32 $0xFFFFFFF0, v2;
	v1 =	vand.u32 $0xFFFFFF00, v1  }
0x15e: {  	v1 =	vor.u32 v2, v1;
	v2 =	vshra.s32 v3, $0x4  }
0x15f: {  	v1 =	vor.u32 v2, v1  }
0x160: {  	[tilespmem:s17+$0x20] =	vst v1  }
0x161: {  	v1 =	vld [tilespmem:$0x2DB0]  }
0x162: {  	v2 =	vld [tilespmem:$0x2FB0]  }
0x163: {  	v3 =	vld [tilespmem:$0x31B0];
	_ =	sdelay $0x2  }
0x164: {  	v1 =	vshll.u32 v1, $0x4  }
0x165: {  	v2 =	vand.u32 $0xFFFFFFF0, v2;
	v1 =	vand.u32 $0xFFFFFF00, v1  }
0x166: {  	v1 =	vor.u32 v2, v1;
	v2 =	vshra.s32 v3, $0x4  }
0x167: {  	v1 =	vor.u32 v2, v1  }
0x168: {  	[tilespmem:s17+$0x30] =	vst v1  }
0x169: {  	v1 =	vld [tilespmem:$0x2DC0]  }
0x16a: {  	v2 =	vld [tilespmem:$0x2FC0]  }
0x16b: {  	v3 =	vld [tilespmem:$0x31C0];
	_ =	sdelay $0x2  }
0x16c: {  	v1 =	vshll.u32 v1, $0x4  }
0x16d: {  	v2 =	vand.u32 $0xFFFFFFF0, v2;
	v1 =	vand.u32 $0xFFFFFF00, v1  }
0x16e: {  	v1 =	vor.u32 v2, v1;
	v2 =	vshra.s32 v3, $0x4  }
0x16f: {  	v1 =	vor.u32 v2, v1  }
0x170: {  	[tilespmem:s17+$0x40] =	vst v1  }
0x171: {  	v1 =	vld [tilespmem:$0x2DD0]  }
0x172: {  	v2 =	vld [tilespmem:$0x2FD0]  }
0x173: {  	v3 =	vld [tilespmem:$0x31D0];
	_ =	sdelay $0x2  }
0x174: {  	v1 =	vshll.u32 v1, $0x4  }
0x175: {  	v2 =	vand.u32 $0xFFFFFFF0, v2;
	v1 =	vand.u32 $0xFFFFFF00, v1  }
0x176: {  	v1 =	vor.u32 v2, v1;
	v2 =	vshra.s32 v3, $0x4  }
0x177: {  	v1 =	vor.u32 v2, v1  }
0x178: {  	[tilespmem:s17+$0x50] =	vst v1  }
0x179: {  	v1 =	vld [tilespmem:$0x2DE0]  }
0x17a: {  	v2 =	vld [tilespmem:$0x2FE0]  }
0x17b: {  	v3 =	vld [tilespmem:$0x31E0];
	_ =	sdelay $0x2  }
0x17c: {  	v1 =	vshll.u32 v1, $0x4  }
0x17d: {  	v2 =	vand.u32 $0xFFFFFFF0, v2;
	v1 =	vand.u32 $0xFFFFFF00, v1  }
0x17e: {  	v1 =	vor.u32 v2, v1;
	v2 =	vshra.s32 v3, $0x4  }
0x17f: {  	v1 =	vor.u32 v2, v1  }
0x180: {  	[tilespmem:s17+$0x60] =	vst v1  }
0x181: {  	v1 =	vld [tilespmem:$0x2DF0]  }
0x182: {  	v2 =	vld [tilespmem:$0x2FF0]  }
0x183: {  	v3 =	vld [tilespmem:$0x31F0];
	_ =	sdelay $0x2  }
0x184: {  	v1 =	vshll.u32 v1, $0x4  }
0x185: {  	v2 =	vand.u32 $0xFFFFFFF0, v2;
	v1 =	vand.u32 $0xFFFFFF00, v1  }
0x186: {  	v1 =	vor.u32 v2, v1;
	v2 =	vshra.s32 v3, $0x4  }
0x187: {  	v1 =	vor.u32 v2, v1  }
0x188: {  	[tilespmem:s18+$0x200] =	vst v1  }
0x189: {  	v1 =	vld [tilespmem:$0x2E00]  }
0x18a: {  	v2 =	vld [tilespmem:$0x3000]  }
0x18b: {  	v3 =	vld [tilespmem:$0x3200];
	_ =	sdelay $0x2  }
0x18c: {  	v1 =	vshll.u32 v1, $0x4  }
0x18d: {  	v2 =	vand.u32 $0xFFFFFFF0, v2;
	v1 =	vand.u32 $0xFFFFFF00, v1  }
0x18e: {  	v1 =	vor.u32 v2, v1;
	v2 =	vshra.s32 v3, $0x4  }
0x18f: {  	v1 =	vor.u32 v2, v1  }
0x190: {  	[tilespmem:s17+$0x80] =	vst v1  }
0x191: {  	v1 =	vld [tilespmem:$0x2E10]  }
0x192: {  	v2 =	vld [tilespmem:$0x3010]  }
0x193: {  	v3 =	vld [tilespmem:$0x3210];
	_ =	sdelay $0x2  }
0x194: {  	v1 =	vshll.u32 v1, $0x4  }
0x195: {  	v2 =	vand.u32 $0xFFFFFFF0, v2;
	v1 =	vand.u32 $0xFFFFFF00, v1  }
0x196: {  	v1 =	vor.u32 v2, v1;
	v2 =	vshra.s32 v3, $0x4  }
0x197: {  	v1 =	vor.u32 v2, v1  }
0x198: {  	[tilespmem:s17+$0x90] =	vst v1  }
0x199: {  	v1 =	vld [tilespmem:$0x2E20]  }
0x19a: {  	v2 =	vld [tilespmem:$0x3020]  }
0x19b: {  	v3 =	vld [tilespmem:$0x3220];
	_ =	sdelay $0x2  }
0x19c: {  	v1 =	vshll.u32 v1, $0x4  }
0x19d: {  	v2 =	vand.u32 $0xFFFFFFF0, v2;
	v1 =	vand.u32 $0xFFFFFF00, v1  }
0x19e: {  	v1 =	vor.u32 v2, v1;
	v2 =	vshra.s32 v3, $0x4  }
0x19f: {  	v1 =	vor.u32 v2, v1  }
0x1a0: {  	[tilespmem:s17+$0xA0] =	vst v1  }
0x1a1: {  	v1 =	vld [tilespmem:$0x2E30]  }
0x1a2: {  	v2 =	vld [tilespmem:$0x3030]  }
0x1a3: {  	v3 =	vld [tilespmem:$0x3230];
	_ =	sdelay $0x2  }
0x1a4: {  	v1 =	vshll.u32 v1, $0x4  }
0x1a5: {  	v2 =	vand.u32 $0xFFFFFFF0, v2;
	v1 =	vand.u32 $0xFFFFFF00, v1  }
0x1a6: {  	v1 =	vor.u32 v2, v1;
	v2 =	vshra.s32 v3, $0x4  }
0x1a7: {  	v1 =	vor.u32 v2, v1  }
0x1a8: {  	[tilespmem:s17+$0xB0] =	vst v1  }
0x1a9: {  	v1 =	vld [tilespmem:$0x2E40]  }
0x1aa: {  	v2 =	vld [tilespmem:$0x3040]  }
0x1ab: {  	v3 =	vld [tilespmem:$0x3240];
	_ =	sdelay $0x2  }
0x1ac: {  	v1 =	vshll.u32 v1, $0x4  }
0x1ad: {  	v2 =	vand.u32 $0xFFFFFFF0, v2;
	v1 =	vand.u32 $0xFFFFFF00, v1  }
0x1ae: {  	v1 =	vor.u32 v2, v1;
	v2 =	vshra.s32 v3, $0x4  }
0x1af: {  	v1 =	vor.u32 v2, v1  }
0x1b0: {  	[tilespmem:s17+$0xC0] =	vst v1  }
0x1b1: {  	v1 =	vld [tilespmem:$0x2E50]  }
0x1b2: {  	v2 =	vld [tilespmem:$0x3050]  }
0x1b3: {  	v3 =	vld [tilespmem:$0x3250];
	_ =	sdelay $0x2  }
0x1b4: {  	v1 =	vshll.u32 v1, $0x4  }
0x1b5: {  	v2 =	vand.u32 $0xFFFFFFF0, v2;
	v1 =	vand.u32 $0xFFFFFF00, v1  }
0x1b6: {  	v1 =	vor.u32 v2, v1;
	v2 =	vshra.s32 v3, $0x4  }
0x1b7: {  	v1 =	vor.u32 v2, v1  }
0x1b8: {  	[tilespmem:s17+$0xD0] =	vst v1  }
0x1b9: {  	v1 =	vld [tilespmem:$0x2E60]  }
0x1ba: {  	v2 =	vld [tilespmem:$0x3060]  }
0x1bb: {  	v3 =	vld [tilespmem:$0x3260];
	_ =	sdelay $0x2  }
0x1bc: {  	v1 =	vshll.u32 v1, $0x4  }
0x1bd: {  	v2 =	vand.u32 $0xFFFFFFF0, v2;
	v1 =	vand.u32 $0xFFFFFF00, v1  }
0x1be: {  	v1 =	vor.u32 v2, v1;
	v2 =	vshra.s32 v3, $0x4  }
0x1bf: {  	v1 =	vor.u32 v2, v1  }
0x1c0: {  	[tilespmem:s17+$0xE0] =	vst v1  }
0x1c1: {  	v1 =	vld [tilespmem:$0x2E70]  }
0x1c2: {  	v2 =	vld [tilespmem:$0x3070]  }
0x1c3: {  	v3 =	vld [tilespmem:$0x3270];
	_ =	sdelay $0x2  }
0x1c4: {  	v1 =	vshll.u32 v1, $0x4  }
0x1c5: {  	v2 =	vand.u32 $0xFFFFFFF0, v2;
	v1 =	vand.u32 $0xFFFFFF00, v1  }
0x1c6: {  	v1 =	vor.u32 v2, v1;
	v2 =	vshra.s32 v3, $0x4  }
0x1c7: {  	v1 =	vor.u32 v2, v1  }
0x1c8: {  	[tilespmem:s18+$0x280] =	vst v1  }
0x1c9: {  	v1 =	vld [tilespmem:$0x2E80]  }
0x1ca: {  	v2 =	vld [tilespmem:$0x3080]  }
0x1cb: {  	v3 =	vld [tilespmem:$0x3280];
	_ =	sdelay $0x2  }
0x1cc: {  	v1 =	vshll.u32 v1, $0x4  }
0x1cd: {  	v2 =	vand.u32 $0xFFFFFFF0, v2;
	v1 =	vand.u32 $0xFFFFFF00, v1  }
0x1ce: {  	v1 =	vor.u32 v2, v1;
	v2 =	vshra.s32 v3, $0x4  }
0x1cf: {  	v1 =	vor.u32 v2, v1  }
0x1d0: {  	[tilespmem:s17+$0x100] =	vst v1  }
0x1d1: {  	v1 =	vld [tilespmem:$0x2E90]  }
0x1d2: {  	v2 =	vld [tilespmem:$0x3090]  }
0x1d3: {  	v3 =	vld [tilespmem:$0x3290];
	_ =	sdelay $0x2  }
0x1d4: {  	v1 =	vshll.u32 v1, $0x4  }
0x1d5: {  	v2 =	vand.u32 $0xFFFFFFF0, v2;
	v1 =	vand.u32 $0xFFFFFF00, v1  }
0x1d6: {  	v1 =	vor.u32 v2, v1;
	v2 =	vshra.s32 v3, $0x4  }
0x1d7: {  	v1 =	vor.u32 v2, v1  }
0x1d8: {  	[tilespmem:s17+$0x110] =	vst v1  }
0x1d9: {  	v1 =	vld [tilespmem:$0x2EA0]  }
0x1da: {  	v2 =	vld [tilespmem:$0x30A0]  }
0x1db: {  	v3 =	vld [tilespmem:$0x32A0];
	_ =	sdelay $0x2  }
0x1dc: {  	v1 =	vshll.u32 v1, $0x4  }
0x1dd: {  	v2 =	vand.u32 $0xFFFFFFF0, v2;
	v1 =	vand.u32 $0xFFFFFF00, v1  }
0x1de: {  	v1 =	vor.u32 v2, v1;
	v2 =	vshra.s32 v3, $0x4  }
0x1df: {  	v1 =	vor.u32 v2, v1  }
0x1e0: {  	[tilespmem:s17+$0x120] =	vst v1  }
0x1e1: {  	v1 =	vld [tilespmem:$0x2EB0]  }
0x1e2: {  	v2 =	vld [tilespmem:$0x30B0]  }
0x1e3: {  	v3 =	vld [tilespmem:$0x32B0];
	_ =	sdelay $0x2  }
0x1e4: {  	v1 =	vshll.u32 v1, $0x4  }
0x1e5: {  	v2 =	vand.u32 $0xFFFFFFF0, v2;
	v1 =	vand.u32 $0xFFFFFF00, v1  }
0x1e6: {  	v1 =	vor.u32 v2, v1;
	v2 =	vshra.s32 v3, $0x4  }
0x1e7: {  	v1 =	vor.u32 v2, v1  }
0x1e8: {  	[tilespmem:s17+$0x130] =	vst v1  }
0x1e9: {  	v1 =	vld [tilespmem:$0x2EC0]  }
0x1ea: {  	v2 =	vld [tilespmem:$0x30C0]  }
0x1eb: {  	v3 =	vld [tilespmem:$0x32C0];
	_ =	sdelay $0x2  }
0x1ec: {  	v1 =	vshll.u32 v1, $0x4  }
0x1ed: {  	v2 =	vand.u32 $0xFFFFFFF0, v2;
	v1 =	vand.u32 $0xFFFFFF00, v1  }
0x1ee: {  	v1 =	vor.u32 v2, v1;
	v2 =	vshra.s32 v3, $0x4  }
0x1ef: {  	v1 =	vor.u32 v2, v1  }
0x1f0: {  	[tilespmem:s17+$0x140] =	vst v1  }
0x1f1: {  	v1 =	vld [tilespmem:$0x2ED0]  }
0x1f2: {  	v2 =	vld [tilespmem:$0x30D0]  }
0x1f3: {  	v3 =	vld [tilespmem:$0x32D0];
	_ =	sdelay $0x2  }
0x1f4: {  	v1 =	vshll.u32 v1, $0x4  }
0x1f5: {  	v2 =	vand.u32 $0xFFFFFFF0, v2;
	v1 =	vand.u32 $0xFFFFFF00, v1  }
0x1f6: {  	v1 =	vor.u32 v2, v1;
	v2 =	vshra.s32 v3, $0x4  }
0x1f7: {  	v1 =	vor.u32 v2, v1  }
0x1f8: {  	[tilespmem:s17+$0x150] =	vst v1  }
0x1f9: {  	v1 =	vld [tilespmem:$0x2EE0]  }
0x1fa: {  	v2 =	vld [tilespmem:$0x30E0]  }
0x1fb: {  	v3 =	vld [tilespmem:$0x32E0];
	_ =	sdelay $0x2  }
0x1fc: {  	v1 =	vshll.u32 v1, $0x4  }
0x1fd: {  	v2 =	vand.u32 $0xFFFFFFF0, v2;
	v1 =	vand.u32 $0xFFFFFF00, v1  }
0x1fe: {  	v1 =	vor.u32 v2, v1;
	v2 =	vshra.s32 v3, $0x4  }
0x1ff: {  	v1 =	vor.u32 v2, v1  }
0x200: {  	[tilespmem:s17+$0x160] =	vst v1  }
0x201: {  	v1 =	vld [tilespmem:$0x2EF0]  }
0x202: {  	v2 =	vld [tilespmem:$0x30F0]  }
0x203: {  	v3 =	vld [tilespmem:$0x32F0];
	_ =	sdelay $0x2  }
0x204: {  	v1 =	vshll.u32 v1, $0x4  }
0x205: {  	v2 =	vand.u32 $0xFFFFFFF0, v2;
	v1 =	vand.u32 $0xFFFFFF00, v1  }
0x206: {  	v1 =	vor.u32 v2, v1;
	v2 =	vshra.s32 v3, $0x4  }
0x207: {  	v1 =	vor.u32 v2, v1  }
0x208: {  	[tilespmem:s18+$0x300] =	vst v1  }
0x209: {  	v1 =	vld [tilespmem:$0x2F00]  }
0x20a: {  	v2 =	vld [tilespmem:$0x3100]  }
0x20b: {  	v3 =	vld [tilespmem:$0x3300];
	_ =	sdelay $0x1  }
0x20c: {  	p0 =	seq.s32 s4, $0x44C  }
.Ltmp3:
0x20d: {  	v1 =	vshll.u32 v1, $0x4;
	(pc) =	sbr.rel @p0 .LBB2_6-.Ltmp3, $4  }
0x20e: {  	v2 =	vand.u32 $0xFFFFFFF0, v2;
	v1 =	vand.u32 $0xFFFFFF00, v1  }
0x20f: {  	v1 =	vor.u32 v2, v1;
	v2 =	vshra.s32 v3, $0x4  }
0x210: {  	v1 =	vor.u32 v2, v1  }
0x211: {  	[tilespmem:s17+$0x180] =	vst v1  }
0x212: {  	s18 =	rddreg [dreg:$0x10]  }
0x213: {  	s19 =	simm.s32 $0x2D80;
	s21 =	simm.s32 $0x2F80;
	s18 =	sadd.s32 s4, s18  }
0x214: {  	[tilespmem:s19], [sflag:$0xE] =	stream.linear.gather [hbm4b:s18+s3], $0x190, $0x38;
	[tilespmem:$0x1F380] =	vst v63  }
.Ltmp4:
0x215: {  	s16 =	sadd.s32 $0x320, s16;
	s19 =	rddreg [dreg:$0x12];
	(pc) =	sbr.rel .LBB2_4-.Ltmp4, $4  }
0x216: {  	s17 =	sadd.s32 $0x320, s17;
	s18 =	sadd.s32 s4, s19;
	s19 =	rddreg [dreg:$0x11]  }
0x217: {  	[tilespmem:s21], [sflag:$0xF] =	stream.linear.gather [hbm4b:s18+s3], $0x190, $0x38;
	[tilespmem:$0x1F380] =	vst v63  }
0x218: {  	s18 =	sadd.s32 s4, s19;
	s21 =	simm.s32 $0x3180;
	s4 =	sadd.s32 $0x64, s4  }
0x219: {  	[tilespmem:s21], [sflag:$0x10] =	stream.linear.gather [hbm4b:s18+s3], $0x190, $0x38;
	[tilespmem:$0x1F380] =	vst v63  }
.LBB2_6:
0x21a: {  	_ =	swait.ge [sflag:s29], $0x190  }
0x21b: {  	[sflag:s29] =	ssyncset.done $0x0  }
0x21c: {  	[sflag:s29] =	ssyncadd.s32 $0xFFFFFE70  }
0x21d: {  	_ =	swait.ge [sflag:s30], $0x190  }
0x21e: {  	[sflag:s30] =	ssyncset.done $0x0  }
0x21f: {  	[sflag:s30] =	ssyncadd.s32 $0xFFFFFE70  }
0x220: {  	_ =	swait.ge [sflag:s31], $0x190  }
0x221: {  	[sflag:s31] =	ssyncset.done $0x0  }
0x222: {  	[sflag:s31] =	ssyncadd.s32 $0xFFFFFE70  }
0x223: {  	v1 =	vld [tilespmem:$0x2780]  }
0x224: {  	v2 =	vld [tilespmem:$0x2980]  }
0x225: {  	v3 =	vld [tilespmem:$0x2B80]  }
0x226: {  	v4 =	vld [tilespmem:$0x2790]  }
0x227: {  	v5 =	vld [tilespmem:$0x2990]  }
0x228: {  	v6 =	vld [tilespmem:$0x2B90]  }
0x229: {  	v7 =	vld [tilespmem:$0x27A0]  }
0x22a: {  	v8 =	vld [tilespmem:$0x29A0]  }
0x22b: {  	v9 =	vld [tilespmem:$0x2BA0]  }
0x22c: {  	v10 =	vld [tilespmem:$0x27B0]  }
0x22d: {  	v11 =	vld [tilespmem:$0x29B0]  }
0x22e: {  	v12 =	vld [tilespmem:$0x2BB0]  }
0x22f: {  	v13 =	vld [tilespmem:$0x27C0]  }
0x230: {  	v14 =	vld [tilespmem:$0x29C0]  }
0x231: {  	v15 =	vld [tilespmem:$0x2BC0]  }
0x232: {  	v16 =	vld [tilespmem:$0x27D0]  }
0x233: {  	v17 =	vld [tilespmem:$0x29D0]  }
0x234: {  	v18 =	vld [tilespmem:$0x2BD0]  }
0x235: {  	v19 =	vld [tilespmem:$0x27E0]  }
0x236: {  	v20 =	vld [tilespmem:$0x29E0]  }
0x237: {  	v21 =	vld [tilespmem:$0x2BE0]  }
0x238: {  	v22 =	vld [tilespmem:$0x27F0]  }
0x239: {  	v23 =	vld [tilespmem:$0x29F0]  }
0x23a: {  	v24 =	vld [tilespmem:$0x2BF0]  }
0x23b: {  	v25 =	vld [tilespmem:$0x2800]  }
0x23c: {  	v26 =	vld [tilespmem:$0x2A00]  }
0x23d: {  	v27 =	vld [tilespmem:$0x2C00]  }
0x23e: {  	v28 =	vld [tilespmem:$0x2810]  }
0x23f: {  	v29 =	vld [tilespmem:$0x2A10]  }
0x240: {  	v30 =	vld [tilespmem:$0x2C10]  }
0x241: {  	v31 =	vld [tilespmem:$0x2820]  }
0x242: {  	v37 =	vld [tilespmem:$0x2A20];
	v1 =	vshll.u32 v1, $0x4;
	v2 =	vand.u32 $0xFFFFFFF0, v2  }
0x243: {  	v32 =	vld [tilespmem:$0x2C20];
	v3 =	vshra.s32 v3, $0x4;
	v5 =	vand.u32 $0xFFFFFFF0, v5;
	v6 =	vshra.s32 v6, $0x4  }
0x244: {  	v38 =	vld [tilespmem:$0x2830];
	v39 =	vand.u32 $0xFFFFFFF0, v8;
	v41 =	vshll.u32 v10, $0x4;
	v9 =	vshra.s32 v9, $0x4  }
0x245: {  	v40 =	vld [tilespmem:$0x2A30];
	v42 =	vand.u32 $0xFFFFFFF0, v11;
	v44 =	vshll.u32 v13, $0x4;
	v12 =	vshra.s32 v12, $0x4  }
0x246: {  	v43 =	vld [tilespmem:$0x2840];
	v46 =	vand.u32 $0xFFFFFFF0, v14;
	v47 =	vshll.u32 v16, $0x4;
	v15 =	vshra.s32 v15, $0x4  }
0x247: {  	v45 =	vld [tilespmem:$0x2A40];
	v49 =	vand.u32 $0xFFFFFFF0, v17;
	v51 =	vshll.u32 v19, $0x4;
	v18 =	vshra.s32 v18, $0x4  }
0x248: {  	v48 =	vld [tilespmem:$0x2850];
	v52 =	vand.u32 $0xFFFFFFF0, v20;
	v54 =	vshll.u32 v22, $0x4;
	v21 =	vshra.s32 v21, $0x4  }
0x249: {  	v50 =	vld [tilespmem:$0x2A50];
	v56 =	vand.u32 $0xFFFFFFF0, v23;
	v57 =	vshll.u32 v25, $0x4;
	v24 =	vshra.s32 v24, $0x4  }
0x24a: {  	v53 =	vld [tilespmem:$0x2860];
	v59 =	vand.u32 $0xFFFFFFF0, v26;
	v61 =	vshll.u32 v28, $0x4;
	v27 =	vshra.s32 v27, $0x4  }
0x24b: {  	v55 =	vld [tilespmem:$0x2A60];
	v62 =	vand.u32 $0xFFFFFFF0, v29;
	v35 =	vshll.u32 v31, $0x4;
	v30 =	vshra.s32 v30, $0x4  }
0x24c: {  	v58 =	vld [tilespmem:$0x2870];
	v8 =	vand.u32 $0xFFFFFFF0, v40;
	v10 =	vand.u32 $0xFFFFFFF0, v45;
	v1 =	vand.u32 $0xFFFFFF00, v1  }
0x24d: {  	v40 =	vld [tilespmem:$0x2A90];
	v45 =	vshll.u32 v48, $0x4;
	v1 =	vor.u32 v2, v1;
	v2 =	vshll.u32 v4, $0x4  }
0x24e: {  	v60 =	vld [tilespmem:$0x2A70];
	v48 =	vand.u32 $0xFFFFFFF0, v50;
	v4 =	vand.u32 $0xFFFFFFF0, v37;
	v2 =	vand.u32 $0xFFFFFF00, v2  }
0x24f: {  	v16 =	vld [tilespmem:$0x2C50];
	v1 =	vor.u32 v3, v1;
	v3 =	vshll.u32 v7, $0x4;
	v2 =	vor.u32 v5, v2  }
0x250: {  	v63 =	vld [tilespmem:$0x2880];
	v3 =	vand.u32 $0xFFFFFF00, v3;
	v5 =	vshll.u32 v38, $0x4;
	v2 =	vor.u32 v6, v2  }
0x251: {  	v14 =	vld [tilespmem:$0x2C40];
	v3 =	vor.u32 v39, v3;
	v6 =	vand.u32 $0xFFFFFF00, v41;
	v39 =	vshra.s32 v32, $0x4  }
0x252: {  	v37 =	vld [tilespmem:$0x2C80];
	v5 =	vand.u32 $0xFFFFFF00, v5;
	v41 =	vshll.u32 v43, $0x4;
	v33 =	vand.u32 $0xFFFFFFF0, v40  }
0x253: {  	v7 =	vld [tilespmem:$0x2C30];
	v3 =	vor.u32 v9, v3;
	v6 =	vor.u32 v42, v6;
	v9 =	vand.u32 $0xFFFFFF00, v44  }
0x254: {  	v36 =	vld [tilespmem:$0x2A80];
	v5 =	vor.u32 v8, v5;
	v8 =	vand.u32 $0xFFFFFF00, v41;
	[tilespmem:$0x2590] =	vst v2;
	v2 =	vshra.s32 v16, $0x4  }
0x255: {  	v34 =	vld [tilespmem:$0x2AD0];
	v6 =	vor.u32 v12, v6;
	v9 =	vor.u32 v46, v9;
	v12 =	vand.u32 $0xFFFFFF00, v47  }
0x256: {  	v23 =	vld [tilespmem:$0x2C60];
	v44 =	vor.u32 v10, v8;
	v47 =	vshra.s32 v14, $0x4;
	v8 =	vand.u32 $0xFFFFFF00, v45  }
0x257: {  	v26 =	vld [tilespmem:$0x2CC0];
	v31 =	vshra.s32 v37, $0x4;
	v9 =	vor.u32 v15, v9;
	v12 =	vor.u32 v49, v12  }
0x258: {  	v38 =	vld [tilespmem:$0x2890];
	[tilespmem:$0x2580] =	vst v1;
	v15 =	vand.u32 $0xFFFFFF00, v51;
	v7 =	vshra.s32 v7, $0x4;
	v1 =	vor.u32 v47, v44  }
0x259: {  	v25 =	vld [tilespmem:$0x2C70];
	v50 =	vor.u32 v48, v8;
	v51 =	vshll.u32 v53, $0x4;
	v53 =	vand.u32 $0xFFFFFFF0, v55  }
0x25a: {  	v29 =	vld [tilespmem:$0x28D0];
	v55 =	vshll.u32 v58, $0x4;
	v58 =	vand.u32 $0xFFFFFFF0, v60;
	v12 =	vor.u32 v18, v12  }
0x25b: {  	v43 =	vld [tilespmem:$0x28A0];
	v15 =	vor.u32 v52, v15;
	v18 =	vand.u32 $0xFFFFFF00, v54;
	v5 =	vor.u32 v7, v5  }
0x25c: {  	v40 =	vld [tilespmem:$0x2AE0];
	v8 =	vand.u32 $0xFFFFFF00, v51;
	v2 =	vor.u32 v2, v50;
	v7 =	vand.u32 $0xFFFFFF00, v55  }
0x25d: {  	v42 =	vld [tilespmem:$0x2C90];
	v28 =	vshll.u32 v38, $0x4;
	v51 =	vshra.s32 v26, $0x4;
	v15 =	vor.u32 v21, v15  }
0x25e: {  	v46 =	vld [tilespmem:$0x2AA0];
	[tilespmem:$0x25A0] =	vst v3;
	v18 =	vor.u32 v56, v18;
	v21 =	vand.u32 $0xFFFFFF00, v57;
	v3 =	vor.u32 v53, v8  }
0x25f: {  	v37 =	vld [tilespmem:$0x28E0];
	v57 =	vshra.s32 v23, $0x4;
	v60 =	vor.u32 v58, v7;
	[tilespmem:$0x25D0] =	vst v12;
	v12 =	vand.u32 $0xFFFFFF00, v28  }
0x260: {  	v49 =	vld [tilespmem:$0x2CA0];
	v18 =	vor.u32 v24, v18;
	v21 =	vor.u32 v59, v21;
	v24 =	vand.u32 $0xFFFFFF00, v61  }
0x261: {  	[tilespmem:$0x25B0] =	vst v6;
	v48 =	vld [tilespmem:$0x2AF0];
	v3 =	vor.u32 v57, v3;
	v61 =	vshll.u32 v63, $0x4;
	v63 =	vshra.s32 v25, $0x4  }
0x262: {  	v52 =	vld [tilespmem:$0x28B0];
	[tilespmem:$0x25C0] =	vst v9;
	v25 =	vand.u32 $0xFFFFFFF0, v36;
	v12 =	vor.u32 v33, v12;
	v11 =	vshra.s32 v42, $0x4  }
0x263: {  	v54 =	vld [tilespmem:$0x2AB0];
	[tilespmem:$0x2640] =	vst v1;
	v57 =	vand.u32 $0xFFFFFFF0, v40;
	v21 =	vor.u32 v27, v21;
	v24 =	vor.u32 v62, v24  }
0x264: {  	v55 =	vld [tilespmem:$0x2B00];
	[tilespmem:$0x2630] =	vst v5;
	v27 =	vand.u32 $0xFFFFFF00, v35;
	v7 =	vand.u32 $0xFFFFFF00, v61;
	v6 =	vor.u32 v63, v60  }
0x265: {  	v56 =	vld [tilespmem:$0x2CB0];
	[tilespmem:$0x2650] =	vst v2;
	v35 =	vshll.u32 v43, $0x4;
	v10 =	vand.u32 $0xFFFFFFF0, v46;
	v38 =	vor.u32 v11, v12  }
0x266: {  	v53 =	vld [tilespmem:$0x2900];
	[tilespmem:$0x25E0] =	vst v15;
	v24 =	vor.u32 v30, v24;
	v4 =	vor.u32 v4, v27;
	v7 =	vor.u32 v25, v7  }
0x267: {  	v59 =	vld [tilespmem:$0x28C0];
	[tilespmem:$0x25F0] =	vst v18;
	v15 =	vand.u32 $0xFFFFFF00, v35;
	v41 =	vshra.s32 v49, $0x4;
	v49 =	vshll.u32 v29, $0x4  }
0x268: {  	v36 =	vld [tilespmem:$0x2CD0];
	[tilespmem:$0x2660] =	vst v3;
	v61 =	vand.u32 $0xFFFFFFF0, v48;
	v4 =	vor.u32 v39, v4;
	v7 =	vor.u32 v31, v7  }
0x269: {  	v62 =	vld [tilespmem:$0x2AC0];
	[tilespmem:$0x2600] =	vst v21;
	v10 =	vor.u32 v10, v15;
	v39 =	vshll.u32 v52, $0x4;
	v42 =	vand.u32 $0xFFFFFFF0, v54  }
0x26a: {  	v46 =	vld [tilespmem:$0x28F0];
	[tilespmem:$0x2670] =	vst v6;
	v5 =	vand.u32 $0xFFFFFF00, v49;
	v52 =	vand.u32 $0xFFFFFFF0, v34;
	v54 =	vshll.u32 v37, $0x4  }
0x26b: {  	v43 =	vld [tilespmem:$0x2CE0];
	[tilespmem:$0x2690] =	vst v38;
	v63 =	vand.u32 $0xFFFFFFF0, v55;
	v11 =	vand.u32 $0xFFFFFF00, v39;
	v1 =	vor.u32 v41, v10  }
0x26c: {  	v50 =	vld [tilespmem:$0x2CF0];
	[tilespmem:$0x2610] =	vst v24;
	v2 =	vshra.s32 v56, $0x4;
	v5 =	vor.u32 v52, v5;
	v6 =	vand.u32 $0xFFFFFF00, v54  }
0x26d: {  	[tilespmem:$0x2620] =	vst v4;
	v44 =	vor.u32 v42, v11;
	v45 =	vshll.u32 v59, $0x4;
	v56 =	vshra.s32 v36, $0x4  }
0x26e: {  	v58 =	vld [tilespmem:$0x2D00];
	[tilespmem:$0x2680] =	vst v7;
	v59 =	vor.u32 v57, v6;
	v47 =	vand.u32 $0xFFFFFF00, v45;
	v9 =	vand.u32 $0xFFFFFFF0, v62  }
0x26f: {  	[tilespmem:$0x26A0] =	vst v1;
	v2 =	vor.u32 v2, v44;
	v1 =	vor.u32 v56, v5;
	v60 =	vshll.u32 v46, $0x4  }
0x270: {  	v62 =	vshll.u32 v53, $0x4;
	v3 =	vor.u32 v9, v47;
	[tilespmem:$0x26B0] =	vst v2;
	v2 =	vshra.s32 v43, $0x4  }
0x271: {  	v5 =	vand.u32 $0xFFFFFF00, v60;
	[tilespmem:$0x26D0] =	vst v1;
	v1 =	vshra.s32 v50, $0x4;
	v3 =	vor.u32 v51, v3  }
0x272: {  	v4 =	vand.u32 $0xFFFFFF00, v62;
	v2 =	vor.u32 v2, v59;
	[tilespmem:$0x26C0] =	vst v3;
	v3 =	vor.u32 v61, v5  }
0x273: {  	[tilespmem:$0x26E0] =	vst v2;
	v2 =	vor.u32 v63, v4;
	v1 =	vor.u32 v1, v3;
	v3 =	vshra.s32 v58, $0x4  }
0x274: {  	[tilespmem:$0x26F0] =	vst v1;
	v1 =	vor.u32 v3, v2  }
0x275: {  	[tilespmem:$0x2700] =	vst v1  }
0x276: {  	[bflag:$0x0] =	sbarrier.arrive $0xFFFF  }
0x277: {  	_ =	swait.ge [sflag:s6], $0x4000  }
0x278: {  	[sflag:s6] =	ssyncset.done $0x0  }
0x279: {  	s4 =	simm.s32 $0x0;
	[sflag:s6] =	ssyncadd.s32 $0xFFFFC000  }
0x27a: {  	[spmem:s2] =	stream.indirect.scatter.add.f32 [tilespmem:s13], [sflag:$0x6], $0x80, s4, s14, $0xb8;
	[tilespmem:$0x1F380] =	vst v63  }
0x27b: {  	s17 =	simm.s32 $0xF380;
	s21 =	simm.s32 $0x2;
	s16 =	rddreg [dreg:$0xa]  }
0x27c: {  	[tilespmem:s17], [sflag:$0x4] =	stream.linear.gather [hbm4b:s16+s4], $0x4000, $0x38;
	[tilespmem:$0x1F380] =	vst v63  }
0x27d: {  	_ =	swait.ge [sflag:s21], $0x4000  }
0x27e: {  	[sflag:s21] =	ssyncset.done $0x0  }
0x27f: {  	s17 =	simm.s32 $0x7380;
	[sflag:s21] =	ssyncadd.s32 $0xFFFFC000  }
0x280: {  	[spmem:s2] =	stream.indirect.scatter.add.f32 [tilespmem:s17], [sflag:$0x7], $0x80, s14, s14, $0xb8;
	[tilespmem:$0x1F380] =	vst v63  }
0x281: {  	s19 =	simm.s32 $0x13380;
	s18 =	rddreg [dreg:$0xb]  }
0x282: {  	[tilespmem:s19], [sflag:$0x5] =	stream.linear.gather [hbm4b:s18+s4], $0x4000, $0x38;
	[tilespmem:$0x1F380] =	vst v63  }
0x283: {  	_ =	swait.ge [sflag:s12], $0x4000  }
0x284: {  	[sflag:s12] =	ssyncset.done $0x0  }
0x285: {  	s20 =	simm.s32 $0x100;
	[sflag:s12] =	ssyncadd.s32 $0xFFFFC000  }
0x286: {  	[spmem:s2] =	stream.indirect.scatter.add.f32 [tilespmem:s28], [sflag:$0x8], $0x80, s20, s14, $0xb8;
	[tilespmem:$0x1F380] =	vst v63  }
0x287: {  	_ =	swait.ge [sflag:s7], $0x4000  }
0x288: {  	[sflag:s7] =	ssyncset.done $0x0  }
0x289: {  	s21 =	rddreg [dreg:$0xc];
	[sflag:s7] =	ssyncadd.s32 $0xFFFFC000  }
0x28a: {  	[tilespmem:s13], [sflag:$0x1] =	stream.linear.gather [hbm4b:s21+s4], $0x4000, $0x38;
	[tilespmem:$0x1F380] =	vst v63  }
0x28b: {  	s16 =	simm.s32 $0x380;
	s21 =	rddreg [dreg:$0x1b]  }
.LBB2_7:
0x28c: {  	_ =	swait.ge [sflag:s8], $0x4000  }
0x28d: {  	[sflag:s8] =	ssyncset.done $0x0  }
0x28e: {  	s17 =	sadd.s32 $0xFFFFFE00, s16;
	s18 =	simm.s32 $0xF380;
	[sflag:s8] =	ssyncadd.s32 $0xFFFFC000  }
0x28f: {  	[spmem:s2] =	stream.indirect.scatter.add.f32 [tilespmem:s18], [sflag:$0x9], $0x80, s17, s14, $0xb8;
	[tilespmem:$0x1F380] =	vst v63  }
0x290: {  	_ =	swait.ge [sflag:s9], $0x4000  }
0x291: {  	[sflag:s9] =	ssyncset.done $0x0  }
0x292: {  	s19 =	sadd.s32 s4, s23;
	s20 =	simm.s32 $0x7380;
	[sflag:s9] =	ssyncadd.s32 $0xFFFFC000  }
0x293: {  	[tilespmem:s20], [sflag:$0x2] =	stream.linear.gather [hbm4b:s19+s3], $0x4000, $0x38;
	[tilespmem:$0x1F380] =	vst v63  }
0x294: {  	_ =	swait.ge [sflag:s10], $0x4000  }
0x295: {  	[sflag:s10] =	ssyncset.done $0x0  }
0x296: {  	s19 =	sadd.s32 $0xFFFFFE80, s16;
	s20 =	simm.s32 $0x13380;
	[sflag:s10] =	ssyncadd.s32 $0xFFFFC000  }
0x297: {  	[spmem:s2] =	stream.indirect.scatter.add.f32 [tilespmem:s20], [sflag:$0xA], $0x80, s19, s14, $0xb8;
	[tilespmem:$0x1F380] =	vst v63  }
0x298: {  	_ =	swait.ge [sflag:s11], $0x4000  }
0x299: {  	[sflag:s11] =	ssyncset.done $0x0  }
0x29a: {  	s19 =	sadd.s32 s4, s22;
	[sflag:s11] =	ssyncadd.s32 $0xFFFFC000  }
0x29b: {  	[tilespmem:s28], [sflag:$0x3] =	stream.linear.gather [hbm4b:s19+s3], $0x4000, $0x38;
	[tilespmem:$0x1F380] =	vst v63  }
0x29c: {  	_ =	swait.ge [sflag:s6], $0x4000  }
0x29d: {  	[sflag:s6] =	ssyncset.done $0x0  }
0x29e: {  	s20 =	sadd.s32 $0xFFFFFF00, s16;
	[sflag:s6] =	ssyncadd.s32 $0xFFFFC000  }
0x29f: {  	[spmem:s2] =	stream.indirect.scatter.add.f32 [tilespmem:s13], [sflag:$0x6], $0x80, s20, s14, $0xb8;
	[tilespmem:$0x1F380] =	vst v63  }
0x2a0: {  	_ =	swait.ge [sflag:s15], $0x4000  }
0x2a1: {  	p0 =	seq.s32 s4, $0x23000;
	[sflag:s15] =	ssyncset.done $0x0  }
0x2a2: {  	s17 =	simm.s32 @p0 $0x2;
	[sflag:s15] =	ssyncadd.s32 $0xFFFFC000  }
0x2a3: {  	_ =	swait.ge @p0 [sflag:s17], $0x4000  }
0x2a4: {  	s18 =	simm.s32 @p0 $0x2600;
	[sflag:s17] =	ssyncset.done @p0 $0x0  }
0x2a5: {  	s19 =	simm.s32 @p0 $0x7380;
	[sflag:s17] =	ssyncadd.s32 @p0 $0xFFFFC000;
	s17 =	simm.s32 @p0 $0x80  }
0x2a6: {  	[spmem:s2] =	stream.indirect.scatter.add.f32 @p0 [tilespmem:s19], [sflag:$0x7], $0x80, s18, s17, $0xb8;
	[tilespmem:$0x1F380] =	vst v63  }
0x2a7: {  	s17 =	simm.s32 @p0 $0xA  }
0x2a8: {  	_ =	swait.ge @p0 [sflag:s17], $0x4000  }
0x2a9: {  	s18 =	simm.s32 @!p0 $0x0;
	[sflag:s17] =	ssyncset.done @p0 $0x0  }
0x2aa: {  	s19 =	simm.s32 @!p0 $0xF380;
	[sflag:s17] =	ssyncadd.s32 @p0 $0xFFFFC000;
	s17 =	sadd.s32 @!p0 s4, s21  }
0x2ab: {  	[tilespmem:s19], [sflag:$0x4] =	stream.linear.gather @!p0 [hbm4b:s17+s18], $0x4000, $0x38;
	[tilespmem:$0x1F380] =	vst v63  }
0x2ac: {  	s17 =	simm.s32 @!p0 $0x2  }
0x2ad: {  	_ =	swait.ge @!p0 [sflag:s17], $0x4000  }
0x2ae: {  	s20 =	simm.s32 @!p0 $0x7380;
	[sflag:s17] =	ssyncset.done @!p0 $0x0  }
0x2af: {  	s19 =	simm.s32 @!p0 $0x80;
	[sflag:s17] =	ssyncadd.s32 @!p0 $0xFFFFC000;
	s17 =	sadd.s32 @!p0 $0xFFFFFF80, s16  }
0x2b0: {  	[spmem:s2] =	stream.indirect.scatter.add.f32 @!p0 [tilespmem:s20], [sflag:$0x7], $0x80, s17, s19, $0xb8;
	[tilespmem:$0x1F380] =	vst v63  }
0x2b1: {  	s17 =	simm.s32 @!p0 $0xA  }
0x2b2: {  	_ =	swait.ge @!p0 [sflag:s17], $0x4000  }
0x2b3: {  	[sflag:s17] =	ssyncset.done @!p0 $0x0  }
0x2b4: {  	[sflag:s17] =	ssyncadd.s32 @!p0 $0xFFFFC000;
	s17 =	rddreg [dreg:$0x14]  }
0x2b5: {  	s19 =	simm.s32 @!p0 $0x13380;
	s17 =	sadd.s32 @!p0 s4, s17  }
0x2b6: {  	[tilespmem:s19], [sflag:$0x5] =	stream.linear.gather @!p0 [hbm4b:s17+s18], $0x4000, $0x38;
	[tilespmem:$0x1F380] =	vst v63  }
0x2b7: {  	_ =	swait.ge [sflag:s12], $0x4000  }
0x2b8: {  	[sflag:s12] =	ssyncset.done $0x0  }
.Ltmp5:
0x2b9: {  	[sflag:s12] =	ssyncadd.s32 $0xFFFFC000;
	(pc) =	sbr.rel @p0 .LBB2_9-.Ltmp5, $4  }
0x2ba: {  	[spmem:s2] =	stream.indirect.scatter.add.f32 [tilespmem:s28], [sflag:$0x8], $0x80, s16, s14, $0xb8;
	[tilespmem:$0x1F380] =	vst v63  }
0x2bb: {  	_ =	swait.ge [sflag:s7], $0x4000  }
0x2bc: {  	[sflag:s7] =	ssyncset.done $0x0  }
0x2bd: {  	[sflag:s7] =	ssyncadd.s32 $0xFFFFC000  }
.Ltmp6:
0x2be: {  	(pc) =	sbr.rel .LBB2_7-.Ltmp6, $4  }
0x2bf: {  	_ = 	snop  }
0x2c0: {  	s17 =	rddreg [dreg:$0x13]  }
0x2c1: {  	s16 =	sadd.s32 $0x280, s16;
	s17 =	sadd.s32 s4, s17;
	s4 =	sadd.s32 $0x2800, s4  }
0x2c2: {  	[tilespmem:s13], [sflag:$0x1] =	stream.linear.gather [hbm4b:s17+s3], $0x4000, $0x38;
	[tilespmem:$0x1F380] =	vst v63  }
.LBB2_10:
0x2c3: {  	_ =	sfence.sel $0x180000  }
0x2c4: {  	[bflag:$0x0] =	sbarrier.arrive $0xFFFF  }
0x2c5: {  	_ =	strace $0x90000047  }
0x2c6: {  	s0 =	stileid.u32;
	[bflag:$0x2] =	sbarrier.arrive $0xFFFF  }
0x2c7: {  	p0 =	sne.s32 s0, $0x0;
	s0 =	rddreg [dreg:$0x3]  }
0x2c8: {  	s0 =	sadd.s32 @!p0 $0x100000, s0  }
0x2c9: {  	[sflag:s0] =	ssyncadd.tile.s32 @!p0 $0x1;
	_ =	shalt  }
.Lfunc_end2:
_tile_overlayer_lowered:
.L_overlay_start_2:
0x2ca: {  	(tag) =	ssettag $0x2  }
0x2cb: {  	s0 =	rddreg [dreg:$0x0];
	s2 =	stileid.u32  }
0x2cc: {  	s1 =	rddreg [dreg:$0x1];
	p0 =	sne.s32 s2, $0x0  }
0x2cd: {  	s3 =	rddreg [dreg:$0x2];
	[bflag:$0x3] =	sbarrier.arrive $0xFFFF;
	s2 =	simm.s32 @!p0 $0x1C11  }
0x2ce: {  	[timem:s3], [sflag:s2] =	dma.local @!p0 [hbm:s0], s1  }
0x2cf: {  	s0 =	simm.s32 @!p0 $0x11  }
0x2d0: {  	_ =	swait.ge @!p0 [sflag:s0], s1  }
0x2d1: {  	s1 =	ssub.s32 @!p0 $0x0, s1;
	[sflag:s0] =	ssyncset.done @!p0 $0x0  }
0x2d2: {  	[sflag:s0] =	ssyncadd.s32 @!p0 s1  }
0x2d3: {  	[bflag:$0x3] =	sbarrier.arrive $0xFFFF  }
0x2d4: {  	_ =	shalt  }

</sc_bundles>
